<compile_context>
chip_gen: v7x
topology: tpu7x:2x2x1
jax: 0.10.2.dev20260603
libtpu: 0.0.44.dev20260713+nightly
codegen_flags: <defaults>
</compile_context>

<pallas_src>
import functools

import jax
import jax.numpy as jnp
from jax import lax
from jax.experimental import pallas as pl
from jax.experimental.pallas import tpu as pltpu
from jax.experimental.pallas import tpu_sc as plsc

_NC = 2
_NS = 16
_NW = _NC * _NS
_L = 16

def _make_loss_call(batch, vocab, tgt_len):
  total = batch * tgt_len
  assert total % _NW == 0
  per_w = total // _NW
  assert per_w % tgt_len == 0
  n_vregs = per_w // _L

  mesh = plsc.VectorSubcoreMesh(
      core_axis_name="c", subcore_axis_name="s",
      num_cores=_NC, num_subcores=_NS)

  @functools.partial(
      pl.kernel,
      mesh=mesh,
      out_type=jax.ShapeDtypeStruct((_NW, _L), jnp.float32),
      scratch_types=[
          pltpu.VMEM((per_w,), jnp.int32),
          pltpu.VMEM((per_w,), jnp.int32),
          pltpu.VMEM((per_w,), jnp.float32),
          pltpu.VMEM((_L,), jnp.float32),
          pltpu.SemaphoreType.DMA,
      ],
  )
  def loss_kernel(out_flat_hbm, tgt_hbm, out_hbm, tgt_v, fidx_v, vals_v,
                  acc_v, sem):
    wid = lax.axis_index("s") * _NC + lax.axis_index("c")
    base = wid * per_w

    pltpu.sync_copy(tgt_hbm.at[pl.ds(base, per_w)], tgt_v)

    lane = lax.broadcasted_iota(jnp.int32, (_L,), 0)
    rows_per_w = per_w // tgt_len
    tile_row_words = batch * 8
    n_fire = 4
    assert n_vregs % n_fire == 0 and per_w % (n_fire * 8) == 0
    vpf = n_vregs // n_fire
    copies = []
    for f in range(n_fire):
      for s in range(vpf):
        m = f * vpf + s
        t = tgt_v[pl.ds(m * _L, _L)]
        lo = (m * _L) // tgt_len
        hi = ((m + 1) * _L - 1) // tgt_len
        if lo == hi:
          b = jnp.full((_L,), lo, jnp.int32) + wid * rows_per_w
        else:
          split = tgt_len * (lo + 1) - m * _L
          b = jnp.where(lane >= split, hi, lo) + wid * rows_per_w
        flat = ((t >> 3) * tile_row_words + ((b >> 7) << 10)
                + ((t & 7) << 7) + (b & 127))
        fidx_v[pl.ds(m * _L, _L)] = flat
      seg = pl.ds(f * vpf * _L, vpf * _L)
      copies.append(
          pltpu.async_copy(out_flat_hbm.at[fidx_v.at[seg]], vals_v.at[seg],
                           sem))
    for cp in copies:
      cp.wait()

    acc = jnp.zeros((_L,), jnp.float32)
    for m in range(n_vregs):
      t = tgt_v[pl.ds(m * _L, _L)]
      v = vals_v[pl.ds(m * _L, _L)]
      acc = acc + jnp.where(t != 0, v, 0.0)

    acc_v[...] = acc
    pltpu.sync_copy(acc_v, out_hbm.at[wid])

  return loss_kernel


def kernel(output, target, weight):
  batch, vocab = output.shape
  tgt_len = target.shape[1]
  assert batch % 128 == 0 and vocab % 8 == 0
  out_flat = (output
              .reshape(batch // 128, 128, vocab // 8, 8)
              .transpose(2, 0, 3, 1)
              .reshape(-1))
  call = _make_loss_call(batch, vocab, tgt_len)
  partials = call(out_flat, target.reshape(-1))
  return -jnp.sum(partials) / batch

# --- scband reference (transcript-rebuilt; emitter-appended) ---
"""Pipeline reference for scband-sampler-loss-compute-18451179504138 (READ-ONLY COPY).

The authoritative reference and input builder live on the scoring server;
editing this copy changes nothing except your own understanding.
"""

import jax, jax.numpy as jnp
import numpy as np

OUTPUT_SIZE = 100000
PADDING_IDX = 0
BATCH = 1024
TGT_LEN = 50


def setup_inputs(seed: int = 0) -> dict:
    key = jax.random.key(seed)
    k1, k2 = jax.random.split(key)
    output = jax.random.normal(k1, (BATCH, OUTPUT_SIZE), dtype=jnp.float32)
    target = jax.random.randint(k2, (BATCH, TGT_LEN), 0, OUTPUT_SIZE, dtype=jnp.int32)
    # frozen weight buffer: ones with padding_idx zeroed (matches torch Variable ones)
    weight = jnp.ones((OUTPUT_SIZE,), dtype=jnp.float32).at[PADDING_IDX].set(0.0)
    return {"output": output, "target": target, "weight": weight}


def reference(output, target, weight):
    # masked_output = self.weight * output
    masked_output = weight * output
    # bow = torch.gather(masked_output, dim=1, index=target)
    bow = jnp.take_along_axis(masked_output, target, axis=1)
    # loss = -bow.sum(-1).mean()
    loss = -(bow.sum(axis=-1)).mean()
    return loss

if __name__ == "__main__":
    import jax
    _d = setup_inputs()
    print(jax.jit(kernel)(*tuple(_d.values())))

</pallas_src>

<mosaic_0001>
#map = affine_map<(d0, d1) -> (0)>
#map1 = affine_map<(d0, d1) -> (0, 0)>
module attributes {stable_mosaic.version = 14 : i64} {
  func.func @loss_kernel(%arg0: i32, %arg1: i32, %arg2: memref<102400000xf32, #tpu.memory_space<hbm>>, %arg3: memref<51200xi32, #tpu.memory_space<hbm>>, %arg4: memref<32x16xf32, #tpu.memory_space<hbm>>, %arg5: memref<1600xi32, #tpu.memory_space<vmem>>, %arg6: memref<1600xi32, #tpu.memory_space<vmem>>, %arg7: memref<1600xf32, #tpu.memory_space<vmem>>, %arg8: memref<16xf32, #tpu.memory_space<vmem>>, %arg9: memref<!tpu.dma_semaphore, #tpu.memory_space<semaphore_mem>>) attributes {dimension_semantics = [#tpu.dimension_semantics<core_parallel>, #tpu.dimension_semantics<subcore_parallel>], iteration_bounds = array<i64: 2, 16>, scalar_prefetch = 0 : i64, scratch_operands = 5 : i64, tpu.core_type = #tpu.core_type<sc_vector_subcore>, window_params = [{transform_indices = #map}, {transform_indices = #map}, {transform_indices = #map1}]} {
    %mul3A = arith.constant 2 : i32
    %mul3A_0 = arith.muli %arg1, %mul3A : i32
    %add3A = arith.addi %mul3A_0, %arg0 : i32
    %mul3A_1 = arith.constant 1600 : i32
    %mul3A_2 = arith.muli %add3A, %mul3A_1 : i32
    "tpu.region"() ({
      %run_scoped3A = tpu.sem_alloc : memref<!tpu.dma_semaphore, #tpu.memory_space<semaphore_mem>>
      %dma_start3A_5213 = tpu.memref_slice %arg3[%mul3A_2] : memref<51200xi32, #tpu.memory_space<hbm>> -> memref<1600xi32, #tpu.memory_space<hbm>>
      %dma_start3A_5214 = tpu.memref_slice %arg3[%mul3A_2] : memref<51200xi32, #tpu.memory_space<hbm>> -> memref<1600xi32, #tpu.memory_space<hbm>>
      tpu.enqueue_dma source(%dma_start3A_5214 : memref<1600xi32, #tpu.memory_space<hbm>>) target(%arg5 : memref<1600xi32, #tpu.memory_space<vmem>>) target_semaphore(%run_scoped3A : memref<!tpu.dma_semaphore, #tpu.memory_space<semaphore_mem>>)
      %dma_wait3A_5215 = tpu.memref_slice %arg3[%mul3A_2] : memref<51200xi32, #tpu.memory_space<hbm>> -> memref<1600xi32, #tpu.memory_space<hbm>>
      %dma_wait3A_5216 = tpu.memref_slice %arg3[%mul3A_2] : memref<51200xi32, #tpu.memory_space<hbm>> -> memref<1600xi32, #tpu.memory_space<hbm>>
      tpu.wait_dma2 semaphore(%run_scoped3A : memref<!tpu.dma_semaphore, #tpu.memory_space<semaphore_mem>>) src(%dma_wait3A_5216 : memref<1600xi32, #tpu.memory_space<hbm>>) dst(%arg5 : memref<1600xi32, #tpu.memory_space<vmem>>)
      tpu.yield
    }) : () -> ()
    %iota3A = tpu.iota {dimensions = array<i32: 0>} : vector<16xi32>
    %get3A = arith.constant 0 : index
    %get3A_3 = tpu.vector_load %arg5[%get3A] {strides = array<i32>} : memref<1600xi32, #tpu.memory_space<vmem>>, vector<16xi32>,
    %get3A_4 = vector.shape_cast %get3A_3 : vector<16xi32> to vector<16xi32>
    %broadcast_in_dim3A = arith.constant 0 : i32
    %broadcast_in_dim3A_5 = vector.broadcast %broadcast_in_dim3A : i32 to vector<16xi32>
    %mul3A_6 = arith.constant 32 : i32
    %mul3A_7 = arith.muli %add3A, %mul3A_6 : i32
    %add3A_8 = vector.broadcast %mul3A_7 : i32 to vector<16xi32>
    %add3A_9 = arith.addi %broadcast_in_dim3A_5, %add3A_8 : vector<16xi32>
    %shift_right_arithmetic3A = arith.constant 3 : i32
    %shift_right_arithmetic3A_10 = vector.broadcast %shift_right_arithmetic3A : i32 to vector<16xi32>
    %shift_right_arithmetic3A_11 = arith.shrsi %get3A_4, %shift_right_arithmetic3A_10 : vector<16xi32>
    %mul3A_12 = arith.constant 8192 : i32
    %mul3A_13 = vector.broadcast %mul3A_12 : i32 to vector<16xi32>
    %mul3A_14 = arith.muli %shift_right_arithmetic3A_11, %mul3A_13 : vector<16xi32>
    %shift_right_arithmetic3A_15 = arith.constant 7 : i32
    %shift_right_arithmetic3A_16 = vector.broadcast %shift_right_arithmetic3A_15 : i32 to vector<16xi32>
    %shift_right_arithmetic3A_17 = arith.shrsi %add3A_9, %shift_right_arithmetic3A_16 : vector<16xi32>
    %shift_left3A = arith.constant 10 : i32
    %shift_left3A_18 = vector.broadcast %shift_left3A : i32 to vector<16xi32>
    %shift_left3A_19 = arith.shli %shift_right_arithmetic3A_17, %shift_left3A_18 : vector<16xi32>
    %add3A_20 = arith.addi %mul3A_14, %shift_left3A_19 : vector<16xi32>
    %and3A = arith.constant 7 : i32
    %and3A_21 = vector.broadcast %and3A : i32 to vector<16xi32>
    %and3A_22 = arith.andi %get3A_4, %and3A_21 : vector<16xi32>
    %shift_left3A_23 = arith.constant 7 : i32
    %shift_left3A_24 = vector.broadcast %shift_left3A_23 : i32 to vector<16xi32>
    %shift_left3A_25 = arith.shli %and3A_22, %shift_left3A_24 : vector<16xi32>
    %add3A_26 = arith.addi %add3A_20, %shift_left3A_25 : vector<16xi32>
    %and3A_27 = arith.constant 127 : i32
    %and3A_28 = vector.broadcast %and3A_27 : i32 to vector<16xi32>
    %and3A_29 = arith.andi %add3A_9, %and3A_28 : vector<16xi32>
    %add3A_30 = arith.addi %add3A_26, %and3A_29 : vector<16xi32>
    %swap3A = arith.constant 0 : index
    %swap3A_31 = tpu.vector_load %arg6[%swap3A] {strides = array<i32>} : memref<1600xi32, #tpu.memory_space<vmem>>, vector<16xi32>,
    %swap3A_32 = vector.shape_cast %swap3A_31 : vector<16xi32> to vector<16xi32>
    %swap3A_33 = vector.shape_cast %add3A_30 : vector<16xi32> to vector<16xi32>
    tpu.vector_store %arg6[%swap3A], %swap3A_33 {strides = array<i32>} : memref<1600xi32, #tpu.memory_space<vmem>>, vector<16xi32>,
    %get3A_34 = arith.constant 16 : index
    %get3A_35 = tpu.vector_load %arg5[%get3A_34] {strides = array<i32>} : memref<1600xi32, #tpu.memory_space<vmem>>, vector<16xi32>,
    %get3A_36 = vector.shape_cast %get3A_35 : vector<16xi32> to vector<16xi32>
    %broadcast_in_dim3A_37 = arith.constant 0 : i32
    %broadcast_in_dim3A_38 = vector.broadcast %broadcast_in_dim3A_37 : i32 to vector<16xi32>
    %mul3A_39 = arith.constant 32 : i32
    %mul3A_40 = arith.muli %add3A, %mul3A_39 : i32
    %add3A_41 = vector.broadcast %mul3A_40 : i32 to vector<16xi32>
    %add3A_42 = arith.addi %broadcast_in_dim3A_38, %add3A_41 : vector<16xi32>
    %shift_right_arithmetic3A_43 = arith.constant 3 : i32
    %shift_right_arithmetic3A_44 = vector.broadcast %shift_right_arithmetic3A_43 : i32 to vector<16xi32>
    %shift_right_arithmetic3A_45 = arith.shrsi %get3A_36, %shift_right_arithmetic3A_44 : vector<16xi32>
    %mul3A_46 = arith.constant 8192 : i32
    %mul3A_47 = vector.broadcast %mul3A_46 : i32 to vector<16xi32>
    %mul3A_48 = arith.muli %shift_right_arithmetic3A_45, %mul3A_47 : vector<16xi32>
    %shift_right_arithmetic3A_49 = arith.constant 7 : i32
    %shift_right_arithmetic3A_50 = vector.broadcast %shift_right_arithmetic3A_49 : i32 to vector<16xi32>
    %shift_right_arithmetic3A_51 = arith.shrsi %add3A_42, %shift_right_arithmetic3A_50 : vector<16xi32>
    %shift_left3A_52 = arith.constant 10 : i32
    %shift_left3A_53 = vector.broadcast %shift_left3A_52 : i32 to vector<16xi32>
    %shift_left3A_54 = arith.shli %shift_right_arithmetic3A_51, %shift_left3A_53 : vector<16xi32>
    %add3A_55 = arith.addi %mul3A_48, %shift_left3A_54 : vector<16xi32>
    %and3A_56 = arith.constant 7 : i32
    %and3A_57 = vector.broadcast %and3A_56 : i32 to vector<16xi32>
    %and3A_58 = arith.andi %get3A_36, %and3A_57 : vector<16xi32>
    %shift_left3A_59 = arith.constant 7 : i32
    %shift_left3A_60 = vector.broadcast %shift_left3A_59 : i32 to vector<16xi32>
    %shift_left3A_61 = arith.shli %and3A_58, %shift_left3A_60 : vector<16xi32>
    %add3A_62 = arith.addi %add3A_55, %shift_left3A_61 : vector<16xi32>
    %and3A_63 = arith.constant 127 : i32
    %and3A_64 = vector.broadcast %and3A_63 : i32 to vector<16xi32>
    %and3A_65 = arith.andi %add3A_42, %and3A_64 : vector<16xi32>
    %add3A_66 = arith.addi %add3A_62, %and3A_65 : vector<16xi32>
    %swap3A_67 = arith.constant 16 : index
    %swap3A_68 = tpu.vector_load %arg6[%swap3A_67] {strides = array<i32>} : memref<1600xi32, #tpu.memory_space<vmem>>, vector<16xi32>,
    %swap3A_69 = vector.shape_cast %swap3A_68 : vector<16xi32> to vector<16xi32>
    %swap3A_70 = vector.shape_cast %add3A_66 : vector<16xi32> to vector<16xi32>
    tpu.vector_store %arg6[%swap3A_67], %swap3A_70 {strides = array<i32>} : memref<1600xi32, #tpu.memory_space<vmem>>, vector<16xi32>,
    %get3A_71 = arith.constant 32 : index
    %get3A_72 = tpu.vector_load %arg5[%get3A_71] {strides = array<i32>} : memref<1600xi32, #tpu.memory_space<vmem>>, vector<16xi32>,
    %get3A_73 = vector.shape_cast %get3A_72 : vector<16xi32> to vector<16xi32>
    %broadcast_in_dim3A_74 = arith.constant 0 : i32
    %broadcast_in_dim3A_75 = vector.broadcast %broadcast_in_dim3A_74 : i32 to vector<16xi32>
    %mul3A_76 = arith.constant 32 : i32
    %mul3A_77 = arith.muli %add3A, %mul3A_76 : i32
    %add3A_78 = vector.broadcast %mul3A_77 : i32 to vector<16xi32>
    %add3A_79 = arith.addi %broadcast_in_dim3A_75, %add3A_78 : vector<16xi32>
    %shift_right_arithmetic3A_80 = arith.constant 3 : i32
    %shift_right_arithmetic3A_81 = vector.broadcast %shift_right_arithmetic3A_80 : i32 to vector<16xi32>
    %shift_right_arithmetic3A_82 = arith.shrsi %get3A_73, %shift_right_arithmetic3A_81 : vector<16xi32>
    %mul3A_83 = arith.constant 8192 : i32
    %mul3A_84 = vector.broadcast %mul3A_83 : i32 to vector<16xi32>
    %mul3A_85 = arith.muli %shift_right_arithmetic3A_82, %mul3A_84 : vector<16xi32>
    %shift_right_arithmetic3A_86 = arith.constant 7 : i32
    %shift_right_arithmetic3A_87 = vector.broadcast %shift_right_arithmetic3A_86 : i32 to vector<16xi32>
    %shift_right_arithmetic3A_88 = arith.shrsi %add3A_79, %shift_right_arithmetic3A_87 : vector<16xi32>
    %shift_left3A_89 = arith.constant 10 : i32
    %shift_left3A_90 = vector.broadcast %shift_left3A_89 : i32 to vector<16xi32>
    %shift_left3A_91 = arith.shli %shift_right_arithmetic3A_88, %shift_left3A_90 : vector<16xi32>
    %add3A_92 = arith.addi %mul3A_85, %shift_left3A_91 : vector<16xi32>
    %and3A_93 = arith.constant 7 : i32
    %and3A_94 = vector.broadcast %and3A_93 : i32 to vector<16xi32>
    %and3A_95 = arith.andi %get3A_73, %and3A_94 : vector<16xi32>
    %shift_left3A_96 = arith.constant 7 : i32
    %shift_left3A_97 = vector.broadcast %shift_left3A_96 : i32 to vector<16xi32>
    %shift_left3A_98 = arith.shli %and3A_95, %shift_left3A_97 : vector<16xi32>
    %add3A_99 = arith.addi %add3A_92, %shift_left3A_98 : vector<16xi32>
    %and3A_100 = arith.constant 127 : i32
    %and3A_101 = vector.broadcast %and3A_100 : i32 to vector<16xi32>
    %and3A_102 = arith.andi %add3A_79, %and3A_101 : vector<16xi32>
    %add3A_103 = arith.addi %add3A_99, %and3A_102 : vector<16xi32>
    %swap3A_104 = arith.constant 32 : index
    %swap3A_105 = tpu.vector_load %arg6[%swap3A_104] {strides = array<i32>} : memref<1600xi32, #tpu.memory_space<vmem>>, vector<16xi32>,
    %swap3A_106 = vector.shape_cast %swap3A_105 : vector<16xi32> to vector<16xi32>
    %swap3A_107 = vector.shape_cast %add3A_103 : vector<16xi32> to vector<16xi32>
    tpu.vector_store %arg6[%swap3A_104], %swap3A_107 {strides = array<i32>} : memref<1600xi32, #tpu.memory_space<vmem>>, vector<16xi32>,
    %get3A_108 = arith.constant 48 : index
    %get3A_109 = tpu.vector_load %arg5[%get3A_108] {strides = array<i32>} : memref<1600xi32, #tpu.memory_space<vmem>>, vector<16xi32>,
    %get3A_110 = vector.shape_cast %get3A_109 : vector<16xi32> to vector<16xi32>
    %ge3A = arith.constant 2 : i32
    %ge3A_111 = vector.broadcast %ge3A : i32 to vector<16xi32>
    %ge3A_112 = arith.cmpi sge, %iota3A, %ge3A_111 : vector<16xi32>
    %jit3A = arith.constant 1 : i32
    %jit3A_113 = arith.constant 0 : i32
    %broadcast_in_dim3A_114 = vector.broadcast %jit3A : i32 to vector<16xi32>
    %broadcast_in_dim3A_115 = vector.broadcast %jit3A_113 : i32 to vector<16xi32>
    %select_n3A = arith.select %ge3A_112, %broadcast_in_dim3A_114, %broadcast_in_dim3A_115 : vector<16xi1>, vector<16xi32>
    %mul3A_116 = arith.constant 32 : i32
    %mul3A_117 = arith.muli %add3A, %mul3A_116 : i32
    %add3A_118 = vector.broadcast %mul3A_117 : i32 to vector<16xi32>
    %add3A_119 = arith.addi %select_n3A, %add3A_118 : vector<16xi32>
    %shift_right_arithmetic3A_120 = arith.constant 3 : i32
    %shift_right_arithmetic3A_121 = vector.broadcast %shift_right_arithmetic3A_120 : i32 to vector<16xi32>
    %shift_right_arithmetic3A_122 = arith.shrsi %get3A_110, %shift_right_arithmetic3A_121 : vector<16xi32>
    %mul3A_123 = arith.constant 8192 : i32
    %mul3A_124 = vector.broadcast %mul3A_123 : i32 to vector<16xi32>
    %mul3A_125 = arith.muli %shift_right_arithmetic3A_122, %mul3A_124 : vector<16xi32>
    %shift_right_arithmetic3A_126 = arith.constant 7 : i32
    %shift_right_arithmetic3A_127 = vector.broadcast %shift_right_arithmetic3A_126 : i32 to vector<16xi32>
    %shift_right_arithmetic3A_128 = arith.shrsi %add3A_119, %shift_right_arithmetic3A_127 : vector<16xi32>
    %shift_left3A_129 = arith.constant 10 : i32
    %shift_left3A_130 = vector.broadcast %shift_left3A_129 : i32 to vector<16xi32>
    %shift_left3A_131 = arith.shli %shift_right_arithmetic3A_128, %shift_left3A_130 : vector<16xi32>
    %add3A_132 = arith.addi %mul3A_125, %shift_left3A_131 : vector<16xi32>
    %and3A_133 = arith.constant 7 : i32
    %and3A_134 = vector.broadcast %and3A_133 : i32 to vector<16xi32>
    %and3A_135 = arith.andi %get3A_110, %and3A_134 : vector<16xi32>
    %shift_left3A_136 = arith.constant 7 : i32
    %shift_left3A_137 = vector.broadcast %shift_left3A_136 : i32 to vector<16xi32>
    %shift_left3A_138 = arith.shli %and3A_135, %shift_left3A_137 : vector<16xi32>
    %add3A_139 = arith.addi %add3A_132, %shift_left3A_138 : vector<16xi32>
    %and3A_140 = arith.constant 127 : i32
    %and3A_141 = vector.broadcast %and3A_140 : i32 to vector<16xi32>
    %and3A_142 = arith.andi %add3A_119, %and3A_141 : vector<16xi32>
    %add3A_143 = arith.addi %add3A_139, %and3A_142 : vector<16xi32>
    %swap3A_144 = arith.constant 48 : index
    %swap3A_145 = tpu.vector_load %arg6[%swap3A_144] {strides = array<i32>} : memref<1600xi32, #tpu.memory_space<vmem>>, vector<16xi32>,
    %swap3A_146 = vector.shape_cast %swap3A_145 : vector<16xi32> to vector<16xi32>
    %swap3A_147 = vector.shape_cast %add3A_143 : vector<16xi32> to vector<16xi32>
    tpu.vector_store %arg6[%swap3A_144], %swap3A_147 {strides = array<i32>} : memref<1600xi32, #tpu.memory_space<vmem>>, vector<16xi32>,
    %get3A_148 = arith.constant 64 : index
    %get3A_149 = tpu.vector_load %arg5[%get3A_148] {strides = array<i32>} : memref<1600xi32, #tpu.memory_space<vmem>>, vector<16xi32>,
    %get3A_150 = vector.shape_cast %get3A_149 : vector<16xi32> to vector<16xi32>
    %broadcast_in_dim3A_151 = arith.constant 1 : i32
    %broadcast_in_dim3A_152 = vector.broadcast %broadcast_in_dim3A_151 : i32 to vector<16xi32>
    %mul3A_153 = arith.constant 32 : i32
    %mul3A_154 = arith.muli %add3A, %mul3A_153 : i32
    %add3A_155 = vector.broadcast %mul3A_154 : i32 to vector<16xi32>
    %add3A_156 = arith.addi %broadcast_in_dim3A_152, %add3A_155 : vector<16xi32>
    %shift_right_arithmetic3A_157 = arith.constant 3 : i32
    %shift_right_arithmetic3A_158 = vector.broadcast %shift_right_arithmetic3A_157 : i32 to vector<16xi32>
    %shift_right_arithmetic3A_159 = arith.shrsi %get3A_150, %shift_right_arithmetic3A_158 : vector<16xi32>
    %mul3A_160 = arith.constant 8192 : i32
    %mul3A_161 = vector.broadcast %mul3A_160 : i32 to vector<16xi32>
    %mul3A_162 = arith.muli %shift_right_arithmetic3A_159, %mul3A_161 : vector<16xi32>
    %shift_right_arithmetic3A_163 = arith.constant 7 : i32
    %shift_right_arithmetic3A_164 = vector.broadcast %shift_right_arithmetic3A_163 : i32 to vector<16xi32>
    %shift_right_arithmetic3A_165 = arith.shrsi %add3A_156, %shift_right_arithmetic3A_164 : vector<16xi32>
    %shift_left3A_166 = arith.constant 10 : i32
    %shift_left3A_167 = vector.broadcast %shift_left3A_166 : i32 to vector<16xi32>
    %shift_left3A_168 = arith.shli %shift_right_arithmetic3A_165, %shift_left3A_167 : vector<16xi32>
    %add3A_169 = arith.addi %mul3A_162, %shift_left3A_168 : vector<16xi32>
    %and3A_170 = arith.constant 7 : i32
    %and3A_171 = vector.broadcast %and3A_170 : i32 to vector<16xi32>
    %and3A_172 = arith.andi %get3A_150, %and3A_171 : vector<16xi32>
    %shift_left3A_173 = arith.constant 7 : i32
    %shift_left3A_174 = vector.broadcast %shift_left3A_173 : i32 to vector<16xi32>
    %shift_left3A_175 = arith.shli %and3A_172, %shift_left3A_174 : vector<16xi32>
    %add3A_176 = arith.addi %add3A_169, %shift_left3A_175 : vector<16xi32>
    %and3A_177 = arith.constant 127 : i32
    %and3A_178 = vector.broadcast %and3A_177 : i32 to vector<16xi32>
    %and3A_179 = arith.andi %add3A_156, %and3A_178 : vector<16xi32>
    %add3A_180 = arith.addi %add3A_176, %and3A_179 : vector<16xi32>
    %swap3A_181 = arith.constant 64 : index
    %swap3A_182 = tpu.vector_load %arg6[%swap3A_181] {strides = array<i32>} : memref<1600xi32, #tpu.memory_space<vmem>>, vector<16xi32>,
    %swap3A_183 = vector.shape_cast %swap3A_182 : vector<16xi32> to vector<16xi32>
    %swap3A_184 = vector.shape_cast %add3A_180 : vector<16xi32> to vector<16xi32>
    tpu.vector_store %arg6[%swap3A_181], %swap3A_184 {strides = array<i32>} : memref<1600xi32, #tpu.memory_space<vmem>>, vector<16xi32>,
    %get3A_185 = arith.constant 80 : index
    %get3A_186 = tpu.vector_load %arg5[%get3A_185] {strides = array<i32>} : memref<1600xi32, #tpu.memory_space<vmem>>, vector<16xi32>,
    %get3A_187 = vector.shape_cast %get3A_186 : vector<16xi32> to vector<16xi32>
    %broadcast_in_dim3A_188 = arith.constant 1 : i32
    %broadcast_in_dim3A_189 = vector.broadcast %broadcast_in_dim3A_188 : i32 to vector<16xi32>
    %mul3A_190 = arith.constant 32 : i32
    %mul3A_191 = arith.muli %add3A, %mul3A_190 : i32
    %add3A_192 = vector.broadcast %mul3A_191 : i32 to vector<16xi32>
    %add3A_193 = arith.addi %broadcast_in_dim3A_189, %add3A_192 : vector<16xi32>
    %shift_right_arithmetic3A_194 = arith.constant 3 : i32
    %shift_right_arithmetic3A_195 = vector.broadcast %shift_right_arithmetic3A_194 : i32 to vector<16xi32>
    %shift_right_arithmetic3A_196 = arith.shrsi %get3A_187, %shift_right_arithmetic3A_195 : vector<16xi32>
    %mul3A_197 = arith.constant 8192 : i32
    %mul3A_198 = vector.broadcast %mul3A_197 : i32 to vector<16xi32>
    %mul3A_199 = arith.muli %shift_right_arithmetic3A_196, %mul3A_198 : vector<16xi32>
    %shift_right_arithmetic3A_200 = arith.constant 7 : i32
    %shift_right_arithmetic3A_201 = vector.broadcast %shift_right_arithmetic3A_200 : i32 to vector<16xi32>
    %shift_right_arithmetic3A_202 = arith.shrsi %add3A_193, %shift_right_arithmetic3A_201 : vector<16xi32>
    %shift_left3A_203 = arith.constant 10 : i32
    %shift_left3A_204 = vector.broadcast %shift_left3A_203 : i32 to vector<16xi32>
    %shift_left3A_205 = arith.shli %shift_right_arithmetic3A_202, %shift_left3A_204 : vector<16xi32>
    %add3A_206 = arith.addi %mul3A_199, %shift_left3A_205 : vector<16xi32>
    %and3A_207 = arith.constant 7 : i32
    %and3A_208 = vector.broadcast %and3A_207 : i32 to vector<16xi32>
    %and3A_209 = arith.andi %get3A_187, %and3A_208 : vector<16xi32>
    %shift_left3A_210 = arith.constant 7 : i32
    %shift_left3A_211 = vector.broadcast %shift_left3A_210 : i32 to vector<16xi32>
    %shift_left3A_212 = arith.shli %and3A_209, %shift_left3A_211 : vector<16xi32>
    %add3A_213 = arith.addi %add3A_206, %shift_left3A_212 : vector<16xi32>
    %and3A_214 = arith.constant 127 : i32
    %and3A_215 = vector.broadcast %and3A_214 : i32 to vector<16xi32>
    %and3A_216 = arith.andi %add3A_193, %and3A_215 : vector<16xi32>
    %add3A_217 = arith.addi %add3A_213, %and3A_216 : vector<16xi32>
    %swap3A_218 = arith.constant 80 : index
    %swap3A_219 = tpu.vector_load %arg6[%swap3A_218] {strides = array<i32>} : memref<1600xi32, #tpu.memory_space<vmem>>, vector<16xi32>,
    %swap3A_220 = vector.shape_cast %swap3A_219 : vector<16xi32> to vector<16xi32>
    %swap3A_221 = vector.shape_cast %add3A_217 : vector<16xi32> to vector<16xi32>
    tpu.vector_store %arg6[%swap3A_218], %swap3A_221 {strides = array<i32>} : memref<1600xi32, #tpu.memory_space<vmem>>, vector<16xi32>,
    %get3A_222 = arith.constant 96 : index
    %get3A_223 = tpu.vector_load %arg5[%get3A_222] {strides = array<i32>} : memref<1600xi32, #tpu.memory_space<vmem>>, vector<16xi32>,
    %get3A_224 = vector.shape_cast %get3A_223 : vector<16xi32> to vector<16xi32>
    %ge3A_225 = arith.constant 4 : i32
    %ge3A_226 = vector.broadcast %ge3A_225 : i32 to vector<16xi32>
    %ge3A_227 = arith.cmpi sge, %iota3A, %ge3A_226 : vector<16xi32>
    %jit3A_228 = arith.constant 2 : i32
    %jit3A_229 = arith.constant 1 : i32
    %broadcast_in_dim3A_230 = vector.broadcast %jit3A_228 : i32 to vector<16xi32>
    %broadcast_in_dim3A_231 = vector.broadcast %jit3A_229 : i32 to vector<16xi32>
    %select_n3A_232 = arith.select %ge3A_227, %broadcast_in_dim3A_230, %broadcast_in_dim3A_231 : vector<16xi1>, vector<16xi32>
    %mul3A_233 = arith.constant 32 : i32
    %mul3A_234 = arith.muli %add3A, %mul3A_233 : i32
    %add3A_235 = vector.broadcast %mul3A_234 : i32 to vector<16xi32>
    %add3A_236 = arith.addi %select_n3A_232, %add3A_235 : vector<16xi32>
    %shift_right_arithmetic3A_237 = arith.constant 3 : i32
    %shift_right_arithmetic3A_238 = vector.broadcast %shift_right_arithmetic3A_237 : i32 to vector<16xi32>
    %shift_right_arithmetic3A_239 = arith.shrsi %get3A_224, %shift_right_arithmetic3A_238 : vector<16xi32>
    %mul3A_240 = arith.constant 8192 : i32
    %mul3A_241 = vector.broadcast %mul3A_240 : i32 to vector<16xi32>
    %mul3A_242 = arith.muli %shift_right_arithmetic3A_239, %mul3A_241 : vector<16xi32>
    %shift_right_arithmetic3A_243 = arith.constant 7 : i32
    %shift_right_arithmetic3A_244 = vector.broadcast %shift_right_arithmetic3A_243 : i32 to vector<16xi32>
    %shift_right_arithmetic3A_245 = arith.shrsi %add3A_236, %shift_right_arithmetic3A_244 : vector<16xi32>
    %shift_left3A_246 = arith.constant 10 : i32
    %shift_left3A_247 = vector.broadcast %shift_left3A_246 : i32 to vector<16xi32>
    %shift_left3A_248 = arith.shli %shift_right_arithmetic3A_245, %shift_left3A_247 : vector<16xi32>
    %add3A_249 = arith.addi %mul3A_242, %shift_left3A_248 : vector<16xi32>
    %and3A_250 = arith.constant 7 : i32
    %and3A_251 = vector.broadcast %and3A_250 : i32 to vector<16xi32>
    %and3A_252 = arith.andi %get3A_224, %and3A_251 : vector<16xi32>
    %shift_left3A_253 = arith.constant 7 : i32
    %shift_left3A_254 = vector.broadcast %shift_left3A_253 : i32 to vector<16xi32>
    %shift_left3A_255 = arith.shli %and3A_252, %shift_left3A_254 : vector<16xi32>
    %add3A_256 = arith.addi %add3A_249, %shift_left3A_255 : vector<16xi32>
    %and3A_257 = arith.constant 127 : i32
    %and3A_258 = vector.broadcast %and3A_257 : i32 to vector<16xi32>
    %and3A_259 = arith.andi %add3A_236, %and3A_258 : vector<16xi32>
    %add3A_260 = arith.addi %add3A_256, %and3A_259 : vector<16xi32>
    %swap3A_261 = arith.constant 96 : index
    %swap3A_262 = tpu.vector_load %arg6[%swap3A_261] {strides = array<i32>} : memref<1600xi32, #tpu.memory_space<vmem>>, vector<16xi32>,
    %swap3A_263 = vector.shape_cast %swap3A_262 : vector<16xi32> to vector<16xi32>
    %swap3A_264 = vector.shape_cast %add3A_260 : vector<16xi32> to vector<16xi32>
    tpu.vector_store %arg6[%swap3A_261], %swap3A_264 {strides = array<i32>} : memref<1600xi32, #tpu.memory_space<vmem>>, vector<16xi32>,
    %get3A_265 = arith.constant 112 : index
    %get3A_266 = tpu.vector_load %arg5[%get3A_265] {strides = array<i32>} : memref<1600xi32, #tpu.memory_space<vmem>>, vector<16xi32>,
    %get3A_267 = vector.shape_cast %get3A_266 : vector<16xi32> to vector<16xi32>
    %broadcast_in_dim3A_268 = arith.constant 2 : i32
    %broadcast_in_dim3A_269 = vector.broadcast %broadcast_in_dim3A_268 : i32 to vector<16xi32>
    %mul3A_270 = arith.constant 32 : i32
    %mul3A_271 = arith.muli %add3A, %mul3A_270 : i32
    %add3A_272 = vector.broadcast %mul3A_271 : i32 to vector<16xi32>
    %add3A_273 = arith.addi %broadcast_in_dim3A_269, %add3A_272 : vector<16xi32>
    %shift_right_arithmetic3A_274 = arith.constant 3 : i32
    %shift_right_arithmetic3A_275 = vector.broadcast %shift_right_arithmetic3A_274 : i32 to vector<16xi32>
    %shift_right_arithmetic3A_276 = arith.shrsi %get3A_267, %shift_right_arithmetic3A_275 : vector<16xi32>
    %mul3A_277 = arith.constant 8192 : i32
    %mul3A_278 = vector.broadcast %mul3A_277 : i32 to vector<16xi32>
    %mul3A_279 = arith.muli %shift_right_arithmetic3A_276, %mul3A_278 : vector<16xi32>
    %shift_right_arithmetic3A_280 = arith.constant 7 : i32
    %shift_right_arithmetic3A_281 = vector.broadcast %shift_right_arithmetic3A_280 : i32 to vector<16xi32>
    %shift_right_arithmetic3A_282 = arith.shrsi %add3A_273, %shift_right_arithmetic3A_281 : vector<16xi32>
    %shift_left3A_283 = arith.constant 10 : i32
    %shift_left3A_284 = vector.broadcast %shift_left3A_283 : i32 to vector<16xi32>
    %shift_left3A_285 = arith.shli %shift_right_arithmetic3A_282, %shift_left3A_284 : vector<16xi32>
    %add3A_286 = arith.addi %mul3A_279, %shift_left3A_285 : vector<16xi32>
    %and3A_287 = arith.constant 7 : i32
    %and3A_288 = vector.broadcast %and3A_287 : i32 to vector<16xi32>
    %and3A_289 = arith.andi %get3A_267, %and3A_288 : vector<16xi32>
    %shift_left3A_290 = arith.constant 7 : i32
    %shift_left3A_291 = vector.broadcast %shift_left3A_290 : i32 to vector<16xi32>
    %shift_left3A_292 = arith.shli %and3A_289, %shift_left3A_291 : vector<16xi32>
    %add3A_293 = arith.addi %add3A_286, %shift_left3A_292 : vector<16xi32>
    %and3A_294 = arith.constant 127 : i32
    %and3A_295 = vector.broadcast %and3A_294 : i32 to vector<16xi32>
    %and3A_296 = arith.andi %add3A_273, %and3A_295 : vector<16xi32>
    %add3A_297 = arith.addi %add3A_293, %and3A_296 : vector<16xi32>
    %swap3A_298 = arith.constant 112 : index
    %swap3A_299 = tpu.vector_load %arg6[%swap3A_298] {strides = array<i32>} : memref<1600xi32, #tpu.memory_space<vmem>>, vector<16xi32>,
    %swap3A_300 = vector.shape_cast %swap3A_299 : vector<16xi32> to vector<16xi32>
    %swap3A_301 = vector.shape_cast %add3A_297 : vector<16xi32> to vector<16xi32>
    tpu.vector_store %arg6[%swap3A_298], %swap3A_301 {strides = array<i32>} : memref<1600xi32, #tpu.memory_space<vmem>>, vector<16xi32>,
    %get3A_302 = arith.constant 128 : index
    %get3A_303 = tpu.vector_load %arg5[%get3A_302] {strides = array<i32>} : memref<1600xi32, #tpu.memory_space<vmem>>, vector<16xi32>,
    %get3A_304 = vector.shape_cast %get3A_303 : vector<16xi32> to vector<16xi32>
    %broadcast_in_dim3A_305 = arith.constant 2 : i32
    %broadcast_in_dim3A_306 = vector.broadcast %broadcast_in_dim3A_305 : i32 to vector<16xi32>
    %mul3A_307 = arith.constant 32 : i32
    %mul3A_308 = arith.muli %add3A, %mul3A_307 : i32
    %add3A_309 = vector.broadcast %mul3A_308 : i32 to vector<16xi32>
    %add3A_310 = arith.addi %broadcast_in_dim3A_306, %add3A_309 : vector<16xi32>
    %shift_right_arithmetic3A_311 = arith.constant 3 : i32
    %shift_right_arithmetic3A_312 = vector.broadcast %shift_right_arithmetic3A_311 : i32 to vector<16xi32>
    %shift_right_arithmetic3A_313 = arith.shrsi %get3A_304, %shift_right_arithmetic3A_312 : vector<16xi32>
    %mul3A_314 = arith.constant 8192 : i32
    %mul3A_315 = vector.broadcast %mul3A_314 : i32 to vector<16xi32>
    %mul3A_316 = arith.muli %shift_right_arithmetic3A_313, %mul3A_315 : vector<16xi32>
    %shift_right_arithmetic3A_317 = arith.constant 7 : i32
    %shift_right_arithmetic3A_318 = vector.broadcast %shift_right_arithmetic3A_317 : i32 to vector<16xi32>
    %shift_right_arithmetic3A_319 = arith.shrsi %add3A_310, %shift_right_arithmetic3A_318 : vector<16xi32>
    %shift_left3A_320 = arith.constant 10 : i32
    %shift_left3A_321 = vector.broadcast %shift_left3A_320 : i32 to vector<16xi32>
    %shift_left3A_322 = arith.shli %shift_right_arithmetic3A_319, %shift_left3A_321 : vector<16xi32>
    %add3A_323 = arith.addi %mul3A_316, %shift_left3A_322 : vector<16xi32>
    %and3A_324 = arith.constant 7 : i32
    %and3A_325 = vector.broadcast %and3A_324 : i32 to vector<16xi32>
    %and3A_326 = arith.andi %get3A_304, %and3A_325 : vector<16xi32>
    %shift_left3A_327 = arith.constant 7 : i32
    %shift_left3A_328 = vector.broadcast %shift_left3A_327 : i32 to vector<16xi32>
    %shift_left3A_329 = arith.shli %and3A_326, %shift_left3A_328 : vector<16xi32>
    %add3A_330 = arith.addi %add3A_323, %shift_left3A_329 : vector<16xi32>
    %and3A_331 = arith.constant 127 : i32
    %and3A_332 = vector.broadcast %and3A_331 : i32 to vector<16xi32>
    %and3A_333 = arith.andi %add3A_310, %and3A_332 : vector<16xi32>
    %add3A_334 = arith.addi %add3A_330, %and3A_333 : vector<16xi32>
    %swap3A_335 = arith.constant 128 : index
    %swap3A_336 = tpu.vector_load %arg6[%swap3A_335] {strides = array<i32>} : memref<1600xi32, #tpu.memory_space<vmem>>, vector<16xi32>,
    %swap3A_337 = vector.shape_cast %swap3A_336 : vector<16xi32> to vector<16xi32>
    %swap3A_338 = vector.shape_cast %add3A_334 : vector<16xi32> to vector<16xi32>
    tpu.vector_store %arg6[%swap3A_335], %swap3A_338 {strides = array<i32>} : memref<1600xi32, #tpu.memory_space<vmem>>, vector<16xi32>,
    %get3A_339 = arith.constant 144 : index
    %get3A_340 = tpu.vector_load %arg5[%get3A_339] {strides = array<i32>} : memref<1600xi32, #tpu.memory_space<vmem>>, vector<16xi32>,
    %get3A_341 = vector.shape_cast %get3A_340 : vector<16xi32> to vector<16xi32>
    %ge3A_342 = arith.constant 6 : i32
    %ge3A_343 = vector.broadcast %ge3A_342 : i32 to vector<16xi32>
    %ge3A_344 = arith.cmpi sge, %iota3A, %ge3A_343 : vector<16xi32>
    %jit3A_345 = arith.constant 3 : i32
    %jit3A_346 = arith.constant 2 : i32
    %broadcast_in_dim3A_347 = vector.broadcast %jit3A_345 : i32 to vector<16xi32>
    %broadcast_in_dim3A_348 = vector.broadcast %jit3A_346 : i32 to vector<16xi32>
    %select_n3A_349 = arith.select %ge3A_344, %broadcast_in_dim3A_347, %broadcast_in_dim3A_348 : vector<16xi1>, vector<16xi32>
    %mul3A_350 = arith.constant 32 : i32
    %mul3A_351 = arith.muli %add3A, %mul3A_350 : i32
    %add3A_352 = vector.broadcast %mul3A_351 : i32 to vector<16xi32>
    %add3A_353 = arith.addi %select_n3A_349, %add3A_352 : vector<16xi32>
    %shift_right_arithmetic3A_354 = arith.constant 3 : i32
    %shift_right_arithmetic3A_355 = vector.broadcast %shift_right_arithmetic3A_354 : i32 to vector<16xi32>
    %shift_right_arithmetic3A_356 = arith.shrsi %get3A_341, %shift_right_arithmetic3A_355 : vector<16xi32>
    %mul3A_357 = arith.constant 8192 : i32
    %mul3A_358 = vector.broadcast %mul3A_357 : i32 to vector<16xi32>
    %mul3A_359 = arith.muli %shift_right_arithmetic3A_356, %mul3A_358 : vector<16xi32>
    %shift_right_arithmetic3A_360 = arith.constant 7 : i32
    %shift_right_arithmetic3A_361 = vector.broadcast %shift_right_arithmetic3A_360 : i32 to vector<16xi32>
    %shift_right_arithmetic3A_362 = arith.shrsi %add3A_353, %shift_right_arithmetic3A_361 : vector<16xi32>
    %shift_left3A_363 = arith.constant 10 : i32
    %shift_left3A_364 = vector.broadcast %shift_left3A_363 : i32 to vector<16xi32>
    %shift_left3A_365 = arith.shli %shift_right_arithmetic3A_362, %shift_left3A_364 : vector<16xi32>
    %add3A_366 = arith.addi %mul3A_359, %shift_left3A_365 : vector<16xi32>
    %and3A_367 = arith.constant 7 : i32
    %and3A_368 = vector.broadcast %and3A_367 : i32 to vector<16xi32>
    %and3A_369 = arith.andi %get3A_341, %and3A_368 : vector<16xi32>
    %shift_left3A_370 = arith.constant 7 : i32
    %shift_left3A_371 = vector.broadcast %shift_left3A_370 : i32 to vector<16xi32>
    %shift_left3A_372 = arith.shli %and3A_369, %shift_left3A_371 : vector<16xi32>
    %add3A_373 = arith.addi %add3A_366, %shift_left3A_372 : vector<16xi32>
    %and3A_374 = arith.constant 127 : i32
    %and3A_375 = vector.broadcast %and3A_374 : i32 to vector<16xi32>
    %and3A_376 = arith.andi %add3A_353, %and3A_375 : vector<16xi32>
    %add3A_377 = arith.addi %add3A_373, %and3A_376 : vector<16xi32>
    %swap3A_378 = arith.constant 144 : index
    %swap3A_379 = tpu.vector_load %arg6[%swap3A_378] {strides = array<i32>} : memref<1600xi32, #tpu.memory_space<vmem>>, vector<16xi32>,
    %swap3A_380 = vector.shape_cast %swap3A_379 : vector<16xi32> to vector<16xi32>
    %swap3A_381 = vector.shape_cast %add3A_377 : vector<16xi32> to vector<16xi32>
    tpu.vector_store %arg6[%swap3A_378], %swap3A_381 {strides = array<i32>} : memref<1600xi32, #tpu.memory_space<vmem>>, vector<16xi32>,
    %get3A_382 = arith.constant 160 : index
    %get3A_383 = tpu.vector_load %arg5[%get3A_382] {strides = array<i32>} : memref<1600xi32, #tpu.memory_space<vmem>>, vector<16xi32>,
    %get3A_384 = vector.shape_cast %get3A_383 : vector<16xi32> to vector<16xi32>
    %broadcast_in_dim3A_385 = arith.constant 3 : i32
    %broadcast_in_dim3A_386 = vector.broadcast %broadcast_in_dim3A_385 : i32 to vector<16xi32>
    %mul3A_387 = arith.constant 32 : i32
    %mul3A_388 = arith.muli %add3A, %mul3A_387 : i32
    %add3A_389 = vector.broadcast %mul3A_388 : i32 to vector<16xi32>
    %add3A_390 = arith.addi %broadcast_in_dim3A_386, %add3A_389 : vector<16xi32>
    %shift_right_arithmetic3A_391 = arith.constant 3 : i32
    %shift_right_arithmetic3A_392 = vector.broadcast %shift_right_arithmetic3A_391 : i32 to vector<16xi32>
    %shift_right_arithmetic3A_393 = arith.shrsi %get3A_384, %shift_right_arithmetic3A_392 : vector<16xi32>
    %mul3A_394 = arith.constant 8192 : i32
    %mul3A_395 = vector.broadcast %mul3A_394 : i32 to vector<16xi32>
    %mul3A_396 = arith.muli %shift_right_arithmetic3A_393, %mul3A_395 : vector<16xi32>
    %shift_right_arithmetic3A_397 = arith.constant 7 : i32
    %shift_right_arithmetic3A_398 = vector.broadcast %shift_right_arithmetic3A_397 : i32 to vector<16xi32>
    %shift_right_arithmetic3A_399 = arith.shrsi %add3A_390, %shift_right_arithmetic3A_398 : vector<16xi32>
    %shift_left3A_400 = arith.constant 10 : i32
    %shift_left3A_401 = vector.broadcast %shift_left3A_400 : i32 to vector<16xi32>
    %shift_left3A_402 = arith.shli %shift_right_arithmetic3A_399, %shift_left3A_401 : vector<16xi32>
    %add3A_403 = arith.addi %mul3A_396, %shift_left3A_402 : vector<16xi32>
    %and3A_404 = arith.constant 7 : i32
    %and3A_405 = vector.broadcast %and3A_404 : i32 to vector<16xi32>
    %and3A_406 = arith.andi %get3A_384, %and3A_405 : vector<16xi32>
    %shift_left3A_407 = arith.constant 7 : i32
    %shift_left3A_408 = vector.broadcast %shift_left3A_407 : i32 to vector<16xi32>
    %shift_left3A_409 = arith.shli %and3A_406, %shift_left3A_408 : vector<16xi32>
    %add3A_410 = arith.addi %add3A_403, %shift_left3A_409 : vector<16xi32>
    %and3A_411 = arith.constant 127 : i32
    %and3A_412 = vector.broadcast %and3A_411 : i32 to vector<16xi32>
    %and3A_413 = arith.andi %add3A_390, %and3A_412 : vector<16xi32>
    %add3A_414 = arith.addi %add3A_410, %and3A_413 : vector<16xi32>
    %swap3A_415 = arith.constant 160 : index
    %swap3A_416 = tpu.vector_load %arg6[%swap3A_415] {strides = array<i32>} : memref<1600xi32, #tpu.memory_space<vmem>>, vector<16xi32>,
    %swap3A_417 = vector.shape_cast %swap3A_416 : vector<16xi32> to vector<16xi32>
    %swap3A_418 = vector.shape_cast %add3A_414 : vector<16xi32> to vector<16xi32>
    tpu.vector_store %arg6[%swap3A_415], %swap3A_418 {strides = array<i32>} : memref<1600xi32, #tpu.memory_space<vmem>>, vector<16xi32>,
    %get3A_419 = arith.constant 176 : index
    %get3A_420 = tpu.vector_load %arg5[%get3A_419] {strides = array<i32>} : memref<1600xi32, #tpu.memory_space<vmem>>, vector<16xi32>,
    %get3A_421 = vector.shape_cast %get3A_420 : vector<16xi32> to vector<16xi32>
    %broadcast_in_dim3A_422 = arith.constant 3 : i32
    %broadcast_in_dim3A_423 = vector.broadcast %broadcast_in_dim3A_422 : i32 to vector<16xi32>
    %mul3A_424 = arith.constant 32 : i32
    %mul3A_425 = arith.muli %add3A, %mul3A_424 : i32
    %add3A_426 = vector.broadcast %mul3A_425 : i32 to vector<16xi32>
    %add3A_427 = arith.addi %broadcast_in_dim3A_423, %add3A_426 : vector<16xi32>
    %shift_right_arithmetic3A_428 = arith.constant 3 : i32
    %shift_right_arithmetic3A_429 = vector.broadcast %shift_right_arithmetic3A_428 : i32 to vector<16xi32>
    %shift_right_arithmetic3A_430 = arith.shrsi %get3A_421, %shift_right_arithmetic3A_429 : vector<16xi32>
    %mul3A_431 = arith.constant 8192 : i32
    %mul3A_432 = vector.broadcast %mul3A_431 : i32 to vector<16xi32>
    %mul3A_433 = arith.muli %shift_right_arithmetic3A_430, %mul3A_432 : vector<16xi32>
    %shift_right_arithmetic3A_434 = arith.constant 7 : i32
    %shift_right_arithmetic3A_435 = vector.broadcast %shift_right_arithmetic3A_434 : i32 to vector<16xi32>
    %shift_right_arithmetic3A_436 = arith.shrsi %add3A_427, %shift_right_arithmetic3A_435 : vector<16xi32>
    %shift_left3A_437 = arith.constant 10 : i32
    %shift_left3A_438 = vector.broadcast %shift_left3A_437 : i32 to vector<16xi32>
    %shift_left3A_439 = arith.shli %shift_right_arithmetic3A_436, %shift_left3A_438 : vector<16xi32>
    %add3A_440 = arith.addi %mul3A_433, %shift_left3A_439 : vector<16xi32>
    %and3A_441 = arith.constant 7 : i32
    %and3A_442 = vector.broadcast %and3A_441 : i32 to vector<16xi32>
    %and3A_443 = arith.andi %get3A_421, %and3A_442 : vector<16xi32>
    %shift_left3A_444 = arith.constant 7 : i32
    %shift_left3A_445 = vector.broadcast %shift_left3A_444 : i32 to vector<16xi32>
    %shift_left3A_446 = arith.shli %and3A_443, %shift_left3A_445 : vector<16xi32>
    %add3A_447 = arith.addi %add3A_440, %shift_left3A_446 : vector<16xi32>
    %and3A_448 = arith.constant 127 : i32
    %and3A_449 = vector.broadcast %and3A_448 : i32 to vector<16xi32>
    %and3A_450 = arith.andi %add3A_427, %and3A_449 : vector<16xi32>
    %add3A_451 = arith.addi %add3A_447, %and3A_450 : vector<16xi32>
    %swap3A_452 = arith.constant 176 : index
    %swap3A_453 = tpu.vector_load %arg6[%swap3A_452] {strides = array<i32>} : memref<1600xi32, #tpu.memory_space<vmem>>, vector<16xi32>,
    %swap3A_454 = vector.shape_cast %swap3A_453 : vector<16xi32> to vector<16xi32>
    %swap3A_455 = vector.shape_cast %add3A_451 : vector<16xi32> to vector<16xi32>
    tpu.vector_store %arg6[%swap3A_452], %swap3A_455 {strides = array<i32>} : memref<1600xi32, #tpu.memory_space<vmem>>, vector<16xi32>,
    %get3A_456 = arith.constant 192 : index
    %get3A_457 = tpu.vector_load %arg5[%get3A_456] {strides = array<i32>} : memref<1600xi32, #tpu.memory_space<vmem>>, vector<16xi32>,
    %get3A_458 = vector.shape_cast %get3A_457 : vector<16xi32> to vector<16xi32>
    %ge3A_459 = arith.constant 8 : i32
    %ge3A_460 = vector.broadcast %ge3A_459 : i32 to vector<16xi32>
    %ge3A_461 = arith.cmpi sge, %iota3A, %ge3A_460 : vector<16xi32>
    %jit3A_462 = arith.constant 4 : i32
    %jit3A_463 = arith.constant 3 : i32
    %broadcast_in_dim3A_464 = vector.broadcast %jit3A_462 : i32 to vector<16xi32>
    %broadcast_in_dim3A_465 = vector.broadcast %jit3A_463 : i32 to vector<16xi32>
    %select_n3A_466 = arith.select %ge3A_461, %broadcast_in_dim3A_464, %broadcast_in_dim3A_465 : vector<16xi1>, vector<16xi32>
    %mul3A_467 = arith.constant 32 : i32
    %mul3A_468 = arith.muli %add3A, %mul3A_467 : i32
    %add3A_469 = vector.broadcast %mul3A_468 : i32 to vector<16xi32>
    %add3A_470 = arith.addi %select_n3A_466, %add3A_469 : vector<16xi32>
    %shift_right_arithmetic3A_471 = arith.constant 3 : i32
    %shift_right_arithmetic3A_472 = vector.broadcast %shift_right_arithmetic3A_471 : i32 to vector<16xi32>
    %shift_right_arithmetic3A_473 = arith.shrsi %get3A_458, %shift_right_arithmetic3A_472 : vector<16xi32>
    %mul3A_474 = arith.constant 8192 : i32
    %mul3A_475 = vector.broadcast %mul3A_474 : i32 to vector<16xi32>
    %mul3A_476 = arith.muli %shift_right_arithmetic3A_473, %mul3A_475 : vector<16xi32>
    %shift_right_arithmetic3A_477 = arith.constant 7 : i32
    %shift_right_arithmetic3A_478 = vector.broadcast %shift_right_arithmetic3A_477 : i32 to vector<16xi32>
    %shift_right_arithmetic3A_479 = arith.shrsi %add3A_470, %shift_right_arithmetic3A_478 : vector<16xi32>
    %shift_left3A_480 = arith.constant 10 : i32
    %shift_left3A_481 = vector.broadcast %shift_left3A_480 : i32 to vector<16xi32>
    %shift_left3A_482 = arith.shli %shift_right_arithmetic3A_479, %shift_left3A_481 : vector<16xi32>
    %add3A_483 = arith.addi %mul3A_476, %shift_left3A_482 : vector<16xi32>
    %and3A_484 = arith.constant 7 : i32
    %and3A_485 = vector.broadcast %and3A_484 : i32 to vector<16xi32>
    %and3A_486 = arith.andi %get3A_458, %and3A_485 : vector<16xi32>
    %shift_left3A_487 = arith.constant 7 : i32
    %shift_left3A_488 = vector.broadcast %shift_left3A_487 : i32 to vector<16xi32>
    %shift_left3A_489 = arith.shli %and3A_486, %shift_left3A_488 : vector<16xi32>
    %add3A_490 = arith.addi %add3A_483, %shift_left3A_489 : vector<16xi32>
    %and3A_491 = arith.constant 127 : i32
    %and3A_492 = vector.broadcast %and3A_491 : i32 to vector<16xi32>
    %and3A_493 = arith.andi %add3A_470, %and3A_492 : vector<16xi32>
    %add3A_494 = arith.addi %add3A_490, %and3A_493 : vector<16xi32>
    %swap3A_495 = arith.constant 192 : index
    %swap3A_496 = tpu.vector_load %arg6[%swap3A_495] {strides = array<i32>} : memref<1600xi32, #tpu.memory_space<vmem>>, vector<16xi32>,
    %swap3A_497 = vector.shape_cast %swap3A_496 : vector<16xi32> to vector<16xi32>
    %swap3A_498 = vector.shape_cast %add3A_494 : vector<16xi32> to vector<16xi32>
    tpu.vector_store %arg6[%swap3A_495], %swap3A_498 {strides = array<i32>} : memref<1600xi32, #tpu.memory_space<vmem>>, vector<16xi32>,
    %get3A_499 = arith.constant 208 : index
    %get3A_500 = tpu.vector_load %arg5[%get3A_499] {strides = array<i32>} : memref<1600xi32, #tpu.memory_space<vmem>>, vector<16xi32>,
    %get3A_501 = vector.shape_cast %get3A_500 : vector<16xi32> to vector<16xi32>
    %broadcast_in_dim3A_502 = arith.constant 4 : i32
    %broadcast_in_dim3A_503 = vector.broadcast %broadcast_in_dim3A_502 : i32 to vector<16xi32>
    %mul3A_504 = arith.constant 32 : i32
    %mul3A_505 = arith.muli %add3A, %mul3A_504 : i32
    %add3A_506 = vector.broadcast %mul3A_505 : i32 to vector<16xi32>
    %add3A_507 = arith.addi %broadcast_in_dim3A_503, %add3A_506 : vector<16xi32>
    %shift_right_arithmetic3A_508 = arith.constant 3 : i32
    %shift_right_arithmetic3A_509 = vector.broadcast %shift_right_arithmetic3A_508 : i32 to vector<16xi32>
    %shift_right_arithmetic3A_510 = arith.shrsi %get3A_501, %shift_right_arithmetic3A_509 : vector<16xi32>
    %mul3A_511 = arith.constant 8192 : i32
    %mul3A_512 = vector.broadcast %mul3A_511 : i32 to vector<16xi32>
    %mul3A_513 = arith.muli %shift_right_arithmetic3A_510, %mul3A_512 : vector<16xi32>
    %shift_right_arithmetic3A_514 = arith.constant 7 : i32
    %shift_right_arithmetic3A_515 = vector.broadcast %shift_right_arithmetic3A_514 : i32 to vector<16xi32>
    %shift_right_arithmetic3A_516 = arith.shrsi %add3A_507, %shift_right_arithmetic3A_515 : vector<16xi32>
    %shift_left3A_517 = arith.constant 10 : i32
    %shift_left3A_518 = vector.broadcast %shift_left3A_517 : i32 to vector<16xi32>
    %shift_left3A_519 = arith.shli %shift_right_arithmetic3A_516, %shift_left3A_518 : vector<16xi32>
    %add3A_520 = arith.addi %mul3A_513, %shift_left3A_519 : vector<16xi32>
    %and3A_521 = arith.constant 7 : i32
    %and3A_522 = vector.broadcast %and3A_521 : i32 to vector<16xi32>
    %and3A_523 = arith.andi %get3A_501, %and3A_522 : vector<16xi32>
    %shift_left3A_524 = arith.constant 7 : i32
    %shift_left3A_525 = vector.broadcast %shift_left3A_524 : i32 to vector<16xi32>
    %shift_left3A_526 = arith.shli %and3A_523, %shift_left3A_525 : vector<16xi32>
    %add3A_527 = arith.addi %add3A_520, %shift_left3A_526 : vector<16xi32>
    %and3A_528 = arith.constant 127 : i32
    %and3A_529 = vector.broadcast %and3A_528 : i32 to vector<16xi32>
    %and3A_530 = arith.andi %add3A_507, %and3A_529 : vector<16xi32>
    %add3A_531 = arith.addi %add3A_527, %and3A_530 : vector<16xi32>
    %swap3A_532 = arith.constant 208 : index
    %swap3A_533 = tpu.vector_load %arg6[%swap3A_532] {strides = array<i32>} : memref<1600xi32, #tpu.memory_space<vmem>>, vector<16xi32>,
    %swap3A_534 = vector.shape_cast %swap3A_533 : vector<16xi32> to vector<16xi32>
    %swap3A_535 = vector.shape_cast %add3A_531 : vector<16xi32> to vector<16xi32>
    tpu.vector_store %arg6[%swap3A_532], %swap3A_535 {strides = array<i32>} : memref<1600xi32, #tpu.memory_space<vmem>>, vector<16xi32>,
    %get3A_536 = arith.constant 224 : index
    %get3A_537 = tpu.vector_load %arg5[%get3A_536] {strides = array<i32>} : memref<1600xi32, #tpu.memory_space<vmem>>, vector<16xi32>,
    %get3A_538 = vector.shape_cast %get3A_537 : vector<16xi32> to vector<16xi32>
    %broadcast_in_dim3A_539 = arith.constant 4 : i32
    %broadcast_in_dim3A_540 = vector.broadcast %broadcast_in_dim3A_539 : i32 to vector<16xi32>
    %mul3A_541 = arith.constant 32 : i32
    %mul3A_542 = arith.muli %add3A, %mul3A_541 : i32
    %add3A_543 = vector.broadcast %mul3A_542 : i32 to vector<16xi32>
    %add3A_544 = arith.addi %broadcast_in_dim3A_540, %add3A_543 : vector<16xi32>
    %shift_right_arithmetic3A_545 = arith.constant 3 : i32
    %shift_right_arithmetic3A_546 = vector.broadcast %shift_right_arithmetic3A_545 : i32 to vector<16xi32>
    %shift_right_arithmetic3A_547 = arith.shrsi %get3A_538, %shift_right_arithmetic3A_546 : vector<16xi32>
    %mul3A_548 = arith.constant 8192 : i32
    %mul3A_549 = vector.broadcast %mul3A_548 : i32 to vector<16xi32>
    %mul3A_550 = arith.muli %shift_right_arithmetic3A_547, %mul3A_549 : vector<16xi32>
    %shift_right_arithmetic3A_551 = arith.constant 7 : i32
    %shift_right_arithmetic3A_552 = vector.broadcast %shift_right_arithmetic3A_551 : i32 to vector<16xi32>
    %shift_right_arithmetic3A_553 = arith.shrsi %add3A_544, %shift_right_arithmetic3A_552 : vector<16xi32>
    %shift_left3A_554 = arith.constant 10 : i32
    %shift_left3A_555 = vector.broadcast %shift_left3A_554 : i32 to vector<16xi32>
    %shift_left3A_556 = arith.shli %shift_right_arithmetic3A_553, %shift_left3A_555 : vector<16xi32>
    %add3A_557 = arith.addi %mul3A_550, %shift_left3A_556 : vector<16xi32>
    %and3A_558 = arith.constant 7 : i32
    %and3A_559 = vector.broadcast %and3A_558 : i32 to vector<16xi32>
    %and3A_560 = arith.andi %get3A_538, %and3A_559 : vector<16xi32>
    %shift_left3A_561 = arith.constant 7 : i32
    %shift_left3A_562 = vector.broadcast %shift_left3A_561 : i32 to vector<16xi32>
    %shift_left3A_563 = arith.shli %and3A_560, %shift_left3A_562 : vector<16xi32>
    %add3A_564 = arith.addi %add3A_557, %shift_left3A_563 : vector<16xi32>
    %and3A_565 = arith.constant 127 : i32
    %and3A_566 = vector.broadcast %and3A_565 : i32 to vector<16xi32>
    %and3A_567 = arith.andi %add3A_544, %and3A_566 : vector<16xi32>
    %add3A_568 = arith.addi %add3A_564, %and3A_567 : vector<16xi32>
    %swap3A_569 = arith.constant 224 : index
    %swap3A_570 = tpu.vector_load %arg6[%swap3A_569] {strides = array<i32>} : memref<1600xi32, #tpu.memory_space<vmem>>, vector<16xi32>,
    %swap3A_571 = vector.shape_cast %swap3A_570 : vector<16xi32> to vector<16xi32>
    %swap3A_572 = vector.shape_cast %add3A_568 : vector<16xi32> to vector<16xi32>
    tpu.vector_store %arg6[%swap3A_569], %swap3A_572 {strides = array<i32>} : memref<1600xi32, #tpu.memory_space<vmem>>, vector<16xi32>,
    %get3A_573 = arith.constant 240 : index
    %get3A_574 = tpu.vector_load %arg5[%get3A_573] {strides = array<i32>} : memref<1600xi32, #tpu.memory_space<vmem>>, vector<16xi32>,
    %get3A_575 = vector.shape_cast %get3A_574 : vector<16xi32> to vector<16xi32>
    %ge3A_576 = arith.constant 10 : i32
    %ge3A_577 = vector.broadcast %ge3A_576 : i32 to vector<16xi32>
    %ge3A_578 = arith.cmpi sge, %iota3A, %ge3A_577 : vector<16xi32>
    %jit3A_579 = arith.constant 5 : i32
    %jit3A_580 = arith.constant 4 : i32
    %broadcast_in_dim3A_581 = vector.broadcast %jit3A_579 : i32 to vector<16xi32>
    %broadcast_in_dim3A_582 = vector.broadcast %jit3A_580 : i32 to vector<16xi32>
    %select_n3A_583 = arith.select %ge3A_578, %broadcast_in_dim3A_581, %broadcast_in_dim3A_582 : vector<16xi1>, vector<16xi32>
    %mul3A_584 = arith.constant 32 : i32
    %mul3A_585 = arith.muli %add3A, %mul3A_584 : i32
    %add3A_586 = vector.broadcast %mul3A_585 : i32 to vector<16xi32>
    %add3A_587 = arith.addi %select_n3A_583, %add3A_586 : vector<16xi32>
    %shift_right_arithmetic3A_588 = arith.constant 3 : i32
    %shift_right_arithmetic3A_589 = vector.broadcast %shift_right_arithmetic3A_588 : i32 to vector<16xi32>
    %shift_right_arithmetic3A_590 = arith.shrsi %get3A_575, %shift_right_arithmetic3A_589 : vector<16xi32>
    %mul3A_591 = arith.constant 8192 : i32
    %mul3A_592 = vector.broadcast %mul3A_591 : i32 to vector<16xi32>
    %mul3A_593 = arith.muli %shift_right_arithmetic3A_590, %mul3A_592 : vector<16xi32>
    %shift_right_arithmetic3A_594 = arith.constant 7 : i32
    %shift_right_arithmetic3A_595 = vector.broadcast %shift_right_arithmetic3A_594 : i32 to vector<16xi32>
    %shift_right_arithmetic3A_596 = arith.shrsi %add3A_587, %shift_right_arithmetic3A_595 : vector<16xi32>
    %shift_left3A_597 = arith.constant 10 : i32
    %shift_left3A_598 = vector.broadcast %shift_left3A_597 : i32 to vector<16xi32>
    %shift_left3A_599 = arith.shli %shift_right_arithmetic3A_596, %shift_left3A_598 : vector<16xi32>
    %add3A_600 = arith.addi %mul3A_593, %shift_left3A_599 : vector<16xi32>
    %and3A_601 = arith.constant 7 : i32
    %and3A_602 = vector.broadcast %and3A_601 : i32 to vector<16xi32>
    %and3A_603 = arith.andi %get3A_575, %and3A_602 : vector<16xi32>
    %shift_left3A_604 = arith.constant 7 : i32
    %shift_left3A_605 = vector.broadcast %shift_left3A_604 : i32 to vector<16xi32>
    %shift_left3A_606 = arith.shli %and3A_603, %shift_left3A_605 : vector<16xi32>
    %add3A_607 = arith.addi %add3A_600, %shift_left3A_606 : vector<16xi32>
    %and3A_608 = arith.constant 127 : i32
    %and3A_609 = vector.broadcast %and3A_608 : i32 to vector<16xi32>
    %and3A_610 = arith.andi %add3A_587, %and3A_609 : vector<16xi32>
    %add3A_611 = arith.addi %add3A_607, %and3A_610 : vector<16xi32>
    %swap3A_612 = arith.constant 240 : index
    %swap3A_613 = tpu.vector_load %arg6[%swap3A_612] {strides = array<i32>} : memref<1600xi32, #tpu.memory_space<vmem>>, vector<16xi32>,
    %swap3A_614 = vector.shape_cast %swap3A_613 : vector<16xi32> to vector<16xi32>
    %swap3A_615 = vector.shape_cast %add3A_611 : vector<16xi32> to vector<16xi32>
    tpu.vector_store %arg6[%swap3A_612], %swap3A_615 {strides = array<i32>} : memref<1600xi32, #tpu.memory_space<vmem>>, vector<16xi32>,
    %get3A_616 = arith.constant 256 : index
    %get3A_617 = tpu.vector_load %arg5[%get3A_616] {strides = array<i32>} : memref<1600xi32, #tpu.memory_space<vmem>>, vector<16xi32>,
    %get3A_618 = vector.shape_cast %get3A_617 : vector<16xi32> to vector<16xi32>
    %broadcast_in_dim3A_619 = arith.constant 5 : i32
    %broadcast_in_dim3A_620 = vector.broadcast %broadcast_in_dim3A_619 : i32 to vector<16xi32>
    %mul3A_621 = arith.constant 32 : i32
    %mul3A_622 = arith.muli %add3A, %mul3A_621 : i32
    %add3A_623 = vector.broadcast %mul3A_622 : i32 to vector<16xi32>
    %add3A_624 = arith.addi %broadcast_in_dim3A_620, %add3A_623 : vector<16xi32>
    %shift_right_arithmetic3A_625 = arith.constant 3 : i32
    %shift_right_arithmetic3A_626 = vector.broadcast %shift_right_arithmetic3A_625 : i32 to vector<16xi32>
    %shift_right_arithmetic3A_627 = arith.shrsi %get3A_618, %shift_right_arithmetic3A_626 : vector<16xi32>
    %mul3A_628 = arith.constant 8192 : i32
    %mul3A_629 = vector.broadcast %mul3A_628 : i32 to vector<16xi32>
    %mul3A_630 = arith.muli %shift_right_arithmetic3A_627, %mul3A_629 : vector<16xi32>
    %shift_right_arithmetic3A_631 = arith.constant 7 : i32
    %shift_right_arithmetic3A_632 = vector.broadcast %shift_right_arithmetic3A_631 : i32 to vector<16xi32>
    %shift_right_arithmetic3A_633 = arith.shrsi %add3A_624, %shift_right_arithmetic3A_632 : vector<16xi32>
    %shift_left3A_634 = arith.constant 10 : i32
    %shift_left3A_635 = vector.broadcast %shift_left3A_634 : i32 to vector<16xi32>
    %shift_left3A_636 = arith.shli %shift_right_arithmetic3A_633, %shift_left3A_635 : vector<16xi32>
    %add3A_637 = arith.addi %mul3A_630, %shift_left3A_636 : vector<16xi32>
    %and3A_638 = arith.constant 7 : i32
    %and3A_639 = vector.broadcast %and3A_638 : i32 to vector<16xi32>
    %and3A_640 = arith.andi %get3A_618, %and3A_639 : vector<16xi32>
    %shift_left3A_641 = arith.constant 7 : i32
    %shift_left3A_642 = vector.broadcast %shift_left3A_641 : i32 to vector<16xi32>
    %shift_left3A_643 = arith.shli %and3A_640, %shift_left3A_642 : vector<16xi32>
    %add3A_644 = arith.addi %add3A_637, %shift_left3A_643 : vector<16xi32>
    %and3A_645 = arith.constant 127 : i32
    %and3A_646 = vector.broadcast %and3A_645 : i32 to vector<16xi32>
    %and3A_647 = arith.andi %add3A_624, %and3A_646 : vector<16xi32>
    %add3A_648 = arith.addi %add3A_644, %and3A_647 : vector<16xi32>
    %swap3A_649 = arith.constant 256 : index
    %swap3A_650 = tpu.vector_load %arg6[%swap3A_649] {strides = array<i32>} : memref<1600xi32, #tpu.memory_space<vmem>>, vector<16xi32>,
    %swap3A_651 = vector.shape_cast %swap3A_650 : vector<16xi32> to vector<16xi32>
    %swap3A_652 = vector.shape_cast %add3A_648 : vector<16xi32> to vector<16xi32>
    tpu.vector_store %arg6[%swap3A_649], %swap3A_652 {strides = array<i32>} : memref<1600xi32, #tpu.memory_space<vmem>>, vector<16xi32>,
    %get3A_653 = arith.constant 272 : index
    %get3A_654 = tpu.vector_load %arg5[%get3A_653] {strides = array<i32>} : memref<1600xi32, #tpu.memory_space<vmem>>, vector<16xi32>,
    %get3A_655 = vector.shape_cast %get3A_654 : vector<16xi32> to vector<16xi32>
    %broadcast_in_dim3A_656 = arith.constant 5 : i32
    %broadcast_in_dim3A_657 = vector.broadcast %broadcast_in_dim3A_656 : i32 to vector<16xi32>
    %mul3A_658 = arith.constant 32 : i32
    %mul3A_659 = arith.muli %add3A, %mul3A_658 : i32
    %add3A_660 = vector.broadcast %mul3A_659 : i32 to vector<16xi32>
    %add3A_661 = arith.addi %broadcast_in_dim3A_657, %add3A_660 : vector<16xi32>
    %shift_right_arithmetic3A_662 = arith.constant 3 : i32
    %shift_right_arithmetic3A_663 = vector.broadcast %shift_right_arithmetic3A_662 : i32 to vector<16xi32>
    %shift_right_arithmetic3A_664 = arith.shrsi %get3A_655, %shift_right_arithmetic3A_663 : vector<16xi32>
    %mul3A_665 = arith.constant 8192 : i32
    %mul3A_666 = vector.broadcast %mul3A_665 : i32 to vector<16xi32>
    %mul3A_667 = arith.muli %shift_right_arithmetic3A_664, %mul3A_666 : vector<16xi32>
    %shift_right_arithmetic3A_668 = arith.constant 7 : i32
    %shift_right_arithmetic3A_669 = vector.broadcast %shift_right_arithmetic3A_668 : i32 to vector<16xi32>
    %shift_right_arithmetic3A_670 = arith.shrsi %add3A_661, %shift_right_arithmetic3A_669 : vector<16xi32>
    %shift_left3A_671 = arith.constant 10 : i32
    %shift_left3A_672 = vector.broadcast %shift_left3A_671 : i32 to vector<16xi32>
    %shift_left3A_673 = arith.shli %shift_right_arithmetic3A_670, %shift_left3A_672 : vector<16xi32>
    %add3A_674 = arith.addi %mul3A_667, %shift_left3A_673 : vector<16xi32>
    %and3A_675 = arith.constant 7 : i32
    %and3A_676 = vector.broadcast %and3A_675 : i32 to vector<16xi32>
    %and3A_677 = arith.andi %get3A_655, %and3A_676 : vector<16xi32>
    %shift_left3A_678 = arith.constant 7 : i32
    %shift_left3A_679 = vector.broadcast %shift_left3A_678 : i32 to vector<16xi32>
    %shift_left3A_680 = arith.shli %and3A_677, %shift_left3A_679 : vector<16xi32>
    %add3A_681 = arith.addi %add3A_674, %shift_left3A_680 : vector<16xi32>
    %and3A_682 = arith.constant 127 : i32
    %and3A_683 = vector.broadcast %and3A_682 : i32 to vector<16xi32>
    %and3A_684 = arith.andi %add3A_661, %and3A_683 : vector<16xi32>
    %add3A_685 = arith.addi %add3A_681, %and3A_684 : vector<16xi32>
    %swap3A_686 = arith.constant 272 : index
    %swap3A_687 = tpu.vector_load %arg6[%swap3A_686] {strides = array<i32>} : memref<1600xi32, #tpu.memory_space<vmem>>, vector<16xi32>,
    %swap3A_688 = vector.shape_cast %swap3A_687 : vector<16xi32> to vector<16xi32>
    %swap3A_689 = vector.shape_cast %add3A_685 : vector<16xi32> to vector<16xi32>
    tpu.vector_store %arg6[%swap3A_686], %swap3A_689 {strides = array<i32>} : memref<1600xi32, #tpu.memory_space<vmem>>, vector<16xi32>,
    %get3A_690 = arith.constant 288 : index
    %get3A_691 = tpu.vector_load %arg5[%get3A_690] {strides = array<i32>} : memref<1600xi32, #tpu.memory_space<vmem>>, vector<16xi32>,
    %get3A_692 = vector.shape_cast %get3A_691 : vector<16xi32> to vector<16xi32>
    %ge3A_693 = arith.constant 12 : i32
    %ge3A_694 = vector.broadcast %ge3A_693 : i32 to vector<16xi32>
    %ge3A_695 = arith.cmpi sge, %iota3A, %ge3A_694 : vector<16xi32>
    %jit3A_696 = arith.constant 6 : i32
    %jit3A_697 = arith.constant 5 : i32
    %broadcast_in_dim3A_698 = vector.broadcast %jit3A_696 : i32 to vector<16xi32>
    %broadcast_in_dim3A_699 = vector.broadcast %jit3A_697 : i32 to vector<16xi32>
    %select_n3A_700 = arith.select %ge3A_695, %broadcast_in_dim3A_698, %broadcast_in_dim3A_699 : vector<16xi1>, vector<16xi32>
    %mul3A_701 = arith.constant 32 : i32
    %mul3A_702 = arith.muli %add3A, %mul3A_701 : i32
    %add3A_703 = vector.broadcast %mul3A_702 : i32 to vector<16xi32>
    %add3A_704 = arith.addi %select_n3A_700, %add3A_703 : vector<16xi32>
    %shift_right_arithmetic3A_705 = arith.constant 3 : i32
    %shift_right_arithmetic3A_706 = vector.broadcast %shift_right_arithmetic3A_705 : i32 to vector<16xi32>
    %shift_right_arithmetic3A_707 = arith.shrsi %get3A_692, %shift_right_arithmetic3A_706 : vector<16xi32>
    %mul3A_708 = arith.constant 8192 : i32
    %mul3A_709 = vector.broadcast %mul3A_708 : i32 to vector<16xi32>
    %mul3A_710 = arith.muli %shift_right_arithmetic3A_707, %mul3A_709 : vector<16xi32>
    %shift_right_arithmetic3A_711 = arith.constant 7 : i32
    %shift_right_arithmetic3A_712 = vector.broadcast %shift_right_arithmetic3A_711 : i32 to vector<16xi32>
    %shift_right_arithmetic3A_713 = arith.shrsi %add3A_704, %shift_right_arithmetic3A_712 : vector<16xi32>
    %shift_left3A_714 = arith.constant 10 : i32
    %shift_left3A_715 = vector.broadcast %shift_left3A_714 : i32 to vector<16xi32>
    %shift_left3A_716 = arith.shli %shift_right_arithmetic3A_713, %shift_left3A_715 : vector<16xi32>
    %add3A_717 = arith.addi %mul3A_710, %shift_left3A_716 : vector<16xi32>
    %and3A_718 = arith.constant 7 : i32
    %and3A_719 = vector.broadcast %and3A_718 : i32 to vector<16xi32>
    %and3A_720 = arith.andi %get3A_692, %and3A_719 : vector<16xi32>
    %shift_left3A_721 = arith.constant 7 : i32
    %shift_left3A_722 = vector.broadcast %shift_left3A_721 : i32 to vector<16xi32>
    %shift_left3A_723 = arith.shli %and3A_720, %shift_left3A_722 : vector<16xi32>
    %add3A_724 = arith.addi %add3A_717, %shift_left3A_723 : vector<16xi32>
    %and3A_725 = arith.constant 127 : i32
    %and3A_726 = vector.broadcast %and3A_725 : i32 to vector<16xi32>
    %and3A_727 = arith.andi %add3A_704, %and3A_726 : vector<16xi32>
    %add3A_728 = arith.addi %add3A_724, %and3A_727 : vector<16xi32>
    %swap3A_729 = arith.constant 288 : index
    %swap3A_730 = tpu.vector_load %arg6[%swap3A_729] {strides = array<i32>} : memref<1600xi32, #tpu.memory_space<vmem>>, vector<16xi32>,
    %swap3A_731 = vector.shape_cast %swap3A_730 : vector<16xi32> to vector<16xi32>
    %swap3A_732 = vector.shape_cast %add3A_728 : vector<16xi32> to vector<16xi32>
    tpu.vector_store %arg6[%swap3A_729], %swap3A_732 {strides = array<i32>} : memref<1600xi32, #tpu.memory_space<vmem>>, vector<16xi32>,
    %get3A_733 = arith.constant 304 : index
    %get3A_734 = tpu.vector_load %arg5[%get3A_733] {strides = array<i32>} : memref<1600xi32, #tpu.memory_space<vmem>>, vector<16xi32>,
    %get3A_735 = vector.shape_cast %get3A_734 : vector<16xi32> to vector<16xi32>
    %broadcast_in_dim3A_736 = arith.constant 6 : i32
    %broadcast_in_dim3A_737 = vector.broadcast %broadcast_in_dim3A_736 : i32 to vector<16xi32>
    %mul3A_738 = arith.constant 32 : i32
    %mul3A_739 = arith.muli %add3A, %mul3A_738 : i32
    %add3A_740 = vector.broadcast %mul3A_739 : i32 to vector<16xi32>
    %add3A_741 = arith.addi %broadcast_in_dim3A_737, %add3A_740 : vector<16xi32>
    %shift_right_arithmetic3A_742 = arith.constant 3 : i32
    %shift_right_arithmetic3A_743 = vector.broadcast %shift_right_arithmetic3A_742 : i32 to vector<16xi32>
    %shift_right_arithmetic3A_744 = arith.shrsi %get3A_735, %shift_right_arithmetic3A_743 : vector<16xi32>
    %mul3A_745 = arith.constant 8192 : i32
    %mul3A_746 = vector.broadcast %mul3A_745 : i32 to vector<16xi32>
    %mul3A_747 = arith.muli %shift_right_arithmetic3A_744, %mul3A_746 : vector<16xi32>
    %shift_right_arithmetic3A_748 = arith.constant 7 : i32
    %shift_right_arithmetic3A_749 = vector.broadcast %shift_right_arithmetic3A_748 : i32 to vector<16xi32>
    %shift_right_arithmetic3A_750 = arith.shrsi %add3A_741, %shift_right_arithmetic3A_749 : vector<16xi32>
    %shift_left3A_751 = arith.constant 10 : i32
    %shift_left3A_752 = vector.broadcast %shift_left3A_751 : i32 to vector<16xi32>
    %shift_left3A_753 = arith.shli %shift_right_arithmetic3A_750, %shift_left3A_752 : vector<16xi32>
    %add3A_754 = arith.addi %mul3A_747, %shift_left3A_753 : vector<16xi32>
    %and3A_755 = arith.constant 7 : i32
    %and3A_756 = vector.broadcast %and3A_755 : i32 to vector<16xi32>
    %and3A_757 = arith.andi %get3A_735, %and3A_756 : vector<16xi32>
    %shift_left3A_758 = arith.constant 7 : i32
    %shift_left3A_759 = vector.broadcast %shift_left3A_758 : i32 to vector<16xi32>
    %shift_left3A_760 = arith.shli %and3A_757, %shift_left3A_759 : vector<16xi32>
    %add3A_761 = arith.addi %add3A_754, %shift_left3A_760 : vector<16xi32>
    %and3A_762 = arith.constant 127 : i32
    %and3A_763 = vector.broadcast %and3A_762 : i32 to vector<16xi32>
    %and3A_764 = arith.andi %add3A_741, %and3A_763 : vector<16xi32>
    %add3A_765 = arith.addi %add3A_761, %and3A_764 : vector<16xi32>
    %swap3A_766 = arith.constant 304 : index
    %swap3A_767 = tpu.vector_load %arg6[%swap3A_766] {strides = array<i32>} : memref<1600xi32, #tpu.memory_space<vmem>>, vector<16xi32>,
    %swap3A_768 = vector.shape_cast %swap3A_767 : vector<16xi32> to vector<16xi32>
    %swap3A_769 = vector.shape_cast %add3A_765 : vector<16xi32> to vector<16xi32>
    tpu.vector_store %arg6[%swap3A_766], %swap3A_769 {strides = array<i32>} : memref<1600xi32, #tpu.memory_space<vmem>>, vector<16xi32>,
    %get3A_770 = arith.constant 320 : index
    %get3A_771 = tpu.vector_load %arg5[%get3A_770] {strides = array<i32>} : memref<1600xi32, #tpu.memory_space<vmem>>, vector<16xi32>,
    %get3A_772 = vector.shape_cast %get3A_771 : vector<16xi32> to vector<16xi32>
    %broadcast_in_dim3A_773 = arith.constant 6 : i32
    %broadcast_in_dim3A_774 = vector.broadcast %broadcast_in_dim3A_773 : i32 to vector<16xi32>
    %mul3A_775 = arith.constant 32 : i32
    %mul3A_776 = arith.muli %add3A, %mul3A_775 : i32
    %add3A_777 = vector.broadcast %mul3A_776 : i32 to vector<16xi32>
    %add3A_778 = arith.addi %broadcast_in_dim3A_774, %add3A_777 : vector<16xi32>
    %shift_right_arithmetic3A_779 = arith.constant 3 : i32
    %shift_right_arithmetic3A_780 = vector.broadcast %shift_right_arithmetic3A_779 : i32 to vector<16xi32>
    %shift_right_arithmetic3A_781 = arith.shrsi %get3A_772, %shift_right_arithmetic3A_780 : vector<16xi32>
    %mul3A_782 = arith.constant 8192 : i32
    %mul3A_783 = vector.broadcast %mul3A_782 : i32 to vector<16xi32>
    %mul3A_784 = arith.muli %shift_right_arithmetic3A_781, %mul3A_783 : vector<16xi32>
    %shift_right_arithmetic3A_785 = arith.constant 7 : i32
    %shift_right_arithmetic3A_786 = vector.broadcast %shift_right_arithmetic3A_785 : i32 to vector<16xi32>
    %shift_right_arithmetic3A_787 = arith.shrsi %add3A_778, %shift_right_arithmetic3A_786 : vector<16xi32>
    %shift_left3A_788 = arith.constant 10 : i32
    %shift_left3A_789 = vector.broadcast %shift_left3A_788 : i32 to vector<16xi32>
    %shift_left3A_790 = arith.shli %shift_right_arithmetic3A_787, %shift_left3A_789 : vector<16xi32>
    %add3A_791 = arith.addi %mul3A_784, %shift_left3A_790 : vector<16xi32>
    %and3A_792 = arith.constant 7 : i32
    %and3A_793 = vector.broadcast %and3A_792 : i32 to vector<16xi32>
    %and3A_794 = arith.andi %get3A_772, %and3A_793 : vector<16xi32>
    %shift_left3A_795 = arith.constant 7 : i32
    %shift_left3A_796 = vector.broadcast %shift_left3A_795 : i32 to vector<16xi32>
    %shift_left3A_797 = arith.shli %and3A_794, %shift_left3A_796 : vector<16xi32>
    %add3A_798 = arith.addi %add3A_791, %shift_left3A_797 : vector<16xi32>
    %and3A_799 = arith.constant 127 : i32
    %and3A_800 = vector.broadcast %and3A_799 : i32 to vector<16xi32>
    %and3A_801 = arith.andi %add3A_778, %and3A_800 : vector<16xi32>
    %add3A_802 = arith.addi %add3A_798, %and3A_801 : vector<16xi32>
    %swap3A_803 = arith.constant 320 : index
    %swap3A_804 = tpu.vector_load %arg6[%swap3A_803] {strides = array<i32>} : memref<1600xi32, #tpu.memory_space<vmem>>, vector<16xi32>,
    %swap3A_805 = vector.shape_cast %swap3A_804 : vector<16xi32> to vector<16xi32>
    %swap3A_806 = vector.shape_cast %add3A_802 : vector<16xi32> to vector<16xi32>
    tpu.vector_store %arg6[%swap3A_803], %swap3A_806 {strides = array<i32>} : memref<1600xi32, #tpu.memory_space<vmem>>, vector<16xi32>,
    %get3A_807 = arith.constant 336 : index
    %get3A_808 = tpu.vector_load %arg5[%get3A_807] {strides = array<i32>} : memref<1600xi32, #tpu.memory_space<vmem>>, vector<16xi32>,
    %get3A_809 = vector.shape_cast %get3A_808 : vector<16xi32> to vector<16xi32>
    %ge3A_810 = arith.constant 14 : i32
    %ge3A_811 = vector.broadcast %ge3A_810 : i32 to vector<16xi32>
    %ge3A_812 = arith.cmpi sge, %iota3A, %ge3A_811 : vector<16xi32>
    %jit3A_813 = arith.constant 7 : i32
    %jit3A_814 = arith.constant 6 : i32
    %broadcast_in_dim3A_815 = vector.broadcast %jit3A_813 : i32 to vector<16xi32>
    %broadcast_in_dim3A_816 = vector.broadcast %jit3A_814 : i32 to vector<16xi32>
    %select_n3A_817 = arith.select %ge3A_812, %broadcast_in_dim3A_815, %broadcast_in_dim3A_816 : vector<16xi1>, vector<16xi32>
    %mul3A_818 = arith.constant 32 : i32
    %mul3A_819 = arith.muli %add3A, %mul3A_818 : i32
    %add3A_820 = vector.broadcast %mul3A_819 : i32 to vector<16xi32>
    %add3A_821 = arith.addi %select_n3A_817, %add3A_820 : vector<16xi32>
    %shift_right_arithmetic3A_822 = arith.constant 3 : i32
    %shift_right_arithmetic3A_823 = vector.broadcast %shift_right_arithmetic3A_822 : i32 to vector<16xi32>
    %shift_right_arithmetic3A_824 = arith.shrsi %get3A_809, %shift_right_arithmetic3A_823 : vector<16xi32>
    %mul3A_825 = arith.constant 8192 : i32
    %mul3A_826 = vector.broadcast %mul3A_825 : i32 to vector<16xi32>
    %mul3A_827 = arith.muli %shift_right_arithmetic3A_824, %mul3A_826 : vector<16xi32>
    %shift_right_arithmetic3A_828 = arith.constant 7 : i32
    %shift_right_arithmetic3A_829 = vector.broadcast %shift_right_arithmetic3A_828 : i32 to vector<16xi32>
    %shift_right_arithmetic3A_830 = arith.shrsi %add3A_821, %shift_right_arithmetic3A_829 : vector<16xi32>
    %shift_left3A_831 = arith.constant 10 : i32
    %shift_left3A_832 = vector.broadcast %shift_left3A_831 : i32 to vector<16xi32>
    %shift_left3A_833 = arith.shli %shift_right_arithmetic3A_830, %shift_left3A_832 : vector<16xi32>
    %add3A_834 = arith.addi %mul3A_827, %shift_left3A_833 : vector<16xi32>
    %and3A_835 = arith.constant 7 : i32
    %and3A_836 = vector.broadcast %and3A_835 : i32 to vector<16xi32>
    %and3A_837 = arith.andi %get3A_809, %and3A_836 : vector<16xi32>
    %shift_left3A_838 = arith.constant 7 : i32
    %shift_left3A_839 = vector.broadcast %shift_left3A_838 : i32 to vector<16xi32>
    %shift_left3A_840 = arith.shli %and3A_837, %shift_left3A_839 : vector<16xi32>
    %add3A_841 = arith.addi %add3A_834, %shift_left3A_840 : vector<16xi32>
    %and3A_842 = arith.constant 127 : i32
    %and3A_843 = vector.broadcast %and3A_842 : i32 to vector<16xi32>
    %and3A_844 = arith.andi %add3A_821, %and3A_843 : vector<16xi32>
    %add3A_845 = arith.addi %add3A_841, %and3A_844 : vector<16xi32>
    %swap3A_846 = arith.constant 336 : index
    %swap3A_847 = tpu.vector_load %arg6[%swap3A_846] {strides = array<i32>} : memref<1600xi32, #tpu.memory_space<vmem>>, vector<16xi32>,
    %swap3A_848 = vector.shape_cast %swap3A_847 : vector<16xi32> to vector<16xi32>
    %swap3A_849 = vector.shape_cast %add3A_845 : vector<16xi32> to vector<16xi32>
    tpu.vector_store %arg6[%swap3A_846], %swap3A_849 {strides = array<i32>} : memref<1600xi32, #tpu.memory_space<vmem>>, vector<16xi32>,
    %get3A_850 = arith.constant 352 : index
    %get3A_851 = tpu.vector_load %arg5[%get3A_850] {strides = array<i32>} : memref<1600xi32, #tpu.memory_space<vmem>>, vector<16xi32>,
    %get3A_852 = vector.shape_cast %get3A_851 : vector<16xi32> to vector<16xi32>
    %broadcast_in_dim3A_853 = arith.constant 7 : i32
    %broadcast_in_dim3A_854 = vector.broadcast %broadcast_in_dim3A_853 : i32 to vector<16xi32>
    %mul3A_855 = arith.constant 32 : i32
    %mul3A_856 = arith.muli %add3A, %mul3A_855 : i32
    %add3A_857 = vector.broadcast %mul3A_856 : i32 to vector<16xi32>
    %add3A_858 = arith.addi %broadcast_in_dim3A_854, %add3A_857 : vector<16xi32>
    %shift_right_arithmetic3A_859 = arith.constant 3 : i32
    %shift_right_arithmetic3A_860 = vector.broadcast %shift_right_arithmetic3A_859 : i32 to vector<16xi32>
    %shift_right_arithmetic3A_861 = arith.shrsi %get3A_852, %shift_right_arithmetic3A_860 : vector<16xi32>
    %mul3A_862 = arith.constant 8192 : i32
    %mul3A_863 = vector.broadcast %mul3A_862 : i32 to vector<16xi32>
    %mul3A_864 = arith.muli %shift_right_arithmetic3A_861, %mul3A_863 : vector<16xi32>
    %shift_right_arithmetic3A_865 = arith.constant 7 : i32
    %shift_right_arithmetic3A_866 = vector.broadcast %shift_right_arithmetic3A_865 : i32 to vector<16xi32>
    %shift_right_arithmetic3A_867 = arith.shrsi %add3A_858, %shift_right_arithmetic3A_866 : vector<16xi32>
    %shift_left3A_868 = arith.constant 10 : i32
    %shift_left3A_869 = vector.broadcast %shift_left3A_868 : i32 to vector<16xi32>
    %shift_left3A_870 = arith.shli %shift_right_arithmetic3A_867, %shift_left3A_869 : vector<16xi32>
    %add3A_871 = arith.addi %mul3A_864, %shift_left3A_870 : vector<16xi32>
    %and3A_872 = arith.constant 7 : i32
    %and3A_873 = vector.broadcast %and3A_872 : i32 to vector<16xi32>
    %and3A_874 = arith.andi %get3A_852, %and3A_873 : vector<16xi32>
    %shift_left3A_875 = arith.constant 7 : i32
    %shift_left3A_876 = vector.broadcast %shift_left3A_875 : i32 to vector<16xi32>
    %shift_left3A_877 = arith.shli %and3A_874, %shift_left3A_876 : vector<16xi32>
    %add3A_878 = arith.addi %add3A_871, %shift_left3A_877 : vector<16xi32>
    %and3A_879 = arith.constant 127 : i32
    %and3A_880 = vector.broadcast %and3A_879 : i32 to vector<16xi32>
    %and3A_881 = arith.andi %add3A_858, %and3A_880 : vector<16xi32>
    %add3A_882 = arith.addi %add3A_878, %and3A_881 : vector<16xi32>
    %swap3A_883 = arith.constant 352 : index
    %swap3A_884 = tpu.vector_load %arg6[%swap3A_883] {strides = array<i32>} : memref<1600xi32, #tpu.memory_space<vmem>>, vector<16xi32>,
    %swap3A_885 = vector.shape_cast %swap3A_884 : vector<16xi32> to vector<16xi32>
    %swap3A_886 = vector.shape_cast %add3A_882 : vector<16xi32> to vector<16xi32>
    tpu.vector_store %arg6[%swap3A_883], %swap3A_886 {strides = array<i32>} : memref<1600xi32, #tpu.memory_space<vmem>>, vector<16xi32>,
    %get3A_887 = arith.constant 368 : index
    %get3A_888 = tpu.vector_load %arg5[%get3A_887] {strides = array<i32>} : memref<1600xi32, #tpu.memory_space<vmem>>, vector<16xi32>,
    %get3A_889 = vector.shape_cast %get3A_888 : vector<16xi32> to vector<16xi32>
    %broadcast_in_dim3A_890 = arith.constant 7 : i32
    %broadcast_in_dim3A_891 = vector.broadcast %broadcast_in_dim3A_890 : i32 to vector<16xi32>
    %mul3A_892 = arith.constant 32 : i32
    %mul3A_893 = arith.muli %add3A, %mul3A_892 : i32
    %add3A_894 = vector.broadcast %mul3A_893 : i32 to vector<16xi32>
    %add3A_895 = arith.addi %broadcast_in_dim3A_891, %add3A_894 : vector<16xi32>
    %shift_right_arithmetic3A_896 = arith.constant 3 : i32
    %shift_right_arithmetic3A_897 = vector.broadcast %shift_right_arithmetic3A_896 : i32 to vector<16xi32>
    %shift_right_arithmetic3A_898 = arith.shrsi %get3A_889, %shift_right_arithmetic3A_897 : vector<16xi32>
    %mul3A_899 = arith.constant 8192 : i32
    %mul3A_900 = vector.broadcast %mul3A_899 : i32 to vector<16xi32>
    %mul3A_901 = arith.muli %shift_right_arithmetic3A_898, %mul3A_900 : vector<16xi32>
    %shift_right_arithmetic3A_902 = arith.constant 7 : i32
    %shift_right_arithmetic3A_903 = vector.broadcast %shift_right_arithmetic3A_902 : i32 to vector<16xi32>
    %shift_right_arithmetic3A_904 = arith.shrsi %add3A_895, %shift_right_arithmetic3A_903 : vector<16xi32>
    %shift_left3A_905 = arith.constant 10 : i32
    %shift_left3A_906 = vector.broadcast %shift_left3A_905 : i32 to vector<16xi32>
    %shift_left3A_907 = arith.shli %shift_right_arithmetic3A_904, %shift_left3A_906 : vector<16xi32>
    %add3A_908 = arith.addi %mul3A_901, %shift_left3A_907 : vector<16xi32>
    %and3A_909 = arith.constant 7 : i32
    %and3A_910 = vector.broadcast %and3A_909 : i32 to vector<16xi32>
    %and3A_911 = arith.andi %get3A_889, %and3A_910 : vector<16xi32>
    %shift_left3A_912 = arith.constant 7 : i32
    %shift_left3A_913 = vector.broadcast %shift_left3A_912 : i32 to vector<16xi32>
    %shift_left3A_914 = arith.shli %and3A_911, %shift_left3A_913 : vector<16xi32>
    %add3A_915 = arith.addi %add3A_908, %shift_left3A_914 : vector<16xi32>
    %and3A_916 = arith.constant 127 : i32
    %and3A_917 = vector.broadcast %and3A_916 : i32 to vector<16xi32>
    %and3A_918 = arith.andi %add3A_895, %and3A_917 : vector<16xi32>
    %add3A_919 = arith.addi %add3A_915, %and3A_918 : vector<16xi32>
    %swap3A_920 = arith.constant 368 : index
    %swap3A_921 = tpu.vector_load %arg6[%swap3A_920] {strides = array<i32>} : memref<1600xi32, #tpu.memory_space<vmem>>, vector<16xi32>,
    %swap3A_922 = vector.shape_cast %swap3A_921 : vector<16xi32> to vector<16xi32>
    %swap3A_923 = vector.shape_cast %add3A_919 : vector<16xi32> to vector<16xi32>
    tpu.vector_store %arg6[%swap3A_920], %swap3A_923 {strides = array<i32>} : memref<1600xi32, #tpu.memory_space<vmem>>, vector<16xi32>,
    %get3A_924 = arith.constant 384 : index
    %get3A_925 = tpu.vector_load %arg5[%get3A_924] {strides = array<i32>} : memref<1600xi32, #tpu.memory_space<vmem>>, vector<16xi32>,
    %get3A_926 = vector.shape_cast %get3A_925 : vector<16xi32> to vector<16xi32>
    %broadcast_in_dim3A_927 = arith.constant 7 : i32
    %broadcast_in_dim3A_928 = vector.broadcast %broadcast_in_dim3A_927 : i32 to vector<16xi32>
    %mul3A_929 = arith.constant 32 : i32
    %mul3A_930 = arith.muli %add3A, %mul3A_929 : i32
    %add3A_931 = vector.broadcast %mul3A_930 : i32 to vector<16xi32>
    %add3A_932 = arith.addi %broadcast_in_dim3A_928, %add3A_931 : vector<16xi32>
    %shift_right_arithmetic3A_933 = arith.constant 3 : i32
    %shift_right_arithmetic3A_934 = vector.broadcast %shift_right_arithmetic3A_933 : i32 to vector<16xi32>
    %shift_right_arithmetic3A_935 = arith.shrsi %get3A_926, %shift_right_arithmetic3A_934 : vector<16xi32>
    %mul3A_936 = arith.constant 8192 : i32
    %mul3A_937 = vector.broadcast %mul3A_936 : i32 to vector<16xi32>
    %mul3A_938 = arith.muli %shift_right_arithmetic3A_935, %mul3A_937 : vector<16xi32>
    %shift_right_arithmetic3A_939 = arith.constant 7 : i32
    %shift_right_arithmetic3A_940 = vector.broadcast %shift_right_arithmetic3A_939 : i32 to vector<16xi32>
    %shift_right_arithmetic3A_941 = arith.shrsi %add3A_932, %shift_right_arithmetic3A_940 : vector<16xi32>
    %shift_left3A_942 = arith.constant 10 : i32
    %shift_left3A_943 = vector.broadcast %shift_left3A_942 : i32 to vector<16xi32>
    %shift_left3A_944 = arith.shli %shift_right_arithmetic3A_941, %shift_left3A_943 : vector<16xi32>
    %add3A_945 = arith.addi %mul3A_938, %shift_left3A_944 : vector<16xi32>
    %and3A_946 = arith.constant 7 : i32
    %and3A_947 = vector.broadcast %and3A_946 : i32 to vector<16xi32>
    %and3A_948 = arith.andi %get3A_926, %and3A_947 : vector<16xi32>
    %shift_left3A_949 = arith.constant 7 : i32
    %shift_left3A_950 = vector.broadcast %shift_left3A_949 : i32 to vector<16xi32>
    %shift_left3A_951 = arith.shli %and3A_948, %shift_left3A_950 : vector<16xi32>
    %add3A_952 = arith.addi %add3A_945, %shift_left3A_951 : vector<16xi32>
    %and3A_953 = arith.constant 127 : i32
    %and3A_954 = vector.broadcast %and3A_953 : i32 to vector<16xi32>
    %and3A_955 = arith.andi %add3A_932, %and3A_954 : vector<16xi32>
    %add3A_956 = arith.addi %add3A_952, %and3A_955 : vector<16xi32>
    %swap3A_957 = arith.constant 384 : index
    %swap3A_958 = tpu.vector_load %arg6[%swap3A_957] {strides = array<i32>} : memref<1600xi32, #tpu.memory_space<vmem>>, vector<16xi32>,
    %swap3A_959 = vector.shape_cast %swap3A_958 : vector<16xi32> to vector<16xi32>
    %swap3A_960 = vector.shape_cast %add3A_956 : vector<16xi32> to vector<16xi32>
    tpu.vector_store %arg6[%swap3A_957], %swap3A_960 {strides = array<i32>} : memref<1600xi32, #tpu.memory_space<vmem>>, vector<16xi32>,
    %dma_start3A = arith.constant 0 : i32
    %dma_start3A_961 = tpu.memref_slice %arg7[%dma_start3A] : memref<1600xf32, #tpu.memory_space<vmem>> -> memref<400xf32, #tpu.memory_space<vmem>>
    %dma_start3A_962 = arith.constant 0 : i32
    %dma_start3A_963 = tpu.memref_slice %arg6[%dma_start3A_962] : memref<1600xi32, #tpu.memory_space<vmem>> -> memref<400xi32, #tpu.memory_space<vmem>>
    %dma_start3A_964 = arith.constant 0 : i32
    %dma_start3A_965 = tpu.memref_slice %arg2[%dma_start3A_964] : memref<102400000xf32, #tpu.memory_space<hbm>> -> memref<102400000xf32, #tpu.memory_space<hbm>>
    tpu.enqueue_indirect_dma source(%dma_start3A_965 : memref<102400000xf32, #tpu.memory_space<hbm>>) target(%dma_start3A_961 : memref<400xf32, #tpu.memory_space<vmem>>) offsets(%dma_start3A_963 : memref<400xi32, #tpu.memory_space<vmem>>) semaphore(%arg9 : memref<!tpu.dma_semaphore, #tpu.memory_space<semaphore_mem>>)
    %get3A_966 = arith.constant 400 : index
    %get3A_967 = tpu.vector_load %arg5[%get3A_966] {strides = array<i32>} : memref<1600xi32, #tpu.memory_space<vmem>>, vector<16xi32>,
    %get3A_968 = vector.shape_cast %get3A_967 : vector<16xi32> to vector<16xi32>
    %broadcast_in_dim3A_969 = arith.constant 8 : i32
    %broadcast_in_dim3A_970 = vector.broadcast %broadcast_in_dim3A_969 : i32 to vector<16xi32>
    %mul3A_971 = arith.constant 32 : i32
    %mul3A_972 = arith.muli %add3A, %mul3A_971 : i32
    %add3A_973 = vector.broadcast %mul3A_972 : i32 to vector<16xi32>
    %add3A_974 = arith.addi %broadcast_in_dim3A_970, %add3A_973 : vector<16xi32>
    %shift_right_arithmetic3A_975 = arith.constant 3 : i32
    %shift_right_arithmetic3A_976 = vector.broadcast %shift_right_arithmetic3A_975 : i32 to vector<16xi32>
    %shift_right_arithmetic3A_977 = arith.shrsi %get3A_968, %shift_right_arithmetic3A_976 : vector<16xi32>
    %mul3A_978 = arith.constant 8192 : i32
    %mul3A_979 = vector.broadcast %mul3A_978 : i32 to vector<16xi32>
    %mul3A_980 = arith.muli %shift_right_arithmetic3A_977, %mul3A_979 : vector<16xi32>
    %shift_right_arithmetic3A_981 = arith.constant 7 : i32
    %shift_right_arithmetic3A_982 = vector.broadcast %shift_right_arithmetic3A_981 : i32 to vector<16xi32>
    %shift_right_arithmetic3A_983 = arith.shrsi %add3A_974, %shift_right_arithmetic3A_982 : vector<16xi32>
    %shift_left3A_984 = arith.constant 10 : i32
    %shift_left3A_985 = vector.broadcast %shift_left3A_984 : i32 to vector<16xi32>
    %shift_left3A_986 = arith.shli %shift_right_arithmetic3A_983, %shift_left3A_985 : vector<16xi32>
    %add3A_987 = arith.addi %mul3A_980, %shift_left3A_986 : vector<16xi32>
    %and3A_988 = arith.constant 7 : i32
    %and3A_989 = vector.broadcast %and3A_988 : i32 to vector<16xi32>
    %and3A_990 = arith.andi %get3A_968, %and3A_989 : vector<16xi32>
    %shift_left3A_991 = arith.constant 7 : i32
    %shift_left3A_992 = vector.broadcast %shift_left3A_991 : i32 to vector<16xi32>
    %shift_left3A_993 = arith.shli %and3A_990, %shift_left3A_992 : vector<16xi32>
    %add3A_994 = arith.addi %add3A_987, %shift_left3A_993 : vector<16xi32>
    %and3A_995 = arith.constant 127 : i32
    %and3A_996 = vector.broadcast %and3A_995 : i32 to vector<16xi32>
    %and3A_997 = arith.andi %add3A_974, %and3A_996 : vector<16xi32>
    %add3A_998 = arith.addi %add3A_994, %and3A_997 : vector<16xi32>
    %swap3A_999 = arith.constant 400 : index
    %swap3A_1000 = tpu.vector_load %arg6[%swap3A_999] {strides = array<i32>} : memref<1600xi32, #tpu.memory_space<vmem>>, vector<16xi32>,
    %swap3A_1001 = vector.shape_cast %swap3A_1000 : vector<16xi32> to vector<16xi32>
    %swap3A_1002 = vector.shape_cast %add3A_998 : vector<16xi32> to vector<16xi32>
    tpu.vector_store %arg6[%swap3A_999], %swap3A_1002 {strides = array<i32>} : memref<1600xi32, #tpu.memory_space<vmem>>, vector<16xi32>,
    %get3A_1003 = arith.constant 416 : index
    %get3A_1004 = tpu.vector_load %arg5[%get3A_1003] {strides = array<i32>} : memref<1600xi32, #tpu.memory_space<vmem>>, vector<16xi32>,
    %get3A_1005 = vector.shape_cast %get3A_1004 : vector<16xi32> to vector<16xi32>
    %broadcast_in_dim3A_1006 = arith.constant 8 : i32
    %broadcast_in_dim3A_1007 = vector.broadcast %broadcast_in_dim3A_1006 : i32 to vector<16xi32>
    %mul3A_1008 = arith.constant 32 : i32
    %mul3A_1009 = arith.muli %add3A, %mul3A_1008 : i32
    %add3A_1010 = vector.broadcast %mul3A_1009 : i32 to vector<16xi32>
    %add3A_1011 = arith.addi %broadcast_in_dim3A_1007, %add3A_1010 : vector<16xi32>
    %shift_right_arithmetic3A_1012 = arith.constant 3 : i32
    %shift_right_arithmetic3A_1013 = vector.broadcast %shift_right_arithmetic3A_1012 : i32 to vector<16xi32>
    %shift_right_arithmetic3A_1014 = arith.shrsi %get3A_1005, %shift_right_arithmetic3A_1013 : vector<16xi32>
    %mul3A_1015 = arith.constant 8192 : i32
    %mul3A_1016 = vector.broadcast %mul3A_1015 : i32 to vector<16xi32>
    %mul3A_1017 = arith.muli %shift_right_arithmetic3A_1014, %mul3A_1016 : vector<16xi32>
    %shift_right_arithmetic3A_1018 = arith.constant 7 : i32
    %shift_right_arithmetic3A_1019 = vector.broadcast %shift_right_arithmetic3A_1018 : i32 to vector<16xi32>
    %shift_right_arithmetic3A_1020 = arith.shrsi %add3A_1011, %shift_right_arithmetic3A_1019 : vector<16xi32>
    %shift_left3A_1021 = arith.constant 10 : i32
    %shift_left3A_1022 = vector.broadcast %shift_left3A_1021 : i32 to vector<16xi32>
    %shift_left3A_1023 = arith.shli %shift_right_arithmetic3A_1020, %shift_left3A_1022 : vector<16xi32>
    %add3A_1024 = arith.addi %mul3A_1017, %shift_left3A_1023 : vector<16xi32>
    %and3A_1025 = arith.constant 7 : i32
    %and3A_1026 = vector.broadcast %and3A_1025 : i32 to vector<16xi32>
    %and3A_1027 = arith.andi %get3A_1005, %and3A_1026 : vector<16xi32>
    %shift_left3A_1028 = arith.constant 7 : i32
    %shift_left3A_1029 = vector.broadcast %shift_left3A_1028 : i32 to vector<16xi32>
    %shift_left3A_1030 = arith.shli %and3A_1027, %shift_left3A_1029 : vector<16xi32>
    %add3A_1031 = arith.addi %add3A_1024, %shift_left3A_1030 : vector<16xi32>
    %and3A_1032 = arith.constant 127 : i32
    %and3A_1033 = vector.broadcast %and3A_1032 : i32 to vector<16xi32>
    %and3A_1034 = arith.andi %add3A_1011, %and3A_1033 : vector<16xi32>
    %add3A_1035 = arith.addi %add3A_1031, %and3A_1034 : vector<16xi32>
    %swap3A_1036 = arith.constant 416 : index
    %swap3A_1037 = tpu.vector_load %arg6[%swap3A_1036] {strides = array<i32>} : memref<1600xi32, #tpu.memory_space<vmem>>, vector<16xi32>,
    %swap3A_1038 = vector.shape_cast %swap3A_1037 : vector<16xi32> to vector<16xi32>
    %swap3A_1039 = vector.shape_cast %add3A_1035 : vector<16xi32> to vector<16xi32>
    tpu.vector_store %arg6[%swap3A_1036], %swap3A_1039 {strides = array<i32>} : memref<1600xi32, #tpu.memory_space<vmem>>, vector<16xi32>,
    %get3A_1040 = arith.constant 432 : index
    %get3A_1041 = tpu.vector_load %arg5[%get3A_1040] {strides = array<i32>} : memref<1600xi32, #tpu.memory_space<vmem>>, vector<16xi32>,
    %get3A_1042 = vector.shape_cast %get3A_1041 : vector<16xi32> to vector<16xi32>
    %broadcast_in_dim3A_1043 = arith.constant 8 : i32
    %broadcast_in_dim3A_1044 = vector.broadcast %broadcast_in_dim3A_1043 : i32 to vector<16xi32>
    %mul3A_1045 = arith.constant 32 : i32
    %mul3A_1046 = arith.muli %add3A, %mul3A_1045 : i32
    %add3A_1047 = vector.broadcast %mul3A_1046 : i32 to vector<16xi32>
    %add3A_1048 = arith.addi %broadcast_in_dim3A_1044, %add3A_1047 : vector<16xi32>
    %shift_right_arithmetic3A_1049 = arith.constant 3 : i32
    %shift_right_arithmetic3A_1050 = vector.broadcast %shift_right_arithmetic3A_1049 : i32 to vector<16xi32>
    %shift_right_arithmetic3A_1051 = arith.shrsi %get3A_1042, %shift_right_arithmetic3A_1050 : vector<16xi32>
    %mul3A_1052 = arith.constant 8192 : i32
    %mul3A_1053 = vector.broadcast %mul3A_1052 : i32 to vector<16xi32>
    %mul3A_1054 = arith.muli %shift_right_arithmetic3A_1051, %mul3A_1053 : vector<16xi32>
    %shift_right_arithmetic3A_1055 = arith.constant 7 : i32
    %shift_right_arithmetic3A_1056 = vector.broadcast %shift_right_arithmetic3A_1055 : i32 to vector<16xi32>
    %shift_right_arithmetic3A_1057 = arith.shrsi %add3A_1048, %shift_right_arithmetic3A_1056 : vector<16xi32>
    %shift_left3A_1058 = arith.constant 10 : i32
    %shift_left3A_1059 = vector.broadcast %shift_left3A_1058 : i32 to vector<16xi32>
    %shift_left3A_1060 = arith.shli %shift_right_arithmetic3A_1057, %shift_left3A_1059 : vector<16xi32>
    %add3A_1061 = arith.addi %mul3A_1054, %shift_left3A_1060 : vector<16xi32>
    %and3A_1062 = arith.constant 7 : i32
    %and3A_1063 = vector.broadcast %and3A_1062 : i32 to vector<16xi32>
    %and3A_1064 = arith.andi %get3A_1042, %and3A_1063 : vector<16xi32>
    %shift_left3A_1065 = arith.constant 7 : i32
    %shift_left3A_1066 = vector.broadcast %shift_left3A_1065 : i32 to vector<16xi32>
    %shift_left3A_1067 = arith.shli %and3A_1064, %shift_left3A_1066 : vector<16xi32>
    %add3A_1068 = arith.addi %add3A_1061, %shift_left3A_1067 : vector<16xi32>
    %and3A_1069 = arith.constant 127 : i32
    %and3A_1070 = vector.broadcast %and3A_1069 : i32 to vector<16xi32>
    %and3A_1071 = arith.andi %add3A_1048, %and3A_1070 : vector<16xi32>
    %add3A_1072 = arith.addi %add3A_1068, %and3A_1071 : vector<16xi32>
    %swap3A_1073 = arith.constant 432 : index
    %swap3A_1074 = tpu.vector_load %arg6[%swap3A_1073] {strides = array<i32>} : memref<1600xi32, #tpu.memory_space<vmem>>, vector<16xi32>,
    %swap3A_1075 = vector.shape_cast %swap3A_1074 : vector<16xi32> to vector<16xi32>
    %swap3A_1076 = vector.shape_cast %add3A_1072 : vector<16xi32> to vector<16xi32>
    tpu.vector_store %arg6[%swap3A_1073], %swap3A_1076 {strides = array<i32>} : memref<1600xi32, #tpu.memory_space<vmem>>, vector<16xi32>,
    %get3A_1077 = arith.constant 448 : index
    %get3A_1078 = tpu.vector_load %arg5[%get3A_1077] {strides = array<i32>} : memref<1600xi32, #tpu.memory_space<vmem>>, vector<16xi32>,
    %get3A_1079 = vector.shape_cast %get3A_1078 : vector<16xi32> to vector<16xi32>
    %ge3A_1080 = arith.constant 2 : i32
    %ge3A_1081 = vector.broadcast %ge3A_1080 : i32 to vector<16xi32>
    %ge3A_1082 = arith.cmpi sge, %iota3A, %ge3A_1081 : vector<16xi32>
    %jit3A_1083 = arith.constant 9 : i32
    %jit3A_1084 = arith.constant 8 : i32
    %broadcast_in_dim3A_1085 = vector.broadcast %jit3A_1083 : i32 to vector<16xi32>
    %broadcast_in_dim3A_1086 = vector.broadcast %jit3A_1084 : i32 to vector<16xi32>
    %select_n3A_1087 = arith.select %ge3A_1082, %broadcast_in_dim3A_1085, %broadcast_in_dim3A_1086 : vector<16xi1>, vector<16xi32>
    %mul3A_1088 = arith.constant 32 : i32
    %mul3A_1089 = arith.muli %add3A, %mul3A_1088 : i32
    %add3A_1090 = vector.broadcast %mul3A_1089 : i32 to vector<16xi32>
    %add3A_1091 = arith.addi %select_n3A_1087, %add3A_1090 : vector<16xi32>
    %shift_right_arithmetic3A_1092 = arith.constant 3 : i32
    %shift_right_arithmetic3A_1093 = vector.broadcast %shift_right_arithmetic3A_1092 : i32 to vector<16xi32>
    %shift_right_arithmetic3A_1094 = arith.shrsi %get3A_1079, %shift_right_arithmetic3A_1093 : vector<16xi32>
    %mul3A_1095 = arith.constant 8192 : i32
    %mul3A_1096 = vector.broadcast %mul3A_1095 : i32 to vector<16xi32>
    %mul3A_1097 = arith.muli %shift_right_arithmetic3A_1094, %mul3A_1096 : vector<16xi32>
    %shift_right_arithmetic3A_1098 = arith.constant 7 : i32
    %shift_right_arithmetic3A_1099 = vector.broadcast %shift_right_arithmetic3A_1098 : i32 to vector<16xi32>
    %shift_right_arithmetic3A_1100 = arith.shrsi %add3A_1091, %shift_right_arithmetic3A_1099 : vector<16xi32>
    %shift_left3A_1101 = arith.constant 10 : i32
    %shift_left3A_1102 = vector.broadcast %shift_left3A_1101 : i32 to vector<16xi32>
    %shift_left3A_1103 = arith.shli %shift_right_arithmetic3A_1100, %shift_left3A_1102 : vector<16xi32>
    %add3A_1104 = arith.addi %mul3A_1097, %shift_left3A_1103 : vector<16xi32>
    %and3A_1105 = arith.constant 7 : i32
    %and3A_1106 = vector.broadcast %and3A_1105 : i32 to vector<16xi32>
    %and3A_1107 = arith.andi %get3A_1079, %and3A_1106 : vector<16xi32>
    %shift_left3A_1108 = arith.constant 7 : i32
    %shift_left3A_1109 = vector.broadcast %shift_left3A_1108 : i32 to vector<16xi32>
    %shift_left3A_1110 = arith.shli %and3A_1107, %shift_left3A_1109 : vector<16xi32>
    %add3A_1111 = arith.addi %add3A_1104, %shift_left3A_1110 : vector<16xi32>
    %and3A_1112 = arith.constant 127 : i32
    %and3A_1113 = vector.broadcast %and3A_1112 : i32 to vector<16xi32>
    %and3A_1114 = arith.andi %add3A_1091, %and3A_1113 : vector<16xi32>
    %add3A_1115 = arith.addi %add3A_1111, %and3A_1114 : vector<16xi32>
    %swap3A_1116 = arith.constant 448 : index
    %swap3A_1117 = tpu.vector_load %arg6[%swap3A_1116] {strides = array<i32>} : memref<1600xi32, #tpu.memory_space<vmem>>, vector<16xi32>,
    %swap3A_1118 = vector.shape_cast %swap3A_1117 : vector<16xi32> to vector<16xi32>
    %swap3A_1119 = vector.shape_cast %add3A_1115 : vector<16xi32> to vector<16xi32>
    tpu.vector_store %arg6[%swap3A_1116], %swap3A_1119 {strides = array<i32>} : memref<1600xi32, #tpu.memory_space<vmem>>, vector<16xi32>,
    %get3A_1120 = arith.constant 464 : index
    %get3A_1121 = tpu.vector_load %arg5[%get3A_1120] {strides = array<i32>} : memref<1600xi32, #tpu.memory_space<vmem>>, vector<16xi32>,
    %get3A_1122 = vector.shape_cast %get3A_1121 : vector<16xi32> to vector<16xi32>
    %broadcast_in_dim3A_1123 = arith.constant 9 : i32
    %broadcast_in_dim3A_1124 = vector.broadcast %broadcast_in_dim3A_1123 : i32 to vector<16xi32>
    %mul3A_1125 = arith.constant 32 : i32
    %mul3A_1126 = arith.muli %add3A, %mul3A_1125 : i32
    %add3A_1127 = vector.broadcast %mul3A_1126 : i32 to vector<16xi32>
    %add3A_1128 = arith.addi %broadcast_in_dim3A_1124, %add3A_1127 : vector<16xi32>
    %shift_right_arithmetic3A_1129 = arith.constant 3 : i32
    %shift_right_arithmetic3A_1130 = vector.broadcast %shift_right_arithmetic3A_1129 : i32 to vector<16xi32>
    %shift_right_arithmetic3A_1131 = arith.shrsi %get3A_1122, %shift_right_arithmetic3A_1130 : vector<16xi32>
    %mul3A_1132 = arith.constant 8192 : i32
    %mul3A_1133 = vector.broadcast %mul3A_1132 : i32 to vector<16xi32>
    %mul3A_1134 = arith.muli %shift_right_arithmetic3A_1131, %mul3A_1133 : vector<16xi32>
    %shift_right_arithmetic3A_1135 = arith.constant 7 : i32
    %shift_right_arithmetic3A_1136 = vector.broadcast %shift_right_arithmetic3A_1135 : i32 to vector<16xi32>
    %shift_right_arithmetic3A_1137 = arith.shrsi %add3A_1128, %shift_right_arithmetic3A_1136 : vector<16xi32>
    %shift_left3A_1138 = arith.constant 10 : i32
    %shift_left3A_1139 = vector.broadcast %shift_left3A_1138 : i32 to vector<16xi32>
    %shift_left3A_1140 = arith.shli %shift_right_arithmetic3A_1137, %shift_left3A_1139 : vector<16xi32>
    %add3A_1141 = arith.addi %mul3A_1134, %shift_left3A_1140 : vector<16xi32>
    %and3A_1142 = arith.constant 7 : i32
    %and3A_1143 = vector.broadcast %and3A_1142 : i32 to vector<16xi32>
    %and3A_1144 = arith.andi %get3A_1122, %and3A_1143 : vector<16xi32>
    %shift_left3A_1145 = arith.constant 7 : i32
    %shift_left3A_1146 = vector.broadcast %shift_left3A_1145 : i32 to vector<16xi32>
    %shift_left3A_1147 = arith.shli %and3A_1144, %shift_left3A_1146 : vector<16xi32>
    %add3A_1148 = arith.addi %add3A_1141, %shift_left3A_1147 : vector<16xi32>
    %and3A_1149 = arith.constant 127 : i32
    %and3A_1150 = vector.broadcast %and3A_1149 : i32 to vector<16xi32>
    %and3A_1151 = arith.andi %add3A_1128, %and3A_1150 : vector<16xi32>
    %add3A_1152 = arith.addi %add3A_1148, %and3A_1151 : vector<16xi32>
    %swap3A_1153 = arith.constant 464 : index
    %swap3A_1154 = tpu.vector_load %arg6[%swap3A_1153] {strides = array<i32>} : memref<1600xi32, #tpu.memory_space<vmem>>, vector<16xi32>,
    %swap3A_1155 = vector.shape_cast %swap3A_1154 : vector<16xi32> to vector<16xi32>
    %swap3A_1156 = vector.shape_cast %add3A_1152 : vector<16xi32> to vector<16xi32>
    tpu.vector_store %arg6[%swap3A_1153], %swap3A_1156 {strides = array<i32>} : memref<1600xi32, #tpu.memory_space<vmem>>, vector<16xi32>,
    %get3A_1157 = arith.constant 480 : index
    %get3A_1158 = tpu.vector_load %arg5[%get3A_1157] {strides = array<i32>} : memref<1600xi32, #tpu.memory_space<vmem>>, vector<16xi32>,
    %get3A_1159 = vector.shape_cast %get3A_1158 : vector<16xi32> to vector<16xi32>
    %broadcast_in_dim3A_1160 = arith.constant 9 : i32
    %broadcast_in_dim3A_1161 = vector.broadcast %broadcast_in_dim3A_1160 : i32 to vector<16xi32>
    %mul3A_1162 = arith.constant 32 : i32
    %mul3A_1163 = arith.muli %add3A, %mul3A_1162 : i32
    %add3A_1164 = vector.broadcast %mul3A_1163 : i32 to vector<16xi32>
    %add3A_1165 = arith.addi %broadcast_in_dim3A_1161, %add3A_1164 : vector<16xi32>
    %shift_right_arithmetic3A_1166 = arith.constant 3 : i32
    %shift_right_arithmetic3A_1167 = vector.broadcast %shift_right_arithmetic3A_1166 : i32 to vector<16xi32>
    %shift_right_arithmetic3A_1168 = arith.shrsi %get3A_1159, %shift_right_arithmetic3A_1167 : vector<16xi32>
    %mul3A_1169 = arith.constant 8192 : i32
    %mul3A_1170 = vector.broadcast %mul3A_1169 : i32 to vector<16xi32>
    %mul3A_1171 = arith.muli %shift_right_arithmetic3A_1168, %mul3A_1170 : vector<16xi32>
    %shift_right_arithmetic3A_1172 = arith.constant 7 : i32
    %shift_right_arithmetic3A_1173 = vector.broadcast %shift_right_arithmetic3A_1172 : i32 to vector<16xi32>
    %shift_right_arithmetic3A_1174 = arith.shrsi %add3A_1165, %shift_right_arithmetic3A_1173 : vector<16xi32>
    %shift_left3A_1175 = arith.constant 10 : i32
    %shift_left3A_1176 = vector.broadcast %shift_left3A_1175 : i32 to vector<16xi32>
    %shift_left3A_1177 = arith.shli %shift_right_arithmetic3A_1174, %shift_left3A_1176 : vector<16xi32>
    %add3A_1178 = arith.addi %mul3A_1171, %shift_left3A_1177 : vector<16xi32>
    %and3A_1179 = arith.constant 7 : i32
    %and3A_1180 = vector.broadcast %and3A_1179 : i32 to vector<16xi32>
    %and3A_1181 = arith.andi %get3A_1159, %and3A_1180 : vector<16xi32>
    %shift_left3A_1182 = arith.constant 7 : i32
    %shift_left3A_1183 = vector.broadcast %shift_left3A_1182 : i32 to vector<16xi32>
    %shift_left3A_1184 = arith.shli %and3A_1181, %shift_left3A_1183 : vector<16xi32>
    %add3A_1185 = arith.addi %add3A_1178, %shift_left3A_1184 : vector<16xi32>
    %and3A_1186 = arith.constant 127 : i32
    %and3A_1187 = vector.broadcast %and3A_1186 : i32 to vector<16xi32>
    %and3A_1188 = arith.andi %add3A_1165, %and3A_1187 : vector<16xi32>
    %add3A_1189 = arith.addi %add3A_1185, %and3A_1188 : vector<16xi32>
    %swap3A_1190 = arith.constant 480 : index
    %swap3A_1191 = tpu.vector_load %arg6[%swap3A_1190] {strides = array<i32>} : memref<1600xi32, #tpu.memory_space<vmem>>, vector<16xi32>,
    %swap3A_1192 = vector.shape_cast %swap3A_1191 : vector<16xi32> to vector<16xi32>
    %swap3A_1193 = vector.shape_cast %add3A_1189 : vector<16xi32> to vector<16xi32>
    tpu.vector_store %arg6[%swap3A_1190], %swap3A_1193 {strides = array<i32>} : memref<1600xi32, #tpu.memory_space<vmem>>, vector<16xi32>,
    %get3A_1194 = arith.constant 496 : index
    %get3A_1195 = tpu.vector_load %arg5[%get3A_1194] {strides = array<i32>} : memref<1600xi32, #tpu.memory_space<vmem>>, vector<16xi32>,
    %get3A_1196 = vector.shape_cast %get3A_1195 : vector<16xi32> to vector<16xi32>
    %ge3A_1197 = arith.constant 4 : i32
    %ge3A_1198 = vector.broadcast %ge3A_1197 : i32 to vector<16xi32>
    %ge3A_1199 = arith.cmpi sge, %iota3A, %ge3A_1198 : vector<16xi32>
    %jit3A_1200 = arith.constant 10 : i32
    %jit3A_1201 = arith.constant 9 : i32
    %broadcast_in_dim3A_1202 = vector.broadcast %jit3A_1200 : i32 to vector<16xi32>
    %broadcast_in_dim3A_1203 = vector.broadcast %jit3A_1201 : i32 to vector<16xi32>
    %select_n3A_1204 = arith.select %ge3A_1199, %broadcast_in_dim3A_1202, %broadcast_in_dim3A_1203 : vector<16xi1>, vector<16xi32>
    %mul3A_1205 = arith.constant 32 : i32
    %mul3A_1206 = arith.muli %add3A, %mul3A_1205 : i32
    %add3A_1207 = vector.broadcast %mul3A_1206 : i32 to vector<16xi32>
    %add3A_1208 = arith.addi %select_n3A_1204, %add3A_1207 : vector<16xi32>
    %shift_right_arithmetic3A_1209 = arith.constant 3 : i32
    %shift_right_arithmetic3A_1210 = vector.broadcast %shift_right_arithmetic3A_1209 : i32 to vector<16xi32>
    %shift_right_arithmetic3A_1211 = arith.shrsi %get3A_1196, %shift_right_arithmetic3A_1210 : vector<16xi32>
    %mul3A_1212 = arith.constant 8192 : i32
    %mul3A_1213 = vector.broadcast %mul3A_1212 : i32 to vector<16xi32>
    %mul3A_1214 = arith.muli %shift_right_arithmetic3A_1211, %mul3A_1213 : vector<16xi32>
    %shift_right_arithmetic3A_1215 = arith.constant 7 : i32
    %shift_right_arithmetic3A_1216 = vector.broadcast %shift_right_arithmetic3A_1215 : i32 to vector<16xi32>
    %shift_right_arithmetic3A_1217 = arith.shrsi %add3A_1208, %shift_right_arithmetic3A_1216 : vector<16xi32>
    %shift_left3A_1218 = arith.constant 10 : i32
    %shift_left3A_1219 = vector.broadcast %shift_left3A_1218 : i32 to vector<16xi32>
    %shift_left3A_1220 = arith.shli %shift_right_arithmetic3A_1217, %shift_left3A_1219 : vector<16xi32>
    %add3A_1221 = arith.addi %mul3A_1214, %shift_left3A_1220 : vector<16xi32>
    %and3A_1222 = arith.constant 7 : i32
    %and3A_1223 = vector.broadcast %and3A_1222 : i32 to vector<16xi32>
    %and3A_1224 = arith.andi %get3A_1196, %and3A_1223 : vector<16xi32>
    %shift_left3A_1225 = arith.constant 7 : i32
    %shift_left3A_1226 = vector.broadcast %shift_left3A_1225 : i32 to vector<16xi32>
    %shift_left3A_1227 = arith.shli %and3A_1224, %shift_left3A_1226 : vector<16xi32>
    %add3A_1228 = arith.addi %add3A_1221, %shift_left3A_1227 : vector<16xi32>
    %and3A_1229 = arith.constant 127 : i32
    %and3A_1230 = vector.broadcast %and3A_1229 : i32 to vector<16xi32>
    %and3A_1231 = arith.andi %add3A_1208, %and3A_1230 : vector<16xi32>
    %add3A_1232 = arith.addi %add3A_1228, %and3A_1231 : vector<16xi32>
    %swap3A_1233 = arith.constant 496 : index
    %swap3A_1234 = tpu.vector_load %arg6[%swap3A_1233] {strides = array<i32>} : memref<1600xi32, #tpu.memory_space<vmem>>, vector<16xi32>,
    %swap3A_1235 = vector.shape_cast %swap3A_1234 : vector<16xi32> to vector<16xi32>
    %swap3A_1236 = vector.shape_cast %add3A_1232 : vector<16xi32> to vector<16xi32>
    tpu.vector_store %arg6[%swap3A_1233], %swap3A_1236 {strides = array<i32>} : memref<1600xi32, #tpu.memory_space<vmem>>, vector<16xi32>,
    %get3A_1237 = arith.constant 512 : index
    %get3A_1238 = tpu.vector_load %arg5[%get3A_1237] {strides = array<i32>} : memref<1600xi32, #tpu.memory_space<vmem>>, vector<16xi32>,
    %get3A_1239 = vector.shape_cast %get3A_1238 : vector<16xi32> to vector<16xi32>
    %broadcast_in_dim3A_1240 = arith.constant 10 : i32
    %broadcast_in_dim3A_1241 = vector.broadcast %broadcast_in_dim3A_1240 : i32 to vector<16xi32>
    %mul3A_1242 = arith.constant 32 : i32
    %mul3A_1243 = arith.muli %add3A, %mul3A_1242 : i32
    %add3A_1244 = vector.broadcast %mul3A_1243 : i32 to vector<16xi32>
    %add3A_1245 = arith.addi %broadcast_in_dim3A_1241, %add3A_1244 : vector<16xi32>
    %shift_right_arithmetic3A_1246 = arith.constant 3 : i32
    %shift_right_arithmetic3A_1247 = vector.broadcast %shift_right_arithmetic3A_1246 : i32 to vector<16xi32>
    %shift_right_arithmetic3A_1248 = arith.shrsi %get3A_1239, %shift_right_arithmetic3A_1247 : vector<16xi32>
    %mul3A_1249 = arith.constant 8192 : i32
    %mul3A_1250 = vector.broadcast %mul3A_1249 : i32 to vector<16xi32>
    %mul3A_1251 = arith.muli %shift_right_arithmetic3A_1248, %mul3A_1250 : vector<16xi32>
    %shift_right_arithmetic3A_1252 = arith.constant 7 : i32
    %shift_right_arithmetic3A_1253 = vector.broadcast %shift_right_arithmetic3A_1252 : i32 to vector<16xi32>
    %shift_right_arithmetic3A_1254 = arith.shrsi %add3A_1245, %shift_right_arithmetic3A_1253 : vector<16xi32>
    %shift_left3A_1255 = arith.constant 10 : i32
    %shift_left3A_1256 = vector.broadcast %shift_left3A_1255 : i32 to vector<16xi32>
    %shift_left3A_1257 = arith.shli %shift_right_arithmetic3A_1254, %shift_left3A_1256 : vector<16xi32>
    %add3A_1258 = arith.addi %mul3A_1251, %shift_left3A_1257 : vector<16xi32>
    %and3A_1259 = arith.constant 7 : i32
    %and3A_1260 = vector.broadcast %and3A_1259 : i32 to vector<16xi32>
    %and3A_1261 = arith.andi %get3A_1239, %and3A_1260 : vector<16xi32>
    %shift_left3A_1262 = arith.constant 7 : i32
    %shift_left3A_1263 = vector.broadcast %shift_left3A_1262 : i32 to vector<16xi32>
    %shift_left3A_1264 = arith.shli %and3A_1261, %shift_left3A_1263 : vector<16xi32>
    %add3A_1265 = arith.addi %add3A_1258, %shift_left3A_1264 : vector<16xi32>
    %and3A_1266 = arith.constant 127 : i32
    %and3A_1267 = vector.broadcast %and3A_1266 : i32 to vector<16xi32>
    %and3A_1268 = arith.andi %add3A_1245, %and3A_1267 : vector<16xi32>
    %add3A_1269 = arith.addi %add3A_1265, %and3A_1268 : vector<16xi32>
    %swap3A_1270 = arith.constant 512 : index
    %swap3A_1271 = tpu.vector_load %arg6[%swap3A_1270] {strides = array<i32>} : memref<1600xi32, #tpu.memory_space<vmem>>, vector<16xi32>,
    %swap3A_1272 = vector.shape_cast %swap3A_1271 : vector<16xi32> to vector<16xi32>
    %swap3A_1273 = vector.shape_cast %add3A_1269 : vector<16xi32> to vector<16xi32>
    tpu.vector_store %arg6[%swap3A_1270], %swap3A_1273 {strides = array<i32>} : memref<1600xi32, #tpu.memory_space<vmem>>, vector<16xi32>,
    %get3A_1274 = arith.constant 528 : index
    %get3A_1275 = tpu.vector_load %arg5[%get3A_1274] {strides = array<i32>} : memref<1600xi32, #tpu.memory_space<vmem>>, vector<16xi32>,
    %get3A_1276 = vector.shape_cast %get3A_1275 : vector<16xi32> to vector<16xi32>
    %broadcast_in_dim3A_1277 = arith.constant 10 : i32
    %broadcast_in_dim3A_1278 = vector.broadcast %broadcast_in_dim3A_1277 : i32 to vector<16xi32>
    %mul3A_1279 = arith.constant 32 : i32
    %mul3A_1280 = arith.muli %add3A, %mul3A_1279 : i32
    %add3A_1281 = vector.broadcast %mul3A_1280 : i32 to vector<16xi32>
    %add3A_1282 = arith.addi %broadcast_in_dim3A_1278, %add3A_1281 : vector<16xi32>
    %shift_right_arithmetic3A_1283 = arith.constant 3 : i32
    %shift_right_arithmetic3A_1284 = vector.broadcast %shift_right_arithmetic3A_1283 : i32 to vector<16xi32>
    %shift_right_arithmetic3A_1285 = arith.shrsi %get3A_1276, %shift_right_arithmetic3A_1284 : vector<16xi32>
    %mul3A_1286 = arith.constant 8192 : i32
    %mul3A_1287 = vector.broadcast %mul3A_1286 : i32 to vector<16xi32>
    %mul3A_1288 = arith.muli %shift_right_arithmetic3A_1285, %mul3A_1287 : vector<16xi32>
    %shift_right_arithmetic3A_1289 = arith.constant 7 : i32
    %shift_right_arithmetic3A_1290 = vector.broadcast %shift_right_arithmetic3A_1289 : i32 to vector<16xi32>
    %shift_right_arithmetic3A_1291 = arith.shrsi %add3A_1282, %shift_right_arithmetic3A_1290 : vector<16xi32>
    %shift_left3A_1292 = arith.constant 10 : i32
    %shift_left3A_1293 = vector.broadcast %shift_left3A_1292 : i32 to vector<16xi32>
    %shift_left3A_1294 = arith.shli %shift_right_arithmetic3A_1291, %shift_left3A_1293 : vector<16xi32>
    %add3A_1295 = arith.addi %mul3A_1288, %shift_left3A_1294 : vector<16xi32>
    %and3A_1296 = arith.constant 7 : i32
    %and3A_1297 = vector.broadcast %and3A_1296 : i32 to vector<16xi32>
    %and3A_1298 = arith.andi %get3A_1276, %and3A_1297 : vector<16xi32>
    %shift_left3A_1299 = arith.constant 7 : i32
    %shift_left3A_1300 = vector.broadcast %shift_left3A_1299 : i32 to vector<16xi32>
    %shift_left3A_1301 = arith.shli %and3A_1298, %shift_left3A_1300 : vector<16xi32>
    %add3A_1302 = arith.addi %add3A_1295, %shift_left3A_1301 : vector<16xi32>
    %and3A_1303 = arith.constant 127 : i32
    %and3A_1304 = vector.broadcast %and3A_1303 : i32 to vector<16xi32>
    %and3A_1305 = arith.andi %add3A_1282, %and3A_1304 : vector<16xi32>
    %add3A_1306 = arith.addi %add3A_1302, %and3A_1305 : vector<16xi32>
    %swap3A_1307 = arith.constant 528 : index
    %swap3A_1308 = tpu.vector_load %arg6[%swap3A_1307] {strides = array<i32>} : memref<1600xi32, #tpu.memory_space<vmem>>, vector<16xi32>,
    %swap3A_1309 = vector.shape_cast %swap3A_1308 : vector<16xi32> to vector<16xi32>
    %swap3A_1310 = vector.shape_cast %add3A_1306 : vector<16xi32> to vector<16xi32>
    tpu.vector_store %arg6[%swap3A_1307], %swap3A_1310 {strides = array<i32>} : memref<1600xi32, #tpu.memory_space<vmem>>, vector<16xi32>,
    %get3A_1311 = arith.constant 544 : index
    %get3A_1312 = tpu.vector_load %arg5[%get3A_1311] {strides = array<i32>} : memref<1600xi32, #tpu.memory_space<vmem>>, vector<16xi32>,
    %get3A_1313 = vector.shape_cast %get3A_1312 : vector<16xi32> to vector<16xi32>
    %ge3A_1314 = arith.constant 6 : i32
    %ge3A_1315 = vector.broadcast %ge3A_1314 : i32 to vector<16xi32>
    %ge3A_1316 = arith.cmpi sge, %iota3A, %ge3A_1315 : vector<16xi32>
    %jit3A_1317 = arith.constant 11 : i32
    %jit3A_1318 = arith.constant 10 : i32
    %broadcast_in_dim3A_1319 = vector.broadcast %jit3A_1317 : i32 to vector<16xi32>
    %broadcast_in_dim3A_1320 = vector.broadcast %jit3A_1318 : i32 to vector<16xi32>
    %select_n3A_1321 = arith.select %ge3A_1316, %broadcast_in_dim3A_1319, %broadcast_in_dim3A_1320 : vector<16xi1>, vector<16xi32>
    %mul3A_1322 = arith.constant 32 : i32
    %mul3A_1323 = arith.muli %add3A, %mul3A_1322 : i32
    %add3A_1324 = vector.broadcast %mul3A_1323 : i32 to vector<16xi32>
    %add3A_1325 = arith.addi %select_n3A_1321, %add3A_1324 : vector<16xi32>
    %shift_right_arithmetic3A_1326 = arith.constant 3 : i32
    %shift_right_arithmetic3A_1327 = vector.broadcast %shift_right_arithmetic3A_1326 : i32 to vector<16xi32>
    %shift_right_arithmetic3A_1328 = arith.shrsi %get3A_1313, %shift_right_arithmetic3A_1327 : vector<16xi32>
    %mul3A_1329 = arith.constant 8192 : i32
    %mul3A_1330 = vector.broadcast %mul3A_1329 : i32 to vector<16xi32>
    %mul3A_1331 = arith.muli %shift_right_arithmetic3A_1328, %mul3A_1330 : vector<16xi32>
    %shift_right_arithmetic3A_1332 = arith.constant 7 : i32
    %shift_right_arithmetic3A_1333 = vector.broadcast %shift_right_arithmetic3A_1332 : i32 to vector<16xi32>
    %shift_right_arithmetic3A_1334 = arith.shrsi %add3A_1325, %shift_right_arithmetic3A_1333 : vector<16xi32>
    %shift_left3A_1335 = arith.constant 10 : i32
    %shift_left3A_1336 = vector.broadcast %shift_left3A_1335 : i32 to vector<16xi32>
    %shift_left3A_1337 = arith.shli %shift_right_arithmetic3A_1334, %shift_left3A_1336 : vector<16xi32>
    %add3A_1338 = arith.addi %mul3A_1331, %shift_left3A_1337 : vector<16xi32>
    %and3A_1339 = arith.constant 7 : i32
    %and3A_1340 = vector.broadcast %and3A_1339 : i32 to vector<16xi32>
    %and3A_1341 = arith.andi %get3A_1313, %and3A_1340 : vector<16xi32>
    %shift_left3A_1342 = arith.constant 7 : i32
    %shift_left3A_1343 = vector.broadcast %shift_left3A_1342 : i32 to vector<16xi32>
    %shift_left3A_1344 = arith.shli %and3A_1341, %shift_left3A_1343 : vector<16xi32>
    %add3A_1345 = arith.addi %add3A_1338, %shift_left3A_1344 : vector<16xi32>
    %and3A_1346 = arith.constant 127 : i32
    %and3A_1347 = vector.broadcast %and3A_1346 : i32 to vector<16xi32>
    %and3A_1348 = arith.andi %add3A_1325, %and3A_1347 : vector<16xi32>
    %add3A_1349 = arith.addi %add3A_1345, %and3A_1348 : vector<16xi32>
    %swap3A_1350 = arith.constant 544 : index
    %swap3A_1351 = tpu.vector_load %arg6[%swap3A_1350] {strides = array<i32>} : memref<1600xi32, #tpu.memory_space<vmem>>, vector<16xi32>,
    %swap3A_1352 = vector.shape_cast %swap3A_1351 : vector<16xi32> to vector<16xi32>
    %swap3A_1353 = vector.shape_cast %add3A_1349 : vector<16xi32> to vector<16xi32>
    tpu.vector_store %arg6[%swap3A_1350], %swap3A_1353 {strides = array<i32>} : memref<1600xi32, #tpu.memory_space<vmem>>, vector<16xi32>,
    %get3A_1354 = arith.constant 560 : index
    %get3A_1355 = tpu.vector_load %arg5[%get3A_1354] {strides = array<i32>} : memref<1600xi32, #tpu.memory_space<vmem>>, vector<16xi32>,
    %get3A_1356 = vector.shape_cast %get3A_1355 : vector<16xi32> to vector<16xi32>
    %broadcast_in_dim3A_1357 = arith.constant 11 : i32
    %broadcast_in_dim3A_1358 = vector.broadcast %broadcast_in_dim3A_1357 : i32 to vector<16xi32>
    %mul3A_1359 = arith.constant 32 : i32
    %mul3A_1360 = arith.muli %add3A, %mul3A_1359 : i32
    %add3A_1361 = vector.broadcast %mul3A_1360 : i32 to vector<16xi32>
    %add3A_1362 = arith.addi %broadcast_in_dim3A_1358, %add3A_1361 : vector<16xi32>
    %shift_right_arithmetic3A_1363 = arith.constant 3 : i32
    %shift_right_arithmetic3A_1364 = vector.broadcast %shift_right_arithmetic3A_1363 : i32 to vector<16xi32>
    %shift_right_arithmetic3A_1365 = arith.shrsi %get3A_1356, %shift_right_arithmetic3A_1364 : vector<16xi32>
    %mul3A_1366 = arith.constant 8192 : i32
    %mul3A_1367 = vector.broadcast %mul3A_1366 : i32 to vector<16xi32>
    %mul3A_1368 = arith.muli %shift_right_arithmetic3A_1365, %mul3A_1367 : vector<16xi32>
    %shift_right_arithmetic3A_1369 = arith.constant 7 : i32
    %shift_right_arithmetic3A_1370 = vector.broadcast %shift_right_arithmetic3A_1369 : i32 to vector<16xi32>
    %shift_right_arithmetic3A_1371 = arith.shrsi %add3A_1362, %shift_right_arithmetic3A_1370 : vector<16xi32>
    %shift_left3A_1372 = arith.constant 10 : i32
    %shift_left3A_1373 = vector.broadcast %shift_left3A_1372 : i32 to vector<16xi32>
    %shift_left3A_1374 = arith.shli %shift_right_arithmetic3A_1371, %shift_left3A_1373 : vector<16xi32>
    %add3A_1375 = arith.addi %mul3A_1368, %shift_left3A_1374 : vector<16xi32>
    %and3A_1376 = arith.constant 7 : i32
    %and3A_1377 = vector.broadcast %and3A_1376 : i32 to vector<16xi32>
    %and3A_1378 = arith.andi %get3A_1356, %and3A_1377 : vector<16xi32>
    %shift_left3A_1379 = arith.constant 7 : i32
    %shift_left3A_1380 = vector.broadcast %shift_left3A_1379 : i32 to vector<16xi32>
    %shift_left3A_1381 = arith.shli %and3A_1378, %shift_left3A_1380 : vector<16xi32>
    %add3A_1382 = arith.addi %add3A_1375, %shift_left3A_1381 : vector<16xi32>
    %and3A_1383 = arith.constant 127 : i32
    %and3A_1384 = vector.broadcast %and3A_1383 : i32 to vector<16xi32>
    %and3A_1385 = arith.andi %add3A_1362, %and3A_1384 : vector<16xi32>
    %add3A_1386 = arith.addi %add3A_1382, %and3A_1385 : vector<16xi32>
    %swap3A_1387 = arith.constant 560 : index
    %swap3A_1388 = tpu.vector_load %arg6[%swap3A_1387] {strides = array<i32>} : memref<1600xi32, #tpu.memory_space<vmem>>, vector<16xi32>,
    %swap3A_1389 = vector.shape_cast %swap3A_1388 : vector<16xi32> to vector<16xi32>
    %swap3A_1390 = vector.shape_cast %add3A_1386 : vector<16xi32> to vector<16xi32>
    tpu.vector_store %arg6[%swap3A_1387], %swap3A_1390 {strides = array<i32>} : memref<1600xi32, #tpu.memory_space<vmem>>, vector<16xi32>,
    %get3A_1391 = arith.constant 576 : index
    %get3A_1392 = tpu.vector_load %arg5[%get3A_1391] {strides = array<i32>} : memref<1600xi32, #tpu.memory_space<vmem>>, vector<16xi32>,
    %get3A_1393 = vector.shape_cast %get3A_1392 : vector<16xi32> to vector<16xi32>
    %broadcast_in_dim3A_1394 = arith.constant 11 : i32
    %broadcast_in_dim3A_1395 = vector.broadcast %broadcast_in_dim3A_1394 : i32 to vector<16xi32>
    %mul3A_1396 = arith.constant 32 : i32
    %mul3A_1397 = arith.muli %add3A, %mul3A_1396 : i32
    %add3A_1398 = vector.broadcast %mul3A_1397 : i32 to vector<16xi32>
    %add3A_1399 = arith.addi %broadcast_in_dim3A_1395, %add3A_1398 : vector<16xi32>
    %shift_right_arithmetic3A_1400 = arith.constant 3 : i32
    %shift_right_arithmetic3A_1401 = vector.broadcast %shift_right_arithmetic3A_1400 : i32 to vector<16xi32>
    %shift_right_arithmetic3A_1402 = arith.shrsi %get3A_1393, %shift_right_arithmetic3A_1401 : vector<16xi32>
    %mul3A_1403 = arith.constant 8192 : i32
    %mul3A_1404 = vector.broadcast %mul3A_1403 : i32 to vector<16xi32>
    %mul3A_1405 = arith.muli %shift_right_arithmetic3A_1402, %mul3A_1404 : vector<16xi32>
    %shift_right_arithmetic3A_1406 = arith.constant 7 : i32
    %shift_right_arithmetic3A_1407 = vector.broadcast %shift_right_arithmetic3A_1406 : i32 to vector<16xi32>
    %shift_right_arithmetic3A_1408 = arith.shrsi %add3A_1399, %shift_right_arithmetic3A_1407 : vector<16xi32>
    %shift_left3A_1409 = arith.constant 10 : i32
    %shift_left3A_1410 = vector.broadcast %shift_left3A_1409 : i32 to vector<16xi32>
    %shift_left3A_1411 = arith.shli %shift_right_arithmetic3A_1408, %shift_left3A_1410 : vector<16xi32>
    %add3A_1412 = arith.addi %mul3A_1405, %shift_left3A_1411 : vector<16xi32>
    %and3A_1413 = arith.constant 7 : i32
    %and3A_1414 = vector.broadcast %and3A_1413 : i32 to vector<16xi32>
    %and3A_1415 = arith.andi %get3A_1393, %and3A_1414 : vector<16xi32>
    %shift_left3A_1416 = arith.constant 7 : i32
    %shift_left3A_1417 = vector.broadcast %shift_left3A_1416 : i32 to vector<16xi32>
    %shift_left3A_1418 = arith.shli %and3A_1415, %shift_left3A_1417 : vector<16xi32>
    %add3A_1419 = arith.addi %add3A_1412, %shift_left3A_1418 : vector<16xi32>
    %and3A_1420 = arith.constant 127 : i32
    %and3A_1421 = vector.broadcast %and3A_1420 : i32 to vector<16xi32>
    %and3A_1422 = arith.andi %add3A_1399, %and3A_1421 : vector<16xi32>
    %add3A_1423 = arith.addi %add3A_1419, %and3A_1422 : vector<16xi32>
    %swap3A_1424 = arith.constant 576 : index
    %swap3A_1425 = tpu.vector_load %arg6[%swap3A_1424] {strides = array<i32>} : memref<1600xi32, #tpu.memory_space<vmem>>, vector<16xi32>,
    %swap3A_1426 = vector.shape_cast %swap3A_1425 : vector<16xi32> to vector<16xi32>
    %swap3A_1427 = vector.shape_cast %add3A_1423 : vector<16xi32> to vector<16xi32>
    tpu.vector_store %arg6[%swap3A_1424], %swap3A_1427 {strides = array<i32>} : memref<1600xi32, #tpu.memory_space<vmem>>, vector<16xi32>,
    %get3A_1428 = arith.constant 592 : index
    %get3A_1429 = tpu.vector_load %arg5[%get3A_1428] {strides = array<i32>} : memref<1600xi32, #tpu.memory_space<vmem>>, vector<16xi32>,
    %get3A_1430 = vector.shape_cast %get3A_1429 : vector<16xi32> to vector<16xi32>
    %ge3A_1431 = arith.constant 8 : i32
    %ge3A_1432 = vector.broadcast %ge3A_1431 : i32 to vector<16xi32>
    %ge3A_1433 = arith.cmpi sge, %iota3A, %ge3A_1432 : vector<16xi32>
    %jit3A_1434 = arith.constant 12 : i32
    %jit3A_1435 = arith.constant 11 : i32
    %broadcast_in_dim3A_1436 = vector.broadcast %jit3A_1434 : i32 to vector<16xi32>
    %broadcast_in_dim3A_1437 = vector.broadcast %jit3A_1435 : i32 to vector<16xi32>
    %select_n3A_1438 = arith.select %ge3A_1433, %broadcast_in_dim3A_1436, %broadcast_in_dim3A_1437 : vector<16xi1>, vector<16xi32>
    %mul3A_1439 = arith.constant 32 : i32
    %mul3A_1440 = arith.muli %add3A, %mul3A_1439 : i32
    %add3A_1441 = vector.broadcast %mul3A_1440 : i32 to vector<16xi32>
    %add3A_1442 = arith.addi %select_n3A_1438, %add3A_1441 : vector<16xi32>
    %shift_right_arithmetic3A_1443 = arith.constant 3 : i32
    %shift_right_arithmetic3A_1444 = vector.broadcast %shift_right_arithmetic3A_1443 : i32 to vector<16xi32>
    %shift_right_arithmetic3A_1445 = arith.shrsi %get3A_1430, %shift_right_arithmetic3A_1444 : vector<16xi32>
    %mul3A_1446 = arith.constant 8192 : i32
    %mul3A_1447 = vector.broadcast %mul3A_1446 : i32 to vector<16xi32>
    %mul3A_1448 = arith.muli %shift_right_arithmetic3A_1445, %mul3A_1447 : vector<16xi32>
    %shift_right_arithmetic3A_1449 = arith.constant 7 : i32
    %shift_right_arithmetic3A_1450 = vector.broadcast %shift_right_arithmetic3A_1449 : i32 to vector<16xi32>
    %shift_right_arithmetic3A_1451 = arith.shrsi %add3A_1442, %shift_right_arithmetic3A_1450 : vector<16xi32>
    %shift_left3A_1452 = arith.constant 10 : i32
    %shift_left3A_1453 = vector.broadcast %shift_left3A_1452 : i32 to vector<16xi32>
    %shift_left3A_1454 = arith.shli %shift_right_arithmetic3A_1451, %shift_left3A_1453 : vector<16xi32>
    %add3A_1455 = arith.addi %mul3A_1448, %shift_left3A_1454 : vector<16xi32>
    %and3A_1456 = arith.constant 7 : i32
    %and3A_1457 = vector.broadcast %and3A_1456 : i32 to vector<16xi32>
    %and3A_1458 = arith.andi %get3A_1430, %and3A_1457 : vector<16xi32>
    %shift_left3A_1459 = arith.constant 7 : i32
    %shift_left3A_1460 = vector.broadcast %shift_left3A_1459 : i32 to vector<16xi32>
    %shift_left3A_1461 = arith.shli %and3A_1458, %shift_left3A_1460 : vector<16xi32>
    %add3A_1462 = arith.addi %add3A_1455, %shift_left3A_1461 : vector<16xi32>
    %and3A_1463 = arith.constant 127 : i32
    %and3A_1464 = vector.broadcast %and3A_1463 : i32 to vector<16xi32>
    %and3A_1465 = arith.andi %add3A_1442, %and3A_1464 : vector<16xi32>
    %add3A_1466 = arith.addi %add3A_1462, %and3A_1465 : vector<16xi32>
    %swap3A_1467 = arith.constant 592 : index
    %swap3A_1468 = tpu.vector_load %arg6[%swap3A_1467] {strides = array<i32>} : memref<1600xi32, #tpu.memory_space<vmem>>, vector<16xi32>,
    %swap3A_1469 = vector.shape_cast %swap3A_1468 : vector<16xi32> to vector<16xi32>
    %swap3A_1470 = vector.shape_cast %add3A_1466 : vector<16xi32> to vector<16xi32>
    tpu.vector_store %arg6[%swap3A_1467], %swap3A_1470 {strides = array<i32>} : memref<1600xi32, #tpu.memory_space<vmem>>, vector<16xi32>,
    %get3A_1471 = arith.constant 608 : index
    %get3A_1472 = tpu.vector_load %arg5[%get3A_1471] {strides = array<i32>} : memref<1600xi32, #tpu.memory_space<vmem>>, vector<16xi32>,
    %get3A_1473 = vector.shape_cast %get3A_1472 : vector<16xi32> to vector<16xi32>
    %broadcast_in_dim3A_1474 = arith.constant 12 : i32
    %broadcast_in_dim3A_1475 = vector.broadcast %broadcast_in_dim3A_1474 : i32 to vector<16xi32>
    %mul3A_1476 = arith.constant 32 : i32
    %mul3A_1477 = arith.muli %add3A, %mul3A_1476 : i32
    %add3A_1478 = vector.broadcast %mul3A_1477 : i32 to vector<16xi32>
    %add3A_1479 = arith.addi %broadcast_in_dim3A_1475, %add3A_1478 : vector<16xi32>
    %shift_right_arithmetic3A_1480 = arith.constant 3 : i32
    %shift_right_arithmetic3A_1481 = vector.broadcast %shift_right_arithmetic3A_1480 : i32 to vector<16xi32>
    %shift_right_arithmetic3A_1482 = arith.shrsi %get3A_1473, %shift_right_arithmetic3A_1481 : vector<16xi32>
    %mul3A_1483 = arith.constant 8192 : i32
    %mul3A_1484 = vector.broadcast %mul3A_1483 : i32 to vector<16xi32>
    %mul3A_1485 = arith.muli %shift_right_arithmetic3A_1482, %mul3A_1484 : vector<16xi32>
    %shift_right_arithmetic3A_1486 = arith.constant 7 : i32
    %shift_right_arithmetic3A_1487 = vector.broadcast %shift_right_arithmetic3A_1486 : i32 to vector<16xi32>
    %shift_right_arithmetic3A_1488 = arith.shrsi %add3A_1479, %shift_right_arithmetic3A_1487 : vector<16xi32>
    %shift_left3A_1489 = arith.constant 10 : i32
    %shift_left3A_1490 = vector.broadcast %shift_left3A_1489 : i32 to vector<16xi32>
    %shift_left3A_1491 = arith.shli %shift_right_arithmetic3A_1488, %shift_left3A_1490 : vector<16xi32>
    %add3A_1492 = arith.addi %mul3A_1485, %shift_left3A_1491 : vector<16xi32>
    %and3A_1493 = arith.constant 7 : i32
    %and3A_1494 = vector.broadcast %and3A_1493 : i32 to vector<16xi32>
    %and3A_1495 = arith.andi %get3A_1473, %and3A_1494 : vector<16xi32>
    %shift_left3A_1496 = arith.constant 7 : i32
    %shift_left3A_1497 = vector.broadcast %shift_left3A_1496 : i32 to vector<16xi32>
    %shift_left3A_1498 = arith.shli %and3A_1495, %shift_left3A_1497 : vector<16xi32>
    %add3A_1499 = arith.addi %add3A_1492, %shift_left3A_1498 : vector<16xi32>
    %and3A_1500 = arith.constant 127 : i32
    %and3A_1501 = vector.broadcast %and3A_1500 : i32 to vector<16xi32>
    %and3A_1502 = arith.andi %add3A_1479, %and3A_1501 : vector<16xi32>
    %add3A_1503 = arith.addi %add3A_1499, %and3A_1502 : vector<16xi32>
    %swap3A_1504 = arith.constant 608 : index
    %swap3A_1505 = tpu.vector_load %arg6[%swap3A_1504] {strides = array<i32>} : memref<1600xi32, #tpu.memory_space<vmem>>, vector<16xi32>,
    %swap3A_1506 = vector.shape_cast %swap3A_1505 : vector<16xi32> to vector<16xi32>
    %swap3A_1507 = vector.shape_cast %add3A_1503 : vector<16xi32> to vector<16xi32>
    tpu.vector_store %arg6[%swap3A_1504], %swap3A_1507 {strides = array<i32>} : memref<1600xi32, #tpu.memory_space<vmem>>, vector<16xi32>,
    %get3A_1508 = arith.constant 624 : index
    %get3A_1509 = tpu.vector_load %arg5[%get3A_1508] {strides = array<i32>} : memref<1600xi32, #tpu.memory_space<vmem>>, vector<16xi32>,
    %get3A_1510 = vector.shape_cast %get3A_1509 : vector<16xi32> to vector<16xi32>
    %broadcast_in_dim3A_1511 = arith.constant 12 : i32
    %broadcast_in_dim3A_1512 = vector.broadcast %broadcast_in_dim3A_1511 : i32 to vector<16xi32>
    %mul3A_1513 = arith.constant 32 : i32
    %mul3A_1514 = arith.muli %add3A, %mul3A_1513 : i32
    %add3A_1515 = vector.broadcast %mul3A_1514 : i32 to vector<16xi32>
    %add3A_1516 = arith.addi %broadcast_in_dim3A_1512, %add3A_1515 : vector<16xi32>
    %shift_right_arithmetic3A_1517 = arith.constant 3 : i32
    %shift_right_arithmetic3A_1518 = vector.broadcast %shift_right_arithmetic3A_1517 : i32 to vector<16xi32>
    %shift_right_arithmetic3A_1519 = arith.shrsi %get3A_1510, %shift_right_arithmetic3A_1518 : vector<16xi32>
    %mul3A_1520 = arith.constant 8192 : i32
    %mul3A_1521 = vector.broadcast %mul3A_1520 : i32 to vector<16xi32>
    %mul3A_1522 = arith.muli %shift_right_arithmetic3A_1519, %mul3A_1521 : vector<16xi32>
    %shift_right_arithmetic3A_1523 = arith.constant 7 : i32
    %shift_right_arithmetic3A_1524 = vector.broadcast %shift_right_arithmetic3A_1523 : i32 to vector<16xi32>
    %shift_right_arithmetic3A_1525 = arith.shrsi %add3A_1516, %shift_right_arithmetic3A_1524 : vector<16xi32>
    %shift_left3A_1526 = arith.constant 10 : i32
    %shift_left3A_1527 = vector.broadcast %shift_left3A_1526 : i32 to vector<16xi32>
    %shift_left3A_1528 = arith.shli %shift_right_arithmetic3A_1525, %shift_left3A_1527 : vector<16xi32>
    %add3A_1529 = arith.addi %mul3A_1522, %shift_left3A_1528 : vector<16xi32>
    %and3A_1530 = arith.constant 7 : i32
    %and3A_1531 = vector.broadcast %and3A_1530 : i32 to vector<16xi32>
    %and3A_1532 = arith.andi %get3A_1510, %and3A_1531 : vector<16xi32>
    %shift_left3A_1533 = arith.constant 7 : i32
    %shift_left3A_1534 = vector.broadcast %shift_left3A_1533 : i32 to vector<16xi32>
    %shift_left3A_1535 = arith.shli %and3A_1532, %shift_left3A_1534 : vector<16xi32>
    %add3A_1536 = arith.addi %add3A_1529, %shift_left3A_1535 : vector<16xi32>
    %and3A_1537 = arith.constant 127 : i32
    %and3A_1538 = vector.broadcast %and3A_1537 : i32 to vector<16xi32>
    %and3A_1539 = arith.andi %add3A_1516, %and3A_1538 : vector<16xi32>
    %add3A_1540 = arith.addi %add3A_1536, %and3A_1539 : vector<16xi32>
    %swap3A_1541 = arith.constant 624 : index
    %swap3A_1542 = tpu.vector_load %arg6[%swap3A_1541] {strides = array<i32>} : memref<1600xi32, #tpu.memory_space<vmem>>, vector<16xi32>,
    %swap3A_1543 = vector.shape_cast %swap3A_1542 : vector<16xi32> to vector<16xi32>
    %swap3A_1544 = vector.shape_cast %add3A_1540 : vector<16xi32> to vector<16xi32>
    tpu.vector_store %arg6[%swap3A_1541], %swap3A_1544 {strides = array<i32>} : memref<1600xi32, #tpu.memory_space<vmem>>, vector<16xi32>,
    %get3A_1545 = arith.constant 640 : index
    %get3A_1546 = tpu.vector_load %arg5[%get3A_1545] {strides = array<i32>} : memref<1600xi32, #tpu.memory_space<vmem>>, vector<16xi32>,
    %get3A_1547 = vector.shape_cast %get3A_1546 : vector<16xi32> to vector<16xi32>
    %ge3A_1548 = arith.constant 10 : i32
    %ge3A_1549 = vector.broadcast %ge3A_1548 : i32 to vector<16xi32>
    %ge3A_1550 = arith.cmpi sge, %iota3A, %ge3A_1549 : vector<16xi32>
    %jit3A_1551 = arith.constant 13 : i32
    %jit3A_1552 = arith.constant 12 : i32
    %broadcast_in_dim3A_1553 = vector.broadcast %jit3A_1551 : i32 to vector<16xi32>
    %broadcast_in_dim3A_1554 = vector.broadcast %jit3A_1552 : i32 to vector<16xi32>
    %select_n3A_1555 = arith.select %ge3A_1550, %broadcast_in_dim3A_1553, %broadcast_in_dim3A_1554 : vector<16xi1>, vector<16xi32>
    %mul3A_1556 = arith.constant 32 : i32
    %mul3A_1557 = arith.muli %add3A, %mul3A_1556 : i32
    %add3A_1558 = vector.broadcast %mul3A_1557 : i32 to vector<16xi32>
    %add3A_1559 = arith.addi %select_n3A_1555, %add3A_1558 : vector<16xi32>
    %shift_right_arithmetic3A_1560 = arith.constant 3 : i32
    %shift_right_arithmetic3A_1561 = vector.broadcast %shift_right_arithmetic3A_1560 : i32 to vector<16xi32>
    %shift_right_arithmetic3A_1562 = arith.shrsi %get3A_1547, %shift_right_arithmetic3A_1561 : vector<16xi32>
    %mul3A_1563 = arith.constant 8192 : i32
    %mul3A_1564 = vector.broadcast %mul3A_1563 : i32 to vector<16xi32>
    %mul3A_1565 = arith.muli %shift_right_arithmetic3A_1562, %mul3A_1564 : vector<16xi32>
    %shift_right_arithmetic3A_1566 = arith.constant 7 : i32
    %shift_right_arithmetic3A_1567 = vector.broadcast %shift_right_arithmetic3A_1566 : i32 to vector<16xi32>
    %shift_right_arithmetic3A_1568 = arith.shrsi %add3A_1559, %shift_right_arithmetic3A_1567 : vector<16xi32>
    %shift_left3A_1569 = arith.constant 10 : i32
    %shift_left3A_1570 = vector.broadcast %shift_left3A_1569 : i32 to vector<16xi32>
    %shift_left3A_1571 = arith.shli %shift_right_arithmetic3A_1568, %shift_left3A_1570 : vector<16xi32>
    %add3A_1572 = arith.addi %mul3A_1565, %shift_left3A_1571 : vector<16xi32>
    %and3A_1573 = arith.constant 7 : i32
    %and3A_1574 = vector.broadcast %and3A_1573 : i32 to vector<16xi32>
    %and3A_1575 = arith.andi %get3A_1547, %and3A_1574 : vector<16xi32>
    %shift_left3A_1576 = arith.constant 7 : i32
    %shift_left3A_1577 = vector.broadcast %shift_left3A_1576 : i32 to vector<16xi32>
    %shift_left3A_1578 = arith.shli %and3A_1575, %shift_left3A_1577 : vector<16xi32>
    %add3A_1579 = arith.addi %add3A_1572, %shift_left3A_1578 : vector<16xi32>
    %and3A_1580 = arith.constant 127 : i32
    %and3A_1581 = vector.broadcast %and3A_1580 : i32 to vector<16xi32>
    %and3A_1582 = arith.andi %add3A_1559, %and3A_1581 : vector<16xi32>
    %add3A_1583 = arith.addi %add3A_1579, %and3A_1582 : vector<16xi32>
    %swap3A_1584 = arith.constant 640 : index
    %swap3A_1585 = tpu.vector_load %arg6[%swap3A_1584] {strides = array<i32>} : memref<1600xi32, #tpu.memory_space<vmem>>, vector<16xi32>,
    %swap3A_1586 = vector.shape_cast %swap3A_1585 : vector<16xi32> to vector<16xi32>
    %swap3A_1587 = vector.shape_cast %add3A_1583 : vector<16xi32> to vector<16xi32>
    tpu.vector_store %arg6[%swap3A_1584], %swap3A_1587 {strides = array<i32>} : memref<1600xi32, #tpu.memory_space<vmem>>, vector<16xi32>,
    %get3A_1588 = arith.constant 656 : index
    %get3A_1589 = tpu.vector_load %arg5[%get3A_1588] {strides = array<i32>} : memref<1600xi32, #tpu.memory_space<vmem>>, vector<16xi32>,
    %get3A_1590 = vector.shape_cast %get3A_1589 : vector<16xi32> to vector<16xi32>
    %broadcast_in_dim3A_1591 = arith.constant 13 : i32
    %broadcast_in_dim3A_1592 = vector.broadcast %broadcast_in_dim3A_1591 : i32 to vector<16xi32>
    %mul3A_1593 = arith.constant 32 : i32
    %mul3A_1594 = arith.muli %add3A, %mul3A_1593 : i32
    %add3A_1595 = vector.broadcast %mul3A_1594 : i32 to vector<16xi32>
    %add3A_1596 = arith.addi %broadcast_in_dim3A_1592, %add3A_1595 : vector<16xi32>
    %shift_right_arithmetic3A_1597 = arith.constant 3 : i32
    %shift_right_arithmetic3A_1598 = vector.broadcast %shift_right_arithmetic3A_1597 : i32 to vector<16xi32>
    %shift_right_arithmetic3A_1599 = arith.shrsi %get3A_1590, %shift_right_arithmetic3A_1598 : vector<16xi32>
    %mul3A_1600 = arith.constant 8192 : i32
    %mul3A_1601 = vector.broadcast %mul3A_1600 : i32 to vector<16xi32>
    %mul3A_1602 = arith.muli %shift_right_arithmetic3A_1599, %mul3A_1601 : vector<16xi32>
    %shift_right_arithmetic3A_1603 = arith.constant 7 : i32
    %shift_right_arithmetic3A_1604 = vector.broadcast %shift_right_arithmetic3A_1603 : i32 to vector<16xi32>
    %shift_right_arithmetic3A_1605 = arith.shrsi %add3A_1596, %shift_right_arithmetic3A_1604 : vector<16xi32>
    %shift_left3A_1606 = arith.constant 10 : i32
    %shift_left3A_1607 = vector.broadcast %shift_left3A_1606 : i32 to vector<16xi32>
    %shift_left3A_1608 = arith.shli %shift_right_arithmetic3A_1605, %shift_left3A_1607 : vector<16xi32>
    %add3A_1609 = arith.addi %mul3A_1602, %shift_left3A_1608 : vector<16xi32>
    %and3A_1610 = arith.constant 7 : i32
    %and3A_1611 = vector.broadcast %and3A_1610 : i32 to vector<16xi32>
    %and3A_1612 = arith.andi %get3A_1590, %and3A_1611 : vector<16xi32>
    %shift_left3A_1613 = arith.constant 7 : i32
    %shift_left3A_1614 = vector.broadcast %shift_left3A_1613 : i32 to vector<16xi32>
    %shift_left3A_1615 = arith.shli %and3A_1612, %shift_left3A_1614 : vector<16xi32>
    %add3A_1616 = arith.addi %add3A_1609, %shift_left3A_1615 : vector<16xi32>
    %and3A_1617 = arith.constant 127 : i32
    %and3A_1618 = vector.broadcast %and3A_1617 : i32 to vector<16xi32>
    %and3A_1619 = arith.andi %add3A_1596, %and3A_1618 : vector<16xi32>
    %add3A_1620 = arith.addi %add3A_1616, %and3A_1619 : vector<16xi32>
    %swap3A_1621 = arith.constant 656 : index
    %swap3A_1622 = tpu.vector_load %arg6[%swap3A_1621] {strides = array<i32>} : memref<1600xi32, #tpu.memory_space<vmem>>, vector<16xi32>,
    %swap3A_1623 = vector.shape_cast %swap3A_1622 : vector<16xi32> to vector<16xi32>
    %swap3A_1624 = vector.shape_cast %add3A_1620 : vector<16xi32> to vector<16xi32>
    tpu.vector_store %arg6[%swap3A_1621], %swap3A_1624 {strides = array<i32>} : memref<1600xi32, #tpu.memory_space<vmem>>, vector<16xi32>,
    %get3A_1625 = arith.constant 672 : index
    %get3A_1626 = tpu.vector_load %arg5[%get3A_1625] {strides = array<i32>} : memref<1600xi32, #tpu.memory_space<vmem>>, vector<16xi32>,
    %get3A_1627 = vector.shape_cast %get3A_1626 : vector<16xi32> to vector<16xi32>
    %broadcast_in_dim3A_1628 = arith.constant 13 : i32
    %broadcast_in_dim3A_1629 = vector.broadcast %broadcast_in_dim3A_1628 : i32 to vector<16xi32>
    %mul3A_1630 = arith.constant 32 : i32
    %mul3A_1631 = arith.muli %add3A, %mul3A_1630 : i32
    %add3A_1632 = vector.broadcast %mul3A_1631 : i32 to vector<16xi32>
    %add3A_1633 = arith.addi %broadcast_in_dim3A_1629, %add3A_1632 : vector<16xi32>
    %shift_right_arithmetic3A_1634 = arith.constant 3 : i32
    %shift_right_arithmetic3A_1635 = vector.broadcast %shift_right_arithmetic3A_1634 : i32 to vector<16xi32>
    %shift_right_arithmetic3A_1636 = arith.shrsi %get3A_1627, %shift_right_arithmetic3A_1635 : vector<16xi32>
    %mul3A_1637 = arith.constant 8192 : i32
    %mul3A_1638 = vector.broadcast %mul3A_1637 : i32 to vector<16xi32>
    %mul3A_1639 = arith.muli %shift_right_arithmetic3A_1636, %mul3A_1638 : vector<16xi32>
    %shift_right_arithmetic3A_1640 = arith.constant 7 : i32
    %shift_right_arithmetic3A_1641 = vector.broadcast %shift_right_arithmetic3A_1640 : i32 to vector<16xi32>
    %shift_right_arithmetic3A_1642 = arith.shrsi %add3A_1633, %shift_right_arithmetic3A_1641 : vector<16xi32>
    %shift_left3A_1643 = arith.constant 10 : i32
    %shift_left3A_1644 = vector.broadcast %shift_left3A_1643 : i32 to vector<16xi32>
    %shift_left3A_1645 = arith.shli %shift_right_arithmetic3A_1642, %shift_left3A_1644 : vector<16xi32>
    %add3A_1646 = arith.addi %mul3A_1639, %shift_left3A_1645 : vector<16xi32>
    %and3A_1647 = arith.constant 7 : i32
    %and3A_1648 = vector.broadcast %and3A_1647 : i32 to vector<16xi32>
    %and3A_1649 = arith.andi %get3A_1627, %and3A_1648 : vector<16xi32>
    %shift_left3A_1650 = arith.constant 7 : i32
    %shift_left3A_1651 = vector.broadcast %shift_left3A_1650 : i32 to vector<16xi32>
    %shift_left3A_1652 = arith.shli %and3A_1649, %shift_left3A_1651 : vector<16xi32>
    %add3A_1653 = arith.addi %add3A_1646, %shift_left3A_1652 : vector<16xi32>
    %and3A_1654 = arith.constant 127 : i32
    %and3A_1655 = vector.broadcast %and3A_1654 : i32 to vector<16xi32>
    %and3A_1656 = arith.andi %add3A_1633, %and3A_1655 : vector<16xi32>
    %add3A_1657 = arith.addi %add3A_1653, %and3A_1656 : vector<16xi32>
    %swap3A_1658 = arith.constant 672 : index
    %swap3A_1659 = tpu.vector_load %arg6[%swap3A_1658] {strides = array<i32>} : memref<1600xi32, #tpu.memory_space<vmem>>, vector<16xi32>,
    %swap3A_1660 = vector.shape_cast %swap3A_1659 : vector<16xi32> to vector<16xi32>
    %swap3A_1661 = vector.shape_cast %add3A_1657 : vector<16xi32> to vector<16xi32>
    tpu.vector_store %arg6[%swap3A_1658], %swap3A_1661 {strides = array<i32>} : memref<1600xi32, #tpu.memory_space<vmem>>, vector<16xi32>,
    %get3A_1662 = arith.constant 688 : index
    %get3A_1663 = tpu.vector_load %arg5[%get3A_1662] {strides = array<i32>} : memref<1600xi32, #tpu.memory_space<vmem>>, vector<16xi32>,
    %get3A_1664 = vector.shape_cast %get3A_1663 : vector<16xi32> to vector<16xi32>
    %ge3A_1665 = arith.constant 12 : i32
    %ge3A_1666 = vector.broadcast %ge3A_1665 : i32 to vector<16xi32>
    %ge3A_1667 = arith.cmpi sge, %iota3A, %ge3A_1666 : vector<16xi32>
    %jit3A_1668 = arith.constant 14 : i32
    %jit3A_1669 = arith.constant 13 : i32
    %broadcast_in_dim3A_1670 = vector.broadcast %jit3A_1668 : i32 to vector<16xi32>
    %broadcast_in_dim3A_1671 = vector.broadcast %jit3A_1669 : i32 to vector<16xi32>
    %select_n3A_1672 = arith.select %ge3A_1667, %broadcast_in_dim3A_1670, %broadcast_in_dim3A_1671 : vector<16xi1>, vector<16xi32>
    %mul3A_1673 = arith.constant 32 : i32
    %mul3A_1674 = arith.muli %add3A, %mul3A_1673 : i32
    %add3A_1675 = vector.broadcast %mul3A_1674 : i32 to vector<16xi32>
    %add3A_1676 = arith.addi %select_n3A_1672, %add3A_1675 : vector<16xi32>
    %shift_right_arithmetic3A_1677 = arith.constant 3 : i32
    %shift_right_arithmetic3A_1678 = vector.broadcast %shift_right_arithmetic3A_1677 : i32 to vector<16xi32>
    %shift_right_arithmetic3A_1679 = arith.shrsi %get3A_1664, %shift_right_arithmetic3A_1678 : vector<16xi32>
    %mul3A_1680 = arith.constant 8192 : i32
    %mul3A_1681 = vector.broadcast %mul3A_1680 : i32 to vector<16xi32>
    %mul3A_1682 = arith.muli %shift_right_arithmetic3A_1679, %mul3A_1681 : vector<16xi32>
    %shift_right_arithmetic3A_1683 = arith.constant 7 : i32
    %shift_right_arithmetic3A_1684 = vector.broadcast %shift_right_arithmetic3A_1683 : i32 to vector<16xi32>
    %shift_right_arithmetic3A_1685 = arith.shrsi %add3A_1676, %shift_right_arithmetic3A_1684 : vector<16xi32>
    %shift_left3A_1686 = arith.constant 10 : i32
    %shift_left3A_1687 = vector.broadcast %shift_left3A_1686 : i32 to vector<16xi32>
    %shift_left3A_1688 = arith.shli %shift_right_arithmetic3A_1685, %shift_left3A_1687 : vector<16xi32>
    %add3A_1689 = arith.addi %mul3A_1682, %shift_left3A_1688 : vector<16xi32>
    %and3A_1690 = arith.constant 7 : i32
    %and3A_1691 = vector.broadcast %and3A_1690 : i32 to vector<16xi32>
    %and3A_1692 = arith.andi %get3A_1664, %and3A_1691 : vector<16xi32>
    %shift_left3A_1693 = arith.constant 7 : i32
    %shift_left3A_1694 = vector.broadcast %shift_left3A_1693 : i32 to vector<16xi32>
    %shift_left3A_1695 = arith.shli %and3A_1692, %shift_left3A_1694 : vector<16xi32>
    %add3A_1696 = arith.addi %add3A_1689, %shift_left3A_1695 : vector<16xi32>
    %and3A_1697 = arith.constant 127 : i32
    %and3A_1698 = vector.broadcast %and3A_1697 : i32 to vector<16xi32>
    %and3A_1699 = arith.andi %add3A_1676, %and3A_1698 : vector<16xi32>
    %add3A_1700 = arith.addi %add3A_1696, %and3A_1699 : vector<16xi32>
    %swap3A_1701 = arith.constant 688 : index
    %swap3A_1702 = tpu.vector_load %arg6[%swap3A_1701] {strides = array<i32>} : memref<1600xi32, #tpu.memory_space<vmem>>, vector<16xi32>,
    %swap3A_1703 = vector.shape_cast %swap3A_1702 : vector<16xi32> to vector<16xi32>
    %swap3A_1704 = vector.shape_cast %add3A_1700 : vector<16xi32> to vector<16xi32>
    tpu.vector_store %arg6[%swap3A_1701], %swap3A_1704 {strides = array<i32>} : memref<1600xi32, #tpu.memory_space<vmem>>, vector<16xi32>,
    %get3A_1705 = arith.constant 704 : index
    %get3A_1706 = tpu.vector_load %arg5[%get3A_1705] {strides = array<i32>} : memref<1600xi32, #tpu.memory_space<vmem>>, vector<16xi32>,
    %get3A_1707 = vector.shape_cast %get3A_1706 : vector<16xi32> to vector<16xi32>
    %broadcast_in_dim3A_1708 = arith.constant 14 : i32
    %broadcast_in_dim3A_1709 = vector.broadcast %broadcast_in_dim3A_1708 : i32 to vector<16xi32>
    %mul3A_1710 = arith.constant 32 : i32
    %mul3A_1711 = arith.muli %add3A, %mul3A_1710 : i32
    %add3A_1712 = vector.broadcast %mul3A_1711 : i32 to vector<16xi32>
    %add3A_1713 = arith.addi %broadcast_in_dim3A_1709, %add3A_1712 : vector<16xi32>
    %shift_right_arithmetic3A_1714 = arith.constant 3 : i32
    %shift_right_arithmetic3A_1715 = vector.broadcast %shift_right_arithmetic3A_1714 : i32 to vector<16xi32>
    %shift_right_arithmetic3A_1716 = arith.shrsi %get3A_1707, %shift_right_arithmetic3A_1715 : vector<16xi32>
    %mul3A_1717 = arith.constant 8192 : i32
    %mul3A_1718 = vector.broadcast %mul3A_1717 : i32 to vector<16xi32>
    %mul3A_1719 = arith.muli %shift_right_arithmetic3A_1716, %mul3A_1718 : vector<16xi32>
    %shift_right_arithmetic3A_1720 = arith.constant 7 : i32
    %shift_right_arithmetic3A_1721 = vector.broadcast %shift_right_arithmetic3A_1720 : i32 to vector<16xi32>
    %shift_right_arithmetic3A_1722 = arith.shrsi %add3A_1713, %shift_right_arithmetic3A_1721 : vector<16xi32>
    %shift_left3A_1723 = arith.constant 10 : i32
    %shift_left3A_1724 = vector.broadcast %shift_left3A_1723 : i32 to vector<16xi32>
    %shift_left3A_1725 = arith.shli %shift_right_arithmetic3A_1722, %shift_left3A_1724 : vector<16xi32>
    %add3A_1726 = arith.addi %mul3A_1719, %shift_left3A_1725 : vector<16xi32>
    %and3A_1727 = arith.constant 7 : i32
    %and3A_1728 = vector.broadcast %and3A_1727 : i32 to vector<16xi32>
    %and3A_1729 = arith.andi %get3A_1707, %and3A_1728 : vector<16xi32>
    %shift_left3A_1730 = arith.constant 7 : i32
    %shift_left3A_1731 = vector.broadcast %shift_left3A_1730 : i32 to vector<16xi32>
    %shift_left3A_1732 = arith.shli %and3A_1729, %shift_left3A_1731 : vector<16xi32>
    %add3A_1733 = arith.addi %add3A_1726, %shift_left3A_1732 : vector<16xi32>
    %and3A_1734 = arith.constant 127 : i32
    %and3A_1735 = vector.broadcast %and3A_1734 : i32 to vector<16xi32>
    %and3A_1736 = arith.andi %add3A_1713, %and3A_1735 : vector<16xi32>
    %add3A_1737 = arith.addi %add3A_1733, %and3A_1736 : vector<16xi32>
    %swap3A_1738 = arith.constant 704 : index
    %swap3A_1739 = tpu.vector_load %arg6[%swap3A_1738] {strides = array<i32>} : memref<1600xi32, #tpu.memory_space<vmem>>, vector<16xi32>,
    %swap3A_1740 = vector.shape_cast %swap3A_1739 : vector<16xi32> to vector<16xi32>
    %swap3A_1741 = vector.shape_cast %add3A_1737 : vector<16xi32> to vector<16xi32>
    tpu.vector_store %arg6[%swap3A_1738], %swap3A_1741 {strides = array<i32>} : memref<1600xi32, #tpu.memory_space<vmem>>, vector<16xi32>,
    %get3A_1742 = arith.constant 720 : index
    %get3A_1743 = tpu.vector_load %arg5[%get3A_1742] {strides = array<i32>} : memref<1600xi32, #tpu.memory_space<vmem>>, vector<16xi32>,
    %get3A_1744 = vector.shape_cast %get3A_1743 : vector<16xi32> to vector<16xi32>
    %broadcast_in_dim3A_1745 = arith.constant 14 : i32
    %broadcast_in_dim3A_1746 = vector.broadcast %broadcast_in_dim3A_1745 : i32 to vector<16xi32>
    %mul3A_1747 = arith.constant 32 : i32
    %mul3A_1748 = arith.muli %add3A, %mul3A_1747 : i32
    %add3A_1749 = vector.broadcast %mul3A_1748 : i32 to vector<16xi32>
    %add3A_1750 = arith.addi %broadcast_in_dim3A_1746, %add3A_1749 : vector<16xi32>
    %shift_right_arithmetic3A_1751 = arith.constant 3 : i32
    %shift_right_arithmetic3A_1752 = vector.broadcast %shift_right_arithmetic3A_1751 : i32 to vector<16xi32>
    %shift_right_arithmetic3A_1753 = arith.shrsi %get3A_1744, %shift_right_arithmetic3A_1752 : vector<16xi32>
    %mul3A_1754 = arith.constant 8192 : i32
    %mul3A_1755 = vector.broadcast %mul3A_1754 : i32 to vector<16xi32>
    %mul3A_1756 = arith.muli %shift_right_arithmetic3A_1753, %mul3A_1755 : vector<16xi32>
    %shift_right_arithmetic3A_1757 = arith.constant 7 : i32
    %shift_right_arithmetic3A_1758 = vector.broadcast %shift_right_arithmetic3A_1757 : i32 to vector<16xi32>
    %shift_right_arithmetic3A_1759 = arith.shrsi %add3A_1750, %shift_right_arithmetic3A_1758 : vector<16xi32>
    %shift_left3A_1760 = arith.constant 10 : i32
    %shift_left3A_1761 = vector.broadcast %shift_left3A_1760 : i32 to vector<16xi32>
    %shift_left3A_1762 = arith.shli %shift_right_arithmetic3A_1759, %shift_left3A_1761 : vector<16xi32>
    %add3A_1763 = arith.addi %mul3A_1756, %shift_left3A_1762 : vector<16xi32>
    %and3A_1764 = arith.constant 7 : i32
    %and3A_1765 = vector.broadcast %and3A_1764 : i32 to vector<16xi32>
    %and3A_1766 = arith.andi %get3A_1744, %and3A_1765 : vector<16xi32>
    %shift_left3A_1767 = arith.constant 7 : i32
    %shift_left3A_1768 = vector.broadcast %shift_left3A_1767 : i32 to vector<16xi32>
    %shift_left3A_1769 = arith.shli %and3A_1766, %shift_left3A_1768 : vector<16xi32>
    %add3A_1770 = arith.addi %add3A_1763, %shift_left3A_1769 : vector<16xi32>
    %and3A_1771 = arith.constant 127 : i32
    %and3A_1772 = vector.broadcast %and3A_1771 : i32 to vector<16xi32>
    %and3A_1773 = arith.andi %add3A_1750, %and3A_1772 : vector<16xi32>
    %add3A_1774 = arith.addi %add3A_1770, %and3A_1773 : vector<16xi32>
    %swap3A_1775 = arith.constant 720 : index
    %swap3A_1776 = tpu.vector_load %arg6[%swap3A_1775] {strides = array<i32>} : memref<1600xi32, #tpu.memory_space<vmem>>, vector<16xi32>,
    %swap3A_1777 = vector.shape_cast %swap3A_1776 : vector<16xi32> to vector<16xi32>
    %swap3A_1778 = vector.shape_cast %add3A_1774 : vector<16xi32> to vector<16xi32>
    tpu.vector_store %arg6[%swap3A_1775], %swap3A_1778 {strides = array<i32>} : memref<1600xi32, #tpu.memory_space<vmem>>, vector<16xi32>,
    %get3A_1779 = arith.constant 736 : index
    %get3A_1780 = tpu.vector_load %arg5[%get3A_1779] {strides = array<i32>} : memref<1600xi32, #tpu.memory_space<vmem>>, vector<16xi32>,
    %get3A_1781 = vector.shape_cast %get3A_1780 : vector<16xi32> to vector<16xi32>
    %ge3A_1782 = arith.constant 14 : i32
    %ge3A_1783 = vector.broadcast %ge3A_1782 : i32 to vector<16xi32>
    %ge3A_1784 = arith.cmpi sge, %iota3A, %ge3A_1783 : vector<16xi32>
    %jit3A_1785 = arith.constant 15 : i32
    %jit3A_1786 = arith.constant 14 : i32
    %broadcast_in_dim3A_1787 = vector.broadcast %jit3A_1785 : i32 to vector<16xi32>
    %broadcast_in_dim3A_1788 = vector.broadcast %jit3A_1786 : i32 to vector<16xi32>
    %select_n3A_1789 = arith.select %ge3A_1784, %broadcast_in_dim3A_1787, %broadcast_in_dim3A_1788 : vector<16xi1>, vector<16xi32>
    %mul3A_1790 = arith.constant 32 : i32
    %mul3A_1791 = arith.muli %add3A, %mul3A_1790 : i32
    %add3A_1792 = vector.broadcast %mul3A_1791 : i32 to vector<16xi32>
    %add3A_1793 = arith.addi %select_n3A_1789, %add3A_1792 : vector<16xi32>
    %shift_right_arithmetic3A_1794 = arith.constant 3 : i32
    %shift_right_arithmetic3A_1795 = vector.broadcast %shift_right_arithmetic3A_1794 : i32 to vector<16xi32>
    %shift_right_arithmetic3A_1796 = arith.shrsi %get3A_1781, %shift_right_arithmetic3A_1795 : vector<16xi32>
    %mul3A_1797 = arith.constant 8192 : i32
    %mul3A_1798 = vector.broadcast %mul3A_1797 : i32 to vector<16xi32>
    %mul3A_1799 = arith.muli %shift_right_arithmetic3A_1796, %mul3A_1798 : vector<16xi32>
    %shift_right_arithmetic3A_1800 = arith.constant 7 : i32
    %shift_right_arithmetic3A_1801 = vector.broadcast %shift_right_arithmetic3A_1800 : i32 to vector<16xi32>
    %shift_right_arithmetic3A_1802 = arith.shrsi %add3A_1793, %shift_right_arithmetic3A_1801 : vector<16xi32>
    %shift_left3A_1803 = arith.constant 10 : i32
    %shift_left3A_1804 = vector.broadcast %shift_left3A_1803 : i32 to vector<16xi32>
    %shift_left3A_1805 = arith.shli %shift_right_arithmetic3A_1802, %shift_left3A_1804 : vector<16xi32>
    %add3A_1806 = arith.addi %mul3A_1799, %shift_left3A_1805 : vector<16xi32>
    %and3A_1807 = arith.constant 7 : i32
    %and3A_1808 = vector.broadcast %and3A_1807 : i32 to vector<16xi32>
    %and3A_1809 = arith.andi %get3A_1781, %and3A_1808 : vector<16xi32>
    %shift_left3A_1810 = arith.constant 7 : i32
    %shift_left3A_1811 = vector.broadcast %shift_left3A_1810 : i32 to vector<16xi32>
    %shift_left3A_1812 = arith.shli %and3A_1809, %shift_left3A_1811 : vector<16xi32>
    %add3A_1813 = arith.addi %add3A_1806, %shift_left3A_1812 : vector<16xi32>
    %and3A_1814 = arith.constant 127 : i32
    %and3A_1815 = vector.broadcast %and3A_1814 : i32 to vector<16xi32>
    %and3A_1816 = arith.andi %add3A_1793, %and3A_1815 : vector<16xi32>
    %add3A_1817 = arith.addi %add3A_1813, %and3A_1816 : vector<16xi32>
    %swap3A_1818 = arith.constant 736 : index
    %swap3A_1819 = tpu.vector_load %arg6[%swap3A_1818] {strides = array<i32>} : memref<1600xi32, #tpu.memory_space<vmem>>, vector<16xi32>,
    %swap3A_1820 = vector.shape_cast %swap3A_1819 : vector<16xi32> to vector<16xi32>
    %swap3A_1821 = vector.shape_cast %add3A_1817 : vector<16xi32> to vector<16xi32>
    tpu.vector_store %arg6[%swap3A_1818], %swap3A_1821 {strides = array<i32>} : memref<1600xi32, #tpu.memory_space<vmem>>, vector<16xi32>,
    %get3A_1822 = arith.constant 752 : index
    %get3A_1823 = tpu.vector_load %arg5[%get3A_1822] {strides = array<i32>} : memref<1600xi32, #tpu.memory_space<vmem>>, vector<16xi32>,
    %get3A_1824 = vector.shape_cast %get3A_1823 : vector<16xi32> to vector<16xi32>
    %broadcast_in_dim3A_1825 = arith.constant 15 : i32
    %broadcast_in_dim3A_1826 = vector.broadcast %broadcast_in_dim3A_1825 : i32 to vector<16xi32>
    %mul3A_1827 = arith.constant 32 : i32
    %mul3A_1828 = arith.muli %add3A, %mul3A_1827 : i32
    %add3A_1829 = vector.broadcast %mul3A_1828 : i32 to vector<16xi32>
    %add3A_1830 = arith.addi %broadcast_in_dim3A_1826, %add3A_1829 : vector<16xi32>
    %shift_right_arithmetic3A_1831 = arith.constant 3 : i32
    %shift_right_arithmetic3A_1832 = vector.broadcast %shift_right_arithmetic3A_1831 : i32 to vector<16xi32>
    %shift_right_arithmetic3A_1833 = arith.shrsi %get3A_1824, %shift_right_arithmetic3A_1832 : vector<16xi32>
    %mul3A_1834 = arith.constant 8192 : i32
    %mul3A_1835 = vector.broadcast %mul3A_1834 : i32 to vector<16xi32>
    %mul3A_1836 = arith.muli %shift_right_arithmetic3A_1833, %mul3A_1835 : vector<16xi32>
    %shift_right_arithmetic3A_1837 = arith.constant 7 : i32
    %shift_right_arithmetic3A_1838 = vector.broadcast %shift_right_arithmetic3A_1837 : i32 to vector<16xi32>
    %shift_right_arithmetic3A_1839 = arith.shrsi %add3A_1830, %shift_right_arithmetic3A_1838 : vector<16xi32>
    %shift_left3A_1840 = arith.constant 10 : i32
    %shift_left3A_1841 = vector.broadcast %shift_left3A_1840 : i32 to vector<16xi32>
    %shift_left3A_1842 = arith.shli %shift_right_arithmetic3A_1839, %shift_left3A_1841 : vector<16xi32>
    %add3A_1843 = arith.addi %mul3A_1836, %shift_left3A_1842 : vector<16xi32>
    %and3A_1844 = arith.constant 7 : i32
    %and3A_1845 = vector.broadcast %and3A_1844 : i32 to vector<16xi32>
    %and3A_1846 = arith.andi %get3A_1824, %and3A_1845 : vector<16xi32>
    %shift_left3A_1847 = arith.constant 7 : i32
    %shift_left3A_1848 = vector.broadcast %shift_left3A_1847 : i32 to vector<16xi32>
    %shift_left3A_1849 = arith.shli %and3A_1846, %shift_left3A_1848 : vector<16xi32>
    %add3A_1850 = arith.addi %add3A_1843, %shift_left3A_1849 : vector<16xi32>
    %and3A_1851 = arith.constant 127 : i32
    %and3A_1852 = vector.broadcast %and3A_1851 : i32 to vector<16xi32>
    %and3A_1853 = arith.andi %add3A_1830, %and3A_1852 : vector<16xi32>
    %add3A_1854 = arith.addi %add3A_1850, %and3A_1853 : vector<16xi32>
    %swap3A_1855 = arith.constant 752 : index
    %swap3A_1856 = tpu.vector_load %arg6[%swap3A_1855] {strides = array<i32>} : memref<1600xi32, #tpu.memory_space<vmem>>, vector<16xi32>,
    %swap3A_1857 = vector.shape_cast %swap3A_1856 : vector<16xi32> to vector<16xi32>
    %swap3A_1858 = vector.shape_cast %add3A_1854 : vector<16xi32> to vector<16xi32>
    tpu.vector_store %arg6[%swap3A_1855], %swap3A_1858 {strides = array<i32>} : memref<1600xi32, #tpu.memory_space<vmem>>, vector<16xi32>,
    %get3A_1859 = arith.constant 768 : index
    %get3A_1860 = tpu.vector_load %arg5[%get3A_1859] {strides = array<i32>} : memref<1600xi32, #tpu.memory_space<vmem>>, vector<16xi32>,
    %get3A_1861 = vector.shape_cast %get3A_1860 : vector<16xi32> to vector<16xi32>
    %broadcast_in_dim3A_1862 = arith.constant 15 : i32
    %broadcast_in_dim3A_1863 = vector.broadcast %broadcast_in_dim3A_1862 : i32 to vector<16xi32>
    %mul3A_1864 = arith.constant 32 : i32
    %mul3A_1865 = arith.muli %add3A, %mul3A_1864 : i32
    %add3A_1866 = vector.broadcast %mul3A_1865 : i32 to vector<16xi32>
    %add3A_1867 = arith.addi %broadcast_in_dim3A_1863, %add3A_1866 : vector<16xi32>
    %shift_right_arithmetic3A_1868 = arith.constant 3 : i32
    %shift_right_arithmetic3A_1869 = vector.broadcast %shift_right_arithmetic3A_1868 : i32 to vector<16xi32>
    %shift_right_arithmetic3A_1870 = arith.shrsi %get3A_1861, %shift_right_arithmetic3A_1869 : vector<16xi32>
    %mul3A_1871 = arith.constant 8192 : i32
    %mul3A_1872 = vector.broadcast %mul3A_1871 : i32 to vector<16xi32>
    %mul3A_1873 = arith.muli %shift_right_arithmetic3A_1870, %mul3A_1872 : vector<16xi32>
    %shift_right_arithmetic3A_1874 = arith.constant 7 : i32
    %shift_right_arithmetic3A_1875 = vector.broadcast %shift_right_arithmetic3A_1874 : i32 to vector<16xi32>
    %shift_right_arithmetic3A_1876 = arith.shrsi %add3A_1867, %shift_right_arithmetic3A_1875 : vector<16xi32>
    %shift_left3A_1877 = arith.constant 10 : i32
    %shift_left3A_1878 = vector.broadcast %shift_left3A_1877 : i32 to vector<16xi32>
    %shift_left3A_1879 = arith.shli %shift_right_arithmetic3A_1876, %shift_left3A_1878 : vector<16xi32>
    %add3A_1880 = arith.addi %mul3A_1873, %shift_left3A_1879 : vector<16xi32>
    %and3A_1881 = arith.constant 7 : i32
    %and3A_1882 = vector.broadcast %and3A_1881 : i32 to vector<16xi32>
    %and3A_1883 = arith.andi %get3A_1861, %and3A_1882 : vector<16xi32>
    %shift_left3A_1884 = arith.constant 7 : i32
    %shift_left3A_1885 = vector.broadcast %shift_left3A_1884 : i32 to vector<16xi32>
    %shift_left3A_1886 = arith.shli %and3A_1883, %shift_left3A_1885 : vector<16xi32>
    %add3A_1887 = arith.addi %add3A_1880, %shift_left3A_1886 : vector<16xi32>
    %and3A_1888 = arith.constant 127 : i32
    %and3A_1889 = vector.broadcast %and3A_1888 : i32 to vector<16xi32>
    %and3A_1890 = arith.andi %add3A_1867, %and3A_1889 : vector<16xi32>
    %add3A_1891 = arith.addi %add3A_1887, %and3A_1890 : vector<16xi32>
    %swap3A_1892 = arith.constant 768 : index
    %swap3A_1893 = tpu.vector_load %arg6[%swap3A_1892] {strides = array<i32>} : memref<1600xi32, #tpu.memory_space<vmem>>, vector<16xi32>,
    %swap3A_1894 = vector.shape_cast %swap3A_1893 : vector<16xi32> to vector<16xi32>
    %swap3A_1895 = vector.shape_cast %add3A_1891 : vector<16xi32> to vector<16xi32>
    tpu.vector_store %arg6[%swap3A_1892], %swap3A_1895 {strides = array<i32>} : memref<1600xi32, #tpu.memory_space<vmem>>, vector<16xi32>,
    %get3A_1896 = arith.constant 784 : index
    %get3A_1897 = tpu.vector_load %arg5[%get3A_1896] {strides = array<i32>} : memref<1600xi32, #tpu.memory_space<vmem>>, vector<16xi32>,
    %get3A_1898 = vector.shape_cast %get3A_1897 : vector<16xi32> to vector<16xi32>
    %broadcast_in_dim3A_1899 = arith.constant 15 : i32
    %broadcast_in_dim3A_1900 = vector.broadcast %broadcast_in_dim3A_1899 : i32 to vector<16xi32>
    %mul3A_1901 = arith.constant 32 : i32
    %mul3A_1902 = arith.muli %add3A, %mul3A_1901 : i32
    %add3A_1903 = vector.broadcast %mul3A_1902 : i32 to vector<16xi32>
    %add3A_1904 = arith.addi %broadcast_in_dim3A_1900, %add3A_1903 : vector<16xi32>
    %shift_right_arithmetic3A_1905 = arith.constant 3 : i32
    %shift_right_arithmetic3A_1906 = vector.broadcast %shift_right_arithmetic3A_1905 : i32 to vector<16xi32>
    %shift_right_arithmetic3A_1907 = arith.shrsi %get3A_1898, %shift_right_arithmetic3A_1906 : vector<16xi32>
    %mul3A_1908 = arith.constant 8192 : i32
    %mul3A_1909 = vector.broadcast %mul3A_1908 : i32 to vector<16xi32>
    %mul3A_1910 = arith.muli %shift_right_arithmetic3A_1907, %mul3A_1909 : vector<16xi32>
    %shift_right_arithmetic3A_1911 = arith.constant 7 : i32
    %shift_right_arithmetic3A_1912 = vector.broadcast %shift_right_arithmetic3A_1911 : i32 to vector<16xi32>
    %shift_right_arithmetic3A_1913 = arith.shrsi %add3A_1904, %shift_right_arithmetic3A_1912 : vector<16xi32>
    %shift_left3A_1914 = arith.constant 10 : i32
    %shift_left3A_1915 = vector.broadcast %shift_left3A_1914 : i32 to vector<16xi32>
    %shift_left3A_1916 = arith.shli %shift_right_arithmetic3A_1913, %shift_left3A_1915 : vector<16xi32>
    %add3A_1917 = arith.addi %mul3A_1910, %shift_left3A_1916 : vector<16xi32>
    %and3A_1918 = arith.constant 7 : i32
    %and3A_1919 = vector.broadcast %and3A_1918 : i32 to vector<16xi32>
    %and3A_1920 = arith.andi %get3A_1898, %and3A_1919 : vector<16xi32>
    %shift_left3A_1921 = arith.constant 7 : i32
    %shift_left3A_1922 = vector.broadcast %shift_left3A_1921 : i32 to vector<16xi32>
    %shift_left3A_1923 = arith.shli %and3A_1920, %shift_left3A_1922 : vector<16xi32>
    %add3A_1924 = arith.addi %add3A_1917, %shift_left3A_1923 : vector<16xi32>
    %and3A_1925 = arith.constant 127 : i32
    %and3A_1926 = vector.broadcast %and3A_1925 : i32 to vector<16xi32>
    %and3A_1927 = arith.andi %add3A_1904, %and3A_1926 : vector<16xi32>
    %add3A_1928 = arith.addi %add3A_1924, %and3A_1927 : vector<16xi32>
    %swap3A_1929 = arith.constant 784 : index
    %swap3A_1930 = tpu.vector_load %arg6[%swap3A_1929] {strides = array<i32>} : memref<1600xi32, #tpu.memory_space<vmem>>, vector<16xi32>,
    %swap3A_1931 = vector.shape_cast %swap3A_1930 : vector<16xi32> to vector<16xi32>
    %swap3A_1932 = vector.shape_cast %add3A_1928 : vector<16xi32> to vector<16xi32>
    tpu.vector_store %arg6[%swap3A_1929], %swap3A_1932 {strides = array<i32>} : memref<1600xi32, #tpu.memory_space<vmem>>, vector<16xi32>,
    %dma_start3A_1933 = arith.constant 400 : i32
    %dma_start3A_1934 = tpu.memref_slice %arg7[%dma_start3A_1933] : memref<1600xf32, #tpu.memory_space<vmem>> -> memref<400xf32, #tpu.memory_space<vmem>>
    %dma_start3A_1935 = arith.constant 400 : i32
    %dma_start3A_1936 = tpu.memref_slice %arg6[%dma_start3A_1935] : memref<1600xi32, #tpu.memory_space<vmem>> -> memref<400xi32, #tpu.memory_space<vmem>>
    %dma_start3A_1937 = arith.constant 0 : i32
    %dma_start3A_1938 = tpu.memref_slice %arg2[%dma_start3A_1937] : memref<102400000xf32, #tpu.memory_space<hbm>> -> memref<102400000xf32, #tpu.memory_space<hbm>>
    tpu.enqueue_indirect_dma source(%dma_start3A_1938 : memref<102400000xf32, #tpu.memory_space<hbm>>) target(%dma_start3A_1934 : memref<400xf32, #tpu.memory_space<vmem>>) offsets(%dma_start3A_1936 : memref<400xi32, #tpu.memory_space<vmem>>) semaphore(%arg9 : memref<!tpu.dma_semaphore, #tpu.memory_space<semaphore_mem>>)
    %get3A_1939 = arith.constant 800 : index
    %get3A_1940 = tpu.vector_load %arg5[%get3A_1939] {strides = array<i32>} : memref<1600xi32, #tpu.memory_space<vmem>>, vector<16xi32>,
    %get3A_1941 = vector.shape_cast %get3A_1940 : vector<16xi32> to vector<16xi32>
    %broadcast_in_dim3A_1942 = arith.constant 16 : i32
    %broadcast_in_dim3A_1943 = vector.broadcast %broadcast_in_dim3A_1942 : i32 to vector<16xi32>
    %mul3A_1944 = arith.constant 32 : i32
    %mul3A_1945 = arith.muli %add3A, %mul3A_1944 : i32
    %add3A_1946 = vector.broadcast %mul3A_1945 : i32 to vector<16xi32>
    %add3A_1947 = arith.addi %broadcast_in_dim3A_1943, %add3A_1946 : vector<16xi32>
    %shift_right_arithmetic3A_1948 = arith.constant 3 : i32
    %shift_right_arithmetic3A_1949 = vector.broadcast %shift_right_arithmetic3A_1948 : i32 to vector<16xi32>
    %shift_right_arithmetic3A_1950 = arith.shrsi %get3A_1941, %shift_right_arithmetic3A_1949 : vector<16xi32>
    %mul3A_1951 = arith.constant 8192 : i32
    %mul3A_1952 = vector.broadcast %mul3A_1951 : i32 to vector<16xi32>
    %mul3A_1953 = arith.muli %shift_right_arithmetic3A_1950, %mul3A_1952 : vector<16xi32>
    %shift_right_arithmetic3A_1954 = arith.constant 7 : i32
    %shift_right_arithmetic3A_1955 = vector.broadcast %shift_right_arithmetic3A_1954 : i32 to vector<16xi32>
    %shift_right_arithmetic3A_1956 = arith.shrsi %add3A_1947, %shift_right_arithmetic3A_1955 : vector<16xi32>
    %shift_left3A_1957 = arith.constant 10 : i32
    %shift_left3A_1958 = vector.broadcast %shift_left3A_1957 : i32 to vector<16xi32>
    %shift_left3A_1959 = arith.shli %shift_right_arithmetic3A_1956, %shift_left3A_1958 : vector<16xi32>
    %add3A_1960 = arith.addi %mul3A_1953, %shift_left3A_1959 : vector<16xi32>
    %and3A_1961 = arith.constant 7 : i32
    %and3A_1962 = vector.broadcast %and3A_1961 : i32 to vector<16xi32>
    %and3A_1963 = arith.andi %get3A_1941, %and3A_1962 : vector<16xi32>
    %shift_left3A_1964 = arith.constant 7 : i32
    %shift_left3A_1965 = vector.broadcast %shift_left3A_1964 : i32 to vector<16xi32>
    %shift_left3A_1966 = arith.shli %and3A_1963, %shift_left3A_1965 : vector<16xi32>
    %add3A_1967 = arith.addi %add3A_1960, %shift_left3A_1966 : vector<16xi32>
    %and3A_1968 = arith.constant 127 : i32
    %and3A_1969 = vector.broadcast %and3A_1968 : i32 to vector<16xi32>
    %and3A_1970 = arith.andi %add3A_1947, %and3A_1969 : vector<16xi32>
    %add3A_1971 = arith.addi %add3A_1967, %and3A_1970 : vector<16xi32>
    %swap3A_1972 = arith.constant 800 : index
    %swap3A_1973 = tpu.vector_load %arg6[%swap3A_1972] {strides = array<i32>} : memref<1600xi32, #tpu.memory_space<vmem>>, vector<16xi32>,
    %swap3A_1974 = vector.shape_cast %swap3A_1973 : vector<16xi32> to vector<16xi32>
    %swap3A_1975 = vector.shape_cast %add3A_1971 : vector<16xi32> to vector<16xi32>
    tpu.vector_store %arg6[%swap3A_1972], %swap3A_1975 {strides = array<i32>} : memref<1600xi32, #tpu.memory_space<vmem>>, vector<16xi32>,
    %get3A_1976 = arith.constant 816 : index
    %get3A_1977 = tpu.vector_load %arg5[%get3A_1976] {strides = array<i32>} : memref<1600xi32, #tpu.memory_space<vmem>>, vector<16xi32>,
    %get3A_1978 = vector.shape_cast %get3A_1977 : vector<16xi32> to vector<16xi32>
    %broadcast_in_dim3A_1979 = arith.constant 16 : i32
    %broadcast_in_dim3A_1980 = vector.broadcast %broadcast_in_dim3A_1979 : i32 to vector<16xi32>
    %mul3A_1981 = arith.constant 32 : i32
    %mul3A_1982 = arith.muli %add3A, %mul3A_1981 : i32
    %add3A_1983 = vector.broadcast %mul3A_1982 : i32 to vector<16xi32>
    %add3A_1984 = arith.addi %broadcast_in_dim3A_1980, %add3A_1983 : vector<16xi32>
    %shift_right_arithmetic3A_1985 = arith.constant 3 : i32
    %shift_right_arithmetic3A_1986 = vector.broadcast %shift_right_arithmetic3A_1985 : i32 to vector<16xi32>
    %shift_right_arithmetic3A_1987 = arith.shrsi %get3A_1978, %shift_right_arithmetic3A_1986 : vector<16xi32>
    %mul3A_1988 = arith.constant 8192 : i32
    %mul3A_1989 = vector.broadcast %mul3A_1988 : i32 to vector<16xi32>
    %mul3A_1990 = arith.muli %shift_right_arithmetic3A_1987, %mul3A_1989 : vector<16xi32>
    %shift_right_arithmetic3A_1991 = arith.constant 7 : i32
    %shift_right_arithmetic3A_1992 = vector.broadcast %shift_right_arithmetic3A_1991 : i32 to vector<16xi32>
    %shift_right_arithmetic3A_1993 = arith.shrsi %add3A_1984, %shift_right_arithmetic3A_1992 : vector<16xi32>
    %shift_left3A_1994 = arith.constant 10 : i32
    %shift_left3A_1995 = vector.broadcast %shift_left3A_1994 : i32 to vector<16xi32>
    %shift_left3A_1996 = arith.shli %shift_right_arithmetic3A_1993, %shift_left3A_1995 : vector<16xi32>
    %add3A_1997 = arith.addi %mul3A_1990, %shift_left3A_1996 : vector<16xi32>
    %and3A_1998 = arith.constant 7 : i32
    %and3A_1999 = vector.broadcast %and3A_1998 : i32 to vector<16xi32>
    %and3A_2000 = arith.andi %get3A_1978, %and3A_1999 : vector<16xi32>
    %shift_left3A_2001 = arith.constant 7 : i32
    %shift_left3A_2002 = vector.broadcast %shift_left3A_2001 : i32 to vector<16xi32>
    %shift_left3A_2003 = arith.shli %and3A_2000, %shift_left3A_2002 : vector<16xi32>
    %add3A_2004 = arith.addi %add3A_1997, %shift_left3A_2003 : vector<16xi32>
    %and3A_2005 = arith.constant 127 : i32
    %and3A_2006 = vector.broadcast %and3A_2005 : i32 to vector<16xi32>
    %and3A_2007 = arith.andi %add3A_1984, %and3A_2006 : vector<16xi32>
    %add3A_2008 = arith.addi %add3A_2004, %and3A_2007 : vector<16xi32>
    %swap3A_2009 = arith.constant 816 : index
    %swap3A_2010 = tpu.vector_load %arg6[%swap3A_2009] {strides = array<i32>} : memref<1600xi32, #tpu.memory_space<vmem>>, vector<16xi32>,
    %swap3A_2011 = vector.shape_cast %swap3A_2010 : vector<16xi32> to vector<16xi32>
    %swap3A_2012 = vector.shape_cast %add3A_2008 : vector<16xi32> to vector<16xi32>
    tpu.vector_store %arg6[%swap3A_2009], %swap3A_2012 {strides = array<i32>} : memref<1600xi32, #tpu.memory_space<vmem>>, vector<16xi32>,
    %get3A_2013 = arith.constant 832 : index
    %get3A_2014 = tpu.vector_load %arg5[%get3A_2013] {strides = array<i32>} : memref<1600xi32, #tpu.memory_space<vmem>>, vector<16xi32>,
    %get3A_2015 = vector.shape_cast %get3A_2014 : vector<16xi32> to vector<16xi32>
    %broadcast_in_dim3A_2016 = arith.constant 16 : i32
    %broadcast_in_dim3A_2017 = vector.broadcast %broadcast_in_dim3A_2016 : i32 to vector<16xi32>
    %mul3A_2018 = arith.constant 32 : i32
    %mul3A_2019 = arith.muli %add3A, %mul3A_2018 : i32
    %add3A_2020 = vector.broadcast %mul3A_2019 : i32 to vector<16xi32>
    %add3A_2021 = arith.addi %broadcast_in_dim3A_2017, %add3A_2020 : vector<16xi32>
    %shift_right_arithmetic3A_2022 = arith.constant 3 : i32
    %shift_right_arithmetic3A_2023 = vector.broadcast %shift_right_arithmetic3A_2022 : i32 to vector<16xi32>
    %shift_right_arithmetic3A_2024 = arith.shrsi %get3A_2015, %shift_right_arithmetic3A_2023 : vector<16xi32>
    %mul3A_2025 = arith.constant 8192 : i32
    %mul3A_2026 = vector.broadcast %mul3A_2025 : i32 to vector<16xi32>
    %mul3A_2027 = arith.muli %shift_right_arithmetic3A_2024, %mul3A_2026 : vector<16xi32>
    %shift_right_arithmetic3A_2028 = arith.constant 7 : i32
    %shift_right_arithmetic3A_2029 = vector.broadcast %shift_right_arithmetic3A_2028 : i32 to vector<16xi32>
    %shift_right_arithmetic3A_2030 = arith.shrsi %add3A_2021, %shift_right_arithmetic3A_2029 : vector<16xi32>
    %shift_left3A_2031 = arith.constant 10 : i32
    %shift_left3A_2032 = vector.broadcast %shift_left3A_2031 : i32 to vector<16xi32>
    %shift_left3A_2033 = arith.shli %shift_right_arithmetic3A_2030, %shift_left3A_2032 : vector<16xi32>
    %add3A_2034 = arith.addi %mul3A_2027, %shift_left3A_2033 : vector<16xi32>
    %and3A_2035 = arith.constant 7 : i32
    %and3A_2036 = vector.broadcast %and3A_2035 : i32 to vector<16xi32>
    %and3A_2037 = arith.andi %get3A_2015, %and3A_2036 : vector<16xi32>
    %shift_left3A_2038 = arith.constant 7 : i32
    %shift_left3A_2039 = vector.broadcast %shift_left3A_2038 : i32 to vector<16xi32>
    %shift_left3A_2040 = arith.shli %and3A_2037, %shift_left3A_2039 : vector<16xi32>
    %add3A_2041 = arith.addi %add3A_2034, %shift_left3A_2040 : vector<16xi32>
    %and3A_2042 = arith.constant 127 : i32
    %and3A_2043 = vector.broadcast %and3A_2042 : i32 to vector<16xi32>
    %and3A_2044 = arith.andi %add3A_2021, %and3A_2043 : vector<16xi32>
    %add3A_2045 = arith.addi %add3A_2041, %and3A_2044 : vector<16xi32>
    %swap3A_2046 = arith.constant 832 : index
    %swap3A_2047 = tpu.vector_load %arg6[%swap3A_2046] {strides = array<i32>} : memref<1600xi32, #tpu.memory_space<vmem>>, vector<16xi32>,
    %swap3A_2048 = vector.shape_cast %swap3A_2047 : vector<16xi32> to vector<16xi32>
    %swap3A_2049 = vector.shape_cast %add3A_2045 : vector<16xi32> to vector<16xi32>
    tpu.vector_store %arg6[%swap3A_2046], %swap3A_2049 {strides = array<i32>} : memref<1600xi32, #tpu.memory_space<vmem>>, vector<16xi32>,
    %get3A_2050 = arith.constant 848 : index
    %get3A_2051 = tpu.vector_load %arg5[%get3A_2050] {strides = array<i32>} : memref<1600xi32, #tpu.memory_space<vmem>>, vector<16xi32>,
    %get3A_2052 = vector.shape_cast %get3A_2051 : vector<16xi32> to vector<16xi32>
    %ge3A_2053 = arith.constant 2 : i32
    %ge3A_2054 = vector.broadcast %ge3A_2053 : i32 to vector<16xi32>
    %ge3A_2055 = arith.cmpi sge, %iota3A, %ge3A_2054 : vector<16xi32>
    %jit3A_2056 = arith.constant 17 : i32
    %jit3A_2057 = arith.constant 16 : i32
    %broadcast_in_dim3A_2058 = vector.broadcast %jit3A_2056 : i32 to vector<16xi32>
    %broadcast_in_dim3A_2059 = vector.broadcast %jit3A_2057 : i32 to vector<16xi32>
    %select_n3A_2060 = arith.select %ge3A_2055, %broadcast_in_dim3A_2058, %broadcast_in_dim3A_2059 : vector<16xi1>, vector<16xi32>
    %mul3A_2061 = arith.constant 32 : i32
    %mul3A_2062 = arith.muli %add3A, %mul3A_2061 : i32
    %add3A_2063 = vector.broadcast %mul3A_2062 : i32 to vector<16xi32>
    %add3A_2064 = arith.addi %select_n3A_2060, %add3A_2063 : vector<16xi32>
    %shift_right_arithmetic3A_2065 = arith.constant 3 : i32
    %shift_right_arithmetic3A_2066 = vector.broadcast %shift_right_arithmetic3A_2065 : i32 to vector<16xi32>
    %shift_right_arithmetic3A_2067 = arith.shrsi %get3A_2052, %shift_right_arithmetic3A_2066 : vector<16xi32>
    %mul3A_2068 = arith.constant 8192 : i32
    %mul3A_2069 = vector.broadcast %mul3A_2068 : i32 to vector<16xi32>
    %mul3A_2070 = arith.muli %shift_right_arithmetic3A_2067, %mul3A_2069 : vector<16xi32>
    %shift_right_arithmetic3A_2071 = arith.constant 7 : i32
    %shift_right_arithmetic3A_2072 = vector.broadcast %shift_right_arithmetic3A_2071 : i32 to vector<16xi32>
    %shift_right_arithmetic3A_2073 = arith.shrsi %add3A_2064, %shift_right_arithmetic3A_2072 : vector<16xi32>
    %shift_left3A_2074 = arith.constant 10 : i32
    %shift_left3A_2075 = vector.broadcast %shift_left3A_2074 : i32 to vector<16xi32>
    %shift_left3A_2076 = arith.shli %shift_right_arithmetic3A_2073, %shift_left3A_2075 : vector<16xi32>
    %add3A_2077 = arith.addi %mul3A_2070, %shift_left3A_2076 : vector<16xi32>
    %and3A_2078 = arith.constant 7 : i32
    %and3A_2079 = vector.broadcast %and3A_2078 : i32 to vector<16xi32>
    %and3A_2080 = arith.andi %get3A_2052, %and3A_2079 : vector<16xi32>
    %shift_left3A_2081 = arith.constant 7 : i32
    %shift_left3A_2082 = vector.broadcast %shift_left3A_2081 : i32 to vector<16xi32>
    %shift_left3A_2083 = arith.shli %and3A_2080, %shift_left3A_2082 : vector<16xi32>
    %add3A_2084 = arith.addi %add3A_2077, %shift_left3A_2083 : vector<16xi32>
    %and3A_2085 = arith.constant 127 : i32
    %and3A_2086 = vector.broadcast %and3A_2085 : i32 to vector<16xi32>
    %and3A_2087 = arith.andi %add3A_2064, %and3A_2086 : vector<16xi32>
    %add3A_2088 = arith.addi %add3A_2084, %and3A_2087 : vector<16xi32>
    %swap3A_2089 = arith.constant 848 : index
    %swap3A_2090 = tpu.vector_load %arg6[%swap3A_2089] {strides = array<i32>} : memref<1600xi32, #tpu.memory_space<vmem>>, vector<16xi32>,
    %swap3A_2091 = vector.shape_cast %swap3A_2090 : vector<16xi32> to vector<16xi32>
    %swap3A_2092 = vector.shape_cast %add3A_2088 : vector<16xi32> to vector<16xi32>
    tpu.vector_store %arg6[%swap3A_2089], %swap3A_2092 {strides = array<i32>} : memref<1600xi32, #tpu.memory_space<vmem>>, vector<16xi32>,
    %get3A_2093 = arith.constant 864 : index
    %get3A_2094 = tpu.vector_load %arg5[%get3A_2093] {strides = array<i32>} : memref<1600xi32, #tpu.memory_space<vmem>>, vector<16xi32>,
    %get3A_2095 = vector.shape_cast %get3A_2094 : vector<16xi32> to vector<16xi32>
    %broadcast_in_dim3A_2096 = arith.constant 17 : i32
    %broadcast_in_dim3A_2097 = vector.broadcast %broadcast_in_dim3A_2096 : i32 to vector<16xi32>
    %mul3A_2098 = arith.constant 32 : i32
    %mul3A_2099 = arith.muli %add3A, %mul3A_2098 : i32
    %add3A_2100 = vector.broadcast %mul3A_2099 : i32 to vector<16xi32>
    %add3A_2101 = arith.addi %broadcast_in_dim3A_2097, %add3A_2100 : vector<16xi32>
    %shift_right_arithmetic3A_2102 = arith.constant 3 : i32
    %shift_right_arithmetic3A_2103 = vector.broadcast %shift_right_arithmetic3A_2102 : i32 to vector<16xi32>
    %shift_right_arithmetic3A_2104 = arith.shrsi %get3A_2095, %shift_right_arithmetic3A_2103 : vector<16xi32>
    %mul3A_2105 = arith.constant 8192 : i32
    %mul3A_2106 = vector.broadcast %mul3A_2105 : i32 to vector<16xi32>
    %mul3A_2107 = arith.muli %shift_right_arithmetic3A_2104, %mul3A_2106 : vector<16xi32>
    %shift_right_arithmetic3A_2108 = arith.constant 7 : i32
    %shift_right_arithmetic3A_2109 = vector.broadcast %shift_right_arithmetic3A_2108 : i32 to vector<16xi32>
    %shift_right_arithmetic3A_2110 = arith.shrsi %add3A_2101, %shift_right_arithmetic3A_2109 : vector<16xi32>
    %shift_left3A_2111 = arith.constant 10 : i32
    %shift_left3A_2112 = vector.broadcast %shift_left3A_2111 : i32 to vector<16xi32>
    %shift_left3A_2113 = arith.shli %shift_right_arithmetic3A_2110, %shift_left3A_2112 : vector<16xi32>
    %add3A_2114 = arith.addi %mul3A_2107, %shift_left3A_2113 : vector<16xi32>
    %and3A_2115 = arith.constant 7 : i32
    %and3A_2116 = vector.broadcast %and3A_2115 : i32 to vector<16xi32>
    %and3A_2117 = arith.andi %get3A_2095, %and3A_2116 : vector<16xi32>
    %shift_left3A_2118 = arith.constant 7 : i32
    %shift_left3A_2119 = vector.broadcast %shift_left3A_2118 : i32 to vector<16xi32>
    %shift_left3A_2120 = arith.shli %and3A_2117, %shift_left3A_2119 : vector<16xi32>
    %add3A_2121 = arith.addi %add3A_2114, %shift_left3A_2120 : vector<16xi32>
    %and3A_2122 = arith.constant 127 : i32
    %and3A_2123 = vector.broadcast %and3A_2122 : i32 to vector<16xi32>
    %and3A_2124 = arith.andi %add3A_2101, %and3A_2123 : vector<16xi32>
    %add3A_2125 = arith.addi %add3A_2121, %and3A_2124 : vector<16xi32>
    %swap3A_2126 = arith.constant 864 : index
    %swap3A_2127 = tpu.vector_load %arg6[%swap3A_2126] {strides = array<i32>} : memref<1600xi32, #tpu.memory_space<vmem>>, vector<16xi32>,
    %swap3A_2128 = vector.shape_cast %swap3A_2127 : vector<16xi32> to vector<16xi32>
    %swap3A_2129 = vector.shape_cast %add3A_2125 : vector<16xi32> to vector<16xi32>
    tpu.vector_store %arg6[%swap3A_2126], %swap3A_2129 {strides = array<i32>} : memref<1600xi32, #tpu.memory_space<vmem>>, vector<16xi32>,
    %get3A_2130 = arith.constant 880 : index
    %get3A_2131 = tpu.vector_load %arg5[%get3A_2130] {strides = array<i32>} : memref<1600xi32, #tpu.memory_space<vmem>>, vector<16xi32>,
    %get3A_2132 = vector.shape_cast %get3A_2131 : vector<16xi32> to vector<16xi32>
    %broadcast_in_dim3A_2133 = arith.constant 17 : i32
    %broadcast_in_dim3A_2134 = vector.broadcast %broadcast_in_dim3A_2133 : i32 to vector<16xi32>
    %mul3A_2135 = arith.constant 32 : i32
    %mul3A_2136 = arith.muli %add3A, %mul3A_2135 : i32
    %add3A_2137 = vector.broadcast %mul3A_2136 : i32 to vector<16xi32>
    %add3A_2138 = arith.addi %broadcast_in_dim3A_2134, %add3A_2137 : vector<16xi32>
    %shift_right_arithmetic3A_2139 = arith.constant 3 : i32
    %shift_right_arithmetic3A_2140 = vector.broadcast %shift_right_arithmetic3A_2139 : i32 to vector<16xi32>
    %shift_right_arithmetic3A_2141 = arith.shrsi %get3A_2132, %shift_right_arithmetic3A_2140 : vector<16xi32>
    %mul3A_2142 = arith.constant 8192 : i32
    %mul3A_2143 = vector.broadcast %mul3A_2142 : i32 to vector<16xi32>
    %mul3A_2144 = arith.muli %shift_right_arithmetic3A_2141, %mul3A_2143 : vector<16xi32>
    %shift_right_arithmetic3A_2145 = arith.constant 7 : i32
    %shift_right_arithmetic3A_2146 = vector.broadcast %shift_right_arithmetic3A_2145 : i32 to vector<16xi32>
    %shift_right_arithmetic3A_2147 = arith.shrsi %add3A_2138, %shift_right_arithmetic3A_2146 : vector<16xi32>
    %shift_left3A_2148 = arith.constant 10 : i32
    %shift_left3A_2149 = vector.broadcast %shift_left3A_2148 : i32 to vector<16xi32>
    %shift_left3A_2150 = arith.shli %shift_right_arithmetic3A_2147, %shift_left3A_2149 : vector<16xi32>
    %add3A_2151 = arith.addi %mul3A_2144, %shift_left3A_2150 : vector<16xi32>
    %and3A_2152 = arith.constant 7 : i32
    %and3A_2153 = vector.broadcast %and3A_2152 : i32 to vector<16xi32>
    %and3A_2154 = arith.andi %get3A_2132, %and3A_2153 : vector<16xi32>
    %shift_left3A_2155 = arith.constant 7 : i32
    %shift_left3A_2156 = vector.broadcast %shift_left3A_2155 : i32 to vector<16xi32>
    %shift_left3A_2157 = arith.shli %and3A_2154, %shift_left3A_2156 : vector<16xi32>
    %add3A_2158 = arith.addi %add3A_2151, %shift_left3A_2157 : vector<16xi32>
    %and3A_2159 = arith.constant 127 : i32
    %and3A_2160 = vector.broadcast %and3A_2159 : i32 to vector<16xi32>
    %and3A_2161 = arith.andi %add3A_2138, %and3A_2160 : vector<16xi32>
    %add3A_2162 = arith.addi %add3A_2158, %and3A_2161 : vector<16xi32>
    %swap3A_2163 = arith.constant 880 : index
    %swap3A_2164 = tpu.vector_load %arg6[%swap3A_2163] {strides = array<i32>} : memref<1600xi32, #tpu.memory_space<vmem>>, vector<16xi32>,
    %swap3A_2165 = vector.shape_cast %swap3A_2164 : vector<16xi32> to vector<16xi32>
    %swap3A_2166 = vector.shape_cast %add3A_2162 : vector<16xi32> to vector<16xi32>
    tpu.vector_store %arg6[%swap3A_2163], %swap3A_2166 {strides = array<i32>} : memref<1600xi32, #tpu.memory_space<vmem>>, vector<16xi32>,
    %get3A_2167 = arith.constant 896 : index
    %get3A_2168 = tpu.vector_load %arg5[%get3A_2167] {strides = array<i32>} : memref<1600xi32, #tpu.memory_space<vmem>>, vector<16xi32>,
    %get3A_2169 = vector.shape_cast %get3A_2168 : vector<16xi32> to vector<16xi32>
    %ge3A_2170 = arith.constant 4 : i32
    %ge3A_2171 = vector.broadcast %ge3A_2170 : i32 to vector<16xi32>
    %ge3A_2172 = arith.cmpi sge, %iota3A, %ge3A_2171 : vector<16xi32>
    %jit3A_2173 = arith.constant 18 : i32
    %jit3A_2174 = arith.constant 17 : i32
    %broadcast_in_dim3A_2175 = vector.broadcast %jit3A_2173 : i32 to vector<16xi32>
    %broadcast_in_dim3A_2176 = vector.broadcast %jit3A_2174 : i32 to vector<16xi32>
    %select_n3A_2177 = arith.select %ge3A_2172, %broadcast_in_dim3A_2175, %broadcast_in_dim3A_2176 : vector<16xi1>, vector<16xi32>
    %mul3A_2178 = arith.constant 32 : i32
    %mul3A_2179 = arith.muli %add3A, %mul3A_2178 : i32
    %add3A_2180 = vector.broadcast %mul3A_2179 : i32 to vector<16xi32>
    %add3A_2181 = arith.addi %select_n3A_2177, %add3A_2180 : vector<16xi32>
    %shift_right_arithmetic3A_2182 = arith.constant 3 : i32
    %shift_right_arithmetic3A_2183 = vector.broadcast %shift_right_arithmetic3A_2182 : i32 to vector<16xi32>
    %shift_right_arithmetic3A_2184 = arith.shrsi %get3A_2169, %shift_right_arithmetic3A_2183 : vector<16xi32>
    %mul3A_2185 = arith.constant 8192 : i32
    %mul3A_2186 = vector.broadcast %mul3A_2185 : i32 to vector<16xi32>
    %mul3A_2187 = arith.muli %shift_right_arithmetic3A_2184, %mul3A_2186 : vector<16xi32>
    %shift_right_arithmetic3A_2188 = arith.constant 7 : i32
    %shift_right_arithmetic3A_2189 = vector.broadcast %shift_right_arithmetic3A_2188 : i32 to vector<16xi32>
    %shift_right_arithmetic3A_2190 = arith.shrsi %add3A_2181, %shift_right_arithmetic3A_2189 : vector<16xi32>
    %shift_left3A_2191 = arith.constant 10 : i32
    %shift_left3A_2192 = vector.broadcast %shift_left3A_2191 : i32 to vector<16xi32>
    %shift_left3A_2193 = arith.shli %shift_right_arithmetic3A_2190, %shift_left3A_2192 : vector<16xi32>
    %add3A_2194 = arith.addi %mul3A_2187, %shift_left3A_2193 : vector<16xi32>
    %and3A_2195 = arith.constant 7 : i32
    %and3A_2196 = vector.broadcast %and3A_2195 : i32 to vector<16xi32>
    %and3A_2197 = arith.andi %get3A_2169, %and3A_2196 : vector<16xi32>
    %shift_left3A_2198 = arith.constant 7 : i32
    %shift_left3A_2199 = vector.broadcast %shift_left3A_2198 : i32 to vector<16xi32>
    %shift_left3A_2200 = arith.shli %and3A_2197, %shift_left3A_2199 : vector<16xi32>
    %add3A_2201 = arith.addi %add3A_2194, %shift_left3A_2200 : vector<16xi32>
    %and3A_2202 = arith.constant 127 : i32
    %and3A_2203 = vector.broadcast %and3A_2202 : i32 to vector<16xi32>
    %and3A_2204 = arith.andi %add3A_2181, %and3A_2203 : vector<16xi32>
    %add3A_2205 = arith.addi %add3A_2201, %and3A_2204 : vector<16xi32>
    %swap3A_2206 = arith.constant 896 : index
    %swap3A_2207 = tpu.vector_load %arg6[%swap3A_2206] {strides = array<i32>} : memref<1600xi32, #tpu.memory_space<vmem>>, vector<16xi32>,
    %swap3A_2208 = vector.shape_cast %swap3A_2207 : vector<16xi32> to vector<16xi32>
    %swap3A_2209 = vector.shape_cast %add3A_2205 : vector<16xi32> to vector<16xi32>
    tpu.vector_store %arg6[%swap3A_2206], %swap3A_2209 {strides = array<i32>} : memref<1600xi32, #tpu.memory_space<vmem>>, vector<16xi32>,
    %get3A_2210 = arith.constant 912 : index
    %get3A_2211 = tpu.vector_load %arg5[%get3A_2210] {strides = array<i32>} : memref<1600xi32, #tpu.memory_space<vmem>>, vector<16xi32>,
    %get3A_2212 = vector.shape_cast %get3A_2211 : vector<16xi32> to vector<16xi32>
    %broadcast_in_dim3A_2213 = arith.constant 18 : i32
    %broadcast_in_dim3A_2214 = vector.broadcast %broadcast_in_dim3A_2213 : i32 to vector<16xi32>
    %mul3A_2215 = arith.constant 32 : i32
    %mul3A_2216 = arith.muli %add3A, %mul3A_2215 : i32
    %add3A_2217 = vector.broadcast %mul3A_2216 : i32 to vector<16xi32>
    %add3A_2218 = arith.addi %broadcast_in_dim3A_2214, %add3A_2217 : vector<16xi32>
    %shift_right_arithmetic3A_2219 = arith.constant 3 : i32
    %shift_right_arithmetic3A_2220 = vector.broadcast %shift_right_arithmetic3A_2219 : i32 to vector<16xi32>
    %shift_right_arithmetic3A_2221 = arith.shrsi %get3A_2212, %shift_right_arithmetic3A_2220 : vector<16xi32>
    %mul3A_2222 = arith.constant 8192 : i32
    %mul3A_2223 = vector.broadcast %mul3A_2222 : i32 to vector<16xi32>
    %mul3A_2224 = arith.muli %shift_right_arithmetic3A_2221, %mul3A_2223 : vector<16xi32>
    %shift_right_arithmetic3A_2225 = arith.constant 7 : i32
    %shift_right_arithmetic3A_2226 = vector.broadcast %shift_right_arithmetic3A_2225 : i32 to vector<16xi32>
    %shift_right_arithmetic3A_2227 = arith.shrsi %add3A_2218, %shift_right_arithmetic3A_2226 : vector<16xi32>
    %shift_left3A_2228 = arith.constant 10 : i32
    %shift_left3A_2229 = vector.broadcast %shift_left3A_2228 : i32 to vector<16xi32>
    %shift_left3A_2230 = arith.shli %shift_right_arithmetic3A_2227, %shift_left3A_2229 : vector<16xi32>
    %add3A_2231 = arith.addi %mul3A_2224, %shift_left3A_2230 : vector<16xi32>
    %and3A_2232 = arith.constant 7 : i32
    %and3A_2233 = vector.broadcast %and3A_2232 : i32 to vector<16xi32>
    %and3A_2234 = arith.andi %get3A_2212, %and3A_2233 : vector<16xi32>
    %shift_left3A_2235 = arith.constant 7 : i32
    %shift_left3A_2236 = vector.broadcast %shift_left3A_2235 : i32 to vector<16xi32>
    %shift_left3A_2237 = arith.shli %and3A_2234, %shift_left3A_2236 : vector<16xi32>
    %add3A_2238 = arith.addi %add3A_2231, %shift_left3A_2237 : vector<16xi32>
    %and3A_2239 = arith.constant 127 : i32
    %and3A_2240 = vector.broadcast %and3A_2239 : i32 to vector<16xi32>
    %and3A_2241 = arith.andi %add3A_2218, %and3A_2240 : vector<16xi32>
    %add3A_2242 = arith.addi %add3A_2238, %and3A_2241 : vector<16xi32>
    %swap3A_2243 = arith.constant 912 : index
    %swap3A_2244 = tpu.vector_load %arg6[%swap3A_2243] {strides = array<i32>} : memref<1600xi32, #tpu.memory_space<vmem>>, vector<16xi32>,
    %swap3A_2245 = vector.shape_cast %swap3A_2244 : vector<16xi32> to vector<16xi32>
    %swap3A_2246 = vector.shape_cast %add3A_2242 : vector<16xi32> to vector<16xi32>
    tpu.vector_store %arg6[%swap3A_2243], %swap3A_2246 {strides = array<i32>} : memref<1600xi32, #tpu.memory_space<vmem>>, vector<16xi32>,
    %get3A_2247 = arith.constant 928 : index
    %get3A_2248 = tpu.vector_load %arg5[%get3A_2247] {strides = array<i32>} : memref<1600xi32, #tpu.memory_space<vmem>>, vector<16xi32>,
    %get3A_2249 = vector.shape_cast %get3A_2248 : vector<16xi32> to vector<16xi32>
    %broadcast_in_dim3A_2250 = arith.constant 18 : i32
    %broadcast_in_dim3A_2251 = vector.broadcast %broadcast_in_dim3A_2250 : i32 to vector<16xi32>
    %mul3A_2252 = arith.constant 32 : i32
    %mul3A_2253 = arith.muli %add3A, %mul3A_2252 : i32
    %add3A_2254 = vector.broadcast %mul3A_2253 : i32 to vector<16xi32>
    %add3A_2255 = arith.addi %broadcast_in_dim3A_2251, %add3A_2254 : vector<16xi32>
    %shift_right_arithmetic3A_2256 = arith.constant 3 : i32
    %shift_right_arithmetic3A_2257 = vector.broadcast %shift_right_arithmetic3A_2256 : i32 to vector<16xi32>
    %shift_right_arithmetic3A_2258 = arith.shrsi %get3A_2249, %shift_right_arithmetic3A_2257 : vector<16xi32>
    %mul3A_2259 = arith.constant 8192 : i32
    %mul3A_2260 = vector.broadcast %mul3A_2259 : i32 to vector<16xi32>
    %mul3A_2261 = arith.muli %shift_right_arithmetic3A_2258, %mul3A_2260 : vector<16xi32>
    %shift_right_arithmetic3A_2262 = arith.constant 7 : i32
    %shift_right_arithmetic3A_2263 = vector.broadcast %shift_right_arithmetic3A_2262 : i32 to vector<16xi32>
    %shift_right_arithmetic3A_2264 = arith.shrsi %add3A_2255, %shift_right_arithmetic3A_2263 : vector<16xi32>
    %shift_left3A_2265 = arith.constant 10 : i32
    %shift_left3A_2266 = vector.broadcast %shift_left3A_2265 : i32 to vector<16xi32>
    %shift_left3A_2267 = arith.shli %shift_right_arithmetic3A_2264, %shift_left3A_2266 : vector<16xi32>
    %add3A_2268 = arith.addi %mul3A_2261, %shift_left3A_2267 : vector<16xi32>
    %and3A_2269 = arith.constant 7 : i32
    %and3A_2270 = vector.broadcast %and3A_2269 : i32 to vector<16xi32>
    %and3A_2271 = arith.andi %get3A_2249, %and3A_2270 : vector<16xi32>
    %shift_left3A_2272 = arith.constant 7 : i32
    %shift_left3A_2273 = vector.broadcast %shift_left3A_2272 : i32 to vector<16xi32>
    %shift_left3A_2274 = arith.shli %and3A_2271, %shift_left3A_2273 : vector<16xi32>
    %add3A_2275 = arith.addi %add3A_2268, %shift_left3A_2274 : vector<16xi32>
    %and3A_2276 = arith.constant 127 : i32
    %and3A_2277 = vector.broadcast %and3A_2276 : i32 to vector<16xi32>
    %and3A_2278 = arith.andi %add3A_2255, %and3A_2277 : vector<16xi32>
    %add3A_2279 = arith.addi %add3A_2275, %and3A_2278 : vector<16xi32>
    %swap3A_2280 = arith.constant 928 : index
    %swap3A_2281 = tpu.vector_load %arg6[%swap3A_2280] {strides = array<i32>} : memref<1600xi32, #tpu.memory_space<vmem>>, vector<16xi32>,
    %swap3A_2282 = vector.shape_cast %swap3A_2281 : vector<16xi32> to vector<16xi32>
    %swap3A_2283 = vector.shape_cast %add3A_2279 : vector<16xi32> to vector<16xi32>
    tpu.vector_store %arg6[%swap3A_2280], %swap3A_2283 {strides = array<i32>} : memref<1600xi32, #tpu.memory_space<vmem>>, vector<16xi32>,
    %get3A_2284 = arith.constant 944 : index
    %get3A_2285 = tpu.vector_load %arg5[%get3A_2284] {strides = array<i32>} : memref<1600xi32, #tpu.memory_space<vmem>>, vector<16xi32>,
    %get3A_2286 = vector.shape_cast %get3A_2285 : vector<16xi32> to vector<16xi32>
    %ge3A_2287 = arith.constant 6 : i32
    %ge3A_2288 = vector.broadcast %ge3A_2287 : i32 to vector<16xi32>
    %ge3A_2289 = arith.cmpi sge, %iota3A, %ge3A_2288 : vector<16xi32>
    %jit3A_2290 = arith.constant 19 : i32
    %jit3A_2291 = arith.constant 18 : i32
    %broadcast_in_dim3A_2292 = vector.broadcast %jit3A_2290 : i32 to vector<16xi32>
    %broadcast_in_dim3A_2293 = vector.broadcast %jit3A_2291 : i32 to vector<16xi32>
    %select_n3A_2294 = arith.select %ge3A_2289, %broadcast_in_dim3A_2292, %broadcast_in_dim3A_2293 : vector<16xi1>, vector<16xi32>
    %mul3A_2295 = arith.constant 32 : i32
    %mul3A_2296 = arith.muli %add3A, %mul3A_2295 : i32
    %add3A_2297 = vector.broadcast %mul3A_2296 : i32 to vector<16xi32>
    %add3A_2298 = arith.addi %select_n3A_2294, %add3A_2297 : vector<16xi32>
    %shift_right_arithmetic3A_2299 = arith.constant 3 : i32
    %shift_right_arithmetic3A_2300 = vector.broadcast %shift_right_arithmetic3A_2299 : i32 to vector<16xi32>
    %shift_right_arithmetic3A_2301 = arith.shrsi %get3A_2286, %shift_right_arithmetic3A_2300 : vector<16xi32>
    %mul3A_2302 = arith.constant 8192 : i32
    %mul3A_2303 = vector.broadcast %mul3A_2302 : i32 to vector<16xi32>
    %mul3A_2304 = arith.muli %shift_right_arithmetic3A_2301, %mul3A_2303 : vector<16xi32>
    %shift_right_arithmetic3A_2305 = arith.constant 7 : i32
    %shift_right_arithmetic3A_2306 = vector.broadcast %shift_right_arithmetic3A_2305 : i32 to vector<16xi32>
    %shift_right_arithmetic3A_2307 = arith.shrsi %add3A_2298, %shift_right_arithmetic3A_2306 : vector<16xi32>
    %shift_left3A_2308 = arith.constant 10 : i32
    %shift_left3A_2309 = vector.broadcast %shift_left3A_2308 : i32 to vector<16xi32>
    %shift_left3A_2310 = arith.shli %shift_right_arithmetic3A_2307, %shift_left3A_2309 : vector<16xi32>
    %add3A_2311 = arith.addi %mul3A_2304, %shift_left3A_2310 : vector<16xi32>
    %and3A_2312 = arith.constant 7 : i32
    %and3A_2313 = vector.broadcast %and3A_2312 : i32 to vector<16xi32>
    %and3A_2314 = arith.andi %get3A_2286, %and3A_2313 : vector<16xi32>
    %shift_left3A_2315 = arith.constant 7 : i32
    %shift_left3A_2316 = vector.broadcast %shift_left3A_2315 : i32 to vector<16xi32>
    %shift_left3A_2317 = arith.shli %and3A_2314, %shift_left3A_2316 : vector<16xi32>
    %add3A_2318 = arith.addi %add3A_2311, %shift_left3A_2317 : vector<16xi32>
    %and3A_2319 = arith.constant 127 : i32
    %and3A_2320 = vector.broadcast %and3A_2319 : i32 to vector<16xi32>
    %and3A_2321 = arith.andi %add3A_2298, %and3A_2320 : vector<16xi32>
    %add3A_2322 = arith.addi %add3A_2318, %and3A_2321 : vector<16xi32>
    %swap3A_2323 = arith.constant 944 : index
    %swap3A_2324 = tpu.vector_load %arg6[%swap3A_2323] {strides = array<i32>} : memref<1600xi32, #tpu.memory_space<vmem>>, vector<16xi32>,
    %swap3A_2325 = vector.shape_cast %swap3A_2324 : vector<16xi32> to vector<16xi32>
    %swap3A_2326 = vector.shape_cast %add3A_2322 : vector<16xi32> to vector<16xi32>
    tpu.vector_store %arg6[%swap3A_2323], %swap3A_2326 {strides = array<i32>} : memref<1600xi32, #tpu.memory_space<vmem>>, vector<16xi32>,
    %get3A_2327 = arith.constant 960 : index
    %get3A_2328 = tpu.vector_load %arg5[%get3A_2327] {strides = array<i32>} : memref<1600xi32, #tpu.memory_space<vmem>>, vector<16xi32>,
    %get3A_2329 = vector.shape_cast %get3A_2328 : vector<16xi32> to vector<16xi32>
    %broadcast_in_dim3A_2330 = arith.constant 19 : i32
    %broadcast_in_dim3A_2331 = vector.broadcast %broadcast_in_dim3A_2330 : i32 to vector<16xi32>
    %mul3A_2332 = arith.constant 32 : i32
    %mul3A_2333 = arith.muli %add3A, %mul3A_2332 : i32
    %add3A_2334 = vector.broadcast %mul3A_2333 : i32 to vector<16xi32>
    %add3A_2335 = arith.addi %broadcast_in_dim3A_2331, %add3A_2334 : vector<16xi32>
    %shift_right_arithmetic3A_2336 = arith.constant 3 : i32
    %shift_right_arithmetic3A_2337 = vector.broadcast %shift_right_arithmetic3A_2336 : i32 to vector<16xi32>
    %shift_right_arithmetic3A_2338 = arith.shrsi %get3A_2329, %shift_right_arithmetic3A_2337 : vector<16xi32>
    %mul3A_2339 = arith.constant 8192 : i32
    %mul3A_2340 = vector.broadcast %mul3A_2339 : i32 to vector<16xi32>
    %mul3A_2341 = arith.muli %shift_right_arithmetic3A_2338, %mul3A_2340 : vector<16xi32>
    %shift_right_arithmetic3A_2342 = arith.constant 7 : i32
    %shift_right_arithmetic3A_2343 = vector.broadcast %shift_right_arithmetic3A_2342 : i32 to vector<16xi32>
    %shift_right_arithmetic3A_2344 = arith.shrsi %add3A_2335, %shift_right_arithmetic3A_2343 : vector<16xi32>
    %shift_left3A_2345 = arith.constant 10 : i32
    %shift_left3A_2346 = vector.broadcast %shift_left3A_2345 : i32 to vector<16xi32>
    %shift_left3A_2347 = arith.shli %shift_right_arithmetic3A_2344, %shift_left3A_2346 : vector<16xi32>
    %add3A_2348 = arith.addi %mul3A_2341, %shift_left3A_2347 : vector<16xi32>
    %and3A_2349 = arith.constant 7 : i32
    %and3A_2350 = vector.broadcast %and3A_2349 : i32 to vector<16xi32>
    %and3A_2351 = arith.andi %get3A_2329, %and3A_2350 : vector<16xi32>
    %shift_left3A_2352 = arith.constant 7 : i32
    %shift_left3A_2353 = vector.broadcast %shift_left3A_2352 : i32 to vector<16xi32>
    %shift_left3A_2354 = arith.shli %and3A_2351, %shift_left3A_2353 : vector<16xi32>
    %add3A_2355 = arith.addi %add3A_2348, %shift_left3A_2354 : vector<16xi32>
    %and3A_2356 = arith.constant 127 : i32
    %and3A_2357 = vector.broadcast %and3A_2356 : i32 to vector<16xi32>
    %and3A_2358 = arith.andi %add3A_2335, %and3A_2357 : vector<16xi32>
    %add3A_2359 = arith.addi %add3A_2355, %and3A_2358 : vector<16xi32>
    %swap3A_2360 = arith.constant 960 : index
    %swap3A_2361 = tpu.vector_load %arg6[%swap3A_2360] {strides = array<i32>} : memref<1600xi32, #tpu.memory_space<vmem>>, vector<16xi32>,
    %swap3A_2362 = vector.shape_cast %swap3A_2361 : vector<16xi32> to vector<16xi32>
    %swap3A_2363 = vector.shape_cast %add3A_2359 : vector<16xi32> to vector<16xi32>
    tpu.vector_store %arg6[%swap3A_2360], %swap3A_2363 {strides = array<i32>} : memref<1600xi32, #tpu.memory_space<vmem>>, vector<16xi32>,
    %get3A_2364 = arith.constant 976 : index
    %get3A_2365 = tpu.vector_load %arg5[%get3A_2364] {strides = array<i32>} : memref<1600xi32, #tpu.memory_space<vmem>>, vector<16xi32>,
    %get3A_2366 = vector.shape_cast %get3A_2365 : vector<16xi32> to vector<16xi32>
    %broadcast_in_dim3A_2367 = arith.constant 19 : i32
    %broadcast_in_dim3A_2368 = vector.broadcast %broadcast_in_dim3A_2367 : i32 to vector<16xi32>
    %mul3A_2369 = arith.constant 32 : i32
    %mul3A_2370 = arith.muli %add3A, %mul3A_2369 : i32
    %add3A_2371 = vector.broadcast %mul3A_2370 : i32 to vector<16xi32>
    %add3A_2372 = arith.addi %broadcast_in_dim3A_2368, %add3A_2371 : vector<16xi32>
    %shift_right_arithmetic3A_2373 = arith.constant 3 : i32
    %shift_right_arithmetic3A_2374 = vector.broadcast %shift_right_arithmetic3A_2373 : i32 to vector<16xi32>
    %shift_right_arithmetic3A_2375 = arith.shrsi %get3A_2366, %shift_right_arithmetic3A_2374 : vector<16xi32>
    %mul3A_2376 = arith.constant 8192 : i32
    %mul3A_2377 = vector.broadcast %mul3A_2376 : i32 to vector<16xi32>
    %mul3A_2378 = arith.muli %shift_right_arithmetic3A_2375, %mul3A_2377 : vector<16xi32>
    %shift_right_arithmetic3A_2379 = arith.constant 7 : i32
    %shift_right_arithmetic3A_2380 = vector.broadcast %shift_right_arithmetic3A_2379 : i32 to vector<16xi32>
    %shift_right_arithmetic3A_2381 = arith.shrsi %add3A_2372, %shift_right_arithmetic3A_2380 : vector<16xi32>
    %shift_left3A_2382 = arith.constant 10 : i32
    %shift_left3A_2383 = vector.broadcast %shift_left3A_2382 : i32 to vector<16xi32>
    %shift_left3A_2384 = arith.shli %shift_right_arithmetic3A_2381, %shift_left3A_2383 : vector<16xi32>
    %add3A_2385 = arith.addi %mul3A_2378, %shift_left3A_2384 : vector<16xi32>
    %and3A_2386 = arith.constant 7 : i32
    %and3A_2387 = vector.broadcast %and3A_2386 : i32 to vector<16xi32>
    %and3A_2388 = arith.andi %get3A_2366, %and3A_2387 : vector<16xi32>
    %shift_left3A_2389 = arith.constant 7 : i32
    %shift_left3A_2390 = vector.broadcast %shift_left3A_2389 : i32 to vector<16xi32>
    %shift_left3A_2391 = arith.shli %and3A_2388, %shift_left3A_2390 : vector<16xi32>
    %add3A_2392 = arith.addi %add3A_2385, %shift_left3A_2391 : vector<16xi32>
    %and3A_2393 = arith.constant 127 : i32
    %and3A_2394 = vector.broadcast %and3A_2393 : i32 to vector<16xi32>
    %and3A_2395 = arith.andi %add3A_2372, %and3A_2394 : vector<16xi32>
    %add3A_2396 = arith.addi %add3A_2392, %and3A_2395 : vector<16xi32>
    %swap3A_2397 = arith.constant 976 : index
    %swap3A_2398 = tpu.vector_load %arg6[%swap3A_2397] {strides = array<i32>} : memref<1600xi32, #tpu.memory_space<vmem>>, vector<16xi32>,
    %swap3A_2399 = vector.shape_cast %swap3A_2398 : vector<16xi32> to vector<16xi32>
    %swap3A_2400 = vector.shape_cast %add3A_2396 : vector<16xi32> to vector<16xi32>
    tpu.vector_store %arg6[%swap3A_2397], %swap3A_2400 {strides = array<i32>} : memref<1600xi32, #tpu.memory_space<vmem>>, vector<16xi32>,
    %get3A_2401 = arith.constant 992 : index
    %get3A_2402 = tpu.vector_load %arg5[%get3A_2401] {strides = array<i32>} : memref<1600xi32, #tpu.memory_space<vmem>>, vector<16xi32>,
    %get3A_2403 = vector.shape_cast %get3A_2402 : vector<16xi32> to vector<16xi32>
    %ge3A_2404 = arith.constant 8 : i32
    %ge3A_2405 = vector.broadcast %ge3A_2404 : i32 to vector<16xi32>
    %ge3A_2406 = arith.cmpi sge, %iota3A, %ge3A_2405 : vector<16xi32>
    %jit3A_2407 = arith.constant 20 : i32
    %jit3A_2408 = arith.constant 19 : i32
    %broadcast_in_dim3A_2409 = vector.broadcast %jit3A_2407 : i32 to vector<16xi32>
    %broadcast_in_dim3A_2410 = vector.broadcast %jit3A_2408 : i32 to vector<16xi32>
    %select_n3A_2411 = arith.select %ge3A_2406, %broadcast_in_dim3A_2409, %broadcast_in_dim3A_2410 : vector<16xi1>, vector<16xi32>
    %mul3A_2412 = arith.constant 32 : i32
    %mul3A_2413 = arith.muli %add3A, %mul3A_2412 : i32
    %add3A_2414 = vector.broadcast %mul3A_2413 : i32 to vector<16xi32>
    %add3A_2415 = arith.addi %select_n3A_2411, %add3A_2414 : vector<16xi32>
    %shift_right_arithmetic3A_2416 = arith.constant 3 : i32
    %shift_right_arithmetic3A_2417 = vector.broadcast %shift_right_arithmetic3A_2416 : i32 to vector<16xi32>
    %shift_right_arithmetic3A_2418 = arith.shrsi %get3A_2403, %shift_right_arithmetic3A_2417 : vector<16xi32>
    %mul3A_2419 = arith.constant 8192 : i32
    %mul3A_2420 = vector.broadcast %mul3A_2419 : i32 to vector<16xi32>
    %mul3A_2421 = arith.muli %shift_right_arithmetic3A_2418, %mul3A_2420 : vector<16xi32>
    %shift_right_arithmetic3A_2422 = arith.constant 7 : i32
    %shift_right_arithmetic3A_2423 = vector.broadcast %shift_right_arithmetic3A_2422 : i32 to vector<16xi32>
    %shift_right_arithmetic3A_2424 = arith.shrsi %add3A_2415, %shift_right_arithmetic3A_2423 : vector<16xi32>
    %shift_left3A_2425 = arith.constant 10 : i32
    %shift_left3A_2426 = vector.broadcast %shift_left3A_2425 : i32 to vector<16xi32>
    %shift_left3A_2427 = arith.shli %shift_right_arithmetic3A_2424, %shift_left3A_2426 : vector<16xi32>
    %add3A_2428 = arith.addi %mul3A_2421, %shift_left3A_2427 : vector<16xi32>
    %and3A_2429 = arith.constant 7 : i32
    %and3A_2430 = vector.broadcast %and3A_2429 : i32 to vector<16xi32>
    %and3A_2431 = arith.andi %get3A_2403, %and3A_2430 : vector<16xi32>
    %shift_left3A_2432 = arith.constant 7 : i32
    %shift_left3A_2433 = vector.broadcast %shift_left3A_2432 : i32 to vector<16xi32>
    %shift_left3A_2434 = arith.shli %and3A_2431, %shift_left3A_2433 : vector<16xi32>
    %add3A_2435 = arith.addi %add3A_2428, %shift_left3A_2434 : vector<16xi32>
    %and3A_2436 = arith.constant 127 : i32
    %and3A_2437 = vector.broadcast %and3A_2436 : i32 to vector<16xi32>
    %and3A_2438 = arith.andi %add3A_2415, %and3A_2437 : vector<16xi32>
    %add3A_2439 = arith.addi %add3A_2435, %and3A_2438 : vector<16xi32>
    %swap3A_2440 = arith.constant 992 : index
    %swap3A_2441 = tpu.vector_load %arg6[%swap3A_2440] {strides = array<i32>} : memref<1600xi32, #tpu.memory_space<vmem>>, vector<16xi32>,
    %swap3A_2442 = vector.shape_cast %swap3A_2441 : vector<16xi32> to vector<16xi32>
    %swap3A_2443 = vector.shape_cast %add3A_2439 : vector<16xi32> to vector<16xi32>
    tpu.vector_store %arg6[%swap3A_2440], %swap3A_2443 {strides = array<i32>} : memref<1600xi32, #tpu.memory_space<vmem>>, vector<16xi32>,
    %get3A_2444 = arith.constant 1008 : index
    %get3A_2445 = tpu.vector_load %arg5[%get3A_2444] {strides = array<i32>} : memref<1600xi32, #tpu.memory_space<vmem>>, vector<16xi32>,
    %get3A_2446 = vector.shape_cast %get3A_2445 : vector<16xi32> to vector<16xi32>
    %broadcast_in_dim3A_2447 = arith.constant 20 : i32
    %broadcast_in_dim3A_2448 = vector.broadcast %broadcast_in_dim3A_2447 : i32 to vector<16xi32>
    %mul3A_2449 = arith.constant 32 : i32
    %mul3A_2450 = arith.muli %add3A, %mul3A_2449 : i32
    %add3A_2451 = vector.broadcast %mul3A_2450 : i32 to vector<16xi32>
    %add3A_2452 = arith.addi %broadcast_in_dim3A_2448, %add3A_2451 : vector<16xi32>
    %shift_right_arithmetic3A_2453 = arith.constant 3 : i32
    %shift_right_arithmetic3A_2454 = vector.broadcast %shift_right_arithmetic3A_2453 : i32 to vector<16xi32>
    %shift_right_arithmetic3A_2455 = arith.shrsi %get3A_2446, %shift_right_arithmetic3A_2454 : vector<16xi32>
    %mul3A_2456 = arith.constant 8192 : i32
    %mul3A_2457 = vector.broadcast %mul3A_2456 : i32 to vector<16xi32>
    %mul3A_2458 = arith.muli %shift_right_arithmetic3A_2455, %mul3A_2457 : vector<16xi32>
    %shift_right_arithmetic3A_2459 = arith.constant 7 : i32
    %shift_right_arithmetic3A_2460 = vector.broadcast %shift_right_arithmetic3A_2459 : i32 to vector<16xi32>
    %shift_right_arithmetic3A_2461 = arith.shrsi %add3A_2452, %shift_right_arithmetic3A_2460 : vector<16xi32>
    %shift_left3A_2462 = arith.constant 10 : i32
    %shift_left3A_2463 = vector.broadcast %shift_left3A_2462 : i32 to vector<16xi32>
    %shift_left3A_2464 = arith.shli %shift_right_arithmetic3A_2461, %shift_left3A_2463 : vector<16xi32>
    %add3A_2465 = arith.addi %mul3A_2458, %shift_left3A_2464 : vector<16xi32>
    %and3A_2466 = arith.constant 7 : i32
    %and3A_2467 = vector.broadcast %and3A_2466 : i32 to vector<16xi32>
    %and3A_2468 = arith.andi %get3A_2446, %and3A_2467 : vector<16xi32>
    %shift_left3A_2469 = arith.constant 7 : i32
    %shift_left3A_2470 = vector.broadcast %shift_left3A_2469 : i32 to vector<16xi32>
    %shift_left3A_2471 = arith.shli %and3A_2468, %shift_left3A_2470 : vector<16xi32>
    %add3A_2472 = arith.addi %add3A_2465, %shift_left3A_2471 : vector<16xi32>
    %and3A_2473 = arith.constant 127 : i32
    %and3A_2474 = vector.broadcast %and3A_2473 : i32 to vector<16xi32>
    %and3A_2475 = arith.andi %add3A_2452, %and3A_2474 : vector<16xi32>
    %add3A_2476 = arith.addi %add3A_2472, %and3A_2475 : vector<16xi32>
    %swap3A_2477 = arith.constant 1008 : index
    %swap3A_2478 = tpu.vector_load %arg6[%swap3A_2477] {strides = array<i32>} : memref<1600xi32, #tpu.memory_space<vmem>>, vector<16xi32>,
    %swap3A_2479 = vector.shape_cast %swap3A_2478 : vector<16xi32> to vector<16xi32>
    %swap3A_2480 = vector.shape_cast %add3A_2476 : vector<16xi32> to vector<16xi32>
    tpu.vector_store %arg6[%swap3A_2477], %swap3A_2480 {strides = array<i32>} : memref<1600xi32, #tpu.memory_space<vmem>>, vector<16xi32>,
    %get3A_2481 = arith.constant 1024 : index
    %get3A_2482 = tpu.vector_load %arg5[%get3A_2481] {strides = array<i32>} : memref<1600xi32, #tpu.memory_space<vmem>>, vector<16xi32>,
    %get3A_2483 = vector.shape_cast %get3A_2482 : vector<16xi32> to vector<16xi32>
    %broadcast_in_dim3A_2484 = arith.constant 20 : i32
    %broadcast_in_dim3A_2485 = vector.broadcast %broadcast_in_dim3A_2484 : i32 to vector<16xi32>
    %mul3A_2486 = arith.constant 32 : i32
    %mul3A_2487 = arith.muli %add3A, %mul3A_2486 : i32
    %add3A_2488 = vector.broadcast %mul3A_2487 : i32 to vector<16xi32>
    %add3A_2489 = arith.addi %broadcast_in_dim3A_2485, %add3A_2488 : vector<16xi32>
    %shift_right_arithmetic3A_2490 = arith.constant 3 : i32
    %shift_right_arithmetic3A_2491 = vector.broadcast %shift_right_arithmetic3A_2490 : i32 to vector<16xi32>
    %shift_right_arithmetic3A_2492 = arith.shrsi %get3A_2483, %shift_right_arithmetic3A_2491 : vector<16xi32>
    %mul3A_2493 = arith.constant 8192 : i32
    %mul3A_2494 = vector.broadcast %mul3A_2493 : i32 to vector<16xi32>
    %mul3A_2495 = arith.muli %shift_right_arithmetic3A_2492, %mul3A_2494 : vector<16xi32>
    %shift_right_arithmetic3A_2496 = arith.constant 7 : i32
    %shift_right_arithmetic3A_2497 = vector.broadcast %shift_right_arithmetic3A_2496 : i32 to vector<16xi32>
    %shift_right_arithmetic3A_2498 = arith.shrsi %add3A_2489, %shift_right_arithmetic3A_2497 : vector<16xi32>
    %shift_left3A_2499 = arith.constant 10 : i32
    %shift_left3A_2500 = vector.broadcast %shift_left3A_2499 : i32 to vector<16xi32>
    %shift_left3A_2501 = arith.shli %shift_right_arithmetic3A_2498, %shift_left3A_2500 : vector<16xi32>
    %add3A_2502 = arith.addi %mul3A_2495, %shift_left3A_2501 : vector<16xi32>
    %and3A_2503 = arith.constant 7 : i32
    %and3A_2504 = vector.broadcast %and3A_2503 : i32 to vector<16xi32>
    %and3A_2505 = arith.andi %get3A_2483, %and3A_2504 : vector<16xi32>
    %shift_left3A_2506 = arith.constant 7 : i32
    %shift_left3A_2507 = vector.broadcast %shift_left3A_2506 : i32 to vector<16xi32>
    %shift_left3A_2508 = arith.shli %and3A_2505, %shift_left3A_2507 : vector<16xi32>
    %add3A_2509 = arith.addi %add3A_2502, %shift_left3A_2508 : vector<16xi32>
    %and3A_2510 = arith.constant 127 : i32
    %and3A_2511 = vector.broadcast %and3A_2510 : i32 to vector<16xi32>
    %and3A_2512 = arith.andi %add3A_2489, %and3A_2511 : vector<16xi32>
    %add3A_2513 = arith.addi %add3A_2509, %and3A_2512 : vector<16xi32>
    %swap3A_2514 = arith.constant 1024 : index
    %swap3A_2515 = tpu.vector_load %arg6[%swap3A_2514] {strides = array<i32>} : memref<1600xi32, #tpu.memory_space<vmem>>, vector<16xi32>,
    %swap3A_2516 = vector.shape_cast %swap3A_2515 : vector<16xi32> to vector<16xi32>
    %swap3A_2517 = vector.shape_cast %add3A_2513 : vector<16xi32> to vector<16xi32>
    tpu.vector_store %arg6[%swap3A_2514], %swap3A_2517 {strides = array<i32>} : memref<1600xi32, #tpu.memory_space<vmem>>, vector<16xi32>,
    %get3A_2518 = arith.constant 1040 : index
    %get3A_2519 = tpu.vector_load %arg5[%get3A_2518] {strides = array<i32>} : memref<1600xi32, #tpu.memory_space<vmem>>, vector<16xi32>,
    %get3A_2520 = vector.shape_cast %get3A_2519 : vector<16xi32> to vector<16xi32>
    %ge3A_2521 = arith.constant 10 : i32
    %ge3A_2522 = vector.broadcast %ge3A_2521 : i32 to vector<16xi32>
    %ge3A_2523 = arith.cmpi sge, %iota3A, %ge3A_2522 : vector<16xi32>
    %jit3A_2524 = arith.constant 21 : i32
    %jit3A_2525 = arith.constant 20 : i32
    %broadcast_in_dim3A_2526 = vector.broadcast %jit3A_2524 : i32 to vector<16xi32>
    %broadcast_in_dim3A_2527 = vector.broadcast %jit3A_2525 : i32 to vector<16xi32>
    %select_n3A_2528 = arith.select %ge3A_2523, %broadcast_in_dim3A_2526, %broadcast_in_dim3A_2527 : vector<16xi1>, vector<16xi32>
    %mul3A_2529 = arith.constant 32 : i32
    %mul3A_2530 = arith.muli %add3A, %mul3A_2529 : i32
    %add3A_2531 = vector.broadcast %mul3A_2530 : i32 to vector<16xi32>
    %add3A_2532 = arith.addi %select_n3A_2528, %add3A_2531 : vector<16xi32>
    %shift_right_arithmetic3A_2533 = arith.constant 3 : i32
    %shift_right_arithmetic3A_2534 = vector.broadcast %shift_right_arithmetic3A_2533 : i32 to vector<16xi32>
    %shift_right_arithmetic3A_2535 = arith.shrsi %get3A_2520, %shift_right_arithmetic3A_2534 : vector<16xi32>
    %mul3A_2536 = arith.constant 8192 : i32
    %mul3A_2537 = vector.broadcast %mul3A_2536 : i32 to vector<16xi32>
    %mul3A_2538 = arith.muli %shift_right_arithmetic3A_2535, %mul3A_2537 : vector<16xi32>
    %shift_right_arithmetic3A_2539 = arith.constant 7 : i32
    %shift_right_arithmetic3A_2540 = vector.broadcast %shift_right_arithmetic3A_2539 : i32 to vector<16xi32>
    %shift_right_arithmetic3A_2541 = arith.shrsi %add3A_2532, %shift_right_arithmetic3A_2540 : vector<16xi32>
    %shift_left3A_2542 = arith.constant 10 : i32
    %shift_left3A_2543 = vector.broadcast %shift_left3A_2542 : i32 to vector<16xi32>
    %shift_left3A_2544 = arith.shli %shift_right_arithmetic3A_2541, %shift_left3A_2543 : vector<16xi32>
    %add3A_2545 = arith.addi %mul3A_2538, %shift_left3A_2544 : vector<16xi32>
    %and3A_2546 = arith.constant 7 : i32
    %and3A_2547 = vector.broadcast %and3A_2546 : i32 to vector<16xi32>
    %and3A_2548 = arith.andi %get3A_2520, %and3A_2547 : vector<16xi32>
    %shift_left3A_2549 = arith.constant 7 : i32
    %shift_left3A_2550 = vector.broadcast %shift_left3A_2549 : i32 to vector<16xi32>
    %shift_left3A_2551 = arith.shli %and3A_2548, %shift_left3A_2550 : vector<16xi32>
    %add3A_2552 = arith.addi %add3A_2545, %shift_left3A_2551 : vector<16xi32>
    %and3A_2553 = arith.constant 127 : i32
    %and3A_2554 = vector.broadcast %and3A_2553 : i32 to vector<16xi32>
    %and3A_2555 = arith.andi %add3A_2532, %and3A_2554 : vector<16xi32>
    %add3A_2556 = arith.addi %add3A_2552, %and3A_2555 : vector<16xi32>
    %swap3A_2557 = arith.constant 1040 : index
    %swap3A_2558 = tpu.vector_load %arg6[%swap3A_2557] {strides = array<i32>} : memref<1600xi32, #tpu.memory_space<vmem>>, vector<16xi32>,
    %swap3A_2559 = vector.shape_cast %swap3A_2558 : vector<16xi32> to vector<16xi32>
    %swap3A_2560 = vector.shape_cast %add3A_2556 : vector<16xi32> to vector<16xi32>
    tpu.vector_store %arg6[%swap3A_2557], %swap3A_2560 {strides = array<i32>} : memref<1600xi32, #tpu.memory_space<vmem>>, vector<16xi32>,
    %get3A_2561 = arith.constant 1056 : index
    %get3A_2562 = tpu.vector_load %arg5[%get3A_2561] {strides = array<i32>} : memref<1600xi32, #tpu.memory_space<vmem>>, vector<16xi32>,
    %get3A_2563 = vector.shape_cast %get3A_2562 : vector<16xi32> to vector<16xi32>
    %broadcast_in_dim3A_2564 = arith.constant 21 : i32
    %broadcast_in_dim3A_2565 = vector.broadcast %broadcast_in_dim3A_2564 : i32 to vector<16xi32>
    %mul3A_2566 = arith.constant 32 : i32
    %mul3A_2567 = arith.muli %add3A, %mul3A_2566 : i32
    %add3A_2568 = vector.broadcast %mul3A_2567 : i32 to vector<16xi32>
    %add3A_2569 = arith.addi %broadcast_in_dim3A_2565, %add3A_2568 : vector<16xi32>
    %shift_right_arithmetic3A_2570 = arith.constant 3 : i32
    %shift_right_arithmetic3A_2571 = vector.broadcast %shift_right_arithmetic3A_2570 : i32 to vector<16xi32>
    %shift_right_arithmetic3A_2572 = arith.shrsi %get3A_2563, %shift_right_arithmetic3A_2571 : vector<16xi32>
    %mul3A_2573 = arith.constant 8192 : i32
    %mul3A_2574 = vector.broadcast %mul3A_2573 : i32 to vector<16xi32>
    %mul3A_2575 = arith.muli %shift_right_arithmetic3A_2572, %mul3A_2574 : vector<16xi32>
    %shift_right_arithmetic3A_2576 = arith.constant 7 : i32
    %shift_right_arithmetic3A_2577 = vector.broadcast %shift_right_arithmetic3A_2576 : i32 to vector<16xi32>
    %shift_right_arithmetic3A_2578 = arith.shrsi %add3A_2569, %shift_right_arithmetic3A_2577 : vector<16xi32>
    %shift_left3A_2579 = arith.constant 10 : i32
    %shift_left3A_2580 = vector.broadcast %shift_left3A_2579 : i32 to vector<16xi32>
    %shift_left3A_2581 = arith.shli %shift_right_arithmetic3A_2578, %shift_left3A_2580 : vector<16xi32>
    %add3A_2582 = arith.addi %mul3A_2575, %shift_left3A_2581 : vector<16xi32>
    %and3A_2583 = arith.constant 7 : i32
    %and3A_2584 = vector.broadcast %and3A_2583 : i32 to vector<16xi32>
    %and3A_2585 = arith.andi %get3A_2563, %and3A_2584 : vector<16xi32>
    %shift_left3A_2586 = arith.constant 7 : i32
    %shift_left3A_2587 = vector.broadcast %shift_left3A_2586 : i32 to vector<16xi32>
    %shift_left3A_2588 = arith.shli %and3A_2585, %shift_left3A_2587 : vector<16xi32>
    %add3A_2589 = arith.addi %add3A_2582, %shift_left3A_2588 : vector<16xi32>
    %and3A_2590 = arith.constant 127 : i32
    %and3A_2591 = vector.broadcast %and3A_2590 : i32 to vector<16xi32>
    %and3A_2592 = arith.andi %add3A_2569, %and3A_2591 : vector<16xi32>
    %add3A_2593 = arith.addi %add3A_2589, %and3A_2592 : vector<16xi32>
    %swap3A_2594 = arith.constant 1056 : index
    %swap3A_2595 = tpu.vector_load %arg6[%swap3A_2594] {strides = array<i32>} : memref<1600xi32, #tpu.memory_space<vmem>>, vector<16xi32>,
    %swap3A_2596 = vector.shape_cast %swap3A_2595 : vector<16xi32> to vector<16xi32>
    %swap3A_2597 = vector.shape_cast %add3A_2593 : vector<16xi32> to vector<16xi32>
    tpu.vector_store %arg6[%swap3A_2594], %swap3A_2597 {strides = array<i32>} : memref<1600xi32, #tpu.memory_space<vmem>>, vector<16xi32>,
    %get3A_2598 = arith.constant 1072 : index
    %get3A_2599 = tpu.vector_load %arg5[%get3A_2598] {strides = array<i32>} : memref<1600xi32, #tpu.memory_space<vmem>>, vector<16xi32>,
    %get3A_2600 = vector.shape_cast %get3A_2599 : vector<16xi32> to vector<16xi32>
    %broadcast_in_dim3A_2601 = arith.constant 21 : i32
    %broadcast_in_dim3A_2602 = vector.broadcast %broadcast_in_dim3A_2601 : i32 to vector<16xi32>
    %mul3A_2603 = arith.constant 32 : i32
    %mul3A_2604 = arith.muli %add3A, %mul3A_2603 : i32
    %add3A_2605 = vector.broadcast %mul3A_2604 : i32 to vector<16xi32>
    %add3A_2606 = arith.addi %broadcast_in_dim3A_2602, %add3A_2605 : vector<16xi32>
    %shift_right_arithmetic3A_2607 = arith.constant 3 : i32
    %shift_right_arithmetic3A_2608 = vector.broadcast %shift_right_arithmetic3A_2607 : i32 to vector<16xi32>
    %shift_right_arithmetic3A_2609 = arith.shrsi %get3A_2600, %shift_right_arithmetic3A_2608 : vector<16xi32>
    %mul3A_2610 = arith.constant 8192 : i32
    %mul3A_2611 = vector.broadcast %mul3A_2610 : i32 to vector<16xi32>
    %mul3A_2612 = arith.muli %shift_right_arithmetic3A_2609, %mul3A_2611 : vector<16xi32>
    %shift_right_arithmetic3A_2613 = arith.constant 7 : i32
    %shift_right_arithmetic3A_2614 = vector.broadcast %shift_right_arithmetic3A_2613 : i32 to vector<16xi32>
    %shift_right_arithmetic3A_2615 = arith.shrsi %add3A_2606, %shift_right_arithmetic3A_2614 : vector<16xi32>
    %shift_left3A_2616 = arith.constant 10 : i32
    %shift_left3A_2617 = vector.broadcast %shift_left3A_2616 : i32 to vector<16xi32>
    %shift_left3A_2618 = arith.shli %shift_right_arithmetic3A_2615, %shift_left3A_2617 : vector<16xi32>
    %add3A_2619 = arith.addi %mul3A_2612, %shift_left3A_2618 : vector<16xi32>
    %and3A_2620 = arith.constant 7 : i32
    %and3A_2621 = vector.broadcast %and3A_2620 : i32 to vector<16xi32>
    %and3A_2622 = arith.andi %get3A_2600, %and3A_2621 : vector<16xi32>
    %shift_left3A_2623 = arith.constant 7 : i32
    %shift_left3A_2624 = vector.broadcast %shift_left3A_2623 : i32 to vector<16xi32>
    %shift_left3A_2625 = arith.shli %and3A_2622, %shift_left3A_2624 : vector<16xi32>
    %add3A_2626 = arith.addi %add3A_2619, %shift_left3A_2625 : vector<16xi32>
    %and3A_2627 = arith.constant 127 : i32
    %and3A_2628 = vector.broadcast %and3A_2627 : i32 to vector<16xi32>
    %and3A_2629 = arith.andi %add3A_2606, %and3A_2628 : vector<16xi32>
    %add3A_2630 = arith.addi %add3A_2626, %and3A_2629 : vector<16xi32>
    %swap3A_2631 = arith.constant 1072 : index
    %swap3A_2632 = tpu.vector_load %arg6[%swap3A_2631] {strides = array<i32>} : memref<1600xi32, #tpu.memory_space<vmem>>, vector<16xi32>,
    %swap3A_2633 = vector.shape_cast %swap3A_2632 : vector<16xi32> to vector<16xi32>
    %swap3A_2634 = vector.shape_cast %add3A_2630 : vector<16xi32> to vector<16xi32>
    tpu.vector_store %arg6[%swap3A_2631], %swap3A_2634 {strides = array<i32>} : memref<1600xi32, #tpu.memory_space<vmem>>, vector<16xi32>,
    %get3A_2635 = arith.constant 1088 : index
    %get3A_2636 = tpu.vector_load %arg5[%get3A_2635] {strides = array<i32>} : memref<1600xi32, #tpu.memory_space<vmem>>, vector<16xi32>,
    %get3A_2637 = vector.shape_cast %get3A_2636 : vector<16xi32> to vector<16xi32>
    %ge3A_2638 = arith.constant 12 : i32
    %ge3A_2639 = vector.broadcast %ge3A_2638 : i32 to vector<16xi32>
    %ge3A_2640 = arith.cmpi sge, %iota3A, %ge3A_2639 : vector<16xi32>
    %jit3A_2641 = arith.constant 22 : i32
    %jit3A_2642 = arith.constant 21 : i32
    %broadcast_in_dim3A_2643 = vector.broadcast %jit3A_2641 : i32 to vector<16xi32>
    %broadcast_in_dim3A_2644 = vector.broadcast %jit3A_2642 : i32 to vector<16xi32>
    %select_n3A_2645 = arith.select %ge3A_2640, %broadcast_in_dim3A_2643, %broadcast_in_dim3A_2644 : vector<16xi1>, vector<16xi32>
    %mul3A_2646 = arith.constant 32 : i32
    %mul3A_2647 = arith.muli %add3A, %mul3A_2646 : i32
    %add3A_2648 = vector.broadcast %mul3A_2647 : i32 to vector<16xi32>
    %add3A_2649 = arith.addi %select_n3A_2645, %add3A_2648 : vector<16xi32>
    %shift_right_arithmetic3A_2650 = arith.constant 3 : i32
    %shift_right_arithmetic3A_2651 = vector.broadcast %shift_right_arithmetic3A_2650 : i32 to vector<16xi32>
    %shift_right_arithmetic3A_2652 = arith.shrsi %get3A_2637, %shift_right_arithmetic3A_2651 : vector<16xi32>
    %mul3A_2653 = arith.constant 8192 : i32
    %mul3A_2654 = vector.broadcast %mul3A_2653 : i32 to vector<16xi32>
    %mul3A_2655 = arith.muli %shift_right_arithmetic3A_2652, %mul3A_2654 : vector<16xi32>
    %shift_right_arithmetic3A_2656 = arith.constant 7 : i32
    %shift_right_arithmetic3A_2657 = vector.broadcast %shift_right_arithmetic3A_2656 : i32 to vector<16xi32>
    %shift_right_arithmetic3A_2658 = arith.shrsi %add3A_2649, %shift_right_arithmetic3A_2657 : vector<16xi32>
    %shift_left3A_2659 = arith.constant 10 : i32
    %shift_left3A_2660 = vector.broadcast %shift_left3A_2659 : i32 to vector<16xi32>
    %shift_left3A_2661 = arith.shli %shift_right_arithmetic3A_2658, %shift_left3A_2660 : vector<16xi32>
    %add3A_2662 = arith.addi %mul3A_2655, %shift_left3A_2661 : vector<16xi32>
    %and3A_2663 = arith.constant 7 : i32
    %and3A_2664 = vector.broadcast %and3A_2663 : i32 to vector<16xi32>
    %and3A_2665 = arith.andi %get3A_2637, %and3A_2664 : vector<16xi32>
    %shift_left3A_2666 = arith.constant 7 : i32
    %shift_left3A_2667 = vector.broadcast %shift_left3A_2666 : i32 to vector<16xi32>
    %shift_left3A_2668 = arith.shli %and3A_2665, %shift_left3A_2667 : vector<16xi32>
    %add3A_2669 = arith.addi %add3A_2662, %shift_left3A_2668 : vector<16xi32>
    %and3A_2670 = arith.constant 127 : i32
    %and3A_2671 = vector.broadcast %and3A_2670 : i32 to vector<16xi32>
    %and3A_2672 = arith.andi %add3A_2649, %and3A_2671 : vector<16xi32>
    %add3A_2673 = arith.addi %add3A_2669, %and3A_2672 : vector<16xi32>
    %swap3A_2674 = arith.constant 1088 : index
    %swap3A_2675 = tpu.vector_load %arg6[%swap3A_2674] {strides = array<i32>} : memref<1600xi32, #tpu.memory_space<vmem>>, vector<16xi32>,
    %swap3A_2676 = vector.shape_cast %swap3A_2675 : vector<16xi32> to vector<16xi32>
    %swap3A_2677 = vector.shape_cast %add3A_2673 : vector<16xi32> to vector<16xi32>
    tpu.vector_store %arg6[%swap3A_2674], %swap3A_2677 {strides = array<i32>} : memref<1600xi32, #tpu.memory_space<vmem>>, vector<16xi32>,
    %get3A_2678 = arith.constant 1104 : index
    %get3A_2679 = tpu.vector_load %arg5[%get3A_2678] {strides = array<i32>} : memref<1600xi32, #tpu.memory_space<vmem>>, vector<16xi32>,
    %get3A_2680 = vector.shape_cast %get3A_2679 : vector<16xi32> to vector<16xi32>
    %broadcast_in_dim3A_2681 = arith.constant 22 : i32
    %broadcast_in_dim3A_2682 = vector.broadcast %broadcast_in_dim3A_2681 : i32 to vector<16xi32>
    %mul3A_2683 = arith.constant 32 : i32
    %mul3A_2684 = arith.muli %add3A, %mul3A_2683 : i32
    %add3A_2685 = vector.broadcast %mul3A_2684 : i32 to vector<16xi32>
    %add3A_2686 = arith.addi %broadcast_in_dim3A_2682, %add3A_2685 : vector<16xi32>
    %shift_right_arithmetic3A_2687 = arith.constant 3 : i32
    %shift_right_arithmetic3A_2688 = vector.broadcast %shift_right_arithmetic3A_2687 : i32 to vector<16xi32>
    %shift_right_arithmetic3A_2689 = arith.shrsi %get3A_2680, %shift_right_arithmetic3A_2688 : vector<16xi32>
    %mul3A_2690 = arith.constant 8192 : i32
    %mul3A_2691 = vector.broadcast %mul3A_2690 : i32 to vector<16xi32>
    %mul3A_2692 = arith.muli %shift_right_arithmetic3A_2689, %mul3A_2691 : vector<16xi32>
    %shift_right_arithmetic3A_2693 = arith.constant 7 : i32
    %shift_right_arithmetic3A_2694 = vector.broadcast %shift_right_arithmetic3A_2693 : i32 to vector<16xi32>
    %shift_right_arithmetic3A_2695 = arith.shrsi %add3A_2686, %shift_right_arithmetic3A_2694 : vector<16xi32>
    %shift_left3A_2696 = arith.constant 10 : i32
    %shift_left3A_2697 = vector.broadcast %shift_left3A_2696 : i32 to vector<16xi32>
    %shift_left3A_2698 = arith.shli %shift_right_arithmetic3A_2695, %shift_left3A_2697 : vector<16xi32>
    %add3A_2699 = arith.addi %mul3A_2692, %shift_left3A_2698 : vector<16xi32>
    %and3A_2700 = arith.constant 7 : i32
    %and3A_2701 = vector.broadcast %and3A_2700 : i32 to vector<16xi32>
    %and3A_2702 = arith.andi %get3A_2680, %and3A_2701 : vector<16xi32>
    %shift_left3A_2703 = arith.constant 7 : i32
    %shift_left3A_2704 = vector.broadcast %shift_left3A_2703 : i32 to vector<16xi32>
    %shift_left3A_2705 = arith.shli %and3A_2702, %shift_left3A_2704 : vector<16xi32>
    %add3A_2706 = arith.addi %add3A_2699, %shift_left3A_2705 : vector<16xi32>
    %and3A_2707 = arith.constant 127 : i32
    %and3A_2708 = vector.broadcast %and3A_2707 : i32 to vector<16xi32>
    %and3A_2709 = arith.andi %add3A_2686, %and3A_2708 : vector<16xi32>
    %add3A_2710 = arith.addi %add3A_2706, %and3A_2709 : vector<16xi32>
    %swap3A_2711 = arith.constant 1104 : index
    %swap3A_2712 = tpu.vector_load %arg6[%swap3A_2711] {strides = array<i32>} : memref<1600xi32, #tpu.memory_space<vmem>>, vector<16xi32>,
    %swap3A_2713 = vector.shape_cast %swap3A_2712 : vector<16xi32> to vector<16xi32>
    %swap3A_2714 = vector.shape_cast %add3A_2710 : vector<16xi32> to vector<16xi32>
    tpu.vector_store %arg6[%swap3A_2711], %swap3A_2714 {strides = array<i32>} : memref<1600xi32, #tpu.memory_space<vmem>>, vector<16xi32>,
    %get3A_2715 = arith.constant 1120 : index
    %get3A_2716 = tpu.vector_load %arg5[%get3A_2715] {strides = array<i32>} : memref<1600xi32, #tpu.memory_space<vmem>>, vector<16xi32>,
    %get3A_2717 = vector.shape_cast %get3A_2716 : vector<16xi32> to vector<16xi32>
    %broadcast_in_dim3A_2718 = arith.constant 22 : i32
    %broadcast_in_dim3A_2719 = vector.broadcast %broadcast_in_dim3A_2718 : i32 to vector<16xi32>
    %mul3A_2720 = arith.constant 32 : i32
    %mul3A_2721 = arith.muli %add3A, %mul3A_2720 : i32
    %add3A_2722 = vector.broadcast %mul3A_2721 : i32 to vector<16xi32>
    %add3A_2723 = arith.addi %broadcast_in_dim3A_2719, %add3A_2722 : vector<16xi32>
    %shift_right_arithmetic3A_2724 = arith.constant 3 : i32
    %shift_right_arithmetic3A_2725 = vector.broadcast %shift_right_arithmetic3A_2724 : i32 to vector<16xi32>
    %shift_right_arithmetic3A_2726 = arith.shrsi %get3A_2717, %shift_right_arithmetic3A_2725 : vector<16xi32>
    %mul3A_2727 = arith.constant 8192 : i32
    %mul3A_2728 = vector.broadcast %mul3A_2727 : i32 to vector<16xi32>
    %mul3A_2729 = arith.muli %shift_right_arithmetic3A_2726, %mul3A_2728 : vector<16xi32>
    %shift_right_arithmetic3A_2730 = arith.constant 7 : i32
    %shift_right_arithmetic3A_2731 = vector.broadcast %shift_right_arithmetic3A_2730 : i32 to vector<16xi32>
    %shift_right_arithmetic3A_2732 = arith.shrsi %add3A_2723, %shift_right_arithmetic3A_2731 : vector<16xi32>
    %shift_left3A_2733 = arith.constant 10 : i32
    %shift_left3A_2734 = vector.broadcast %shift_left3A_2733 : i32 to vector<16xi32>
    %shift_left3A_2735 = arith.shli %shift_right_arithmetic3A_2732, %shift_left3A_2734 : vector<16xi32>
    %add3A_2736 = arith.addi %mul3A_2729, %shift_left3A_2735 : vector<16xi32>
    %and3A_2737 = arith.constant 7 : i32
    %and3A_2738 = vector.broadcast %and3A_2737 : i32 to vector<16xi32>
    %and3A_2739 = arith.andi %get3A_2717, %and3A_2738 : vector<16xi32>
    %shift_left3A_2740 = arith.constant 7 : i32
    %shift_left3A_2741 = vector.broadcast %shift_left3A_2740 : i32 to vector<16xi32>
    %shift_left3A_2742 = arith.shli %and3A_2739, %shift_left3A_2741 : vector<16xi32>
    %add3A_2743 = arith.addi %add3A_2736, %shift_left3A_2742 : vector<16xi32>
    %and3A_2744 = arith.constant 127 : i32
    %and3A_2745 = vector.broadcast %and3A_2744 : i32 to vector<16xi32>
    %and3A_2746 = arith.andi %add3A_2723, %and3A_2745 : vector<16xi32>
    %add3A_2747 = arith.addi %add3A_2743, %and3A_2746 : vector<16xi32>
    %swap3A_2748 = arith.constant 1120 : index
    %swap3A_2749 = tpu.vector_load %arg6[%swap3A_2748] {strides = array<i32>} : memref<1600xi32, #tpu.memory_space<vmem>>, vector<16xi32>,
    %swap3A_2750 = vector.shape_cast %swap3A_2749 : vector<16xi32> to vector<16xi32>
    %swap3A_2751 = vector.shape_cast %add3A_2747 : vector<16xi32> to vector<16xi32>
    tpu.vector_store %arg6[%swap3A_2748], %swap3A_2751 {strides = array<i32>} : memref<1600xi32, #tpu.memory_space<vmem>>, vector<16xi32>,
    %get3A_2752 = arith.constant 1136 : index
    %get3A_2753 = tpu.vector_load %arg5[%get3A_2752] {strides = array<i32>} : memref<1600xi32, #tpu.memory_space<vmem>>, vector<16xi32>,
    %get3A_2754 = vector.shape_cast %get3A_2753 : vector<16xi32> to vector<16xi32>
    %ge3A_2755 = arith.constant 14 : i32
    %ge3A_2756 = vector.broadcast %ge3A_2755 : i32 to vector<16xi32>
    %ge3A_2757 = arith.cmpi sge, %iota3A, %ge3A_2756 : vector<16xi32>
    %jit3A_2758 = arith.constant 23 : i32
    %jit3A_2759 = arith.constant 22 : i32
    %broadcast_in_dim3A_2760 = vector.broadcast %jit3A_2758 : i32 to vector<16xi32>
    %broadcast_in_dim3A_2761 = vector.broadcast %jit3A_2759 : i32 to vector<16xi32>
    %select_n3A_2762 = arith.select %ge3A_2757, %broadcast_in_dim3A_2760, %broadcast_in_dim3A_2761 : vector<16xi1>, vector<16xi32>
    %mul3A_2763 = arith.constant 32 : i32
    %mul3A_2764 = arith.muli %add3A, %mul3A_2763 : i32
    %add3A_2765 = vector.broadcast %mul3A_2764 : i32 to vector<16xi32>
    %add3A_2766 = arith.addi %select_n3A_2762, %add3A_2765 : vector<16xi32>
    %shift_right_arithmetic3A_2767 = arith.constant 3 : i32
    %shift_right_arithmetic3A_2768 = vector.broadcast %shift_right_arithmetic3A_2767 : i32 to vector<16xi32>
    %shift_right_arithmetic3A_2769 = arith.shrsi %get3A_2754, %shift_right_arithmetic3A_2768 : vector<16xi32>
    %mul3A_2770 = arith.constant 8192 : i32
    %mul3A_2771 = vector.broadcast %mul3A_2770 : i32 to vector<16xi32>
    %mul3A_2772 = arith.muli %shift_right_arithmetic3A_2769, %mul3A_2771 : vector<16xi32>
    %shift_right_arithmetic3A_2773 = arith.constant 7 : i32
    %shift_right_arithmetic3A_2774 = vector.broadcast %shift_right_arithmetic3A_2773 : i32 to vector<16xi32>
    %shift_right_arithmetic3A_2775 = arith.shrsi %add3A_2766, %shift_right_arithmetic3A_2774 : vector<16xi32>
    %shift_left3A_2776 = arith.constant 10 : i32
    %shift_left3A_2777 = vector.broadcast %shift_left3A_2776 : i32 to vector<16xi32>
    %shift_left3A_2778 = arith.shli %shift_right_arithmetic3A_2775, %shift_left3A_2777 : vector<16xi32>
    %add3A_2779 = arith.addi %mul3A_2772, %shift_left3A_2778 : vector<16xi32>
    %and3A_2780 = arith.constant 7 : i32
    %and3A_2781 = vector.broadcast %and3A_2780 : i32 to vector<16xi32>
    %and3A_2782 = arith.andi %get3A_2754, %and3A_2781 : vector<16xi32>
    %shift_left3A_2783 = arith.constant 7 : i32
    %shift_left3A_2784 = vector.broadcast %shift_left3A_2783 : i32 to vector<16xi32>
    %shift_left3A_2785 = arith.shli %and3A_2782, %shift_left3A_2784 : vector<16xi32>
    %add3A_2786 = arith.addi %add3A_2779, %shift_left3A_2785 : vector<16xi32>
    %and3A_2787 = arith.constant 127 : i32
    %and3A_2788 = vector.broadcast %and3A_2787 : i32 to vector<16xi32>
    %and3A_2789 = arith.andi %add3A_2766, %and3A_2788 : vector<16xi32>
    %add3A_2790 = arith.addi %add3A_2786, %and3A_2789 : vector<16xi32>
    %swap3A_2791 = arith.constant 1136 : index
    %swap3A_2792 = tpu.vector_load %arg6[%swap3A_2791] {strides = array<i32>} : memref<1600xi32, #tpu.memory_space<vmem>>, vector<16xi32>,
    %swap3A_2793 = vector.shape_cast %swap3A_2792 : vector<16xi32> to vector<16xi32>
    %swap3A_2794 = vector.shape_cast %add3A_2790 : vector<16xi32> to vector<16xi32>
    tpu.vector_store %arg6[%swap3A_2791], %swap3A_2794 {strides = array<i32>} : memref<1600xi32, #tpu.memory_space<vmem>>, vector<16xi32>,
    %get3A_2795 = arith.constant 1152 : index
    %get3A_2796 = tpu.vector_load %arg5[%get3A_2795] {strides = array<i32>} : memref<1600xi32, #tpu.memory_space<vmem>>, vector<16xi32>,
    %get3A_2797 = vector.shape_cast %get3A_2796 : vector<16xi32> to vector<16xi32>
    %broadcast_in_dim3A_2798 = arith.constant 23 : i32
    %broadcast_in_dim3A_2799 = vector.broadcast %broadcast_in_dim3A_2798 : i32 to vector<16xi32>
    %mul3A_2800 = arith.constant 32 : i32
    %mul3A_2801 = arith.muli %add3A, %mul3A_2800 : i32
    %add3A_2802 = vector.broadcast %mul3A_2801 : i32 to vector<16xi32>
    %add3A_2803 = arith.addi %broadcast_in_dim3A_2799, %add3A_2802 : vector<16xi32>
    %shift_right_arithmetic3A_2804 = arith.constant 3 : i32
    %shift_right_arithmetic3A_2805 = vector.broadcast %shift_right_arithmetic3A_2804 : i32 to vector<16xi32>
    %shift_right_arithmetic3A_2806 = arith.shrsi %get3A_2797, %shift_right_arithmetic3A_2805 : vector<16xi32>
    %mul3A_2807 = arith.constant 8192 : i32
    %mul3A_2808 = vector.broadcast %mul3A_2807 : i32 to vector<16xi32>
    %mul3A_2809 = arith.muli %shift_right_arithmetic3A_2806, %mul3A_2808 : vector<16xi32>
    %shift_right_arithmetic3A_2810 = arith.constant 7 : i32
    %shift_right_arithmetic3A_2811 = vector.broadcast %shift_right_arithmetic3A_2810 : i32 to vector<16xi32>
    %shift_right_arithmetic3A_2812 = arith.shrsi %add3A_2803, %shift_right_arithmetic3A_2811 : vector<16xi32>
    %shift_left3A_2813 = arith.constant 10 : i32
    %shift_left3A_2814 = vector.broadcast %shift_left3A_2813 : i32 to vector<16xi32>
    %shift_left3A_2815 = arith.shli %shift_right_arithmetic3A_2812, %shift_left3A_2814 : vector<16xi32>
    %add3A_2816 = arith.addi %mul3A_2809, %shift_left3A_2815 : vector<16xi32>
    %and3A_2817 = arith.constant 7 : i32
    %and3A_2818 = vector.broadcast %and3A_2817 : i32 to vector<16xi32>
    %and3A_2819 = arith.andi %get3A_2797, %and3A_2818 : vector<16xi32>
    %shift_left3A_2820 = arith.constant 7 : i32
    %shift_left3A_2821 = vector.broadcast %shift_left3A_2820 : i32 to vector<16xi32>
    %shift_left3A_2822 = arith.shli %and3A_2819, %shift_left3A_2821 : vector<16xi32>
    %add3A_2823 = arith.addi %add3A_2816, %shift_left3A_2822 : vector<16xi32>
    %and3A_2824 = arith.constant 127 : i32
    %and3A_2825 = vector.broadcast %and3A_2824 : i32 to vector<16xi32>
    %and3A_2826 = arith.andi %add3A_2803, %and3A_2825 : vector<16xi32>
    %add3A_2827 = arith.addi %add3A_2823, %and3A_2826 : vector<16xi32>
    %swap3A_2828 = arith.constant 1152 : index
    %swap3A_2829 = tpu.vector_load %arg6[%swap3A_2828] {strides = array<i32>} : memref<1600xi32, #tpu.memory_space<vmem>>, vector<16xi32>,
    %swap3A_2830 = vector.shape_cast %swap3A_2829 : vector<16xi32> to vector<16xi32>
    %swap3A_2831 = vector.shape_cast %add3A_2827 : vector<16xi32> to vector<16xi32>
    tpu.vector_store %arg6[%swap3A_2828], %swap3A_2831 {strides = array<i32>} : memref<1600xi32, #tpu.memory_space<vmem>>, vector<16xi32>,
    %get3A_2832 = arith.constant 1168 : index
    %get3A_2833 = tpu.vector_load %arg5[%get3A_2832] {strides = array<i32>} : memref<1600xi32, #tpu.memory_space<vmem>>, vector<16xi32>,
    %get3A_2834 = vector.shape_cast %get3A_2833 : vector<16xi32> to vector<16xi32>
    %broadcast_in_dim3A_2835 = arith.constant 23 : i32
    %broadcast_in_dim3A_2836 = vector.broadcast %broadcast_in_dim3A_2835 : i32 to vector<16xi32>
    %mul3A_2837 = arith.constant 32 : i32
    %mul3A_2838 = arith.muli %add3A, %mul3A_2837 : i32
    %add3A_2839 = vector.broadcast %mul3A_2838 : i32 to vector<16xi32>
    %add3A_2840 = arith.addi %broadcast_in_dim3A_2836, %add3A_2839 : vector<16xi32>
    %shift_right_arithmetic3A_2841 = arith.constant 3 : i32
    %shift_right_arithmetic3A_2842 = vector.broadcast %shift_right_arithmetic3A_2841 : i32 to vector<16xi32>
    %shift_right_arithmetic3A_2843 = arith.shrsi %get3A_2834, %shift_right_arithmetic3A_2842 : vector<16xi32>
    %mul3A_2844 = arith.constant 8192 : i32
    %mul3A_2845 = vector.broadcast %mul3A_2844 : i32 to vector<16xi32>
    %mul3A_2846 = arith.muli %shift_right_arithmetic3A_2843, %mul3A_2845 : vector<16xi32>
    %shift_right_arithmetic3A_2847 = arith.constant 7 : i32
    %shift_right_arithmetic3A_2848 = vector.broadcast %shift_right_arithmetic3A_2847 : i32 to vector<16xi32>
    %shift_right_arithmetic3A_2849 = arith.shrsi %add3A_2840, %shift_right_arithmetic3A_2848 : vector<16xi32>
    %shift_left3A_2850 = arith.constant 10 : i32
    %shift_left3A_2851 = vector.broadcast %shift_left3A_2850 : i32 to vector<16xi32>
    %shift_left3A_2852 = arith.shli %shift_right_arithmetic3A_2849, %shift_left3A_2851 : vector<16xi32>
    %add3A_2853 = arith.addi %mul3A_2846, %shift_left3A_2852 : vector<16xi32>
    %and3A_2854 = arith.constant 7 : i32
    %and3A_2855 = vector.broadcast %and3A_2854 : i32 to vector<16xi32>
    %and3A_2856 = arith.andi %get3A_2834, %and3A_2855 : vector<16xi32>
    %shift_left3A_2857 = arith.constant 7 : i32
    %shift_left3A_2858 = vector.broadcast %shift_left3A_2857 : i32 to vector<16xi32>
    %shift_left3A_2859 = arith.shli %and3A_2856, %shift_left3A_2858 : vector<16xi32>
    %add3A_2860 = arith.addi %add3A_2853, %shift_left3A_2859 : vector<16xi32>
    %and3A_2861 = arith.constant 127 : i32
    %and3A_2862 = vector.broadcast %and3A_2861 : i32 to vector<16xi32>
    %and3A_2863 = arith.andi %add3A_2840, %and3A_2862 : vector<16xi32>
    %add3A_2864 = arith.addi %add3A_2860, %and3A_2863 : vector<16xi32>
    %swap3A_2865 = arith.constant 1168 : index
    %swap3A_2866 = tpu.vector_load %arg6[%swap3A_2865] {strides = array<i32>} : memref<1600xi32, #tpu.memory_space<vmem>>, vector<16xi32>,
    %swap3A_2867 = vector.shape_cast %swap3A_2866 : vector<16xi32> to vector<16xi32>
    %swap3A_2868 = vector.shape_cast %add3A_2864 : vector<16xi32> to vector<16xi32>
    tpu.vector_store %arg6[%swap3A_2865], %swap3A_2868 {strides = array<i32>} : memref<1600xi32, #tpu.memory_space<vmem>>, vector<16xi32>,
    %get3A_2869 = arith.constant 1184 : index
    %get3A_2870 = tpu.vector_load %arg5[%get3A_2869] {strides = array<i32>} : memref<1600xi32, #tpu.memory_space<vmem>>, vector<16xi32>,
    %get3A_2871 = vector.shape_cast %get3A_2870 : vector<16xi32> to vector<16xi32>
    %broadcast_in_dim3A_2872 = arith.constant 23 : i32
    %broadcast_in_dim3A_2873 = vector.broadcast %broadcast_in_dim3A_2872 : i32 to vector<16xi32>
    %mul3A_2874 = arith.constant 32 : i32
    %mul3A_2875 = arith.muli %add3A, %mul3A_2874 : i32
    %add3A_2876 = vector.broadcast %mul3A_2875 : i32 to vector<16xi32>
    %add3A_2877 = arith.addi %broadcast_in_dim3A_2873, %add3A_2876 : vector<16xi32>
    %shift_right_arithmetic3A_2878 = arith.constant 3 : i32
    %shift_right_arithmetic3A_2879 = vector.broadcast %shift_right_arithmetic3A_2878 : i32 to vector<16xi32>
    %shift_right_arithmetic3A_2880 = arith.shrsi %get3A_2871, %shift_right_arithmetic3A_2879 : vector<16xi32>
    %mul3A_2881 = arith.constant 8192 : i32
    %mul3A_2882 = vector.broadcast %mul3A_2881 : i32 to vector<16xi32>
    %mul3A_2883 = arith.muli %shift_right_arithmetic3A_2880, %mul3A_2882 : vector<16xi32>
    %shift_right_arithmetic3A_2884 = arith.constant 7 : i32
    %shift_right_arithmetic3A_2885 = vector.broadcast %shift_right_arithmetic3A_2884 : i32 to vector<16xi32>
    %shift_right_arithmetic3A_2886 = arith.shrsi %add3A_2877, %shift_right_arithmetic3A_2885 : vector<16xi32>
    %shift_left3A_2887 = arith.constant 10 : i32
    %shift_left3A_2888 = vector.broadcast %shift_left3A_2887 : i32 to vector<16xi32>
    %shift_left3A_2889 = arith.shli %shift_right_arithmetic3A_2886, %shift_left3A_2888 : vector<16xi32>
    %add3A_2890 = arith.addi %mul3A_2883, %shift_left3A_2889 : vector<16xi32>
    %and3A_2891 = arith.constant 7 : i32
    %and3A_2892 = vector.broadcast %and3A_2891 : i32 to vector<16xi32>
    %and3A_2893 = arith.andi %get3A_2871, %and3A_2892 : vector<16xi32>
    %shift_left3A_2894 = arith.constant 7 : i32
    %shift_left3A_2895 = vector.broadcast %shift_left3A_2894 : i32 to vector<16xi32>
    %shift_left3A_2896 = arith.shli %and3A_2893, %shift_left3A_2895 : vector<16xi32>
    %add3A_2897 = arith.addi %add3A_2890, %shift_left3A_2896 : vector<16xi32>
    %and3A_2898 = arith.constant 127 : i32
    %and3A_2899 = vector.broadcast %and3A_2898 : i32 to vector<16xi32>
    %and3A_2900 = arith.andi %add3A_2877, %and3A_2899 : vector<16xi32>
    %add3A_2901 = arith.addi %add3A_2897, %and3A_2900 : vector<16xi32>
    %swap3A_2902 = arith.constant 1184 : index
    %swap3A_2903 = tpu.vector_load %arg6[%swap3A_2902] {strides = array<i32>} : memref<1600xi32, #tpu.memory_space<vmem>>, vector<16xi32>,
    %swap3A_2904 = vector.shape_cast %swap3A_2903 : vector<16xi32> to vector<16xi32>
    %swap3A_2905 = vector.shape_cast %add3A_2901 : vector<16xi32> to vector<16xi32>
    tpu.vector_store %arg6[%swap3A_2902], %swap3A_2905 {strides = array<i32>} : memref<1600xi32, #tpu.memory_space<vmem>>, vector<16xi32>,
    %dma_start3A_2906 = arith.constant 800 : i32
    %dma_start3A_2907 = tpu.memref_slice %arg7[%dma_start3A_2906] : memref<1600xf32, #tpu.memory_space<vmem>> -> memref<400xf32, #tpu.memory_space<vmem>>
    %dma_start3A_2908 = arith.constant 800 : i32
    %dma_start3A_2909 = tpu.memref_slice %arg6[%dma_start3A_2908] : memref<1600xi32, #tpu.memory_space<vmem>> -> memref<400xi32, #tpu.memory_space<vmem>>
    %dma_start3A_2910 = arith.constant 0 : i32
    %dma_start3A_2911 = tpu.memref_slice %arg2[%dma_start3A_2910] : memref<102400000xf32, #tpu.memory_space<hbm>> -> memref<102400000xf32, #tpu.memory_space<hbm>>
    tpu.enqueue_indirect_dma source(%dma_start3A_2911 : memref<102400000xf32, #tpu.memory_space<hbm>>) target(%dma_start3A_2907 : memref<400xf32, #tpu.memory_space<vmem>>) offsets(%dma_start3A_2909 : memref<400xi32, #tpu.memory_space<vmem>>) semaphore(%arg9 : memref<!tpu.dma_semaphore, #tpu.memory_space<semaphore_mem>>)
    %get3A_2912 = arith.constant 1200 : index
    %get3A_2913 = tpu.vector_load %arg5[%get3A_2912] {strides = array<i32>} : memref<1600xi32, #tpu.memory_space<vmem>>, vector<16xi32>,
    %get3A_2914 = vector.shape_cast %get3A_2913 : vector<16xi32> to vector<16xi32>
    %broadcast_in_dim3A_2915 = arith.constant 24 : i32
    %broadcast_in_dim3A_2916 = vector.broadcast %broadcast_in_dim3A_2915 : i32 to vector<16xi32>
    %mul3A_2917 = arith.constant 32 : i32
    %mul3A_2918 = arith.muli %add3A, %mul3A_2917 : i32
    %add3A_2919 = vector.broadcast %mul3A_2918 : i32 to vector<16xi32>
    %add3A_2920 = arith.addi %broadcast_in_dim3A_2916, %add3A_2919 : vector<16xi32>
    %shift_right_arithmetic3A_2921 = arith.constant 3 : i32
    %shift_right_arithmetic3A_2922 = vector.broadcast %shift_right_arithmetic3A_2921 : i32 to vector<16xi32>
    %shift_right_arithmetic3A_2923 = arith.shrsi %get3A_2914, %shift_right_arithmetic3A_2922 : vector<16xi32>
    %mul3A_2924 = arith.constant 8192 : i32
    %mul3A_2925 = vector.broadcast %mul3A_2924 : i32 to vector<16xi32>
    %mul3A_2926 = arith.muli %shift_right_arithmetic3A_2923, %mul3A_2925 : vector<16xi32>
    %shift_right_arithmetic3A_2927 = arith.constant 7 : i32
    %shift_right_arithmetic3A_2928 = vector.broadcast %shift_right_arithmetic3A_2927 : i32 to vector<16xi32>
    %shift_right_arithmetic3A_2929 = arith.shrsi %add3A_2920, %shift_right_arithmetic3A_2928 : vector<16xi32>
    %shift_left3A_2930 = arith.constant 10 : i32
    %shift_left3A_2931 = vector.broadcast %shift_left3A_2930 : i32 to vector<16xi32>
    %shift_left3A_2932 = arith.shli %shift_right_arithmetic3A_2929, %shift_left3A_2931 : vector<16xi32>
    %add3A_2933 = arith.addi %mul3A_2926, %shift_left3A_2932 : vector<16xi32>
    %and3A_2934 = arith.constant 7 : i32
    %and3A_2935 = vector.broadcast %and3A_2934 : i32 to vector<16xi32>
    %and3A_2936 = arith.andi %get3A_2914, %and3A_2935 : vector<16xi32>
    %shift_left3A_2937 = arith.constant 7 : i32
    %shift_left3A_2938 = vector.broadcast %shift_left3A_2937 : i32 to vector<16xi32>
    %shift_left3A_2939 = arith.shli %and3A_2936, %shift_left3A_2938 : vector<16xi32>
    %add3A_2940 = arith.addi %add3A_2933, %shift_left3A_2939 : vector<16xi32>
    %and3A_2941 = arith.constant 127 : i32
    %and3A_2942 = vector.broadcast %and3A_2941 : i32 to vector<16xi32>
    %and3A_2943 = arith.andi %add3A_2920, %and3A_2942 : vector<16xi32>
    %add3A_2944 = arith.addi %add3A_2940, %and3A_2943 : vector<16xi32>
    %swap3A_2945 = arith.constant 1200 : index
    %swap3A_2946 = tpu.vector_load %arg6[%swap3A_2945] {strides = array<i32>} : memref<1600xi32, #tpu.memory_space<vmem>>, vector<16xi32>,
    %swap3A_2947 = vector.shape_cast %swap3A_2946 : vector<16xi32> to vector<16xi32>
    %swap3A_2948 = vector.shape_cast %add3A_2944 : vector<16xi32> to vector<16xi32>
    tpu.vector_store %arg6[%swap3A_2945], %swap3A_2948 {strides = array<i32>} : memref<1600xi32, #tpu.memory_space<vmem>>, vector<16xi32>,
    %get3A_2949 = arith.constant 1216 : index
    %get3A_2950 = tpu.vector_load %arg5[%get3A_2949] {strides = array<i32>} : memref<1600xi32, #tpu.memory_space<vmem>>, vector<16xi32>,
    %get3A_2951 = vector.shape_cast %get3A_2950 : vector<16xi32> to vector<16xi32>
    %broadcast_in_dim3A_2952 = arith.constant 24 : i32
    %broadcast_in_dim3A_2953 = vector.broadcast %broadcast_in_dim3A_2952 : i32 to vector<16xi32>
    %mul3A_2954 = arith.constant 32 : i32
    %mul3A_2955 = arith.muli %add3A, %mul3A_2954 : i32
    %add3A_2956 = vector.broadcast %mul3A_2955 : i32 to vector<16xi32>
    %add3A_2957 = arith.addi %broadcast_in_dim3A_2953, %add3A_2956 : vector<16xi32>
    %shift_right_arithmetic3A_2958 = arith.constant 3 : i32
    %shift_right_arithmetic3A_2959 = vector.broadcast %shift_right_arithmetic3A_2958 : i32 to vector<16xi32>
    %shift_right_arithmetic3A_2960 = arith.shrsi %get3A_2951, %shift_right_arithmetic3A_2959 : vector<16xi32>
    %mul3A_2961 = arith.constant 8192 : i32
    %mul3A_2962 = vector.broadcast %mul3A_2961 : i32 to vector<16xi32>
    %mul3A_2963 = arith.muli %shift_right_arithmetic3A_2960, %mul3A_2962 : vector<16xi32>
    %shift_right_arithmetic3A_2964 = arith.constant 7 : i32
    %shift_right_arithmetic3A_2965 = vector.broadcast %shift_right_arithmetic3A_2964 : i32 to vector<16xi32>
    %shift_right_arithmetic3A_2966 = arith.shrsi %add3A_2957, %shift_right_arithmetic3A_2965 : vector<16xi32>
    %shift_left3A_2967 = arith.constant 10 : i32
    %shift_left3A_2968 = vector.broadcast %shift_left3A_2967 : i32 to vector<16xi32>
    %shift_left3A_2969 = arith.shli %shift_right_arithmetic3A_2966, %shift_left3A_2968 : vector<16xi32>
    %add3A_2970 = arith.addi %mul3A_2963, %shift_left3A_2969 : vector<16xi32>
    %and3A_2971 = arith.constant 7 : i32
    %and3A_2972 = vector.broadcast %and3A_2971 : i32 to vector<16xi32>
    %and3A_2973 = arith.andi %get3A_2951, %and3A_2972 : vector<16xi32>
    %shift_left3A_2974 = arith.constant 7 : i32
    %shift_left3A_2975 = vector.broadcast %shift_left3A_2974 : i32 to vector<16xi32>
    %shift_left3A_2976 = arith.shli %and3A_2973, %shift_left3A_2975 : vector<16xi32>
    %add3A_2977 = arith.addi %add3A_2970, %shift_left3A_2976 : vector<16xi32>
    %and3A_2978 = arith.constant 127 : i32
    %and3A_2979 = vector.broadcast %and3A_2978 : i32 to vector<16xi32>
    %and3A_2980 = arith.andi %add3A_2957, %and3A_2979 : vector<16xi32>
    %add3A_2981 = arith.addi %add3A_2977, %and3A_2980 : vector<16xi32>
    %swap3A_2982 = arith.constant 1216 : index
    %swap3A_2983 = tpu.vector_load %arg6[%swap3A_2982] {strides = array<i32>} : memref<1600xi32, #tpu.memory_space<vmem>>, vector<16xi32>,
    %swap3A_2984 = vector.shape_cast %swap3A_2983 : vector<16xi32> to vector<16xi32>
    %swap3A_2985 = vector.shape_cast %add3A_2981 : vector<16xi32> to vector<16xi32>
    tpu.vector_store %arg6[%swap3A_2982], %swap3A_2985 {strides = array<i32>} : memref<1600xi32, #tpu.memory_space<vmem>>, vector<16xi32>,
    %get3A_2986 = arith.constant 1232 : index
    %get3A_2987 = tpu.vector_load %arg5[%get3A_2986] {strides = array<i32>} : memref<1600xi32, #tpu.memory_space<vmem>>, vector<16xi32>,
    %get3A_2988 = vector.shape_cast %get3A_2987 : vector<16xi32> to vector<16xi32>
    %broadcast_in_dim3A_2989 = arith.constant 24 : i32
    %broadcast_in_dim3A_2990 = vector.broadcast %broadcast_in_dim3A_2989 : i32 to vector<16xi32>
    %mul3A_2991 = arith.constant 32 : i32
    %mul3A_2992 = arith.muli %add3A, %mul3A_2991 : i32
    %add3A_2993 = vector.broadcast %mul3A_2992 : i32 to vector<16xi32>
    %add3A_2994 = arith.addi %broadcast_in_dim3A_2990, %add3A_2993 : vector<16xi32>
    %shift_right_arithmetic3A_2995 = arith.constant 3 : i32
    %shift_right_arithmetic3A_2996 = vector.broadcast %shift_right_arithmetic3A_2995 : i32 to vector<16xi32>
    %shift_right_arithmetic3A_2997 = arith.shrsi %get3A_2988, %shift_right_arithmetic3A_2996 : vector<16xi32>
    %mul3A_2998 = arith.constant 8192 : i32
    %mul3A_2999 = vector.broadcast %mul3A_2998 : i32 to vector<16xi32>
    %mul3A_3000 = arith.muli %shift_right_arithmetic3A_2997, %mul3A_2999 : vector<16xi32>
    %shift_right_arithmetic3A_3001 = arith.constant 7 : i32
    %shift_right_arithmetic3A_3002 = vector.broadcast %shift_right_arithmetic3A_3001 : i32 to vector<16xi32>
    %shift_right_arithmetic3A_3003 = arith.shrsi %add3A_2994, %shift_right_arithmetic3A_3002 : vector<16xi32>
    %shift_left3A_3004 = arith.constant 10 : i32
    %shift_left3A_3005 = vector.broadcast %shift_left3A_3004 : i32 to vector<16xi32>
    %shift_left3A_3006 = arith.shli %shift_right_arithmetic3A_3003, %shift_left3A_3005 : vector<16xi32>
    %add3A_3007 = arith.addi %mul3A_3000, %shift_left3A_3006 : vector<16xi32>
    %and3A_3008 = arith.constant 7 : i32
    %and3A_3009 = vector.broadcast %and3A_3008 : i32 to vector<16xi32>
    %and3A_3010 = arith.andi %get3A_2988, %and3A_3009 : vector<16xi32>
    %shift_left3A_3011 = arith.constant 7 : i32
    %shift_left3A_3012 = vector.broadcast %shift_left3A_3011 : i32 to vector<16xi32>
    %shift_left3A_3013 = arith.shli %and3A_3010, %shift_left3A_3012 : vector<16xi32>
    %add3A_3014 = arith.addi %add3A_3007, %shift_left3A_3013 : vector<16xi32>
    %and3A_3015 = arith.constant 127 : i32
    %and3A_3016 = vector.broadcast %and3A_3015 : i32 to vector<16xi32>
    %and3A_3017 = arith.andi %add3A_2994, %and3A_3016 : vector<16xi32>
    %add3A_3018 = arith.addi %add3A_3014, %and3A_3017 : vector<16xi32>
    %swap3A_3019 = arith.constant 1232 : index
    %swap3A_3020 = tpu.vector_load %arg6[%swap3A_3019] {strides = array<i32>} : memref<1600xi32, #tpu.memory_space<vmem>>, vector<16xi32>,
    %swap3A_3021 = vector.shape_cast %swap3A_3020 : vector<16xi32> to vector<16xi32>
    %swap3A_3022 = vector.shape_cast %add3A_3018 : vector<16xi32> to vector<16xi32>
    tpu.vector_store %arg6[%swap3A_3019], %swap3A_3022 {strides = array<i32>} : memref<1600xi32, #tpu.memory_space<vmem>>, vector<16xi32>,
    %get3A_3023 = arith.constant 1248 : index
    %get3A_3024 = tpu.vector_load %arg5[%get3A_3023] {strides = array<i32>} : memref<1600xi32, #tpu.memory_space<vmem>>, vector<16xi32>,
    %get3A_3025 = vector.shape_cast %get3A_3024 : vector<16xi32> to vector<16xi32>
    %ge3A_3026 = arith.constant 2 : i32
    %ge3A_3027 = vector.broadcast %ge3A_3026 : i32 to vector<16xi32>
    %ge3A_3028 = arith.cmpi sge, %iota3A, %ge3A_3027 : vector<16xi32>
    %jit3A_3029 = arith.constant 25 : i32
    %jit3A_3030 = arith.constant 24 : i32
    %broadcast_in_dim3A_3031 = vector.broadcast %jit3A_3029 : i32 to vector<16xi32>
    %broadcast_in_dim3A_3032 = vector.broadcast %jit3A_3030 : i32 to vector<16xi32>
    %select_n3A_3033 = arith.select %ge3A_3028, %broadcast_in_dim3A_3031, %broadcast_in_dim3A_3032 : vector<16xi1>, vector<16xi32>
    %mul3A_3034 = arith.constant 32 : i32
    %mul3A_3035 = arith.muli %add3A, %mul3A_3034 : i32
    %add3A_3036 = vector.broadcast %mul3A_3035 : i32 to vector<16xi32>
    %add3A_3037 = arith.addi %select_n3A_3033, %add3A_3036 : vector<16xi32>
    %shift_right_arithmetic3A_3038 = arith.constant 3 : i32
    %shift_right_arithmetic3A_3039 = vector.broadcast %shift_right_arithmetic3A_3038 : i32 to vector<16xi32>
    %shift_right_arithmetic3A_3040 = arith.shrsi %get3A_3025, %shift_right_arithmetic3A_3039 : vector<16xi32>
    %mul3A_3041 = arith.constant 8192 : i32
    %mul3A_3042 = vector.broadcast %mul3A_3041 : i32 to vector<16xi32>
    %mul3A_3043 = arith.muli %shift_right_arithmetic3A_3040, %mul3A_3042 : vector<16xi32>
    %shift_right_arithmetic3A_3044 = arith.constant 7 : i32
    %shift_right_arithmetic3A_3045 = vector.broadcast %shift_right_arithmetic3A_3044 : i32 to vector<16xi32>
    %shift_right_arithmetic3A_3046 = arith.shrsi %add3A_3037, %shift_right_arithmetic3A_3045 : vector<16xi32>
    %shift_left3A_3047 = arith.constant 10 : i32
    %shift_left3A_3048 = vector.broadcast %shift_left3A_3047 : i32 to vector<16xi32>
    %shift_left3A_3049 = arith.shli %shift_right_arithmetic3A_3046, %shift_left3A_3048 : vector<16xi32>
    %add3A_3050 = arith.addi %mul3A_3043, %shift_left3A_3049 : vector<16xi32>
    %and3A_3051 = arith.constant 7 : i32
    %and3A_3052 = vector.broadcast %and3A_3051 : i32 to vector<16xi32>
    %and3A_3053 = arith.andi %get3A_3025, %and3A_3052 : vector<16xi32>
    %shift_left3A_3054 = arith.constant 7 : i32
    %shift_left3A_3055 = vector.broadcast %shift_left3A_3054 : i32 to vector<16xi32>
    %shift_left3A_3056 = arith.shli %and3A_3053, %shift_left3A_3055 : vector<16xi32>
    %add3A_3057 = arith.addi %add3A_3050, %shift_left3A_3056 : vector<16xi32>
    %and3A_3058 = arith.constant 127 : i32
    %and3A_3059 = vector.broadcast %and3A_3058 : i32 to vector<16xi32>
    %and3A_3060 = arith.andi %add3A_3037, %and3A_3059 : vector<16xi32>
    %add3A_3061 = arith.addi %add3A_3057, %and3A_3060 : vector<16xi32>
    %swap3A_3062 = arith.constant 1248 : index
    %swap3A_3063 = tpu.vector_load %arg6[%swap3A_3062] {strides = array<i32>} : memref<1600xi32, #tpu.memory_space<vmem>>, vector<16xi32>,
    %swap3A_3064 = vector.shape_cast %swap3A_3063 : vector<16xi32> to vector<16xi32>
    %swap3A_3065 = vector.shape_cast %add3A_3061 : vector<16xi32> to vector<16xi32>
    tpu.vector_store %arg6[%swap3A_3062], %swap3A_3065 {strides = array<i32>} : memref<1600xi32, #tpu.memory_space<vmem>>, vector<16xi32>,
    %get3A_3066 = arith.constant 1264 : index
    %get3A_3067 = tpu.vector_load %arg5[%get3A_3066] {strides = array<i32>} : memref<1600xi32, #tpu.memory_space<vmem>>, vector<16xi32>,
    %get3A_3068 = vector.shape_cast %get3A_3067 : vector<16xi32> to vector<16xi32>
    %broadcast_in_dim3A_3069 = arith.constant 25 : i32
    %broadcast_in_dim3A_3070 = vector.broadcast %broadcast_in_dim3A_3069 : i32 to vector<16xi32>
    %mul3A_3071 = arith.constant 32 : i32
    %mul3A_3072 = arith.muli %add3A, %mul3A_3071 : i32
    %add3A_3073 = vector.broadcast %mul3A_3072 : i32 to vector<16xi32>
    %add3A_3074 = arith.addi %broadcast_in_dim3A_3070, %add3A_3073 : vector<16xi32>
    %shift_right_arithmetic3A_3075 = arith.constant 3 : i32
    %shift_right_arithmetic3A_3076 = vector.broadcast %shift_right_arithmetic3A_3075 : i32 to vector<16xi32>
    %shift_right_arithmetic3A_3077 = arith.shrsi %get3A_3068, %shift_right_arithmetic3A_3076 : vector<16xi32>
    %mul3A_3078 = arith.constant 8192 : i32
    %mul3A_3079 = vector.broadcast %mul3A_3078 : i32 to vector<16xi32>
    %mul3A_3080 = arith.muli %shift_right_arithmetic3A_3077, %mul3A_3079 : vector<16xi32>
    %shift_right_arithmetic3A_3081 = arith.constant 7 : i32
    %shift_right_arithmetic3A_3082 = vector.broadcast %shift_right_arithmetic3A_3081 : i32 to vector<16xi32>
    %shift_right_arithmetic3A_3083 = arith.shrsi %add3A_3074, %shift_right_arithmetic3A_3082 : vector<16xi32>
    %shift_left3A_3084 = arith.constant 10 : i32
    %shift_left3A_3085 = vector.broadcast %shift_left3A_3084 : i32 to vector<16xi32>
    %shift_left3A_3086 = arith.shli %shift_right_arithmetic3A_3083, %shift_left3A_3085 : vector<16xi32>
    %add3A_3087 = arith.addi %mul3A_3080, %shift_left3A_3086 : vector<16xi32>
    %and3A_3088 = arith.constant 7 : i32
    %and3A_3089 = vector.broadcast %and3A_3088 : i32 to vector<16xi32>
    %and3A_3090 = arith.andi %get3A_3068, %and3A_3089 : vector<16xi32>
    %shift_left3A_3091 = arith.constant 7 : i32
    %shift_left3A_3092 = vector.broadcast %shift_left3A_3091 : i32 to vector<16xi32>
    %shift_left3A_3093 = arith.shli %and3A_3090, %shift_left3A_3092 : vector<16xi32>
    %add3A_3094 = arith.addi %add3A_3087, %shift_left3A_3093 : vector<16xi32>
    %and3A_3095 = arith.constant 127 : i32
    %and3A_3096 = vector.broadcast %and3A_3095 : i32 to vector<16xi32>
    %and3A_3097 = arith.andi %add3A_3074, %and3A_3096 : vector<16xi32>
    %add3A_3098 = arith.addi %add3A_3094, %and3A_3097 : vector<16xi32>
    %swap3A_3099 = arith.constant 1264 : index
    %swap3A_3100 = tpu.vector_load %arg6[%swap3A_3099] {strides = array<i32>} : memref<1600xi32, #tpu.memory_space<vmem>>, vector<16xi32>,
    %swap3A_3101 = vector.shape_cast %swap3A_3100 : vector<16xi32> to vector<16xi32>
    %swap3A_3102 = vector.shape_cast %add3A_3098 : vector<16xi32> to vector<16xi32>
    tpu.vector_store %arg6[%swap3A_3099], %swap3A_3102 {strides = array<i32>} : memref<1600xi32, #tpu.memory_space<vmem>>, vector<16xi32>,
    %get3A_3103 = arith.constant 1280 : index
    %get3A_3104 = tpu.vector_load %arg5[%get3A_3103] {strides = array<i32>} : memref<1600xi32, #tpu.memory_space<vmem>>, vector<16xi32>,
    %get3A_3105 = vector.shape_cast %get3A_3104 : vector<16xi32> to vector<16xi32>
    %broadcast_in_dim3A_3106 = arith.constant 25 : i32
    %broadcast_in_dim3A_3107 = vector.broadcast %broadcast_in_dim3A_3106 : i32 to vector<16xi32>
    %mul3A_3108 = arith.constant 32 : i32
    %mul3A_3109 = arith.muli %add3A, %mul3A_3108 : i32
    %add3A_3110 = vector.broadcast %mul3A_3109 : i32 to vector<16xi32>
    %add3A_3111 = arith.addi %broadcast_in_dim3A_3107, %add3A_3110 : vector<16xi32>
    %shift_right_arithmetic3A_3112 = arith.constant 3 : i32
    %shift_right_arithmetic3A_3113 = vector.broadcast %shift_right_arithmetic3A_3112 : i32 to vector<16xi32>
    %shift_right_arithmetic3A_3114 = arith.shrsi %get3A_3105, %shift_right_arithmetic3A_3113 : vector<16xi32>
    %mul3A_3115 = arith.constant 8192 : i32
    %mul3A_3116 = vector.broadcast %mul3A_3115 : i32 to vector<16xi32>
    %mul3A_3117 = arith.muli %shift_right_arithmetic3A_3114, %mul3A_3116 : vector<16xi32>
    %shift_right_arithmetic3A_3118 = arith.constant 7 : i32
    %shift_right_arithmetic3A_3119 = vector.broadcast %shift_right_arithmetic3A_3118 : i32 to vector<16xi32>
    %shift_right_arithmetic3A_3120 = arith.shrsi %add3A_3111, %shift_right_arithmetic3A_3119 : vector<16xi32>
    %shift_left3A_3121 = arith.constant 10 : i32
    %shift_left3A_3122 = vector.broadcast %shift_left3A_3121 : i32 to vector<16xi32>
    %shift_left3A_3123 = arith.shli %shift_right_arithmetic3A_3120, %shift_left3A_3122 : vector<16xi32>
    %add3A_3124 = arith.addi %mul3A_3117, %shift_left3A_3123 : vector<16xi32>
    %and3A_3125 = arith.constant 7 : i32
    %and3A_3126 = vector.broadcast %and3A_3125 : i32 to vector<16xi32>
    %and3A_3127 = arith.andi %get3A_3105, %and3A_3126 : vector<16xi32>
    %shift_left3A_3128 = arith.constant 7 : i32
    %shift_left3A_3129 = vector.broadcast %shift_left3A_3128 : i32 to vector<16xi32>
    %shift_left3A_3130 = arith.shli %and3A_3127, %shift_left3A_3129 : vector<16xi32>
    %add3A_3131 = arith.addi %add3A_3124, %shift_left3A_3130 : vector<16xi32>
    %and3A_3132 = arith.constant 127 : i32
    %and3A_3133 = vector.broadcast %and3A_3132 : i32 to vector<16xi32>
    %and3A_3134 = arith.andi %add3A_3111, %and3A_3133 : vector<16xi32>
    %add3A_3135 = arith.addi %add3A_3131, %and3A_3134 : vector<16xi32>
    %swap3A_3136 = arith.constant 1280 : index
    %swap3A_3137 = tpu.vector_load %arg6[%swap3A_3136] {strides = array<i32>} : memref<1600xi32, #tpu.memory_space<vmem>>, vector<16xi32>,
    %swap3A_3138 = vector.shape_cast %swap3A_3137 : vector<16xi32> to vector<16xi32>
    %swap3A_3139 = vector.shape_cast %add3A_3135 : vector<16xi32> to vector<16xi32>
    tpu.vector_store %arg6[%swap3A_3136], %swap3A_3139 {strides = array<i32>} : memref<1600xi32, #tpu.memory_space<vmem>>, vector<16xi32>,
    %get3A_3140 = arith.constant 1296 : index
    %get3A_3141 = tpu.vector_load %arg5[%get3A_3140] {strides = array<i32>} : memref<1600xi32, #tpu.memory_space<vmem>>, vector<16xi32>,
    %get3A_3142 = vector.shape_cast %get3A_3141 : vector<16xi32> to vector<16xi32>
    %ge3A_3143 = arith.constant 4 : i32
    %ge3A_3144 = vector.broadcast %ge3A_3143 : i32 to vector<16xi32>
    %ge3A_3145 = arith.cmpi sge, %iota3A, %ge3A_3144 : vector<16xi32>
    %jit3A_3146 = arith.constant 26 : i32
    %jit3A_3147 = arith.constant 25 : i32
    %broadcast_in_dim3A_3148 = vector.broadcast %jit3A_3146 : i32 to vector<16xi32>
    %broadcast_in_dim3A_3149 = vector.broadcast %jit3A_3147 : i32 to vector<16xi32>
    %select_n3A_3150 = arith.select %ge3A_3145, %broadcast_in_dim3A_3148, %broadcast_in_dim3A_3149 : vector<16xi1>, vector<16xi32>
    %mul3A_3151 = arith.constant 32 : i32
    %mul3A_3152 = arith.muli %add3A, %mul3A_3151 : i32
    %add3A_3153 = vector.broadcast %mul3A_3152 : i32 to vector<16xi32>
    %add3A_3154 = arith.addi %select_n3A_3150, %add3A_3153 : vector<16xi32>
    %shift_right_arithmetic3A_3155 = arith.constant 3 : i32
    %shift_right_arithmetic3A_3156 = vector.broadcast %shift_right_arithmetic3A_3155 : i32 to vector<16xi32>
    %shift_right_arithmetic3A_3157 = arith.shrsi %get3A_3142, %shift_right_arithmetic3A_3156 : vector<16xi32>
    %mul3A_3158 = arith.constant 8192 : i32
    %mul3A_3159 = vector.broadcast %mul3A_3158 : i32 to vector<16xi32>
    %mul3A_3160 = arith.muli %shift_right_arithmetic3A_3157, %mul3A_3159 : vector<16xi32>
    %shift_right_arithmetic3A_3161 = arith.constant 7 : i32
    %shift_right_arithmetic3A_3162 = vector.broadcast %shift_right_arithmetic3A_3161 : i32 to vector<16xi32>
    %shift_right_arithmetic3A_3163 = arith.shrsi %add3A_3154, %shift_right_arithmetic3A_3162 : vector<16xi32>
    %shift_left3A_3164 = arith.constant 10 : i32
    %shift_left3A_3165 = vector.broadcast %shift_left3A_3164 : i32 to vector<16xi32>
    %shift_left3A_3166 = arith.shli %shift_right_arithmetic3A_3163, %shift_left3A_3165 : vector<16xi32>
    %add3A_3167 = arith.addi %mul3A_3160, %shift_left3A_3166 : vector<16xi32>
    %and3A_3168 = arith.constant 7 : i32
    %and3A_3169 = vector.broadcast %and3A_3168 : i32 to vector<16xi32>
    %and3A_3170 = arith.andi %get3A_3142, %and3A_3169 : vector<16xi32>
    %shift_left3A_3171 = arith.constant 7 : i32
    %shift_left3A_3172 = vector.broadcast %shift_left3A_3171 : i32 to vector<16xi32>
    %shift_left3A_3173 = arith.shli %and3A_3170, %shift_left3A_3172 : vector<16xi32>
    %add3A_3174 = arith.addi %add3A_3167, %shift_left3A_3173 : vector<16xi32>
    %and3A_3175 = arith.constant 127 : i32
    %and3A_3176 = vector.broadcast %and3A_3175 : i32 to vector<16xi32>
    %and3A_3177 = arith.andi %add3A_3154, %and3A_3176 : vector<16xi32>
    %add3A_3178 = arith.addi %add3A_3174, %and3A_3177 : vector<16xi32>
    %swap3A_3179 = arith.constant 1296 : index
    %swap3A_3180 = tpu.vector_load %arg6[%swap3A_3179] {strides = array<i32>} : memref<1600xi32, #tpu.memory_space<vmem>>, vector<16xi32>,
    %swap3A_3181 = vector.shape_cast %swap3A_3180 : vector<16xi32> to vector<16xi32>
    %swap3A_3182 = vector.shape_cast %add3A_3178 : vector<16xi32> to vector<16xi32>
    tpu.vector_store %arg6[%swap3A_3179], %swap3A_3182 {strides = array<i32>} : memref<1600xi32, #tpu.memory_space<vmem>>, vector<16xi32>,
    %get3A_3183 = arith.constant 1312 : index
    %get3A_3184 = tpu.vector_load %arg5[%get3A_3183] {strides = array<i32>} : memref<1600xi32, #tpu.memory_space<vmem>>, vector<16xi32>,
    %get3A_3185 = vector.shape_cast %get3A_3184 : vector<16xi32> to vector<16xi32>
    %broadcast_in_dim3A_3186 = arith.constant 26 : i32
    %broadcast_in_dim3A_3187 = vector.broadcast %broadcast_in_dim3A_3186 : i32 to vector<16xi32>
    %mul3A_3188 = arith.constant 32 : i32
    %mul3A_3189 = arith.muli %add3A, %mul3A_3188 : i32
    %add3A_3190 = vector.broadcast %mul3A_3189 : i32 to vector<16xi32>
    %add3A_3191 = arith.addi %broadcast_in_dim3A_3187, %add3A_3190 : vector<16xi32>
    %shift_right_arithmetic3A_3192 = arith.constant 3 : i32
    %shift_right_arithmetic3A_3193 = vector.broadcast %shift_right_arithmetic3A_3192 : i32 to vector<16xi32>
    %shift_right_arithmetic3A_3194 = arith.shrsi %get3A_3185, %shift_right_arithmetic3A_3193 : vector<16xi32>
    %mul3A_3195 = arith.constant 8192 : i32
    %mul3A_3196 = vector.broadcast %mul3A_3195 : i32 to vector<16xi32>
    %mul3A_3197 = arith.muli %shift_right_arithmetic3A_3194, %mul3A_3196 : vector<16xi32>
    %shift_right_arithmetic3A_3198 = arith.constant 7 : i32
    %shift_right_arithmetic3A_3199 = vector.broadcast %shift_right_arithmetic3A_3198 : i32 to vector<16xi32>
    %shift_right_arithmetic3A_3200 = arith.shrsi %add3A_3191, %shift_right_arithmetic3A_3199 : vector<16xi32>
    %shift_left3A_3201 = arith.constant 10 : i32
    %shift_left3A_3202 = vector.broadcast %shift_left3A_3201 : i32 to vector<16xi32>
    %shift_left3A_3203 = arith.shli %shift_right_arithmetic3A_3200, %shift_left3A_3202 : vector<16xi32>
    %add3A_3204 = arith.addi %mul3A_3197, %shift_left3A_3203 : vector<16xi32>
    %and3A_3205 = arith.constant 7 : i32
    %and3A_3206 = vector.broadcast %and3A_3205 : i32 to vector<16xi32>
    %and3A_3207 = arith.andi %get3A_3185, %and3A_3206 : vector<16xi32>
    %shift_left3A_3208 = arith.constant 7 : i32
    %shift_left3A_3209 = vector.broadcast %shift_left3A_3208 : i32 to vector<16xi32>
    %shift_left3A_3210 = arith.shli %and3A_3207, %shift_left3A_3209 : vector<16xi32>
    %add3A_3211 = arith.addi %add3A_3204, %shift_left3A_3210 : vector<16xi32>
    %and3A_3212 = arith.constant 127 : i32
    %and3A_3213 = vector.broadcast %and3A_3212 : i32 to vector<16xi32>
    %and3A_3214 = arith.andi %add3A_3191, %and3A_3213 : vector<16xi32>
    %add3A_3215 = arith.addi %add3A_3211, %and3A_3214 : vector<16xi32>
    %swap3A_3216 = arith.constant 1312 : index
    %swap3A_3217 = tpu.vector_load %arg6[%swap3A_3216] {strides = array<i32>} : memref<1600xi32, #tpu.memory_space<vmem>>, vector<16xi32>,
    %swap3A_3218 = vector.shape_cast %swap3A_3217 : vector<16xi32> to vector<16xi32>
    %swap3A_3219 = vector.shape_cast %add3A_3215 : vector<16xi32> to vector<16xi32>
    tpu.vector_store %arg6[%swap3A_3216], %swap3A_3219 {strides = array<i32>} : memref<1600xi32, #tpu.memory_space<vmem>>, vector<16xi32>,
    %get3A_3220 = arith.constant 1328 : index
    %get3A_3221 = tpu.vector_load %arg5[%get3A_3220] {strides = array<i32>} : memref<1600xi32, #tpu.memory_space<vmem>>, vector<16xi32>,
    %get3A_3222 = vector.shape_cast %get3A_3221 : vector<16xi32> to vector<16xi32>
    %broadcast_in_dim3A_3223 = arith.constant 26 : i32
    %broadcast_in_dim3A_3224 = vector.broadcast %broadcast_in_dim3A_3223 : i32 to vector<16xi32>
    %mul3A_3225 = arith.constant 32 : i32
    %mul3A_3226 = arith.muli %add3A, %mul3A_3225 : i32
    %add3A_3227 = vector.broadcast %mul3A_3226 : i32 to vector<16xi32>
    %add3A_3228 = arith.addi %broadcast_in_dim3A_3224, %add3A_3227 : vector<16xi32>
    %shift_right_arithmetic3A_3229 = arith.constant 3 : i32
    %shift_right_arithmetic3A_3230 = vector.broadcast %shift_right_arithmetic3A_3229 : i32 to vector<16xi32>
    %shift_right_arithmetic3A_3231 = arith.shrsi %get3A_3222, %shift_right_arithmetic3A_3230 : vector<16xi32>
    %mul3A_3232 = arith.constant 8192 : i32
    %mul3A_3233 = vector.broadcast %mul3A_3232 : i32 to vector<16xi32>
    %mul3A_3234 = arith.muli %shift_right_arithmetic3A_3231, %mul3A_3233 : vector<16xi32>
    %shift_right_arithmetic3A_3235 = arith.constant 7 : i32
    %shift_right_arithmetic3A_3236 = vector.broadcast %shift_right_arithmetic3A_3235 : i32 to vector<16xi32>
    %shift_right_arithmetic3A_3237 = arith.shrsi %add3A_3228, %shift_right_arithmetic3A_3236 : vector<16xi32>
    %shift_left3A_3238 = arith.constant 10 : i32
    %shift_left3A_3239 = vector.broadcast %shift_left3A_3238 : i32 to vector<16xi32>
    %shift_left3A_3240 = arith.shli %shift_right_arithmetic3A_3237, %shift_left3A_3239 : vector<16xi32>
    %add3A_3241 = arith.addi %mul3A_3234, %shift_left3A_3240 : vector<16xi32>
    %and3A_3242 = arith.constant 7 : i32
    %and3A_3243 = vector.broadcast %and3A_3242 : i32 to vector<16xi32>
    %and3A_3244 = arith.andi %get3A_3222, %and3A_3243 : vector<16xi32>
    %shift_left3A_3245 = arith.constant 7 : i32
    %shift_left3A_3246 = vector.broadcast %shift_left3A_3245 : i32 to vector<16xi32>
    %shift_left3A_3247 = arith.shli %and3A_3244, %shift_left3A_3246 : vector<16xi32>
    %add3A_3248 = arith.addi %add3A_3241, %shift_left3A_3247 : vector<16xi32>
    %and3A_3249 = arith.constant 127 : i32
    %and3A_3250 = vector.broadcast %and3A_3249 : i32 to vector<16xi32>
    %and3A_3251 = arith.andi %add3A_3228, %and3A_3250 : vector<16xi32>
    %add3A_3252 = arith.addi %add3A_3248, %and3A_3251 : vector<16xi32>
    %swap3A_3253 = arith.constant 1328 : index
    %swap3A_3254 = tpu.vector_load %arg6[%swap3A_3253] {strides = array<i32>} : memref<1600xi32, #tpu.memory_space<vmem>>, vector<16xi32>,
    %swap3A_3255 = vector.shape_cast %swap3A_3254 : vector<16xi32> to vector<16xi32>
    %swap3A_3256 = vector.shape_cast %add3A_3252 : vector<16xi32> to vector<16xi32>
    tpu.vector_store %arg6[%swap3A_3253], %swap3A_3256 {strides = array<i32>} : memref<1600xi32, #tpu.memory_space<vmem>>, vector<16xi32>,
    %get3A_3257 = arith.constant 1344 : index
    %get3A_3258 = tpu.vector_load %arg5[%get3A_3257] {strides = array<i32>} : memref<1600xi32, #tpu.memory_space<vmem>>, vector<16xi32>,
    %get3A_3259 = vector.shape_cast %get3A_3258 : vector<16xi32> to vector<16xi32>
    %ge3A_3260 = arith.constant 6 : i32
    %ge3A_3261 = vector.broadcast %ge3A_3260 : i32 to vector<16xi32>
    %ge3A_3262 = arith.cmpi sge, %iota3A, %ge3A_3261 : vector<16xi32>
    %jit3A_3263 = arith.constant 27 : i32
    %jit3A_3264 = arith.constant 26 : i32
    %broadcast_in_dim3A_3265 = vector.broadcast %jit3A_3263 : i32 to vector<16xi32>
    %broadcast_in_dim3A_3266 = vector.broadcast %jit3A_3264 : i32 to vector<16xi32>
    %select_n3A_3267 = arith.select %ge3A_3262, %broadcast_in_dim3A_3265, %broadcast_in_dim3A_3266 : vector<16xi1>, vector<16xi32>
    %mul3A_3268 = arith.constant 32 : i32
    %mul3A_3269 = arith.muli %add3A, %mul3A_3268 : i32
    %add3A_3270 = vector.broadcast %mul3A_3269 : i32 to vector<16xi32>
    %add3A_3271 = arith.addi %select_n3A_3267, %add3A_3270 : vector<16xi32>
    %shift_right_arithmetic3A_3272 = arith.constant 3 : i32
    %shift_right_arithmetic3A_3273 = vector.broadcast %shift_right_arithmetic3A_3272 : i32 to vector<16xi32>
    %shift_right_arithmetic3A_3274 = arith.shrsi %get3A_3259, %shift_right_arithmetic3A_3273 : vector<16xi32>
    %mul3A_3275 = arith.constant 8192 : i32
    %mul3A_3276 = vector.broadcast %mul3A_3275 : i32 to vector<16xi32>
    %mul3A_3277 = arith.muli %shift_right_arithmetic3A_3274, %mul3A_3276 : vector<16xi32>
    %shift_right_arithmetic3A_3278 = arith.constant 7 : i32
    %shift_right_arithmetic3A_3279 = vector.broadcast %shift_right_arithmetic3A_3278 : i32 to vector<16xi32>
    %shift_right_arithmetic3A_3280 = arith.shrsi %add3A_3271, %shift_right_arithmetic3A_3279 : vector<16xi32>
    %shift_left3A_3281 = arith.constant 10 : i32
    %shift_left3A_3282 = vector.broadcast %shift_left3A_3281 : i32 to vector<16xi32>
    %shift_left3A_3283 = arith.shli %shift_right_arithmetic3A_3280, %shift_left3A_3282 : vector<16xi32>
    %add3A_3284 = arith.addi %mul3A_3277, %shift_left3A_3283 : vector<16xi32>
    %and3A_3285 = arith.constant 7 : i32
    %and3A_3286 = vector.broadcast %and3A_3285 : i32 to vector<16xi32>
    %and3A_3287 = arith.andi %get3A_3259, %and3A_3286 : vector<16xi32>
    %shift_left3A_3288 = arith.constant 7 : i32
    %shift_left3A_3289 = vector.broadcast %shift_left3A_3288 : i32 to vector<16xi32>
    %shift_left3A_3290 = arith.shli %and3A_3287, %shift_left3A_3289 : vector<16xi32>
    %add3A_3291 = arith.addi %add3A_3284, %shift_left3A_3290 : vector<16xi32>
    %and3A_3292 = arith.constant 127 : i32
    %and3A_3293 = vector.broadcast %and3A_3292 : i32 to vector<16xi32>
    %and3A_3294 = arith.andi %add3A_3271, %and3A_3293 : vector<16xi32>
    %add3A_3295 = arith.addi %add3A_3291, %and3A_3294 : vector<16xi32>
    %swap3A_3296 = arith.constant 1344 : index
    %swap3A_3297 = tpu.vector_load %arg6[%swap3A_3296] {strides = array<i32>} : memref<1600xi32, #tpu.memory_space<vmem>>, vector<16xi32>,
    %swap3A_3298 = vector.shape_cast %swap3A_3297 : vector<16xi32> to vector<16xi32>
    %swap3A_3299 = vector.shape_cast %add3A_3295 : vector<16xi32> to vector<16xi32>
    tpu.vector_store %arg6[%swap3A_3296], %swap3A_3299 {strides = array<i32>} : memref<1600xi32, #tpu.memory_space<vmem>>, vector<16xi32>,
    %get3A_3300 = arith.constant 1360 : index
    %get3A_3301 = tpu.vector_load %arg5[%get3A_3300] {strides = array<i32>} : memref<1600xi32, #tpu.memory_space<vmem>>, vector<16xi32>,
    %get3A_3302 = vector.shape_cast %get3A_3301 : vector<16xi32> to vector<16xi32>
    %broadcast_in_dim3A_3303 = arith.constant 27 : i32
    %broadcast_in_dim3A_3304 = vector.broadcast %broadcast_in_dim3A_3303 : i32 to vector<16xi32>
    %mul3A_3305 = arith.constant 32 : i32
    %mul3A_3306 = arith.muli %add3A, %mul3A_3305 : i32
    %add3A_3307 = vector.broadcast %mul3A_3306 : i32 to vector<16xi32>
    %add3A_3308 = arith.addi %broadcast_in_dim3A_3304, %add3A_3307 : vector<16xi32>
    %shift_right_arithmetic3A_3309 = arith.constant 3 : i32
    %shift_right_arithmetic3A_3310 = vector.broadcast %shift_right_arithmetic3A_3309 : i32 to vector<16xi32>
    %shift_right_arithmetic3A_3311 = arith.shrsi %get3A_3302, %shift_right_arithmetic3A_3310 : vector<16xi32>
    %mul3A_3312 = arith.constant 8192 : i32
    %mul3A_3313 = vector.broadcast %mul3A_3312 : i32 to vector<16xi32>
    %mul3A_3314 = arith.muli %shift_right_arithmetic3A_3311, %mul3A_3313 : vector<16xi32>
    %shift_right_arithmetic3A_3315 = arith.constant 7 : i32
    %shift_right_arithmetic3A_3316 = vector.broadcast %shift_right_arithmetic3A_3315 : i32 to vector<16xi32>
    %shift_right_arithmetic3A_3317 = arith.shrsi %add3A_3308, %shift_right_arithmetic3A_3316 : vector<16xi32>
    %shift_left3A_3318 = arith.constant 10 : i32
    %shift_left3A_3319 = vector.broadcast %shift_left3A_3318 : i32 to vector<16xi32>
    %shift_left3A_3320 = arith.shli %shift_right_arithmetic3A_3317, %shift_left3A_3319 : vector<16xi32>
    %add3A_3321 = arith.addi %mul3A_3314, %shift_left3A_3320 : vector<16xi32>
    %and3A_3322 = arith.constant 7 : i32
    %and3A_3323 = vector.broadcast %and3A_3322 : i32 to vector<16xi32>
    %and3A_3324 = arith.andi %get3A_3302, %and3A_3323 : vector<16xi32>
    %shift_left3A_3325 = arith.constant 7 : i32
    %shift_left3A_3326 = vector.broadcast %shift_left3A_3325 : i32 to vector<16xi32>
    %shift_left3A_3327 = arith.shli %and3A_3324, %shift_left3A_3326 : vector<16xi32>
    %add3A_3328 = arith.addi %add3A_3321, %shift_left3A_3327 : vector<16xi32>
    %and3A_3329 = arith.constant 127 : i32
    %and3A_3330 = vector.broadcast %and3A_3329 : i32 to vector<16xi32>
    %and3A_3331 = arith.andi %add3A_3308, %and3A_3330 : vector<16xi32>
    %add3A_3332 = arith.addi %add3A_3328, %and3A_3331 : vector<16xi32>
    %swap3A_3333 = arith.constant 1360 : index
    %swap3A_3334 = tpu.vector_load %arg6[%swap3A_3333] {strides = array<i32>} : memref<1600xi32, #tpu.memory_space<vmem>>, vector<16xi32>,
    %swap3A_3335 = vector.shape_cast %swap3A_3334 : vector<16xi32> to vector<16xi32>
    %swap3A_3336 = vector.shape_cast %add3A_3332 : vector<16xi32> to vector<16xi32>
    tpu.vector_store %arg6[%swap3A_3333], %swap3A_3336 {strides = array<i32>} : memref<1600xi32, #tpu.memory_space<vmem>>, vector<16xi32>,
    %get3A_3337 = arith.constant 1376 : index
    %get3A_3338 = tpu.vector_load %arg5[%get3A_3337] {strides = array<i32>} : memref<1600xi32, #tpu.memory_space<vmem>>, vector<16xi32>,
    %get3A_3339 = vector.shape_cast %get3A_3338 : vector<16xi32> to vector<16xi32>
    %broadcast_in_dim3A_3340 = arith.constant 27 : i32
    %broadcast_in_dim3A_3341 = vector.broadcast %broadcast_in_dim3A_3340 : i32 to vector<16xi32>
    %mul3A_3342 = arith.constant 32 : i32
    %mul3A_3343 = arith.muli %add3A, %mul3A_3342 : i32
    %add3A_3344 = vector.broadcast %mul3A_3343 : i32 to vector<16xi32>
    %add3A_3345 = arith.addi %broadcast_in_dim3A_3341, %add3A_3344 : vector<16xi32>
    %shift_right_arithmetic3A_3346 = arith.constant 3 : i32
    %shift_right_arithmetic3A_3347 = vector.broadcast %shift_right_arithmetic3A_3346 : i32 to vector<16xi32>
    %shift_right_arithmetic3A_3348 = arith.shrsi %get3A_3339, %shift_right_arithmetic3A_3347 : vector<16xi32>
    %mul3A_3349 = arith.constant 8192 : i32
    %mul3A_3350 = vector.broadcast %mul3A_3349 : i32 to vector<16xi32>
    %mul3A_3351 = arith.muli %shift_right_arithmetic3A_3348, %mul3A_3350 : vector<16xi32>
    %shift_right_arithmetic3A_3352 = arith.constant 7 : i32
    %shift_right_arithmetic3A_3353 = vector.broadcast %shift_right_arithmetic3A_3352 : i32 to vector<16xi32>
    %shift_right_arithmetic3A_3354 = arith.shrsi %add3A_3345, %shift_right_arithmetic3A_3353 : vector<16xi32>
    %shift_left3A_3355 = arith.constant 10 : i32
    %shift_left3A_3356 = vector.broadcast %shift_left3A_3355 : i32 to vector<16xi32>
    %shift_left3A_3357 = arith.shli %shift_right_arithmetic3A_3354, %shift_left3A_3356 : vector<16xi32>
    %add3A_3358 = arith.addi %mul3A_3351, %shift_left3A_3357 : vector<16xi32>
    %and3A_3359 = arith.constant 7 : i32
    %and3A_3360 = vector.broadcast %and3A_3359 : i32 to vector<16xi32>
    %and3A_3361 = arith.andi %get3A_3339, %and3A_3360 : vector<16xi32>
    %shift_left3A_3362 = arith.constant 7 : i32
    %shift_left3A_3363 = vector.broadcast %shift_left3A_3362 : i32 to vector<16xi32>
    %shift_left3A_3364 = arith.shli %and3A_3361, %shift_left3A_3363 : vector<16xi32>
    %add3A_3365 = arith.addi %add3A_3358, %shift_left3A_3364 : vector<16xi32>
    %and3A_3366 = arith.constant 127 : i32
    %and3A_3367 = vector.broadcast %and3A_3366 : i32 to vector<16xi32>
    %and3A_3368 = arith.andi %add3A_3345, %and3A_3367 : vector<16xi32>
    %add3A_3369 = arith.addi %add3A_3365, %and3A_3368 : vector<16xi32>
    %swap3A_3370 = arith.constant 1376 : index
    %swap3A_3371 = tpu.vector_load %arg6[%swap3A_3370] {strides = array<i32>} : memref<1600xi32, #tpu.memory_space<vmem>>, vector<16xi32>,
    %swap3A_3372 = vector.shape_cast %swap3A_3371 : vector<16xi32> to vector<16xi32>
    %swap3A_3373 = vector.shape_cast %add3A_3369 : vector<16xi32> to vector<16xi32>
    tpu.vector_store %arg6[%swap3A_3370], %swap3A_3373 {strides = array<i32>} : memref<1600xi32, #tpu.memory_space<vmem>>, vector<16xi32>,
    %get3A_3374 = arith.constant 1392 : index
    %get3A_3375 = tpu.vector_load %arg5[%get3A_3374] {strides = array<i32>} : memref<1600xi32, #tpu.memory_space<vmem>>, vector<16xi32>,
    %get3A_3376 = vector.shape_cast %get3A_3375 : vector<16xi32> to vector<16xi32>
    %ge3A_3377 = arith.constant 8 : i32
    %ge3A_3378 = vector.broadcast %ge3A_3377 : i32 to vector<16xi32>
    %ge3A_3379 = arith.cmpi sge, %iota3A, %ge3A_3378 : vector<16xi32>
    %jit3A_3380 = arith.constant 28 : i32
    %jit3A_3381 = arith.constant 27 : i32
    %broadcast_in_dim3A_3382 = vector.broadcast %jit3A_3380 : i32 to vector<16xi32>
    %broadcast_in_dim3A_3383 = vector.broadcast %jit3A_3381 : i32 to vector<16xi32>
    %select_n3A_3384 = arith.select %ge3A_3379, %broadcast_in_dim3A_3382, %broadcast_in_dim3A_3383 : vector<16xi1>, vector<16xi32>
    %mul3A_3385 = arith.constant 32 : i32
    %mul3A_3386 = arith.muli %add3A, %mul3A_3385 : i32
    %add3A_3387 = vector.broadcast %mul3A_3386 : i32 to vector<16xi32>
    %add3A_3388 = arith.addi %select_n3A_3384, %add3A_3387 : vector<16xi32>
    %shift_right_arithmetic3A_3389 = arith.constant 3 : i32
    %shift_right_arithmetic3A_3390 = vector.broadcast %shift_right_arithmetic3A_3389 : i32 to vector<16xi32>
    %shift_right_arithmetic3A_3391 = arith.shrsi %get3A_3376, %shift_right_arithmetic3A_3390 : vector<16xi32>
    %mul3A_3392 = arith.constant 8192 : i32
    %mul3A_3393 = vector.broadcast %mul3A_3392 : i32 to vector<16xi32>
    %mul3A_3394 = arith.muli %shift_right_arithmetic3A_3391, %mul3A_3393 : vector<16xi32>
    %shift_right_arithmetic3A_3395 = arith.constant 7 : i32
    %shift_right_arithmetic3A_3396 = vector.broadcast %shift_right_arithmetic3A_3395 : i32 to vector<16xi32>
    %shift_right_arithmetic3A_3397 = arith.shrsi %add3A_3388, %shift_right_arithmetic3A_3396 : vector<16xi32>
    %shift_left3A_3398 = arith.constant 10 : i32
    %shift_left3A_3399 = vector.broadcast %shift_left3A_3398 : i32 to vector<16xi32>
    %shift_left3A_3400 = arith.shli %shift_right_arithmetic3A_3397, %shift_left3A_3399 : vector<16xi32>
    %add3A_3401 = arith.addi %mul3A_3394, %shift_left3A_3400 : vector<16xi32>
    %and3A_3402 = arith.constant 7 : i32
    %and3A_3403 = vector.broadcast %and3A_3402 : i32 to vector<16xi32>
    %and3A_3404 = arith.andi %get3A_3376, %and3A_3403 : vector<16xi32>
    %shift_left3A_3405 = arith.constant 7 : i32
    %shift_left3A_3406 = vector.broadcast %shift_left3A_3405 : i32 to vector<16xi32>
    %shift_left3A_3407 = arith.shli %and3A_3404, %shift_left3A_3406 : vector<16xi32>
    %add3A_3408 = arith.addi %add3A_3401, %shift_left3A_3407 : vector<16xi32>
    %and3A_3409 = arith.constant 127 : i32
    %and3A_3410 = vector.broadcast %and3A_3409 : i32 to vector<16xi32>
    %and3A_3411 = arith.andi %add3A_3388, %and3A_3410 : vector<16xi32>
    %add3A_3412 = arith.addi %add3A_3408, %and3A_3411 : vector<16xi32>
    %swap3A_3413 = arith.constant 1392 : index
    %swap3A_3414 = tpu.vector_load %arg6[%swap3A_3413] {strides = array<i32>} : memref<1600xi32, #tpu.memory_space<vmem>>, vector<16xi32>,
    %swap3A_3415 = vector.shape_cast %swap3A_3414 : vector<16xi32> to vector<16xi32>
    %swap3A_3416 = vector.shape_cast %add3A_3412 : vector<16xi32> to vector<16xi32>
    tpu.vector_store %arg6[%swap3A_3413], %swap3A_3416 {strides = array<i32>} : memref<1600xi32, #tpu.memory_space<vmem>>, vector<16xi32>,
    %get3A_3417 = arith.constant 1408 : index
    %get3A_3418 = tpu.vector_load %arg5[%get3A_3417] {strides = array<i32>} : memref<1600xi32, #tpu.memory_space<vmem>>, vector<16xi32>,
    %get3A_3419 = vector.shape_cast %get3A_3418 : vector<16xi32> to vector<16xi32>
    %broadcast_in_dim3A_3420 = arith.constant 28 : i32
    %broadcast_in_dim3A_3421 = vector.broadcast %broadcast_in_dim3A_3420 : i32 to vector<16xi32>
    %mul3A_3422 = arith.constant 32 : i32
    %mul3A_3423 = arith.muli %add3A, %mul3A_3422 : i32
    %add3A_3424 = vector.broadcast %mul3A_3423 : i32 to vector<16xi32>
    %add3A_3425 = arith.addi %broadcast_in_dim3A_3421, %add3A_3424 : vector<16xi32>
    %shift_right_arithmetic3A_3426 = arith.constant 3 : i32
    %shift_right_arithmetic3A_3427 = vector.broadcast %shift_right_arithmetic3A_3426 : i32 to vector<16xi32>
    %shift_right_arithmetic3A_3428 = arith.shrsi %get3A_3419, %shift_right_arithmetic3A_3427 : vector<16xi32>
    %mul3A_3429 = arith.constant 8192 : i32
    %mul3A_3430 = vector.broadcast %mul3A_3429 : i32 to vector<16xi32>
    %mul3A_3431 = arith.muli %shift_right_arithmetic3A_3428, %mul3A_3430 : vector<16xi32>
    %shift_right_arithmetic3A_3432 = arith.constant 7 : i32
    %shift_right_arithmetic3A_3433 = vector.broadcast %shift_right_arithmetic3A_3432 : i32 to vector<16xi32>
    %shift_right_arithmetic3A_3434 = arith.shrsi %add3A_3425, %shift_right_arithmetic3A_3433 : vector<16xi32>
    %shift_left3A_3435 = arith.constant 10 : i32
    %shift_left3A_3436 = vector.broadcast %shift_left3A_3435 : i32 to vector<16xi32>
    %shift_left3A_3437 = arith.shli %shift_right_arithmetic3A_3434, %shift_left3A_3436 : vector<16xi32>
    %add3A_3438 = arith.addi %mul3A_3431, %shift_left3A_3437 : vector<16xi32>
    %and3A_3439 = arith.constant 7 : i32
    %and3A_3440 = vector.broadcast %and3A_3439 : i32 to vector<16xi32>
    %and3A_3441 = arith.andi %get3A_3419, %and3A_3440 : vector<16xi32>
    %shift_left3A_3442 = arith.constant 7 : i32
    %shift_left3A_3443 = vector.broadcast %shift_left3A_3442 : i32 to vector<16xi32>
    %shift_left3A_3444 = arith.shli %and3A_3441, %shift_left3A_3443 : vector<16xi32>
    %add3A_3445 = arith.addi %add3A_3438, %shift_left3A_3444 : vector<16xi32>
    %and3A_3446 = arith.constant 127 : i32
    %and3A_3447 = vector.broadcast %and3A_3446 : i32 to vector<16xi32>
    %and3A_3448 = arith.andi %add3A_3425, %and3A_3447 : vector<16xi32>
    %add3A_3449 = arith.addi %add3A_3445, %and3A_3448 : vector<16xi32>
    %swap3A_3450 = arith.constant 1408 : index
    %swap3A_3451 = tpu.vector_load %arg6[%swap3A_3450] {strides = array<i32>} : memref<1600xi32, #tpu.memory_space<vmem>>, vector<16xi32>,
    %swap3A_3452 = vector.shape_cast %swap3A_3451 : vector<16xi32> to vector<16xi32>
    %swap3A_3453 = vector.shape_cast %add3A_3449 : vector<16xi32> to vector<16xi32>
    tpu.vector_store %arg6[%swap3A_3450], %swap3A_3453 {strides = array<i32>} : memref<1600xi32, #tpu.memory_space<vmem>>, vector<16xi32>,
    %get3A_3454 = arith.constant 1424 : index
    %get3A_3455 = tpu.vector_load %arg5[%get3A_3454] {strides = array<i32>} : memref<1600xi32, #tpu.memory_space<vmem>>, vector<16xi32>,
    %get3A_3456 = vector.shape_cast %get3A_3455 : vector<16xi32> to vector<16xi32>
    %broadcast_in_dim3A_3457 = arith.constant 28 : i32
    %broadcast_in_dim3A_3458 = vector.broadcast %broadcast_in_dim3A_3457 : i32 to vector<16xi32>
    %mul3A_3459 = arith.constant 32 : i32
    %mul3A_3460 = arith.muli %add3A, %mul3A_3459 : i32
    %add3A_3461 = vector.broadcast %mul3A_3460 : i32 to vector<16xi32>
    %add3A_3462 = arith.addi %broadcast_in_dim3A_3458, %add3A_3461 : vector<16xi32>
    %shift_right_arithmetic3A_3463 = arith.constant 3 : i32
    %shift_right_arithmetic3A_3464 = vector.broadcast %shift_right_arithmetic3A_3463 : i32 to vector<16xi32>
    %shift_right_arithmetic3A_3465 = arith.shrsi %get3A_3456, %shift_right_arithmetic3A_3464 : vector<16xi32>
    %mul3A_3466 = arith.constant 8192 : i32
    %mul3A_3467 = vector.broadcast %mul3A_3466 : i32 to vector<16xi32>
    %mul3A_3468 = arith.muli %shift_right_arithmetic3A_3465, %mul3A_3467 : vector<16xi32>
    %shift_right_arithmetic3A_3469 = arith.constant 7 : i32
    %shift_right_arithmetic3A_3470 = vector.broadcast %shift_right_arithmetic3A_3469 : i32 to vector<16xi32>
    %shift_right_arithmetic3A_3471 = arith.shrsi %add3A_3462, %shift_right_arithmetic3A_3470 : vector<16xi32>
    %shift_left3A_3472 = arith.constant 10 : i32
    %shift_left3A_3473 = vector.broadcast %shift_left3A_3472 : i32 to vector<16xi32>
    %shift_left3A_3474 = arith.shli %shift_right_arithmetic3A_3471, %shift_left3A_3473 : vector<16xi32>
    %add3A_3475 = arith.addi %mul3A_3468, %shift_left3A_3474 : vector<16xi32>
    %and3A_3476 = arith.constant 7 : i32
    %and3A_3477 = vector.broadcast %and3A_3476 : i32 to vector<16xi32>
    %and3A_3478 = arith.andi %get3A_3456, %and3A_3477 : vector<16xi32>
    %shift_left3A_3479 = arith.constant 7 : i32
    %shift_left3A_3480 = vector.broadcast %shift_left3A_3479 : i32 to vector<16xi32>
    %shift_left3A_3481 = arith.shli %and3A_3478, %shift_left3A_3480 : vector<16xi32>
    %add3A_3482 = arith.addi %add3A_3475, %shift_left3A_3481 : vector<16xi32>
    %and3A_3483 = arith.constant 127 : i32
    %and3A_3484 = vector.broadcast %and3A_3483 : i32 to vector<16xi32>
    %and3A_3485 = arith.andi %add3A_3462, %and3A_3484 : vector<16xi32>
    %add3A_3486 = arith.addi %add3A_3482, %and3A_3485 : vector<16xi32>
    %swap3A_3487 = arith.constant 1424 : index
    %swap3A_3488 = tpu.vector_load %arg6[%swap3A_3487] {strides = array<i32>} : memref<1600xi32, #tpu.memory_space<vmem>>, vector<16xi32>,
    %swap3A_3489 = vector.shape_cast %swap3A_3488 : vector<16xi32> to vector<16xi32>
    %swap3A_3490 = vector.shape_cast %add3A_3486 : vector<16xi32> to vector<16xi32>
    tpu.vector_store %arg6[%swap3A_3487], %swap3A_3490 {strides = array<i32>} : memref<1600xi32, #tpu.memory_space<vmem>>, vector<16xi32>,
    %get3A_3491 = arith.constant 1440 : index
    %get3A_3492 = tpu.vector_load %arg5[%get3A_3491] {strides = array<i32>} : memref<1600xi32, #tpu.memory_space<vmem>>, vector<16xi32>,
    %get3A_3493 = vector.shape_cast %get3A_3492 : vector<16xi32> to vector<16xi32>
    %ge3A_3494 = arith.constant 10 : i32
    %ge3A_3495 = vector.broadcast %ge3A_3494 : i32 to vector<16xi32>
    %ge3A_3496 = arith.cmpi sge, %iota3A, %ge3A_3495 : vector<16xi32>
    %jit3A_3497 = arith.constant 29 : i32
    %jit3A_3498 = arith.constant 28 : i32
    %broadcast_in_dim3A_3499 = vector.broadcast %jit3A_3497 : i32 to vector<16xi32>
    %broadcast_in_dim3A_3500 = vector.broadcast %jit3A_3498 : i32 to vector<16xi32>
    %select_n3A_3501 = arith.select %ge3A_3496, %broadcast_in_dim3A_3499, %broadcast_in_dim3A_3500 : vector<16xi1>, vector<16xi32>
    %mul3A_3502 = arith.constant 32 : i32
    %mul3A_3503 = arith.muli %add3A, %mul3A_3502 : i32
    %add3A_3504 = vector.broadcast %mul3A_3503 : i32 to vector<16xi32>
    %add3A_3505 = arith.addi %select_n3A_3501, %add3A_3504 : vector<16xi32>
    %shift_right_arithmetic3A_3506 = arith.constant 3 : i32
    %shift_right_arithmetic3A_3507 = vector.broadcast %shift_right_arithmetic3A_3506 : i32 to vector<16xi32>
    %shift_right_arithmetic3A_3508 = arith.shrsi %get3A_3493, %shift_right_arithmetic3A_3507 : vector<16xi32>
    %mul3A_3509 = arith.constant 8192 : i32
    %mul3A_3510 = vector.broadcast %mul3A_3509 : i32 to vector<16xi32>
    %mul3A_3511 = arith.muli %shift_right_arithmetic3A_3508, %mul3A_3510 : vector<16xi32>
    %shift_right_arithmetic3A_3512 = arith.constant 7 : i32
    %shift_right_arithmetic3A_3513 = vector.broadcast %shift_right_arithmetic3A_3512 : i32 to vector<16xi32>
    %shift_right_arithmetic3A_3514 = arith.shrsi %add3A_3505, %shift_right_arithmetic3A_3513 : vector<16xi32>
    %shift_left3A_3515 = arith.constant 10 : i32
    %shift_left3A_3516 = vector.broadcast %shift_left3A_3515 : i32 to vector<16xi32>
    %shift_left3A_3517 = arith.shli %shift_right_arithmetic3A_3514, %shift_left3A_3516 : vector<16xi32>
    %add3A_3518 = arith.addi %mul3A_3511, %shift_left3A_3517 : vector<16xi32>
    %and3A_3519 = arith.constant 7 : i32
    %and3A_3520 = vector.broadcast %and3A_3519 : i32 to vector<16xi32>
    %and3A_3521 = arith.andi %get3A_3493, %and3A_3520 : vector<16xi32>
    %shift_left3A_3522 = arith.constant 7 : i32
    %shift_left3A_3523 = vector.broadcast %shift_left3A_3522 : i32 to vector<16xi32>
    %shift_left3A_3524 = arith.shli %and3A_3521, %shift_left3A_3523 : vector<16xi32>
    %add3A_3525 = arith.addi %add3A_3518, %shift_left3A_3524 : vector<16xi32>
    %and3A_3526 = arith.constant 127 : i32
    %and3A_3527 = vector.broadcast %and3A_3526 : i32 to vector<16xi32>
    %and3A_3528 = arith.andi %add3A_3505, %and3A_3527 : vector<16xi32>
    %add3A_3529 = arith.addi %add3A_3525, %and3A_3528 : vector<16xi32>
    %swap3A_3530 = arith.constant 1440 : index
    %swap3A_3531 = tpu.vector_load %arg6[%swap3A_3530] {strides = array<i32>} : memref<1600xi32, #tpu.memory_space<vmem>>, vector<16xi32>,
    %swap3A_3532 = vector.shape_cast %swap3A_3531 : vector<16xi32> to vector<16xi32>
    %swap3A_3533 = vector.shape_cast %add3A_3529 : vector<16xi32> to vector<16xi32>
    tpu.vector_store %arg6[%swap3A_3530], %swap3A_3533 {strides = array<i32>} : memref<1600xi32, #tpu.memory_space<vmem>>, vector<16xi32>,
    %get3A_3534 = arith.constant 1456 : index
    %get3A_3535 = tpu.vector_load %arg5[%get3A_3534] {strides = array<i32>} : memref<1600xi32, #tpu.memory_space<vmem>>, vector<16xi32>,
    %get3A_3536 = vector.shape_cast %get3A_3535 : vector<16xi32> to vector<16xi32>
    %broadcast_in_dim3A_3537 = arith.constant 29 : i32
    %broadcast_in_dim3A_3538 = vector.broadcast %broadcast_in_dim3A_3537 : i32 to vector<16xi32>
    %mul3A_3539 = arith.constant 32 : i32
    %mul3A_3540 = arith.muli %add3A, %mul3A_3539 : i32
    %add3A_3541 = vector.broadcast %mul3A_3540 : i32 to vector<16xi32>
    %add3A_3542 = arith.addi %broadcast_in_dim3A_3538, %add3A_3541 : vector<16xi32>
    %shift_right_arithmetic3A_3543 = arith.constant 3 : i32
    %shift_right_arithmetic3A_3544 = vector.broadcast %shift_right_arithmetic3A_3543 : i32 to vector<16xi32>
    %shift_right_arithmetic3A_3545 = arith.shrsi %get3A_3536, %shift_right_arithmetic3A_3544 : vector<16xi32>
    %mul3A_3546 = arith.constant 8192 : i32
    %mul3A_3547 = vector.broadcast %mul3A_3546 : i32 to vector<16xi32>
    %mul3A_3548 = arith.muli %shift_right_arithmetic3A_3545, %mul3A_3547 : vector<16xi32>
    %shift_right_arithmetic3A_3549 = arith.constant 7 : i32
    %shift_right_arithmetic3A_3550 = vector.broadcast %shift_right_arithmetic3A_3549 : i32 to vector<16xi32>
    %shift_right_arithmetic3A_3551 = arith.shrsi %add3A_3542, %shift_right_arithmetic3A_3550 : vector<16xi32>
    %shift_left3A_3552 = arith.constant 10 : i32
    %shift_left3A_3553 = vector.broadcast %shift_left3A_3552 : i32 to vector<16xi32>
    %shift_left3A_3554 = arith.shli %shift_right_arithmetic3A_3551, %shift_left3A_3553 : vector<16xi32>
    %add3A_3555 = arith.addi %mul3A_3548, %shift_left3A_3554 : vector<16xi32>
    %and3A_3556 = arith.constant 7 : i32
    %and3A_3557 = vector.broadcast %and3A_3556 : i32 to vector<16xi32>
    %and3A_3558 = arith.andi %get3A_3536, %and3A_3557 : vector<16xi32>
    %shift_left3A_3559 = arith.constant 7 : i32
    %shift_left3A_3560 = vector.broadcast %shift_left3A_3559 : i32 to vector<16xi32>
    %shift_left3A_3561 = arith.shli %and3A_3558, %shift_left3A_3560 : vector<16xi32>
    %add3A_3562 = arith.addi %add3A_3555, %shift_left3A_3561 : vector<16xi32>
    %and3A_3563 = arith.constant 127 : i32
    %and3A_3564 = vector.broadcast %and3A_3563 : i32 to vector<16xi32>
    %and3A_3565 = arith.andi %add3A_3542, %and3A_3564 : vector<16xi32>
    %add3A_3566 = arith.addi %add3A_3562, %and3A_3565 : vector<16xi32>
    %swap3A_3567 = arith.constant 1456 : index
    %swap3A_3568 = tpu.vector_load %arg6[%swap3A_3567] {strides = array<i32>} : memref<1600xi32, #tpu.memory_space<vmem>>, vector<16xi32>,
    %swap3A_3569 = vector.shape_cast %swap3A_3568 : vector<16xi32> to vector<16xi32>
    %swap3A_3570 = vector.shape_cast %add3A_3566 : vector<16xi32> to vector<16xi32>
    tpu.vector_store %arg6[%swap3A_3567], %swap3A_3570 {strides = array<i32>} : memref<1600xi32, #tpu.memory_space<vmem>>, vector<16xi32>,
    %get3A_3571 = arith.constant 1472 : index
    %get3A_3572 = tpu.vector_load %arg5[%get3A_3571] {strides = array<i32>} : memref<1600xi32, #tpu.memory_space<vmem>>, vector<16xi32>,
    %get3A_3573 = vector.shape_cast %get3A_3572 : vector<16xi32> to vector<16xi32>
    %broadcast_in_dim3A_3574 = arith.constant 29 : i32
    %broadcast_in_dim3A_3575 = vector.broadcast %broadcast_in_dim3A_3574 : i32 to vector<16xi32>
    %mul3A_3576 = arith.constant 32 : i32
    %mul3A_3577 = arith.muli %add3A, %mul3A_3576 : i32
    %add3A_3578 = vector.broadcast %mul3A_3577 : i32 to vector<16xi32>
    %add3A_3579 = arith.addi %broadcast_in_dim3A_3575, %add3A_3578 : vector<16xi32>
    %shift_right_arithmetic3A_3580 = arith.constant 3 : i32
    %shift_right_arithmetic3A_3581 = vector.broadcast %shift_right_arithmetic3A_3580 : i32 to vector<16xi32>
    %shift_right_arithmetic3A_3582 = arith.shrsi %get3A_3573, %shift_right_arithmetic3A_3581 : vector<16xi32>
    %mul3A_3583 = arith.constant 8192 : i32
    %mul3A_3584 = vector.broadcast %mul3A_3583 : i32 to vector<16xi32>
    %mul3A_3585 = arith.muli %shift_right_arithmetic3A_3582, %mul3A_3584 : vector<16xi32>
    %shift_right_arithmetic3A_3586 = arith.constant 7 : i32
    %shift_right_arithmetic3A_3587 = vector.broadcast %shift_right_arithmetic3A_3586 : i32 to vector<16xi32>
    %shift_right_arithmetic3A_3588 = arith.shrsi %add3A_3579, %shift_right_arithmetic3A_3587 : vector<16xi32>
    %shift_left3A_3589 = arith.constant 10 : i32
    %shift_left3A_3590 = vector.broadcast %shift_left3A_3589 : i32 to vector<16xi32>
    %shift_left3A_3591 = arith.shli %shift_right_arithmetic3A_3588, %shift_left3A_3590 : vector<16xi32>
    %add3A_3592 = arith.addi %mul3A_3585, %shift_left3A_3591 : vector<16xi32>
    %and3A_3593 = arith.constant 7 : i32
    %and3A_3594 = vector.broadcast %and3A_3593 : i32 to vector<16xi32>
    %and3A_3595 = arith.andi %get3A_3573, %and3A_3594 : vector<16xi32>
    %shift_left3A_3596 = arith.constant 7 : i32
    %shift_left3A_3597 = vector.broadcast %shift_left3A_3596 : i32 to vector<16xi32>
    %shift_left3A_3598 = arith.shli %and3A_3595, %shift_left3A_3597 : vector<16xi32>
    %add3A_3599 = arith.addi %add3A_3592, %shift_left3A_3598 : vector<16xi32>
    %and3A_3600 = arith.constant 127 : i32
    %and3A_3601 = vector.broadcast %and3A_3600 : i32 to vector<16xi32>
    %and3A_3602 = arith.andi %add3A_3579, %and3A_3601 : vector<16xi32>
    %add3A_3603 = arith.addi %add3A_3599, %and3A_3602 : vector<16xi32>
    %swap3A_3604 = arith.constant 1472 : index
    %swap3A_3605 = tpu.vector_load %arg6[%swap3A_3604] {strides = array<i32>} : memref<1600xi32, #tpu.memory_space<vmem>>, vector<16xi32>,
    %swap3A_3606 = vector.shape_cast %swap3A_3605 : vector<16xi32> to vector<16xi32>
    %swap3A_3607 = vector.shape_cast %add3A_3603 : vector<16xi32> to vector<16xi32>
    tpu.vector_store %arg6[%swap3A_3604], %swap3A_3607 {strides = array<i32>} : memref<1600xi32, #tpu.memory_space<vmem>>, vector<16xi32>,
    %get3A_3608 = arith.constant 1488 : index
    %get3A_3609 = tpu.vector_load %arg5[%get3A_3608] {strides = array<i32>} : memref<1600xi32, #tpu.memory_space<vmem>>, vector<16xi32>,
    %get3A_3610 = vector.shape_cast %get3A_3609 : vector<16xi32> to vector<16xi32>
    %ge3A_3611 = arith.constant 12 : i32
    %ge3A_3612 = vector.broadcast %ge3A_3611 : i32 to vector<16xi32>
    %ge3A_3613 = arith.cmpi sge, %iota3A, %ge3A_3612 : vector<16xi32>
    %jit3A_3614 = arith.constant 30 : i32
    %jit3A_3615 = arith.constant 29 : i32
    %broadcast_in_dim3A_3616 = vector.broadcast %jit3A_3614 : i32 to vector<16xi32>
    %broadcast_in_dim3A_3617 = vector.broadcast %jit3A_3615 : i32 to vector<16xi32>
    %select_n3A_3618 = arith.select %ge3A_3613, %broadcast_in_dim3A_3616, %broadcast_in_dim3A_3617 : vector<16xi1>, vector<16xi32>
    %mul3A_3619 = arith.constant 32 : i32
    %mul3A_3620 = arith.muli %add3A, %mul3A_3619 : i32
    %add3A_3621 = vector.broadcast %mul3A_3620 : i32 to vector<16xi32>
    %add3A_3622 = arith.addi %select_n3A_3618, %add3A_3621 : vector<16xi32>
    %shift_right_arithmetic3A_3623 = arith.constant 3 : i32
    %shift_right_arithmetic3A_3624 = vector.broadcast %shift_right_arithmetic3A_3623 : i32 to vector<16xi32>
    %shift_right_arithmetic3A_3625 = arith.shrsi %get3A_3610, %shift_right_arithmetic3A_3624 : vector<16xi32>
    %mul3A_3626 = arith.constant 8192 : i32
    %mul3A_3627 = vector.broadcast %mul3A_3626 : i32 to vector<16xi32>
    %mul3A_3628 = arith.muli %shift_right_arithmetic3A_3625, %mul3A_3627 : vector<16xi32>
    %shift_right_arithmetic3A_3629 = arith.constant 7 : i32
    %shift_right_arithmetic3A_3630 = vector.broadcast %shift_right_arithmetic3A_3629 : i32 to vector<16xi32>
    %shift_right_arithmetic3A_3631 = arith.shrsi %add3A_3622, %shift_right_arithmetic3A_3630 : vector<16xi32>
    %shift_left3A_3632 = arith.constant 10 : i32
    %shift_left3A_3633 = vector.broadcast %shift_left3A_3632 : i32 to vector<16xi32>
    %shift_left3A_3634 = arith.shli %shift_right_arithmetic3A_3631, %shift_left3A_3633 : vector<16xi32>
    %add3A_3635 = arith.addi %mul3A_3628, %shift_left3A_3634 : vector<16xi32>
    %and3A_3636 = arith.constant 7 : i32
    %and3A_3637 = vector.broadcast %and3A_3636 : i32 to vector<16xi32>
    %and3A_3638 = arith.andi %get3A_3610, %and3A_3637 : vector<16xi32>
    %shift_left3A_3639 = arith.constant 7 : i32
    %shift_left3A_3640 = vector.broadcast %shift_left3A_3639 : i32 to vector<16xi32>
    %shift_left3A_3641 = arith.shli %and3A_3638, %shift_left3A_3640 : vector<16xi32>
    %add3A_3642 = arith.addi %add3A_3635, %shift_left3A_3641 : vector<16xi32>
    %and3A_3643 = arith.constant 127 : i32
    %and3A_3644 = vector.broadcast %and3A_3643 : i32 to vector<16xi32>
    %and3A_3645 = arith.andi %add3A_3622, %and3A_3644 : vector<16xi32>
    %add3A_3646 = arith.addi %add3A_3642, %and3A_3645 : vector<16xi32>
    %swap3A_3647 = arith.constant 1488 : index
    %swap3A_3648 = tpu.vector_load %arg6[%swap3A_3647] {strides = array<i32>} : memref<1600xi32, #tpu.memory_space<vmem>>, vector<16xi32>,
    %swap3A_3649 = vector.shape_cast %swap3A_3648 : vector<16xi32> to vector<16xi32>
    %swap3A_3650 = vector.shape_cast %add3A_3646 : vector<16xi32> to vector<16xi32>
    tpu.vector_store %arg6[%swap3A_3647], %swap3A_3650 {strides = array<i32>} : memref<1600xi32, #tpu.memory_space<vmem>>, vector<16xi32>,
    %get3A_3651 = arith.constant 1504 : index
    %get3A_3652 = tpu.vector_load %arg5[%get3A_3651] {strides = array<i32>} : memref<1600xi32, #tpu.memory_space<vmem>>, vector<16xi32>,
    %get3A_3653 = vector.shape_cast %get3A_3652 : vector<16xi32> to vector<16xi32>
    %broadcast_in_dim3A_3654 = arith.constant 30 : i32
    %broadcast_in_dim3A_3655 = vector.broadcast %broadcast_in_dim3A_3654 : i32 to vector<16xi32>
    %mul3A_3656 = arith.constant 32 : i32
    %mul3A_3657 = arith.muli %add3A, %mul3A_3656 : i32
    %add3A_3658 = vector.broadcast %mul3A_3657 : i32 to vector<16xi32>
    %add3A_3659 = arith.addi %broadcast_in_dim3A_3655, %add3A_3658 : vector<16xi32>
    %shift_right_arithmetic3A_3660 = arith.constant 3 : i32
    %shift_right_arithmetic3A_3661 = vector.broadcast %shift_right_arithmetic3A_3660 : i32 to vector<16xi32>
    %shift_right_arithmetic3A_3662 = arith.shrsi %get3A_3653, %shift_right_arithmetic3A_3661 : vector<16xi32>
    %mul3A_3663 = arith.constant 8192 : i32
    %mul3A_3664 = vector.broadcast %mul3A_3663 : i32 to vector<16xi32>
    %mul3A_3665 = arith.muli %shift_right_arithmetic3A_3662, %mul3A_3664 : vector<16xi32>
    %shift_right_arithmetic3A_3666 = arith.constant 7 : i32
    %shift_right_arithmetic3A_3667 = vector.broadcast %shift_right_arithmetic3A_3666 : i32 to vector<16xi32>
    %shift_right_arithmetic3A_3668 = arith.shrsi %add3A_3659, %shift_right_arithmetic3A_3667 : vector<16xi32>
    %shift_left3A_3669 = arith.constant 10 : i32
    %shift_left3A_3670 = vector.broadcast %shift_left3A_3669 : i32 to vector<16xi32>
    %shift_left3A_3671 = arith.shli %shift_right_arithmetic3A_3668, %shift_left3A_3670 : vector<16xi32>
    %add3A_3672 = arith.addi %mul3A_3665, %shift_left3A_3671 : vector<16xi32>
    %and3A_3673 = arith.constant 7 : i32
    %and3A_3674 = vector.broadcast %and3A_3673 : i32 to vector<16xi32>
    %and3A_3675 = arith.andi %get3A_3653, %and3A_3674 : vector<16xi32>
    %shift_left3A_3676 = arith.constant 7 : i32
    %shift_left3A_3677 = vector.broadcast %shift_left3A_3676 : i32 to vector<16xi32>
    %shift_left3A_3678 = arith.shli %and3A_3675, %shift_left3A_3677 : vector<16xi32>
    %add3A_3679 = arith.addi %add3A_3672, %shift_left3A_3678 : vector<16xi32>
    %and3A_3680 = arith.constant 127 : i32
    %and3A_3681 = vector.broadcast %and3A_3680 : i32 to vector<16xi32>
    %and3A_3682 = arith.andi %add3A_3659, %and3A_3681 : vector<16xi32>
    %add3A_3683 = arith.addi %add3A_3679, %and3A_3682 : vector<16xi32>
    %swap3A_3684 = arith.constant 1504 : index
    %swap3A_3685 = tpu.vector_load %arg6[%swap3A_3684] {strides = array<i32>} : memref<1600xi32, #tpu.memory_space<vmem>>, vector<16xi32>,
    %swap3A_3686 = vector.shape_cast %swap3A_3685 : vector<16xi32> to vector<16xi32>
    %swap3A_3687 = vector.shape_cast %add3A_3683 : vector<16xi32> to vector<16xi32>
    tpu.vector_store %arg6[%swap3A_3684], %swap3A_3687 {strides = array<i32>} : memref<1600xi32, #tpu.memory_space<vmem>>, vector<16xi32>,
    %get3A_3688 = arith.constant 1520 : index
    %get3A_3689 = tpu.vector_load %arg5[%get3A_3688] {strides = array<i32>} : memref<1600xi32, #tpu.memory_space<vmem>>, vector<16xi32>,
    %get3A_3690 = vector.shape_cast %get3A_3689 : vector<16xi32> to vector<16xi32>
    %broadcast_in_dim3A_3691 = arith.constant 30 : i32
    %broadcast_in_dim3A_3692 = vector.broadcast %broadcast_in_dim3A_3691 : i32 to vector<16xi32>
    %mul3A_3693 = arith.constant 32 : i32
    %mul3A_3694 = arith.muli %add3A, %mul3A_3693 : i32
    %add3A_3695 = vector.broadcast %mul3A_3694 : i32 to vector<16xi32>
    %add3A_3696 = arith.addi %broadcast_in_dim3A_3692, %add3A_3695 : vector<16xi32>
    %shift_right_arithmetic3A_3697 = arith.constant 3 : i32
    %shift_right_arithmetic3A_3698 = vector.broadcast %shift_right_arithmetic3A_3697 : i32 to vector<16xi32>
    %shift_right_arithmetic3A_3699 = arith.shrsi %get3A_3690, %shift_right_arithmetic3A_3698 : vector<16xi32>
    %mul3A_3700 = arith.constant 8192 : i32
    %mul3A_3701 = vector.broadcast %mul3A_3700 : i32 to vector<16xi32>
    %mul3A_3702 = arith.muli %shift_right_arithmetic3A_3699, %mul3A_3701 : vector<16xi32>
    %shift_right_arithmetic3A_3703 = arith.constant 7 : i32
    %shift_right_arithmetic3A_3704 = vector.broadcast %shift_right_arithmetic3A_3703 : i32 to vector<16xi32>
    %shift_right_arithmetic3A_3705 = arith.shrsi %add3A_3696, %shift_right_arithmetic3A_3704 : vector<16xi32>
    %shift_left3A_3706 = arith.constant 10 : i32
    %shift_left3A_3707 = vector.broadcast %shift_left3A_3706 : i32 to vector<16xi32>
    %shift_left3A_3708 = arith.shli %shift_right_arithmetic3A_3705, %shift_left3A_3707 : vector<16xi32>
    %add3A_3709 = arith.addi %mul3A_3702, %shift_left3A_3708 : vector<16xi32>
    %and3A_3710 = arith.constant 7 : i32
    %and3A_3711 = vector.broadcast %and3A_3710 : i32 to vector<16xi32>
    %and3A_3712 = arith.andi %get3A_3690, %and3A_3711 : vector<16xi32>
    %shift_left3A_3713 = arith.constant 7 : i32
    %shift_left3A_3714 = vector.broadcast %shift_left3A_3713 : i32 to vector<16xi32>
    %shift_left3A_3715 = arith.shli %and3A_3712, %shift_left3A_3714 : vector<16xi32>
    %add3A_3716 = arith.addi %add3A_3709, %shift_left3A_3715 : vector<16xi32>
    %and3A_3717 = arith.constant 127 : i32
    %and3A_3718 = vector.broadcast %and3A_3717 : i32 to vector<16xi32>
    %and3A_3719 = arith.andi %add3A_3696, %and3A_3718 : vector<16xi32>
    %add3A_3720 = arith.addi %add3A_3716, %and3A_3719 : vector<16xi32>
    %swap3A_3721 = arith.constant 1520 : index
    %swap3A_3722 = tpu.vector_load %arg6[%swap3A_3721] {strides = array<i32>} : memref<1600xi32, #tpu.memory_space<vmem>>, vector<16xi32>,
    %swap3A_3723 = vector.shape_cast %swap3A_3722 : vector<16xi32> to vector<16xi32>
    %swap3A_3724 = vector.shape_cast %add3A_3720 : vector<16xi32> to vector<16xi32>
    tpu.vector_store %arg6[%swap3A_3721], %swap3A_3724 {strides = array<i32>} : memref<1600xi32, #tpu.memory_space<vmem>>, vector<16xi32>,
    %get3A_3725 = arith.constant 1536 : index
    %get3A_3726 = tpu.vector_load %arg5[%get3A_3725] {strides = array<i32>} : memref<1600xi32, #tpu.memory_space<vmem>>, vector<16xi32>,
    %get3A_3727 = vector.shape_cast %get3A_3726 : vector<16xi32> to vector<16xi32>
    %ge3A_3728 = arith.constant 14 : i32
    %ge3A_3729 = vector.broadcast %ge3A_3728 : i32 to vector<16xi32>
    %ge3A_3730 = arith.cmpi sge, %iota3A, %ge3A_3729 : vector<16xi32>
    %jit3A_3731 = arith.constant 31 : i32
    %jit3A_3732 = arith.constant 30 : i32
    %broadcast_in_dim3A_3733 = vector.broadcast %jit3A_3731 : i32 to vector<16xi32>
    %broadcast_in_dim3A_3734 = vector.broadcast %jit3A_3732 : i32 to vector<16xi32>
    %select_n3A_3735 = arith.select %ge3A_3730, %broadcast_in_dim3A_3733, %broadcast_in_dim3A_3734 : vector<16xi1>, vector<16xi32>
    %mul3A_3736 = arith.constant 32 : i32
    %mul3A_3737 = arith.muli %add3A, %mul3A_3736 : i32
    %add3A_3738 = vector.broadcast %mul3A_3737 : i32 to vector<16xi32>
    %add3A_3739 = arith.addi %select_n3A_3735, %add3A_3738 : vector<16xi32>
    %shift_right_arithmetic3A_3740 = arith.constant 3 : i32
    %shift_right_arithmetic3A_3741 = vector.broadcast %shift_right_arithmetic3A_3740 : i32 to vector<16xi32>
    %shift_right_arithmetic3A_3742 = arith.shrsi %get3A_3727, %shift_right_arithmetic3A_3741 : vector<16xi32>
    %mul3A_3743 = arith.constant 8192 : i32
    %mul3A_3744 = vector.broadcast %mul3A_3743 : i32 to vector<16xi32>
    %mul3A_3745 = arith.muli %shift_right_arithmetic3A_3742, %mul3A_3744 : vector<16xi32>
    %shift_right_arithmetic3A_3746 = arith.constant 7 : i32
    %shift_right_arithmetic3A_3747 = vector.broadcast %shift_right_arithmetic3A_3746 : i32 to vector<16xi32>
    %shift_right_arithmetic3A_3748 = arith.shrsi %add3A_3739, %shift_right_arithmetic3A_3747 : vector<16xi32>
    %shift_left3A_3749 = arith.constant 10 : i32
    %shift_left3A_3750 = vector.broadcast %shift_left3A_3749 : i32 to vector<16xi32>
    %shift_left3A_3751 = arith.shli %shift_right_arithmetic3A_3748, %shift_left3A_3750 : vector<16xi32>
    %add3A_3752 = arith.addi %mul3A_3745, %shift_left3A_3751 : vector<16xi32>
    %and3A_3753 = arith.constant 7 : i32
    %and3A_3754 = vector.broadcast %and3A_3753 : i32 to vector<16xi32>
    %and3A_3755 = arith.andi %get3A_3727, %and3A_3754 : vector<16xi32>
    %shift_left3A_3756 = arith.constant 7 : i32
    %shift_left3A_3757 = vector.broadcast %shift_left3A_3756 : i32 to vector<16xi32>
    %shift_left3A_3758 = arith.shli %and3A_3755, %shift_left3A_3757 : vector<16xi32>
    %add3A_3759 = arith.addi %add3A_3752, %shift_left3A_3758 : vector<16xi32>
    %and3A_3760 = arith.constant 127 : i32
    %and3A_3761 = vector.broadcast %and3A_3760 : i32 to vector<16xi32>
    %and3A_3762 = arith.andi %add3A_3739, %and3A_3761 : vector<16xi32>
    %add3A_3763 = arith.addi %add3A_3759, %and3A_3762 : vector<16xi32>
    %swap3A_3764 = arith.constant 1536 : index
    %swap3A_3765 = tpu.vector_load %arg6[%swap3A_3764] {strides = array<i32>} : memref<1600xi32, #tpu.memory_space<vmem>>, vector<16xi32>,
    %swap3A_3766 = vector.shape_cast %swap3A_3765 : vector<16xi32> to vector<16xi32>
    %swap3A_3767 = vector.shape_cast %add3A_3763 : vector<16xi32> to vector<16xi32>
    tpu.vector_store %arg6[%swap3A_3764], %swap3A_3767 {strides = array<i32>} : memref<1600xi32, #tpu.memory_space<vmem>>, vector<16xi32>,
    %get3A_3768 = arith.constant 1552 : index
    %get3A_3769 = tpu.vector_load %arg5[%get3A_3768] {strides = array<i32>} : memref<1600xi32, #tpu.memory_space<vmem>>, vector<16xi32>,
    %get3A_3770 = vector.shape_cast %get3A_3769 : vector<16xi32> to vector<16xi32>
    %broadcast_in_dim3A_3771 = arith.constant 31 : i32
    %broadcast_in_dim3A_3772 = vector.broadcast %broadcast_in_dim3A_3771 : i32 to vector<16xi32>
    %mul3A_3773 = arith.constant 32 : i32
    %mul3A_3774 = arith.muli %add3A, %mul3A_3773 : i32
    %add3A_3775 = vector.broadcast %mul3A_3774 : i32 to vector<16xi32>
    %add3A_3776 = arith.addi %broadcast_in_dim3A_3772, %add3A_3775 : vector<16xi32>
    %shift_right_arithmetic3A_3777 = arith.constant 3 : i32
    %shift_right_arithmetic3A_3778 = vector.broadcast %shift_right_arithmetic3A_3777 : i32 to vector<16xi32>
    %shift_right_arithmetic3A_3779 = arith.shrsi %get3A_3770, %shift_right_arithmetic3A_3778 : vector<16xi32>
    %mul3A_3780 = arith.constant 8192 : i32
    %mul3A_3781 = vector.broadcast %mul3A_3780 : i32 to vector<16xi32>
    %mul3A_3782 = arith.muli %shift_right_arithmetic3A_3779, %mul3A_3781 : vector<16xi32>
    %shift_right_arithmetic3A_3783 = arith.constant 7 : i32
    %shift_right_arithmetic3A_3784 = vector.broadcast %shift_right_arithmetic3A_3783 : i32 to vector<16xi32>
    %shift_right_arithmetic3A_3785 = arith.shrsi %add3A_3776, %shift_right_arithmetic3A_3784 : vector<16xi32>
    %shift_left3A_3786 = arith.constant 10 : i32
    %shift_left3A_3787 = vector.broadcast %shift_left3A_3786 : i32 to vector<16xi32>
    %shift_left3A_3788 = arith.shli %shift_right_arithmetic3A_3785, %shift_left3A_3787 : vector<16xi32>
    %add3A_3789 = arith.addi %mul3A_3782, %shift_left3A_3788 : vector<16xi32>
    %and3A_3790 = arith.constant 7 : i32
    %and3A_3791 = vector.broadcast %and3A_3790 : i32 to vector<16xi32>
    %and3A_3792 = arith.andi %get3A_3770, %and3A_3791 : vector<16xi32>
    %shift_left3A_3793 = arith.constant 7 : i32
    %shift_left3A_3794 = vector.broadcast %shift_left3A_3793 : i32 to vector<16xi32>
    %shift_left3A_3795 = arith.shli %and3A_3792, %shift_left3A_3794 : vector<16xi32>
    %add3A_3796 = arith.addi %add3A_3789, %shift_left3A_3795 : vector<16xi32>
    %and3A_3797 = arith.constant 127 : i32
    %and3A_3798 = vector.broadcast %and3A_3797 : i32 to vector<16xi32>
    %and3A_3799 = arith.andi %add3A_3776, %and3A_3798 : vector<16xi32>
    %add3A_3800 = arith.addi %add3A_3796, %and3A_3799 : vector<16xi32>
    %swap3A_3801 = arith.constant 1552 : index
    %swap3A_3802 = tpu.vector_load %arg6[%swap3A_3801] {strides = array<i32>} : memref<1600xi32, #tpu.memory_space<vmem>>, vector<16xi32>,
    %swap3A_3803 = vector.shape_cast %swap3A_3802 : vector<16xi32> to vector<16xi32>
    %swap3A_3804 = vector.shape_cast %add3A_3800 : vector<16xi32> to vector<16xi32>
    tpu.vector_store %arg6[%swap3A_3801], %swap3A_3804 {strides = array<i32>} : memref<1600xi32, #tpu.memory_space<vmem>>, vector<16xi32>,
    %get3A_3805 = arith.constant 1568 : index
    %get3A_3806 = tpu.vector_load %arg5[%get3A_3805] {strides = array<i32>} : memref<1600xi32, #tpu.memory_space<vmem>>, vector<16xi32>,
    %get3A_3807 = vector.shape_cast %get3A_3806 : vector<16xi32> to vector<16xi32>
    %broadcast_in_dim3A_3808 = arith.constant 31 : i32
    %broadcast_in_dim3A_3809 = vector.broadcast %broadcast_in_dim3A_3808 : i32 to vector<16xi32>
    %mul3A_3810 = arith.constant 32 : i32
    %mul3A_3811 = arith.muli %add3A, %mul3A_3810 : i32
    %add3A_3812 = vector.broadcast %mul3A_3811 : i32 to vector<16xi32>
    %add3A_3813 = arith.addi %broadcast_in_dim3A_3809, %add3A_3812 : vector<16xi32>
    %shift_right_arithmetic3A_3814 = arith.constant 3 : i32
    %shift_right_arithmetic3A_3815 = vector.broadcast %shift_right_arithmetic3A_3814 : i32 to vector<16xi32>
    %shift_right_arithmetic3A_3816 = arith.shrsi %get3A_3807, %shift_right_arithmetic3A_3815 : vector<16xi32>
    %mul3A_3817 = arith.constant 8192 : i32
    %mul3A_3818 = vector.broadcast %mul3A_3817 : i32 to vector<16xi32>
    %mul3A_3819 = arith.muli %shift_right_arithmetic3A_3816, %mul3A_3818 : vector<16xi32>
    %shift_right_arithmetic3A_3820 = arith.constant 7 : i32
    %shift_right_arithmetic3A_3821 = vector.broadcast %shift_right_arithmetic3A_3820 : i32 to vector<16xi32>
    %shift_right_arithmetic3A_3822 = arith.shrsi %add3A_3813, %shift_right_arithmetic3A_3821 : vector<16xi32>
    %shift_left3A_3823 = arith.constant 10 : i32
    %shift_left3A_3824 = vector.broadcast %shift_left3A_3823 : i32 to vector<16xi32>
    %shift_left3A_3825 = arith.shli %shift_right_arithmetic3A_3822, %shift_left3A_3824 : vector<16xi32>
    %add3A_3826 = arith.addi %mul3A_3819, %shift_left3A_3825 : vector<16xi32>
    %and3A_3827 = arith.constant 7 : i32
    %and3A_3828 = vector.broadcast %and3A_3827 : i32 to vector<16xi32>
    %and3A_3829 = arith.andi %get3A_3807, %and3A_3828 : vector<16xi32>
    %shift_left3A_3830 = arith.constant 7 : i32
    %shift_left3A_3831 = vector.broadcast %shift_left3A_3830 : i32 to vector<16xi32>
    %shift_left3A_3832 = arith.shli %and3A_3829, %shift_left3A_3831 : vector<16xi32>
    %add3A_3833 = arith.addi %add3A_3826, %shift_left3A_3832 : vector<16xi32>
    %and3A_3834 = arith.constant 127 : i32
    %and3A_3835 = vector.broadcast %and3A_3834 : i32 to vector<16xi32>
    %and3A_3836 = arith.andi %add3A_3813, %and3A_3835 : vector<16xi32>
    %add3A_3837 = arith.addi %add3A_3833, %and3A_3836 : vector<16xi32>
    %swap3A_3838 = arith.constant 1568 : index
    %swap3A_3839 = tpu.vector_load %arg6[%swap3A_3838] {strides = array<i32>} : memref<1600xi32, #tpu.memory_space<vmem>>, vector<16xi32>,
    %swap3A_3840 = vector.shape_cast %swap3A_3839 : vector<16xi32> to vector<16xi32>
    %swap3A_3841 = vector.shape_cast %add3A_3837 : vector<16xi32> to vector<16xi32>
    tpu.vector_store %arg6[%swap3A_3838], %swap3A_3841 {strides = array<i32>} : memref<1600xi32, #tpu.memory_space<vmem>>, vector<16xi32>,
    %get3A_3842 = arith.constant 1584 : index
    %get3A_3843 = tpu.vector_load %arg5[%get3A_3842] {strides = array<i32>} : memref<1600xi32, #tpu.memory_space<vmem>>, vector<16xi32>,
    %get3A_3844 = vector.shape_cast %get3A_3843 : vector<16xi32> to vector<16xi32>
    %broadcast_in_dim3A_3845 = arith.constant 31 : i32
    %broadcast_in_dim3A_3846 = vector.broadcast %broadcast_in_dim3A_3845 : i32 to vector<16xi32>
    %mul3A_3847 = arith.constant 32 : i32
    %mul3A_3848 = arith.muli %add3A, %mul3A_3847 : i32
    %add3A_3849 = vector.broadcast %mul3A_3848 : i32 to vector<16xi32>
    %add3A_3850 = arith.addi %broadcast_in_dim3A_3846, %add3A_3849 : vector<16xi32>
    %shift_right_arithmetic3A_3851 = arith.constant 3 : i32
    %shift_right_arithmetic3A_3852 = vector.broadcast %shift_right_arithmetic3A_3851 : i32 to vector<16xi32>
    %shift_right_arithmetic3A_3853 = arith.shrsi %get3A_3844, %shift_right_arithmetic3A_3852 : vector<16xi32>
    %mul3A_3854 = arith.constant 8192 : i32
    %mul3A_3855 = vector.broadcast %mul3A_3854 : i32 to vector<16xi32>
    %mul3A_3856 = arith.muli %shift_right_arithmetic3A_3853, %mul3A_3855 : vector<16xi32>
    %shift_right_arithmetic3A_3857 = arith.constant 7 : i32
    %shift_right_arithmetic3A_3858 = vector.broadcast %shift_right_arithmetic3A_3857 : i32 to vector<16xi32>
    %shift_right_arithmetic3A_3859 = arith.shrsi %add3A_3850, %shift_right_arithmetic3A_3858 : vector<16xi32>
    %shift_left3A_3860 = arith.constant 10 : i32
    %shift_left3A_3861 = vector.broadcast %shift_left3A_3860 : i32 to vector<16xi32>
    %shift_left3A_3862 = arith.shli %shift_right_arithmetic3A_3859, %shift_left3A_3861 : vector<16xi32>
    %add3A_3863 = arith.addi %mul3A_3856, %shift_left3A_3862 : vector<16xi32>
    %and3A_3864 = arith.constant 7 : i32
    %and3A_3865 = vector.broadcast %and3A_3864 : i32 to vector<16xi32>
    %and3A_3866 = arith.andi %get3A_3844, %and3A_3865 : vector<16xi32>
    %shift_left3A_3867 = arith.constant 7 : i32
    %shift_left3A_3868 = vector.broadcast %shift_left3A_3867 : i32 to vector<16xi32>
    %shift_left3A_3869 = arith.shli %and3A_3866, %shift_left3A_3868 : vector<16xi32>
    %add3A_3870 = arith.addi %add3A_3863, %shift_left3A_3869 : vector<16xi32>
    %and3A_3871 = arith.constant 127 : i32
    %and3A_3872 = vector.broadcast %and3A_3871 : i32 to vector<16xi32>
    %and3A_3873 = arith.andi %add3A_3850, %and3A_3872 : vector<16xi32>
    %add3A_3874 = arith.addi %add3A_3870, %and3A_3873 : vector<16xi32>
    %swap3A_3875 = arith.constant 1584 : index
    %swap3A_3876 = tpu.vector_load %arg6[%swap3A_3875] {strides = array<i32>} : memref<1600xi32, #tpu.memory_space<vmem>>, vector<16xi32>,
    %swap3A_3877 = vector.shape_cast %swap3A_3876 : vector<16xi32> to vector<16xi32>
    %swap3A_3878 = vector.shape_cast %add3A_3874 : vector<16xi32> to vector<16xi32>
    tpu.vector_store %arg6[%swap3A_3875], %swap3A_3878 {strides = array<i32>} : memref<1600xi32, #tpu.memory_space<vmem>>, vector<16xi32>,
    %dma_start3A_3879 = arith.constant 1200 : i32
    %dma_start3A_3880 = tpu.memref_slice %arg7[%dma_start3A_3879] : memref<1600xf32, #tpu.memory_space<vmem>> -> memref<400xf32, #tpu.memory_space<vmem>>
    %dma_start3A_3881 = arith.constant 1200 : i32
    %dma_start3A_3882 = tpu.memref_slice %arg6[%dma_start3A_3881] : memref<1600xi32, #tpu.memory_space<vmem>> -> memref<400xi32, #tpu.memory_space<vmem>>
    %dma_start3A_3883 = arith.constant 0 : i32
    %dma_start3A_3884 = tpu.memref_slice %arg2[%dma_start3A_3883] : memref<102400000xf32, #tpu.memory_space<hbm>> -> memref<102400000xf32, #tpu.memory_space<hbm>>
    tpu.enqueue_indirect_dma source(%dma_start3A_3884 : memref<102400000xf32, #tpu.memory_space<hbm>>) target(%dma_start3A_3880 : memref<400xf32, #tpu.memory_space<vmem>>) offsets(%dma_start3A_3882 : memref<400xi32, #tpu.memory_space<vmem>>) semaphore(%arg9 : memref<!tpu.dma_semaphore, #tpu.memory_space<semaphore_mem>>)
    %dma_wait3A = arith.constant 0 : i32
    %dma_wait3A_3885 = tpu.memref_slice %arg7[%dma_wait3A] : memref<1600xf32, #tpu.memory_space<vmem>> -> memref<400xf32, #tpu.memory_space<vmem>>
    %dma_wait3A_3886 = arith.constant 0 : i32
    %dma_wait3A_3887 = tpu.memref_slice %arg6[%dma_wait3A_3886] : memref<1600xi32, #tpu.memory_space<vmem>> -> memref<400xi32, #tpu.memory_space<vmem>>
    %dma_wait3A_3888 = arith.constant 0 : i32
    %dma_wait3A_3889 = tpu.memref_slice %arg2[%dma_wait3A_3888] : memref<102400000xf32, #tpu.memory_space<hbm>> -> memref<102400000xf32, #tpu.memory_space<hbm>>
    tpu.wait_indirect_dma semaphore(%arg9 : memref<!tpu.dma_semaphore, #tpu.memory_space<semaphore_mem>>) src(%dma_wait3A_3889 : memref<102400000xf32, #tpu.memory_space<hbm>>) dst(%dma_wait3A_3885 : memref<400xf32, #tpu.memory_space<vmem>>)
    %dma_wait3A_3890 = arith.constant 400 : i32
    %dma_wait3A_3891 = tpu.memref_slice %arg7[%dma_wait3A_3890] : memref<1600xf32, #tpu.memory_space<vmem>> -> memref<400xf32, #tpu.memory_space<vmem>>
    %dma_wait3A_3892 = arith.constant 400 : i32
    %dma_wait3A_3893 = tpu.memref_slice %arg6[%dma_wait3A_3892] : memref<1600xi32, #tpu.memory_space<vmem>> -> memref<400xi32, #tpu.memory_space<vmem>>
    %dma_wait3A_3894 = arith.constant 0 : i32
    %dma_wait3A_3895 = tpu.memref_slice %arg2[%dma_wait3A_3894] : memref<102400000xf32, #tpu.memory_space<hbm>> -> memref<102400000xf32, #tpu.memory_space<hbm>>
    tpu.wait_indirect_dma semaphore(%arg9 : memref<!tpu.dma_semaphore, #tpu.memory_space<semaphore_mem>>) src(%dma_wait3A_3895 : memref<102400000xf32, #tpu.memory_space<hbm>>) dst(%dma_wait3A_3891 : memref<400xf32, #tpu.memory_space<vmem>>)
    %dma_wait3A_3896 = arith.constant 800 : i32
    %dma_wait3A_3897 = tpu.memref_slice %arg7[%dma_wait3A_3896] : memref<1600xf32, #tpu.memory_space<vmem>> -> memref<400xf32, #tpu.memory_space<vmem>>
    %dma_wait3A_3898 = arith.constant 800 : i32
    %dma_wait3A_3899 = tpu.memref_slice %arg6[%dma_wait3A_3898] : memref<1600xi32, #tpu.memory_space<vmem>> -> memref<400xi32, #tpu.memory_space<vmem>>
    %dma_wait3A_3900 = arith.constant 0 : i32
    %dma_wait3A_3901 = tpu.memref_slice %arg2[%dma_wait3A_3900] : memref<102400000xf32, #tpu.memory_space<hbm>> -> memref<102400000xf32, #tpu.memory_space<hbm>>
    tpu.wait_indirect_dma semaphore(%arg9 : memref<!tpu.dma_semaphore, #tpu.memory_space<semaphore_mem>>) src(%dma_wait3A_3901 : memref<102400000xf32, #tpu.memory_space<hbm>>) dst(%dma_wait3A_3897 : memref<400xf32, #tpu.memory_space<vmem>>)
    %dma_wait3A_3902 = arith.constant 1200 : i32
    %dma_wait3A_3903 = tpu.memref_slice %arg7[%dma_wait3A_3902] : memref<1600xf32, #tpu.memory_space<vmem>> -> memref<400xf32, #tpu.memory_space<vmem>>
    %dma_wait3A_3904 = arith.constant 1200 : i32
    %dma_wait3A_3905 = tpu.memref_slice %arg6[%dma_wait3A_3904] : memref<1600xi32, #tpu.memory_space<vmem>> -> memref<400xi32, #tpu.memory_space<vmem>>
    %dma_wait3A_3906 = arith.constant 0 : i32
    %dma_wait3A_3907 = tpu.memref_slice %arg2[%dma_wait3A_3906] : memref<102400000xf32, #tpu.memory_space<hbm>> -> memref<102400000xf32, #tpu.memory_space<hbm>>
    tpu.wait_indirect_dma semaphore(%arg9 : memref<!tpu.dma_semaphore, #tpu.memory_space<semaphore_mem>>) src(%dma_wait3A_3907 : memref<102400000xf32, #tpu.memory_space<hbm>>) dst(%dma_wait3A_3903 : memref<400xf32, #tpu.memory_space<vmem>>)
    %broadcast_in_dim3A_3908 = arith.constant 0.000000e+00 : f32
    %broadcast_in_dim3A_3909 = vector.broadcast %broadcast_in_dim3A_3908 : f32 to vector<16xf32>
    %get3A_3910 = arith.constant 0 : index
    %get3A_3911 = tpu.vector_load %arg5[%get3A_3910] {strides = array<i32>} : memref<1600xi32, #tpu.memory_space<vmem>>, vector<16xi32>,
    %get3A_3912 = vector.shape_cast %get3A_3911 : vector<16xi32> to vector<16xi32>
    %get3A_3913 = arith.constant 0 : index
    %get3A_3914 = tpu.vector_load %arg7[%get3A_3913] {strides = array<i32>} : memref<1600xf32, #tpu.memory_space<vmem>>, vector<16xf32>,
    %get3A_3915 = vector.shape_cast %get3A_3914 : vector<16xf32> to vector<16xf32>
    %ne3A = arith.constant 0 : i32
    %ne3A_3916 = vector.broadcast %ne3A : i32 to vector<16xi32>
    %ne3A_3917 = arith.cmpi ne, %get3A_3912, %ne3A_3916 : vector<16xi32>
    %jit3A_3918 = arith.constant 0.000000e+00 : f32
    %broadcast_in_dim3A_3919 = vector.broadcast %jit3A_3918 : f32 to vector<16xf32>
    %select_n3A_3920 = arith.select %ne3A_3917, %get3A_3915, %broadcast_in_dim3A_3919 : vector<16xi1>, vector<16xf32>
    %add3A_3921 = arith.addf %broadcast_in_dim3A_3909, %select_n3A_3920 : vector<16xf32>
    %get3A_3922 = arith.constant 16 : index
    %get3A_3923 = tpu.vector_load %arg5[%get3A_3922] {strides = array<i32>} : memref<1600xi32, #tpu.memory_space<vmem>>, vector<16xi32>,
    %get3A_3924 = vector.shape_cast %get3A_3923 : vector<16xi32> to vector<16xi32>
    %get3A_3925 = arith.constant 16 : index
    %get3A_3926 = tpu.vector_load %arg7[%get3A_3925] {strides = array<i32>} : memref<1600xf32, #tpu.memory_space<vmem>>, vector<16xf32>,
    %get3A_3927 = vector.shape_cast %get3A_3926 : vector<16xf32> to vector<16xf32>
    %ne3A_3928 = arith.constant 0 : i32
    %ne3A_3929 = vector.broadcast %ne3A_3928 : i32 to vector<16xi32>
    %ne3A_3930 = arith.cmpi ne, %get3A_3924, %ne3A_3929 : vector<16xi32>
    %jit3A_3931 = arith.constant 0.000000e+00 : f32
    %broadcast_in_dim3A_3932 = vector.broadcast %jit3A_3931 : f32 to vector<16xf32>
    %select_n3A_3933 = arith.select %ne3A_3930, %get3A_3927, %broadcast_in_dim3A_3932 : vector<16xi1>, vector<16xf32>
    %add3A_3934 = arith.addf %add3A_3921, %select_n3A_3933 : vector<16xf32>
    %get3A_3935 = arith.constant 32 : index
    %get3A_3936 = tpu.vector_load %arg5[%get3A_3935] {strides = array<i32>} : memref<1600xi32, #tpu.memory_space<vmem>>, vector<16xi32>,
    %get3A_3937 = vector.shape_cast %get3A_3936 : vector<16xi32> to vector<16xi32>
    %get3A_3938 = arith.constant 32 : index
    %get3A_3939 = tpu.vector_load %arg7[%get3A_3938] {strides = array<i32>} : memref<1600xf32, #tpu.memory_space<vmem>>, vector<16xf32>,
    %get3A_3940 = vector.shape_cast %get3A_3939 : vector<16xf32> to vector<16xf32>
    %ne3A_3941 = arith.constant 0 : i32
    %ne3A_3942 = vector.broadcast %ne3A_3941 : i32 to vector<16xi32>
    %ne3A_3943 = arith.cmpi ne, %get3A_3937, %ne3A_3942 : vector<16xi32>
    %jit3A_3944 = arith.constant 0.000000e+00 : f32
    %broadcast_in_dim3A_3945 = vector.broadcast %jit3A_3944 : f32 to vector<16xf32>
    %select_n3A_3946 = arith.select %ne3A_3943, %get3A_3940, %broadcast_in_dim3A_3945 : vector<16xi1>, vector<16xf32>
    %add3A_3947 = arith.addf %add3A_3934, %select_n3A_3946 : vector<16xf32>
    %get3A_3948 = arith.constant 48 : index
    %get3A_3949 = tpu.vector_load %arg5[%get3A_3948] {strides = array<i32>} : memref<1600xi32, #tpu.memory_space<vmem>>, vector<16xi32>,
    %get3A_3950 = vector.shape_cast %get3A_3949 : vector<16xi32> to vector<16xi32>
    %get3A_3951 = arith.constant 48 : index
    %get3A_3952 = tpu.vector_load %arg7[%get3A_3951] {strides = array<i32>} : memref<1600xf32, #tpu.memory_space<vmem>>, vector<16xf32>,
    %get3A_3953 = vector.shape_cast %get3A_3952 : vector<16xf32> to vector<16xf32>
    %ne3A_3954 = arith.constant 0 : i32
    %ne3A_3955 = vector.broadcast %ne3A_3954 : i32 to vector<16xi32>
    %ne3A_3956 = arith.cmpi ne, %get3A_3950, %ne3A_3955 : vector<16xi32>
    %jit3A_3957 = arith.constant 0.000000e+00 : f32
    %broadcast_in_dim3A_3958 = vector.broadcast %jit3A_3957 : f32 to vector<16xf32>
    %select_n3A_3959 = arith.select %ne3A_3956, %get3A_3953, %broadcast_in_dim3A_3958 : vector<16xi1>, vector<16xf32>
    %add3A_3960 = arith.addf %add3A_3947, %select_n3A_3959 : vector<16xf32>
    %get3A_3961 = arith.constant 64 : index
    %get3A_3962 = tpu.vector_load %arg5[%get3A_3961] {strides = array<i32>} : memref<1600xi32, #tpu.memory_space<vmem>>, vector<16xi32>,
    %get3A_3963 = vector.shape_cast %get3A_3962 : vector<16xi32> to vector<16xi32>
    %get3A_3964 = arith.constant 64 : index
    %get3A_3965 = tpu.vector_load %arg7[%get3A_3964] {strides = array<i32>} : memref<1600xf32, #tpu.memory_space<vmem>>, vector<16xf32>,
    %get3A_3966 = vector.shape_cast %get3A_3965 : vector<16xf32> to vector<16xf32>
    %ne3A_3967 = arith.constant 0 : i32
    %ne3A_3968 = vector.broadcast %ne3A_3967 : i32 to vector<16xi32>
    %ne3A_3969 = arith.cmpi ne, %get3A_3963, %ne3A_3968 : vector<16xi32>
    %jit3A_3970 = arith.constant 0.000000e+00 : f32
    %broadcast_in_dim3A_3971 = vector.broadcast %jit3A_3970 : f32 to vector<16xf32>
    %select_n3A_3972 = arith.select %ne3A_3969, %get3A_3966, %broadcast_in_dim3A_3971 : vector<16xi1>, vector<16xf32>
    %add3A_3973 = arith.addf %add3A_3960, %select_n3A_3972 : vector<16xf32>
    %get3A_3974 = arith.constant 80 : index
    %get3A_3975 = tpu.vector_load %arg5[%get3A_3974] {strides = array<i32>} : memref<1600xi32, #tpu.memory_space<vmem>>, vector<16xi32>,
    %get3A_3976 = vector.shape_cast %get3A_3975 : vector<16xi32> to vector<16xi32>
    %get3A_3977 = arith.constant 80 : index
    %get3A_3978 = tpu.vector_load %arg7[%get3A_3977] {strides = array<i32>} : memref<1600xf32, #tpu.memory_space<vmem>>, vector<16xf32>,
    %get3A_3979 = vector.shape_cast %get3A_3978 : vector<16xf32> to vector<16xf32>
    %ne3A_3980 = arith.constant 0 : i32
    %ne3A_3981 = vector.broadcast %ne3A_3980 : i32 to vector<16xi32>
    %ne3A_3982 = arith.cmpi ne, %get3A_3976, %ne3A_3981 : vector<16xi32>
    %jit3A_3983 = arith.constant 0.000000e+00 : f32
    %broadcast_in_dim3A_3984 = vector.broadcast %jit3A_3983 : f32 to vector<16xf32>
    %select_n3A_3985 = arith.select %ne3A_3982, %get3A_3979, %broadcast_in_dim3A_3984 : vector<16xi1>, vector<16xf32>
    %add3A_3986 = arith.addf %add3A_3973, %select_n3A_3985 : vector<16xf32>
    %get3A_3987 = arith.constant 96 : index
    %get3A_3988 = tpu.vector_load %arg5[%get3A_3987] {strides = array<i32>} : memref<1600xi32, #tpu.memory_space<vmem>>, vector<16xi32>,
    %get3A_3989 = vector.shape_cast %get3A_3988 : vector<16xi32> to vector<16xi32>
    %get3A_3990 = arith.constant 96 : index
    %get3A_3991 = tpu.vector_load %arg7[%get3A_3990] {strides = array<i32>} : memref<1600xf32, #tpu.memory_space<vmem>>, vector<16xf32>,
    %get3A_3992 = vector.shape_cast %get3A_3991 : vector<16xf32> to vector<16xf32>
    %ne3A_3993 = arith.constant 0 : i32
    %ne3A_3994 = vector.broadcast %ne3A_3993 : i32 to vector<16xi32>
    %ne3A_3995 = arith.cmpi ne, %get3A_3989, %ne3A_3994 : vector<16xi32>
    %jit3A_3996 = arith.constant 0.000000e+00 : f32
    %broadcast_in_dim3A_3997 = vector.broadcast %jit3A_3996 : f32 to vector<16xf32>
    %select_n3A_3998 = arith.select %ne3A_3995, %get3A_3992, %broadcast_in_dim3A_3997 : vector<16xi1>, vector<16xf32>
    %add3A_3999 = arith.addf %add3A_3986, %select_n3A_3998 : vector<16xf32>
    %get3A_4000 = arith.constant 112 : index
    %get3A_4001 = tpu.vector_load %arg5[%get3A_4000] {strides = array<i32>} : memref<1600xi32, #tpu.memory_space<vmem>>, vector<16xi32>,
    %get3A_4002 = vector.shape_cast %get3A_4001 : vector<16xi32> to vector<16xi32>
    %get3A_4003 = arith.constant 112 : index
    %get3A_4004 = tpu.vector_load %arg7[%get3A_4003] {strides = array<i32>} : memref<1600xf32, #tpu.memory_space<vmem>>, vector<16xf32>,
    %get3A_4005 = vector.shape_cast %get3A_4004 : vector<16xf32> to vector<16xf32>
    %ne3A_4006 = arith.constant 0 : i32
    %ne3A_4007 = vector.broadcast %ne3A_4006 : i32 to vector<16xi32>
    %ne3A_4008 = arith.cmpi ne, %get3A_4002, %ne3A_4007 : vector<16xi32>
    %jit3A_4009 = arith.constant 0.000000e+00 : f32
    %broadcast_in_dim3A_4010 = vector.broadcast %jit3A_4009 : f32 to vector<16xf32>
    %select_n3A_4011 = arith.select %ne3A_4008, %get3A_4005, %broadcast_in_dim3A_4010 : vector<16xi1>, vector<16xf32>
    %add3A_4012 = arith.addf %add3A_3999, %select_n3A_4011 : vector<16xf32>
    %get3A_4013 = arith.constant 128 : index
    %get3A_4014 = tpu.vector_load %arg5[%get3A_4013] {strides = array<i32>} : memref<1600xi32, #tpu.memory_space<vmem>>, vector<16xi32>,
    %get3A_4015 = vector.shape_cast %get3A_4014 : vector<16xi32> to vector<16xi32>
    %get3A_4016 = arith.constant 128 : index
    %get3A_4017 = tpu.vector_load %arg7[%get3A_4016] {strides = array<i32>} : memref<1600xf32, #tpu.memory_space<vmem>>, vector<16xf32>,
    %get3A_4018 = vector.shape_cast %get3A_4017 : vector<16xf32> to vector<16xf32>
    %ne3A_4019 = arith.constant 0 : i32
    %ne3A_4020 = vector.broadcast %ne3A_4019 : i32 to vector<16xi32>
    %ne3A_4021 = arith.cmpi ne, %get3A_4015, %ne3A_4020 : vector<16xi32>
    %jit3A_4022 = arith.constant 0.000000e+00 : f32
    %broadcast_in_dim3A_4023 = vector.broadcast %jit3A_4022 : f32 to vector<16xf32>
    %select_n3A_4024 = arith.select %ne3A_4021, %get3A_4018, %broadcast_in_dim3A_4023 : vector<16xi1>, vector<16xf32>
    %add3A_4025 = arith.addf %add3A_4012, %select_n3A_4024 : vector<16xf32>
    %get3A_4026 = arith.constant 144 : index
    %get3A_4027 = tpu.vector_load %arg5[%get3A_4026] {strides = array<i32>} : memref<1600xi32, #tpu.memory_space<vmem>>, vector<16xi32>,
    %get3A_4028 = vector.shape_cast %get3A_4027 : vector<16xi32> to vector<16xi32>
    %get3A_4029 = arith.constant 144 : index
    %get3A_4030 = tpu.vector_load %arg7[%get3A_4029] {strides = array<i32>} : memref<1600xf32, #tpu.memory_space<vmem>>, vector<16xf32>,
    %get3A_4031 = vector.shape_cast %get3A_4030 : vector<16xf32> to vector<16xf32>
    %ne3A_4032 = arith.constant 0 : i32
    %ne3A_4033 = vector.broadcast %ne3A_4032 : i32 to vector<16xi32>
    %ne3A_4034 = arith.cmpi ne, %get3A_4028, %ne3A_4033 : vector<16xi32>
    %jit3A_4035 = arith.constant 0.000000e+00 : f32
    %broadcast_in_dim3A_4036 = vector.broadcast %jit3A_4035 : f32 to vector<16xf32>
    %select_n3A_4037 = arith.select %ne3A_4034, %get3A_4031, %broadcast_in_dim3A_4036 : vector<16xi1>, vector<16xf32>
    %add3A_4038 = arith.addf %add3A_4025, %select_n3A_4037 : vector<16xf32>
    %get3A_4039 = arith.constant 160 : index
    %get3A_4040 = tpu.vector_load %arg5[%get3A_4039] {strides = array<i32>} : memref<1600xi32, #tpu.memory_space<vmem>>, vector<16xi32>,
    %get3A_4041 = vector.shape_cast %get3A_4040 : vector<16xi32> to vector<16xi32>
    %get3A_4042 = arith.constant 160 : index
    %get3A_4043 = tpu.vector_load %arg7[%get3A_4042] {strides = array<i32>} : memref<1600xf32, #tpu.memory_space<vmem>>, vector<16xf32>,
    %get3A_4044 = vector.shape_cast %get3A_4043 : vector<16xf32> to vector<16xf32>
    %ne3A_4045 = arith.constant 0 : i32
    %ne3A_4046 = vector.broadcast %ne3A_4045 : i32 to vector<16xi32>
    %ne3A_4047 = arith.cmpi ne, %get3A_4041, %ne3A_4046 : vector<16xi32>
    %jit3A_4048 = arith.constant 0.000000e+00 : f32
    %broadcast_in_dim3A_4049 = vector.broadcast %jit3A_4048 : f32 to vector<16xf32>
    %select_n3A_4050 = arith.select %ne3A_4047, %get3A_4044, %broadcast_in_dim3A_4049 : vector<16xi1>, vector<16xf32>
    %add3A_4051 = arith.addf %add3A_4038, %select_n3A_4050 : vector<16xf32>
    %get3A_4052 = arith.constant 176 : index
    %get3A_4053 = tpu.vector_load %arg5[%get3A_4052] {strides = array<i32>} : memref<1600xi32, #tpu.memory_space<vmem>>, vector<16xi32>,
    %get3A_4054 = vector.shape_cast %get3A_4053 : vector<16xi32> to vector<16xi32>
    %get3A_4055 = arith.constant 176 : index
    %get3A_4056 = tpu.vector_load %arg7[%get3A_4055] {strides = array<i32>} : memref<1600xf32, #tpu.memory_space<vmem>>, vector<16xf32>,
    %get3A_4057 = vector.shape_cast %get3A_4056 : vector<16xf32> to vector<16xf32>
    %ne3A_4058 = arith.constant 0 : i32
    %ne3A_4059 = vector.broadcast %ne3A_4058 : i32 to vector<16xi32>
    %ne3A_4060 = arith.cmpi ne, %get3A_4054, %ne3A_4059 : vector<16xi32>
    %jit3A_4061 = arith.constant 0.000000e+00 : f32
    %broadcast_in_dim3A_4062 = vector.broadcast %jit3A_4061 : f32 to vector<16xf32>
    %select_n3A_4063 = arith.select %ne3A_4060, %get3A_4057, %broadcast_in_dim3A_4062 : vector<16xi1>, vector<16xf32>
    %add3A_4064 = arith.addf %add3A_4051, %select_n3A_4063 : vector<16xf32>
    %get3A_4065 = arith.constant 192 : index
    %get3A_4066 = tpu.vector_load %arg5[%get3A_4065] {strides = array<i32>} : memref<1600xi32, #tpu.memory_space<vmem>>, vector<16xi32>,
    %get3A_4067 = vector.shape_cast %get3A_4066 : vector<16xi32> to vector<16xi32>
    %get3A_4068 = arith.constant 192 : index
    %get3A_4069 = tpu.vector_load %arg7[%get3A_4068] {strides = array<i32>} : memref<1600xf32, #tpu.memory_space<vmem>>, vector<16xf32>,
    %get3A_4070 = vector.shape_cast %get3A_4069 : vector<16xf32> to vector<16xf32>
    %ne3A_4071 = arith.constant 0 : i32
    %ne3A_4072 = vector.broadcast %ne3A_4071 : i32 to vector<16xi32>
    %ne3A_4073 = arith.cmpi ne, %get3A_4067, %ne3A_4072 : vector<16xi32>
    %jit3A_4074 = arith.constant 0.000000e+00 : f32
    %broadcast_in_dim3A_4075 = vector.broadcast %jit3A_4074 : f32 to vector<16xf32>
    %select_n3A_4076 = arith.select %ne3A_4073, %get3A_4070, %broadcast_in_dim3A_4075 : vector<16xi1>, vector<16xf32>
    %add3A_4077 = arith.addf %add3A_4064, %select_n3A_4076 : vector<16xf32>
    %get3A_4078 = arith.constant 208 : index
    %get3A_4079 = tpu.vector_load %arg5[%get3A_4078] {strides = array<i32>} : memref<1600xi32, #tpu.memory_space<vmem>>, vector<16xi32>,
    %get3A_4080 = vector.shape_cast %get3A_4079 : vector<16xi32> to vector<16xi32>
    %get3A_4081 = arith.constant 208 : index
    %get3A_4082 = tpu.vector_load %arg7[%get3A_4081] {strides = array<i32>} : memref<1600xf32, #tpu.memory_space<vmem>>, vector<16xf32>,
    %get3A_4083 = vector.shape_cast %get3A_4082 : vector<16xf32> to vector<16xf32>
    %ne3A_4084 = arith.constant 0 : i32
    %ne3A_4085 = vector.broadcast %ne3A_4084 : i32 to vector<16xi32>
    %ne3A_4086 = arith.cmpi ne, %get3A_4080, %ne3A_4085 : vector<16xi32>
    %jit3A_4087 = arith.constant 0.000000e+00 : f32
    %broadcast_in_dim3A_4088 = vector.broadcast %jit3A_4087 : f32 to vector<16xf32>
    %select_n3A_4089 = arith.select %ne3A_4086, %get3A_4083, %broadcast_in_dim3A_4088 : vector<16xi1>, vector<16xf32>
    %add3A_4090 = arith.addf %add3A_4077, %select_n3A_4089 : vector<16xf32>
    %get3A_4091 = arith.constant 224 : index
    %get3A_4092 = tpu.vector_load %arg5[%get3A_4091] {strides = array<i32>} : memref<1600xi32, #tpu.memory_space<vmem>>, vector<16xi32>,
    %get3A_4093 = vector.shape_cast %get3A_4092 : vector<16xi32> to vector<16xi32>
    %get3A_4094 = arith.constant 224 : index
    %get3A_4095 = tpu.vector_load %arg7[%get3A_4094] {strides = array<i32>} : memref<1600xf32, #tpu.memory_space<vmem>>, vector<16xf32>,
    %get3A_4096 = vector.shape_cast %get3A_4095 : vector<16xf32> to vector<16xf32>
    %ne3A_4097 = arith.constant 0 : i32
    %ne3A_4098 = vector.broadcast %ne3A_4097 : i32 to vector<16xi32>
    %ne3A_4099 = arith.cmpi ne, %get3A_4093, %ne3A_4098 : vector<16xi32>
    %jit3A_4100 = arith.constant 0.000000e+00 : f32
    %broadcast_in_dim3A_4101 = vector.broadcast %jit3A_4100 : f32 to vector<16xf32>
    %select_n3A_4102 = arith.select %ne3A_4099, %get3A_4096, %broadcast_in_dim3A_4101 : vector<16xi1>, vector<16xf32>
    %add3A_4103 = arith.addf %add3A_4090, %select_n3A_4102 : vector<16xf32>
    %get3A_4104 = arith.constant 240 : index
    %get3A_4105 = tpu.vector_load %arg5[%get3A_4104] {strides = array<i32>} : memref<1600xi32, #tpu.memory_space<vmem>>, vector<16xi32>,
    %get3A_4106 = vector.shape_cast %get3A_4105 : vector<16xi32> to vector<16xi32>
    %get3A_4107 = arith.constant 240 : index
    %get3A_4108 = tpu.vector_load %arg7[%get3A_4107] {strides = array<i32>} : memref<1600xf32, #tpu.memory_space<vmem>>, vector<16xf32>,
    %get3A_4109 = vector.shape_cast %get3A_4108 : vector<16xf32> to vector<16xf32>
    %ne3A_4110 = arith.constant 0 : i32
    %ne3A_4111 = vector.broadcast %ne3A_4110 : i32 to vector<16xi32>
    %ne3A_4112 = arith.cmpi ne, %get3A_4106, %ne3A_4111 : vector<16xi32>
    %jit3A_4113 = arith.constant 0.000000e+00 : f32
    %broadcast_in_dim3A_4114 = vector.broadcast %jit3A_4113 : f32 to vector<16xf32>
    %select_n3A_4115 = arith.select %ne3A_4112, %get3A_4109, %broadcast_in_dim3A_4114 : vector<16xi1>, vector<16xf32>
    %add3A_4116 = arith.addf %add3A_4103, %select_n3A_4115 : vector<16xf32>
    %get3A_4117 = arith.constant 256 : index
    %get3A_4118 = tpu.vector_load %arg5[%get3A_4117] {strides = array<i32>} : memref<1600xi32, #tpu.memory_space<vmem>>, vector<16xi32>,
    %get3A_4119 = vector.shape_cast %get3A_4118 : vector<16xi32> to vector<16xi32>
    %get3A_4120 = arith.constant 256 : index
    %get3A_4121 = tpu.vector_load %arg7[%get3A_4120] {strides = array<i32>} : memref<1600xf32, #tpu.memory_space<vmem>>, vector<16xf32>,
    %get3A_4122 = vector.shape_cast %get3A_4121 : vector<16xf32> to vector<16xf32>
    %ne3A_4123 = arith.constant 0 : i32
    %ne3A_4124 = vector.broadcast %ne3A_4123 : i32 to vector<16xi32>
    %ne3A_4125 = arith.cmpi ne, %get3A_4119, %ne3A_4124 : vector<16xi32>
    %jit3A_4126 = arith.constant 0.000000e+00 : f32
    %broadcast_in_dim3A_4127 = vector.broadcast %jit3A_4126 : f32 to vector<16xf32>
    %select_n3A_4128 = arith.select %ne3A_4125, %get3A_4122, %broadcast_in_dim3A_4127 : vector<16xi1>, vector<16xf32>
    %add3A_4129 = arith.addf %add3A_4116, %select_n3A_4128 : vector<16xf32>
    %get3A_4130 = arith.constant 272 : index
    %get3A_4131 = tpu.vector_load %arg5[%get3A_4130] {strides = array<i32>} : memref<1600xi32, #tpu.memory_space<vmem>>, vector<16xi32>,
    %get3A_4132 = vector.shape_cast %get3A_4131 : vector<16xi32> to vector<16xi32>
    %get3A_4133 = arith.constant 272 : index
    %get3A_4134 = tpu.vector_load %arg7[%get3A_4133] {strides = array<i32>} : memref<1600xf32, #tpu.memory_space<vmem>>, vector<16xf32>,
    %get3A_4135 = vector.shape_cast %get3A_4134 : vector<16xf32> to vector<16xf32>
    %ne3A_4136 = arith.constant 0 : i32
    %ne3A_4137 = vector.broadcast %ne3A_4136 : i32 to vector<16xi32>
    %ne3A_4138 = arith.cmpi ne, %get3A_4132, %ne3A_4137 : vector<16xi32>
    %jit3A_4139 = arith.constant 0.000000e+00 : f32
    %broadcast_in_dim3A_4140 = vector.broadcast %jit3A_4139 : f32 to vector<16xf32>
    %select_n3A_4141 = arith.select %ne3A_4138, %get3A_4135, %broadcast_in_dim3A_4140 : vector<16xi1>, vector<16xf32>
    %add3A_4142 = arith.addf %add3A_4129, %select_n3A_4141 : vector<16xf32>
    %get3A_4143 = arith.constant 288 : index
    %get3A_4144 = tpu.vector_load %arg5[%get3A_4143] {strides = array<i32>} : memref<1600xi32, #tpu.memory_space<vmem>>, vector<16xi32>,
    %get3A_4145 = vector.shape_cast %get3A_4144 : vector<16xi32> to vector<16xi32>
    %get3A_4146 = arith.constant 288 : index
    %get3A_4147 = tpu.vector_load %arg7[%get3A_4146] {strides = array<i32>} : memref<1600xf32, #tpu.memory_space<vmem>>, vector<16xf32>,
    %get3A_4148 = vector.shape_cast %get3A_4147 : vector<16xf32> to vector<16xf32>
    %ne3A_4149 = arith.constant 0 : i32
    %ne3A_4150 = vector.broadcast %ne3A_4149 : i32 to vector<16xi32>
    %ne3A_4151 = arith.cmpi ne, %get3A_4145, %ne3A_4150 : vector<16xi32>
    %jit3A_4152 = arith.constant 0.000000e+00 : f32
    %broadcast_in_dim3A_4153 = vector.broadcast %jit3A_4152 : f32 to vector<16xf32>
    %select_n3A_4154 = arith.select %ne3A_4151, %get3A_4148, %broadcast_in_dim3A_4153 : vector<16xi1>, vector<16xf32>
    %add3A_4155 = arith.addf %add3A_4142, %select_n3A_4154 : vector<16xf32>
    %get3A_4156 = arith.constant 304 : index
    %get3A_4157 = tpu.vector_load %arg5[%get3A_4156] {strides = array<i32>} : memref<1600xi32, #tpu.memory_space<vmem>>, vector<16xi32>,
    %get3A_4158 = vector.shape_cast %get3A_4157 : vector<16xi32> to vector<16xi32>
    %get3A_4159 = arith.constant 304 : index
    %get3A_4160 = tpu.vector_load %arg7[%get3A_4159] {strides = array<i32>} : memref<1600xf32, #tpu.memory_space<vmem>>, vector<16xf32>,
    %get3A_4161 = vector.shape_cast %get3A_4160 : vector<16xf32> to vector<16xf32>
    %ne3A_4162 = arith.constant 0 : i32
    %ne3A_4163 = vector.broadcast %ne3A_4162 : i32 to vector<16xi32>
    %ne3A_4164 = arith.cmpi ne, %get3A_4158, %ne3A_4163 : vector<16xi32>
    %jit3A_4165 = arith.constant 0.000000e+00 : f32
    %broadcast_in_dim3A_4166 = vector.broadcast %jit3A_4165 : f32 to vector<16xf32>
    %select_n3A_4167 = arith.select %ne3A_4164, %get3A_4161, %broadcast_in_dim3A_4166 : vector<16xi1>, vector<16xf32>
    %add3A_4168 = arith.addf %add3A_4155, %select_n3A_4167 : vector<16xf32>
    %get3A_4169 = arith.constant 320 : index
    %get3A_4170 = tpu.vector_load %arg5[%get3A_4169] {strides = array<i32>} : memref<1600xi32, #tpu.memory_space<vmem>>, vector<16xi32>,
    %get3A_4171 = vector.shape_cast %get3A_4170 : vector<16xi32> to vector<16xi32>
    %get3A_4172 = arith.constant 320 : index
    %get3A_4173 = tpu.vector_load %arg7[%get3A_4172] {strides = array<i32>} : memref<1600xf32, #tpu.memory_space<vmem>>, vector<16xf32>,
    %get3A_4174 = vector.shape_cast %get3A_4173 : vector<16xf32> to vector<16xf32>
    %ne3A_4175 = arith.constant 0 : i32
    %ne3A_4176 = vector.broadcast %ne3A_4175 : i32 to vector<16xi32>
    %ne3A_4177 = arith.cmpi ne, %get3A_4171, %ne3A_4176 : vector<16xi32>
    %jit3A_4178 = arith.constant 0.000000e+00 : f32
    %broadcast_in_dim3A_4179 = vector.broadcast %jit3A_4178 : f32 to vector<16xf32>
    %select_n3A_4180 = arith.select %ne3A_4177, %get3A_4174, %broadcast_in_dim3A_4179 : vector<16xi1>, vector<16xf32>
    %add3A_4181 = arith.addf %add3A_4168, %select_n3A_4180 : vector<16xf32>
    %get3A_4182 = arith.constant 336 : index
    %get3A_4183 = tpu.vector_load %arg5[%get3A_4182] {strides = array<i32>} : memref<1600xi32, #tpu.memory_space<vmem>>, vector<16xi32>,
    %get3A_4184 = vector.shape_cast %get3A_4183 : vector<16xi32> to vector<16xi32>
    %get3A_4185 = arith.constant 336 : index
    %get3A_4186 = tpu.vector_load %arg7[%get3A_4185] {strides = array<i32>} : memref<1600xf32, #tpu.memory_space<vmem>>, vector<16xf32>,
    %get3A_4187 = vector.shape_cast %get3A_4186 : vector<16xf32> to vector<16xf32>
    %ne3A_4188 = arith.constant 0 : i32
    %ne3A_4189 = vector.broadcast %ne3A_4188 : i32 to vector<16xi32>
    %ne3A_4190 = arith.cmpi ne, %get3A_4184, %ne3A_4189 : vector<16xi32>
    %jit3A_4191 = arith.constant 0.000000e+00 : f32
    %broadcast_in_dim3A_4192 = vector.broadcast %jit3A_4191 : f32 to vector<16xf32>
    %select_n3A_4193 = arith.select %ne3A_4190, %get3A_4187, %broadcast_in_dim3A_4192 : vector<16xi1>, vector<16xf32>
    %add3A_4194 = arith.addf %add3A_4181, %select_n3A_4193 : vector<16xf32>
    %get3A_4195 = arith.constant 352 : index
    %get3A_4196 = tpu.vector_load %arg5[%get3A_4195] {strides = array<i32>} : memref<1600xi32, #tpu.memory_space<vmem>>, vector<16xi32>,
    %get3A_4197 = vector.shape_cast %get3A_4196 : vector<16xi32> to vector<16xi32>
    %get3A_4198 = arith.constant 352 : index
    %get3A_4199 = tpu.vector_load %arg7[%get3A_4198] {strides = array<i32>} : memref<1600xf32, #tpu.memory_space<vmem>>, vector<16xf32>,
    %get3A_4200 = vector.shape_cast %get3A_4199 : vector<16xf32> to vector<16xf32>
    %ne3A_4201 = arith.constant 0 : i32
    %ne3A_4202 = vector.broadcast %ne3A_4201 : i32 to vector<16xi32>
    %ne3A_4203 = arith.cmpi ne, %get3A_4197, %ne3A_4202 : vector<16xi32>
    %jit3A_4204 = arith.constant 0.000000e+00 : f32
    %broadcast_in_dim3A_4205 = vector.broadcast %jit3A_4204 : f32 to vector<16xf32>
    %select_n3A_4206 = arith.select %ne3A_4203, %get3A_4200, %broadcast_in_dim3A_4205 : vector<16xi1>, vector<16xf32>
    %add3A_4207 = arith.addf %add3A_4194, %select_n3A_4206 : vector<16xf32>
    %get3A_4208 = arith.constant 368 : index
    %get3A_4209 = tpu.vector_load %arg5[%get3A_4208] {strides = array<i32>} : memref<1600xi32, #tpu.memory_space<vmem>>, vector<16xi32>,
    %get3A_4210 = vector.shape_cast %get3A_4209 : vector<16xi32> to vector<16xi32>
    %get3A_4211 = arith.constant 368 : index
    %get3A_4212 = tpu.vector_load %arg7[%get3A_4211] {strides = array<i32>} : memref<1600xf32, #tpu.memory_space<vmem>>, vector<16xf32>,
    %get3A_4213 = vector.shape_cast %get3A_4212 : vector<16xf32> to vector<16xf32>
    %ne3A_4214 = arith.constant 0 : i32
    %ne3A_4215 = vector.broadcast %ne3A_4214 : i32 to vector<16xi32>
    %ne3A_4216 = arith.cmpi ne, %get3A_4210, %ne3A_4215 : vector<16xi32>
    %jit3A_4217 = arith.constant 0.000000e+00 : f32
    %broadcast_in_dim3A_4218 = vector.broadcast %jit3A_4217 : f32 to vector<16xf32>
    %select_n3A_4219 = arith.select %ne3A_4216, %get3A_4213, %broadcast_in_dim3A_4218 : vector<16xi1>, vector<16xf32>
    %add3A_4220 = arith.addf %add3A_4207, %select_n3A_4219 : vector<16xf32>
    %get3A_4221 = arith.constant 384 : index
    %get3A_4222 = tpu.vector_load %arg5[%get3A_4221] {strides = array<i32>} : memref<1600xi32, #tpu.memory_space<vmem>>, vector<16xi32>,
    %get3A_4223 = vector.shape_cast %get3A_4222 : vector<16xi32> to vector<16xi32>
    %get3A_4224 = arith.constant 384 : index
    %get3A_4225 = tpu.vector_load %arg7[%get3A_4224] {strides = array<i32>} : memref<1600xf32, #tpu.memory_space<vmem>>, vector<16xf32>,
    %get3A_4226 = vector.shape_cast %get3A_4225 : vector<16xf32> to vector<16xf32>
    %ne3A_4227 = arith.constant 0 : i32
    %ne3A_4228 = vector.broadcast %ne3A_4227 : i32 to vector<16xi32>
    %ne3A_4229 = arith.cmpi ne, %get3A_4223, %ne3A_4228 : vector<16xi32>
    %jit3A_4230 = arith.constant 0.000000e+00 : f32
    %broadcast_in_dim3A_4231 = vector.broadcast %jit3A_4230 : f32 to vector<16xf32>
    %select_n3A_4232 = arith.select %ne3A_4229, %get3A_4226, %broadcast_in_dim3A_4231 : vector<16xi1>, vector<16xf32>
    %add3A_4233 = arith.addf %add3A_4220, %select_n3A_4232 : vector<16xf32>
    %get3A_4234 = arith.constant 400 : index
    %get3A_4235 = tpu.vector_load %arg5[%get3A_4234] {strides = array<i32>} : memref<1600xi32, #tpu.memory_space<vmem>>, vector<16xi32>,
    %get3A_4236 = vector.shape_cast %get3A_4235 : vector<16xi32> to vector<16xi32>
    %get3A_4237 = arith.constant 400 : index
    %get3A_4238 = tpu.vector_load %arg7[%get3A_4237] {strides = array<i32>} : memref<1600xf32, #tpu.memory_space<vmem>>, vector<16xf32>,
    %get3A_4239 = vector.shape_cast %get3A_4238 : vector<16xf32> to vector<16xf32>
    %ne3A_4240 = arith.constant 0 : i32
    %ne3A_4241 = vector.broadcast %ne3A_4240 : i32 to vector<16xi32>
    %ne3A_4242 = arith.cmpi ne, %get3A_4236, %ne3A_4241 : vector<16xi32>
    %jit3A_4243 = arith.constant 0.000000e+00 : f32
    %broadcast_in_dim3A_4244 = vector.broadcast %jit3A_4243 : f32 to vector<16xf32>
    %select_n3A_4245 = arith.select %ne3A_4242, %get3A_4239, %broadcast_in_dim3A_4244 : vector<16xi1>, vector<16xf32>
    %add3A_4246 = arith.addf %add3A_4233, %select_n3A_4245 : vector<16xf32>
    %get3A_4247 = arith.constant 416 : index
    %get3A_4248 = tpu.vector_load %arg5[%get3A_4247] {strides = array<i32>} : memref<1600xi32, #tpu.memory_space<vmem>>, vector<16xi32>,
    %get3A_4249 = vector.shape_cast %get3A_4248 : vector<16xi32> to vector<16xi32>
    %get3A_4250 = arith.constant 416 : index
    %get3A_4251 = tpu.vector_load %arg7[%get3A_4250] {strides = array<i32>} : memref<1600xf32, #tpu.memory_space<vmem>>, vector<16xf32>,
    %get3A_4252 = vector.shape_cast %get3A_4251 : vector<16xf32> to vector<16xf32>
    %ne3A_4253 = arith.constant 0 : i32
    %ne3A_4254 = vector.broadcast %ne3A_4253 : i32 to vector<16xi32>
    %ne3A_4255 = arith.cmpi ne, %get3A_4249, %ne3A_4254 : vector<16xi32>
    %jit3A_4256 = arith.constant 0.000000e+00 : f32
    %broadcast_in_dim3A_4257 = vector.broadcast %jit3A_4256 : f32 to vector<16xf32>
    %select_n3A_4258 = arith.select %ne3A_4255, %get3A_4252, %broadcast_in_dim3A_4257 : vector<16xi1>, vector<16xf32>
    %add3A_4259 = arith.addf %add3A_4246, %select_n3A_4258 : vector<16xf32>
    %get3A_4260 = arith.constant 432 : index
    %get3A_4261 = tpu.vector_load %arg5[%get3A_4260] {strides = array<i32>} : memref<1600xi32, #tpu.memory_space<vmem>>, vector<16xi32>,
    %get3A_4262 = vector.shape_cast %get3A_4261 : vector<16xi32> to vector<16xi32>
    %get3A_4263 = arith.constant 432 : index
    %get3A_4264 = tpu.vector_load %arg7[%get3A_4263] {strides = array<i32>} : memref<1600xf32, #tpu.memory_space<vmem>>, vector<16xf32>,
    %get3A_4265 = vector.shape_cast %get3A_4264 : vector<16xf32> to vector<16xf32>
    %ne3A_4266 = arith.constant 0 : i32
    %ne3A_4267 = vector.broadcast %ne3A_4266 : i32 to vector<16xi32>
    %ne3A_4268 = arith.cmpi ne, %get3A_4262, %ne3A_4267 : vector<16xi32>
    %jit3A_4269 = arith.constant 0.000000e+00 : f32
    %broadcast_in_dim3A_4270 = vector.broadcast %jit3A_4269 : f32 to vector<16xf32>
    %select_n3A_4271 = arith.select %ne3A_4268, %get3A_4265, %broadcast_in_dim3A_4270 : vector<16xi1>, vector<16xf32>
    %add3A_4272 = arith.addf %add3A_4259, %select_n3A_4271 : vector<16xf32>
    %get3A_4273 = arith.constant 448 : index
    %get3A_4274 = tpu.vector_load %arg5[%get3A_4273] {strides = array<i32>} : memref<1600xi32, #tpu.memory_space<vmem>>, vector<16xi32>,
    %get3A_4275 = vector.shape_cast %get3A_4274 : vector<16xi32> to vector<16xi32>
    %get3A_4276 = arith.constant 448 : index
    %get3A_4277 = tpu.vector_load %arg7[%get3A_4276] {strides = array<i32>} : memref<1600xf32, #tpu.memory_space<vmem>>, vector<16xf32>,
    %get3A_4278 = vector.shape_cast %get3A_4277 : vector<16xf32> to vector<16xf32>
    %ne3A_4279 = arith.constant 0 : i32
    %ne3A_4280 = vector.broadcast %ne3A_4279 : i32 to vector<16xi32>
    %ne3A_4281 = arith.cmpi ne, %get3A_4275, %ne3A_4280 : vector<16xi32>
    %jit3A_4282 = arith.constant 0.000000e+00 : f32
    %broadcast_in_dim3A_4283 = vector.broadcast %jit3A_4282 : f32 to vector<16xf32>
    %select_n3A_4284 = arith.select %ne3A_4281, %get3A_4278, %broadcast_in_dim3A_4283 : vector<16xi1>, vector<16xf32>
    %add3A_4285 = arith.addf %add3A_4272, %select_n3A_4284 : vector<16xf32>
    %get3A_4286 = arith.constant 464 : index
    %get3A_4287 = tpu.vector_load %arg5[%get3A_4286] {strides = array<i32>} : memref<1600xi32, #tpu.memory_space<vmem>>, vector<16xi32>,
    %get3A_4288 = vector.shape_cast %get3A_4287 : vector<16xi32> to vector<16xi32>
    %get3A_4289 = arith.constant 464 : index
    %get3A_4290 = tpu.vector_load %arg7[%get3A_4289] {strides = array<i32>} : memref<1600xf32, #tpu.memory_space<vmem>>, vector<16xf32>,
    %get3A_4291 = vector.shape_cast %get3A_4290 : vector<16xf32> to vector<16xf32>
    %ne3A_4292 = arith.constant 0 : i32
    %ne3A_4293 = vector.broadcast %ne3A_4292 : i32 to vector<16xi32>
    %ne3A_4294 = arith.cmpi ne, %get3A_4288, %ne3A_4293 : vector<16xi32>
    %jit3A_4295 = arith.constant 0.000000e+00 : f32
    %broadcast_in_dim3A_4296 = vector.broadcast %jit3A_4295 : f32 to vector<16xf32>
    %select_n3A_4297 = arith.select %ne3A_4294, %get3A_4291, %broadcast_in_dim3A_4296 : vector<16xi1>, vector<16xf32>
    %add3A_4298 = arith.addf %add3A_4285, %select_n3A_4297 : vector<16xf32>
    %get3A_4299 = arith.constant 480 : index
    %get3A_4300 = tpu.vector_load %arg5[%get3A_4299] {strides = array<i32>} : memref<1600xi32, #tpu.memory_space<vmem>>, vector<16xi32>,
    %get3A_4301 = vector.shape_cast %get3A_4300 : vector<16xi32> to vector<16xi32>
    %get3A_4302 = arith.constant 480 : index
    %get3A_4303 = tpu.vector_load %arg7[%get3A_4302] {strides = array<i32>} : memref<1600xf32, #tpu.memory_space<vmem>>, vector<16xf32>,
    %get3A_4304 = vector.shape_cast %get3A_4303 : vector<16xf32> to vector<16xf32>
    %ne3A_4305 = arith.constant 0 : i32
    %ne3A_4306 = vector.broadcast %ne3A_4305 : i32 to vector<16xi32>
    %ne3A_4307 = arith.cmpi ne, %get3A_4301, %ne3A_4306 : vector<16xi32>
    %jit3A_4308 = arith.constant 0.000000e+00 : f32
    %broadcast_in_dim3A_4309 = vector.broadcast %jit3A_4308 : f32 to vector<16xf32>
    %select_n3A_4310 = arith.select %ne3A_4307, %get3A_4304, %broadcast_in_dim3A_4309 : vector<16xi1>, vector<16xf32>
    %add3A_4311 = arith.addf %add3A_4298, %select_n3A_4310 : vector<16xf32>
    %get3A_4312 = arith.constant 496 : index
    %get3A_4313 = tpu.vector_load %arg5[%get3A_4312] {strides = array<i32>} : memref<1600xi32, #tpu.memory_space<vmem>>, vector<16xi32>,
    %get3A_4314 = vector.shape_cast %get3A_4313 : vector<16xi32> to vector<16xi32>
    %get3A_4315 = arith.constant 496 : index
    %get3A_4316 = tpu.vector_load %arg7[%get3A_4315] {strides = array<i32>} : memref<1600xf32, #tpu.memory_space<vmem>>, vector<16xf32>,
    %get3A_4317 = vector.shape_cast %get3A_4316 : vector<16xf32> to vector<16xf32>
    %ne3A_4318 = arith.constant 0 : i32
    %ne3A_4319 = vector.broadcast %ne3A_4318 : i32 to vector<16xi32>
    %ne3A_4320 = arith.cmpi ne, %get3A_4314, %ne3A_4319 : vector<16xi32>
    %jit3A_4321 = arith.constant 0.000000e+00 : f32
    %broadcast_in_dim3A_4322 = vector.broadcast %jit3A_4321 : f32 to vector<16xf32>
    %select_n3A_4323 = arith.select %ne3A_4320, %get3A_4317, %broadcast_in_dim3A_4322 : vector<16xi1>, vector<16xf32>
    %add3A_4324 = arith.addf %add3A_4311, %select_n3A_4323 : vector<16xf32>
    %get3A_4325 = arith.constant 512 : index
    %get3A_4326 = tpu.vector_load %arg5[%get3A_4325] {strides = array<i32>} : memref<1600xi32, #tpu.memory_space<vmem>>, vector<16xi32>,
    %get3A_4327 = vector.shape_cast %get3A_4326 : vector<16xi32> to vector<16xi32>
    %get3A_4328 = arith.constant 512 : index
    %get3A_4329 = tpu.vector_load %arg7[%get3A_4328] {strides = array<i32>} : memref<1600xf32, #tpu.memory_space<vmem>>, vector<16xf32>,
    %get3A_4330 = vector.shape_cast %get3A_4329 : vector<16xf32> to vector<16xf32>
    %ne3A_4331 = arith.constant 0 : i32
    %ne3A_4332 = vector.broadcast %ne3A_4331 : i32 to vector<16xi32>
    %ne3A_4333 = arith.cmpi ne, %get3A_4327, %ne3A_4332 : vector<16xi32>
    %jit3A_4334 = arith.constant 0.000000e+00 : f32
    %broadcast_in_dim3A_4335 = vector.broadcast %jit3A_4334 : f32 to vector<16xf32>
    %select_n3A_4336 = arith.select %ne3A_4333, %get3A_4330, %broadcast_in_dim3A_4335 : vector<16xi1>, vector<16xf32>
    %add3A_4337 = arith.addf %add3A_4324, %select_n3A_4336 : vector<16xf32>
    %get3A_4338 = arith.constant 528 : index
    %get3A_4339 = tpu.vector_load %arg5[%get3A_4338] {strides = array<i32>} : memref<1600xi32, #tpu.memory_space<vmem>>, vector<16xi32>,
    %get3A_4340 = vector.shape_cast %get3A_4339 : vector<16xi32> to vector<16xi32>
    %get3A_4341 = arith.constant 528 : index
    %get3A_4342 = tpu.vector_load %arg7[%get3A_4341] {strides = array<i32>} : memref<1600xf32, #tpu.memory_space<vmem>>, vector<16xf32>,
    %get3A_4343 = vector.shape_cast %get3A_4342 : vector<16xf32> to vector<16xf32>
    %ne3A_4344 = arith.constant 0 : i32
    %ne3A_4345 = vector.broadcast %ne3A_4344 : i32 to vector<16xi32>
    %ne3A_4346 = arith.cmpi ne, %get3A_4340, %ne3A_4345 : vector<16xi32>
    %jit3A_4347 = arith.constant 0.000000e+00 : f32
    %broadcast_in_dim3A_4348 = vector.broadcast %jit3A_4347 : f32 to vector<16xf32>
    %select_n3A_4349 = arith.select %ne3A_4346, %get3A_4343, %broadcast_in_dim3A_4348 : vector<16xi1>, vector<16xf32>
    %add3A_4350 = arith.addf %add3A_4337, %select_n3A_4349 : vector<16xf32>
    %get3A_4351 = arith.constant 544 : index
    %get3A_4352 = tpu.vector_load %arg5[%get3A_4351] {strides = array<i32>} : memref<1600xi32, #tpu.memory_space<vmem>>, vector<16xi32>,
    %get3A_4353 = vector.shape_cast %get3A_4352 : vector<16xi32> to vector<16xi32>
    %get3A_4354 = arith.constant 544 : index
    %get3A_4355 = tpu.vector_load %arg7[%get3A_4354] {strides = array<i32>} : memref<1600xf32, #tpu.memory_space<vmem>>, vector<16xf32>,
    %get3A_4356 = vector.shape_cast %get3A_4355 : vector<16xf32> to vector<16xf32>
    %ne3A_4357 = arith.constant 0 : i32
    %ne3A_4358 = vector.broadcast %ne3A_4357 : i32 to vector<16xi32>
    %ne3A_4359 = arith.cmpi ne, %get3A_4353, %ne3A_4358 : vector<16xi32>
    %jit3A_4360 = arith.constant 0.000000e+00 : f32
    %broadcast_in_dim3A_4361 = vector.broadcast %jit3A_4360 : f32 to vector<16xf32>
    %select_n3A_4362 = arith.select %ne3A_4359, %get3A_4356, %broadcast_in_dim3A_4361 : vector<16xi1>, vector<16xf32>
    %add3A_4363 = arith.addf %add3A_4350, %select_n3A_4362 : vector<16xf32>
    %get3A_4364 = arith.constant 560 : index
    %get3A_4365 = tpu.vector_load %arg5[%get3A_4364] {strides = array<i32>} : memref<1600xi32, #tpu.memory_space<vmem>>, vector<16xi32>,
    %get3A_4366 = vector.shape_cast %get3A_4365 : vector<16xi32> to vector<16xi32>
    %get3A_4367 = arith.constant 560 : index
    %get3A_4368 = tpu.vector_load %arg7[%get3A_4367] {strides = array<i32>} : memref<1600xf32, #tpu.memory_space<vmem>>, vector<16xf32>,
    %get3A_4369 = vector.shape_cast %get3A_4368 : vector<16xf32> to vector<16xf32>
    %ne3A_4370 = arith.constant 0 : i32
    %ne3A_4371 = vector.broadcast %ne3A_4370 : i32 to vector<16xi32>
    %ne3A_4372 = arith.cmpi ne, %get3A_4366, %ne3A_4371 : vector<16xi32>
    %jit3A_4373 = arith.constant 0.000000e+00 : f32
    %broadcast_in_dim3A_4374 = vector.broadcast %jit3A_4373 : f32 to vector<16xf32>
    %select_n3A_4375 = arith.select %ne3A_4372, %get3A_4369, %broadcast_in_dim3A_4374 : vector<16xi1>, vector<16xf32>
    %add3A_4376 = arith.addf %add3A_4363, %select_n3A_4375 : vector<16xf32>
    %get3A_4377 = arith.constant 576 : index
    %get3A_4378 = tpu.vector_load %arg5[%get3A_4377] {strides = array<i32>} : memref<1600xi32, #tpu.memory_space<vmem>>, vector<16xi32>,
    %get3A_4379 = vector.shape_cast %get3A_4378 : vector<16xi32> to vector<16xi32>
    %get3A_4380 = arith.constant 576 : index
    %get3A_4381 = tpu.vector_load %arg7[%get3A_4380] {strides = array<i32>} : memref<1600xf32, #tpu.memory_space<vmem>>, vector<16xf32>,
    %get3A_4382 = vector.shape_cast %get3A_4381 : vector<16xf32> to vector<16xf32>
    %ne3A_4383 = arith.constant 0 : i32
    %ne3A_4384 = vector.broadcast %ne3A_4383 : i32 to vector<16xi32>
    %ne3A_4385 = arith.cmpi ne, %get3A_4379, %ne3A_4384 : vector<16xi32>
    %jit3A_4386 = arith.constant 0.000000e+00 : f32
    %broadcast_in_dim3A_4387 = vector.broadcast %jit3A_4386 : f32 to vector<16xf32>
    %select_n3A_4388 = arith.select %ne3A_4385, %get3A_4382, %broadcast_in_dim3A_4387 : vector<16xi1>, vector<16xf32>
    %add3A_4389 = arith.addf %add3A_4376, %select_n3A_4388 : vector<16xf32>
    %get3A_4390 = arith.constant 592 : index
    %get3A_4391 = tpu.vector_load %arg5[%get3A_4390] {strides = array<i32>} : memref<1600xi32, #tpu.memory_space<vmem>>, vector<16xi32>,
    %get3A_4392 = vector.shape_cast %get3A_4391 : vector<16xi32> to vector<16xi32>
    %get3A_4393 = arith.constant 592 : index
    %get3A_4394 = tpu.vector_load %arg7[%get3A_4393] {strides = array<i32>} : memref<1600xf32, #tpu.memory_space<vmem>>, vector<16xf32>,
    %get3A_4395 = vector.shape_cast %get3A_4394 : vector<16xf32> to vector<16xf32>
    %ne3A_4396 = arith.constant 0 : i32
    %ne3A_4397 = vector.broadcast %ne3A_4396 : i32 to vector<16xi32>
    %ne3A_4398 = arith.cmpi ne, %get3A_4392, %ne3A_4397 : vector<16xi32>
    %jit3A_4399 = arith.constant 0.000000e+00 : f32
    %broadcast_in_dim3A_4400 = vector.broadcast %jit3A_4399 : f32 to vector<16xf32>
    %select_n3A_4401 = arith.select %ne3A_4398, %get3A_4395, %broadcast_in_dim3A_4400 : vector<16xi1>, vector<16xf32>
    %add3A_4402 = arith.addf %add3A_4389, %select_n3A_4401 : vector<16xf32>
    %get3A_4403 = arith.constant 608 : index
    %get3A_4404 = tpu.vector_load %arg5[%get3A_4403] {strides = array<i32>} : memref<1600xi32, #tpu.memory_space<vmem>>, vector<16xi32>,
    %get3A_4405 = vector.shape_cast %get3A_4404 : vector<16xi32> to vector<16xi32>
    %get3A_4406 = arith.constant 608 : index
    %get3A_4407 = tpu.vector_load %arg7[%get3A_4406] {strides = array<i32>} : memref<1600xf32, #tpu.memory_space<vmem>>, vector<16xf32>,
    %get3A_4408 = vector.shape_cast %get3A_4407 : vector<16xf32> to vector<16xf32>
    %ne3A_4409 = arith.constant 0 : i32
    %ne3A_4410 = vector.broadcast %ne3A_4409 : i32 to vector<16xi32>
    %ne3A_4411 = arith.cmpi ne, %get3A_4405, %ne3A_4410 : vector<16xi32>
    %jit3A_4412 = arith.constant 0.000000e+00 : f32
    %broadcast_in_dim3A_4413 = vector.broadcast %jit3A_4412 : f32 to vector<16xf32>
    %select_n3A_4414 = arith.select %ne3A_4411, %get3A_4408, %broadcast_in_dim3A_4413 : vector<16xi1>, vector<16xf32>
    %add3A_4415 = arith.addf %add3A_4402, %select_n3A_4414 : vector<16xf32>
    %get3A_4416 = arith.constant 624 : index
    %get3A_4417 = tpu.vector_load %arg5[%get3A_4416] {strides = array<i32>} : memref<1600xi32, #tpu.memory_space<vmem>>, vector<16xi32>,
    %get3A_4418 = vector.shape_cast %get3A_4417 : vector<16xi32> to vector<16xi32>
    %get3A_4419 = arith.constant 624 : index
    %get3A_4420 = tpu.vector_load %arg7[%get3A_4419] {strides = array<i32>} : memref<1600xf32, #tpu.memory_space<vmem>>, vector<16xf32>,
    %get3A_4421 = vector.shape_cast %get3A_4420 : vector<16xf32> to vector<16xf32>
    %ne3A_4422 = arith.constant 0 : i32
    %ne3A_4423 = vector.broadcast %ne3A_4422 : i32 to vector<16xi32>
    %ne3A_4424 = arith.cmpi ne, %get3A_4418, %ne3A_4423 : vector<16xi32>
    %jit3A_4425 = arith.constant 0.000000e+00 : f32
    %broadcast_in_dim3A_4426 = vector.broadcast %jit3A_4425 : f32 to vector<16xf32>
    %select_n3A_4427 = arith.select %ne3A_4424, %get3A_4421, %broadcast_in_dim3A_4426 : vector<16xi1>, vector<16xf32>
    %add3A_4428 = arith.addf %add3A_4415, %select_n3A_4427 : vector<16xf32>
    %get3A_4429 = arith.constant 640 : index
    %get3A_4430 = tpu.vector_load %arg5[%get3A_4429] {strides = array<i32>} : memref<1600xi32, #tpu.memory_space<vmem>>, vector<16xi32>,
    %get3A_4431 = vector.shape_cast %get3A_4430 : vector<16xi32> to vector<16xi32>
    %get3A_4432 = arith.constant 640 : index
    %get3A_4433 = tpu.vector_load %arg7[%get3A_4432] {strides = array<i32>} : memref<1600xf32, #tpu.memory_space<vmem>>, vector<16xf32>,
    %get3A_4434 = vector.shape_cast %get3A_4433 : vector<16xf32> to vector<16xf32>
    %ne3A_4435 = arith.constant 0 : i32
    %ne3A_4436 = vector.broadcast %ne3A_4435 : i32 to vector<16xi32>
    %ne3A_4437 = arith.cmpi ne, %get3A_4431, %ne3A_4436 : vector<16xi32>
    %jit3A_4438 = arith.constant 0.000000e+00 : f32
    %broadcast_in_dim3A_4439 = vector.broadcast %jit3A_4438 : f32 to vector<16xf32>
    %select_n3A_4440 = arith.select %ne3A_4437, %get3A_4434, %broadcast_in_dim3A_4439 : vector<16xi1>, vector<16xf32>
    %add3A_4441 = arith.addf %add3A_4428, %select_n3A_4440 : vector<16xf32>
    %get3A_4442 = arith.constant 656 : index
    %get3A_4443 = tpu.vector_load %arg5[%get3A_4442] {strides = array<i32>} : memref<1600xi32, #tpu.memory_space<vmem>>, vector<16xi32>,
    %get3A_4444 = vector.shape_cast %get3A_4443 : vector<16xi32> to vector<16xi32>
    %get3A_4445 = arith.constant 656 : index
    %get3A_4446 = tpu.vector_load %arg7[%get3A_4445] {strides = array<i32>} : memref<1600xf32, #tpu.memory_space<vmem>>, vector<16xf32>,
    %get3A_4447 = vector.shape_cast %get3A_4446 : vector<16xf32> to vector<16xf32>
    %ne3A_4448 = arith.constant 0 : i32
    %ne3A_4449 = vector.broadcast %ne3A_4448 : i32 to vector<16xi32>
    %ne3A_4450 = arith.cmpi ne, %get3A_4444, %ne3A_4449 : vector<16xi32>
    %jit3A_4451 = arith.constant 0.000000e+00 : f32
    %broadcast_in_dim3A_4452 = vector.broadcast %jit3A_4451 : f32 to vector<16xf32>
    %select_n3A_4453 = arith.select %ne3A_4450, %get3A_4447, %broadcast_in_dim3A_4452 : vector<16xi1>, vector<16xf32>
    %add3A_4454 = arith.addf %add3A_4441, %select_n3A_4453 : vector<16xf32>
    %get3A_4455 = arith.constant 672 : index
    %get3A_4456 = tpu.vector_load %arg5[%get3A_4455] {strides = array<i32>} : memref<1600xi32, #tpu.memory_space<vmem>>, vector<16xi32>,
    %get3A_4457 = vector.shape_cast %get3A_4456 : vector<16xi32> to vector<16xi32>
    %get3A_4458 = arith.constant 672 : index
    %get3A_4459 = tpu.vector_load %arg7[%get3A_4458] {strides = array<i32>} : memref<1600xf32, #tpu.memory_space<vmem>>, vector<16xf32>,
    %get3A_4460 = vector.shape_cast %get3A_4459 : vector<16xf32> to vector<16xf32>
    %ne3A_4461 = arith.constant 0 : i32
    %ne3A_4462 = vector.broadcast %ne3A_4461 : i32 to vector<16xi32>
    %ne3A_4463 = arith.cmpi ne, %get3A_4457, %ne3A_4462 : vector<16xi32>
    %jit3A_4464 = arith.constant 0.000000e+00 : f32
    %broadcast_in_dim3A_4465 = vector.broadcast %jit3A_4464 : f32 to vector<16xf32>
    %select_n3A_4466 = arith.select %ne3A_4463, %get3A_4460, %broadcast_in_dim3A_4465 : vector<16xi1>, vector<16xf32>
    %add3A_4467 = arith.addf %add3A_4454, %select_n3A_4466 : vector<16xf32>
    %get3A_4468 = arith.constant 688 : index
    %get3A_4469 = tpu.vector_load %arg5[%get3A_4468] {strides = array<i32>} : memref<1600xi32, #tpu.memory_space<vmem>>, vector<16xi32>,
    %get3A_4470 = vector.shape_cast %get3A_4469 : vector<16xi32> to vector<16xi32>
    %get3A_4471 = arith.constant 688 : index
    %get3A_4472 = tpu.vector_load %arg7[%get3A_4471] {strides = array<i32>} : memref<1600xf32, #tpu.memory_space<vmem>>, vector<16xf32>,
    %get3A_4473 = vector.shape_cast %get3A_4472 : vector<16xf32> to vector<16xf32>
    %ne3A_4474 = arith.constant 0 : i32
    %ne3A_4475 = vector.broadcast %ne3A_4474 : i32 to vector<16xi32>
    %ne3A_4476 = arith.cmpi ne, %get3A_4470, %ne3A_4475 : vector<16xi32>
    %jit3A_4477 = arith.constant 0.000000e+00 : f32
    %broadcast_in_dim3A_4478 = vector.broadcast %jit3A_4477 : f32 to vector<16xf32>
    %select_n3A_4479 = arith.select %ne3A_4476, %get3A_4473, %broadcast_in_dim3A_4478 : vector<16xi1>, vector<16xf32>
    %add3A_4480 = arith.addf %add3A_4467, %select_n3A_4479 : vector<16xf32>
    %get3A_4481 = arith.constant 704 : index
    %get3A_4482 = tpu.vector_load %arg5[%get3A_4481] {strides = array<i32>} : memref<1600xi32, #tpu.memory_space<vmem>>, vector<16xi32>,
    %get3A_4483 = vector.shape_cast %get3A_4482 : vector<16xi32> to vector<16xi32>
    %get3A_4484 = arith.constant 704 : index
    %get3A_4485 = tpu.vector_load %arg7[%get3A_4484] {strides = array<i32>} : memref<1600xf32, #tpu.memory_space<vmem>>, vector<16xf32>,
    %get3A_4486 = vector.shape_cast %get3A_4485 : vector<16xf32> to vector<16xf32>
    %ne3A_4487 = arith.constant 0 : i32
    %ne3A_4488 = vector.broadcast %ne3A_4487 : i32 to vector<16xi32>
    %ne3A_4489 = arith.cmpi ne, %get3A_4483, %ne3A_4488 : vector<16xi32>
    %jit3A_4490 = arith.constant 0.000000e+00 : f32
    %broadcast_in_dim3A_4491 = vector.broadcast %jit3A_4490 : f32 to vector<16xf32>
    %select_n3A_4492 = arith.select %ne3A_4489, %get3A_4486, %broadcast_in_dim3A_4491 : vector<16xi1>, vector<16xf32>
    %add3A_4493 = arith.addf %add3A_4480, %select_n3A_4492 : vector<16xf32>
    %get3A_4494 = arith.constant 720 : index
    %get3A_4495 = tpu.vector_load %arg5[%get3A_4494] {strides = array<i32>} : memref<1600xi32, #tpu.memory_space<vmem>>, vector<16xi32>,
    %get3A_4496 = vector.shape_cast %get3A_4495 : vector<16xi32> to vector<16xi32>
    %get3A_4497 = arith.constant 720 : index
    %get3A_4498 = tpu.vector_load %arg7[%get3A_4497] {strides = array<i32>} : memref<1600xf32, #tpu.memory_space<vmem>>, vector<16xf32>,
    %get3A_4499 = vector.shape_cast %get3A_4498 : vector<16xf32> to vector<16xf32>
    %ne3A_4500 = arith.constant 0 : i32
    %ne3A_4501 = vector.broadcast %ne3A_4500 : i32 to vector<16xi32>
    %ne3A_4502 = arith.cmpi ne, %get3A_4496, %ne3A_4501 : vector<16xi32>
    %jit3A_4503 = arith.constant 0.000000e+00 : f32
    %broadcast_in_dim3A_4504 = vector.broadcast %jit3A_4503 : f32 to vector<16xf32>
    %select_n3A_4505 = arith.select %ne3A_4502, %get3A_4499, %broadcast_in_dim3A_4504 : vector<16xi1>, vector<16xf32>
    %add3A_4506 = arith.addf %add3A_4493, %select_n3A_4505 : vector<16xf32>
    %get3A_4507 = arith.constant 736 : index
    %get3A_4508 = tpu.vector_load %arg5[%get3A_4507] {strides = array<i32>} : memref<1600xi32, #tpu.memory_space<vmem>>, vector<16xi32>,
    %get3A_4509 = vector.shape_cast %get3A_4508 : vector<16xi32> to vector<16xi32>
    %get3A_4510 = arith.constant 736 : index
    %get3A_4511 = tpu.vector_load %arg7[%get3A_4510] {strides = array<i32>} : memref<1600xf32, #tpu.memory_space<vmem>>, vector<16xf32>,
    %get3A_4512 = vector.shape_cast %get3A_4511 : vector<16xf32> to vector<16xf32>
    %ne3A_4513 = arith.constant 0 : i32
    %ne3A_4514 = vector.broadcast %ne3A_4513 : i32 to vector<16xi32>
    %ne3A_4515 = arith.cmpi ne, %get3A_4509, %ne3A_4514 : vector<16xi32>
    %jit3A_4516 = arith.constant 0.000000e+00 : f32
    %broadcast_in_dim3A_4517 = vector.broadcast %jit3A_4516 : f32 to vector<16xf32>
    %select_n3A_4518 = arith.select %ne3A_4515, %get3A_4512, %broadcast_in_dim3A_4517 : vector<16xi1>, vector<16xf32>
    %add3A_4519 = arith.addf %add3A_4506, %select_n3A_4518 : vector<16xf32>
    %get3A_4520 = arith.constant 752 : index
    %get3A_4521 = tpu.vector_load %arg5[%get3A_4520] {strides = array<i32>} : memref<1600xi32, #tpu.memory_space<vmem>>, vector<16xi32>,
    %get3A_4522 = vector.shape_cast %get3A_4521 : vector<16xi32> to vector<16xi32>
    %get3A_4523 = arith.constant 752 : index
    %get3A_4524 = tpu.vector_load %arg7[%get3A_4523] {strides = array<i32>} : memref<1600xf32, #tpu.memory_space<vmem>>, vector<16xf32>,
    %get3A_4525 = vector.shape_cast %get3A_4524 : vector<16xf32> to vector<16xf32>
    %ne3A_4526 = arith.constant 0 : i32
    %ne3A_4527 = vector.broadcast %ne3A_4526 : i32 to vector<16xi32>
    %ne3A_4528 = arith.cmpi ne, %get3A_4522, %ne3A_4527 : vector<16xi32>
    %jit3A_4529 = arith.constant 0.000000e+00 : f32
    %broadcast_in_dim3A_4530 = vector.broadcast %jit3A_4529 : f32 to vector<16xf32>
    %select_n3A_4531 = arith.select %ne3A_4528, %get3A_4525, %broadcast_in_dim3A_4530 : vector<16xi1>, vector<16xf32>
    %add3A_4532 = arith.addf %add3A_4519, %select_n3A_4531 : vector<16xf32>
    %get3A_4533 = arith.constant 768 : index
    %get3A_4534 = tpu.vector_load %arg5[%get3A_4533] {strides = array<i32>} : memref<1600xi32, #tpu.memory_space<vmem>>, vector<16xi32>,
    %get3A_4535 = vector.shape_cast %get3A_4534 : vector<16xi32> to vector<16xi32>
    %get3A_4536 = arith.constant 768 : index
    %get3A_4537 = tpu.vector_load %arg7[%get3A_4536] {strides = array<i32>} : memref<1600xf32, #tpu.memory_space<vmem>>, vector<16xf32>,
    %get3A_4538 = vector.shape_cast %get3A_4537 : vector<16xf32> to vector<16xf32>
    %ne3A_4539 = arith.constant 0 : i32
    %ne3A_4540 = vector.broadcast %ne3A_4539 : i32 to vector<16xi32>
    %ne3A_4541 = arith.cmpi ne, %get3A_4535, %ne3A_4540 : vector<16xi32>
    %jit3A_4542 = arith.constant 0.000000e+00 : f32
    %broadcast_in_dim3A_4543 = vector.broadcast %jit3A_4542 : f32 to vector<16xf32>
    %select_n3A_4544 = arith.select %ne3A_4541, %get3A_4538, %broadcast_in_dim3A_4543 : vector<16xi1>, vector<16xf32>
    %add3A_4545 = arith.addf %add3A_4532, %select_n3A_4544 : vector<16xf32>
    %get3A_4546 = arith.constant 784 : index
    %get3A_4547 = tpu.vector_load %arg5[%get3A_4546] {strides = array<i32>} : memref<1600xi32, #tpu.memory_space<vmem>>, vector<16xi32>,
    %get3A_4548 = vector.shape_cast %get3A_4547 : vector<16xi32> to vector<16xi32>
    %get3A_4549 = arith.constant 784 : index
    %get3A_4550 = tpu.vector_load %arg7[%get3A_4549] {strides = array<i32>} : memref<1600xf32, #tpu.memory_space<vmem>>, vector<16xf32>,
    %get3A_4551 = vector.shape_cast %get3A_4550 : vector<16xf32> to vector<16xf32>
    %ne3A_4552 = arith.constant 0 : i32
    %ne3A_4553 = vector.broadcast %ne3A_4552 : i32 to vector<16xi32>
    %ne3A_4554 = arith.cmpi ne, %get3A_4548, %ne3A_4553 : vector<16xi32>
    %jit3A_4555 = arith.constant 0.000000e+00 : f32
    %broadcast_in_dim3A_4556 = vector.broadcast %jit3A_4555 : f32 to vector<16xf32>
    %select_n3A_4557 = arith.select %ne3A_4554, %get3A_4551, %broadcast_in_dim3A_4556 : vector<16xi1>, vector<16xf32>
    %add3A_4558 = arith.addf %add3A_4545, %select_n3A_4557 : vector<16xf32>
    %get3A_4559 = arith.constant 800 : index
    %get3A_4560 = tpu.vector_load %arg5[%get3A_4559] {strides = array<i32>} : memref<1600xi32, #tpu.memory_space<vmem>>, vector<16xi32>,
    %get3A_4561 = vector.shape_cast %get3A_4560 : vector<16xi32> to vector<16xi32>
    %get3A_4562 = arith.constant 800 : index
    %get3A_4563 = tpu.vector_load %arg7[%get3A_4562] {strides = array<i32>} : memref<1600xf32, #tpu.memory_space<vmem>>, vector<16xf32>,
    %get3A_4564 = vector.shape_cast %get3A_4563 : vector<16xf32> to vector<16xf32>
    %ne3A_4565 = arith.constant 0 : i32
    %ne3A_4566 = vector.broadcast %ne3A_4565 : i32 to vector<16xi32>
    %ne3A_4567 = arith.cmpi ne, %get3A_4561, %ne3A_4566 : vector<16xi32>
    %jit3A_4568 = arith.constant 0.000000e+00 : f32
    %broadcast_in_dim3A_4569 = vector.broadcast %jit3A_4568 : f32 to vector<16xf32>
    %select_n3A_4570 = arith.select %ne3A_4567, %get3A_4564, %broadcast_in_dim3A_4569 : vector<16xi1>, vector<16xf32>
    %add3A_4571 = arith.addf %add3A_4558, %select_n3A_4570 : vector<16xf32>
    %get3A_4572 = arith.constant 816 : index
    %get3A_4573 = tpu.vector_load %arg5[%get3A_4572] {strides = array<i32>} : memref<1600xi32, #tpu.memory_space<vmem>>, vector<16xi32>,
    %get3A_4574 = vector.shape_cast %get3A_4573 : vector<16xi32> to vector<16xi32>
    %get3A_4575 = arith.constant 816 : index
    %get3A_4576 = tpu.vector_load %arg7[%get3A_4575] {strides = array<i32>} : memref<1600xf32, #tpu.memory_space<vmem>>, vector<16xf32>,
    %get3A_4577 = vector.shape_cast %get3A_4576 : vector<16xf32> to vector<16xf32>
    %ne3A_4578 = arith.constant 0 : i32
    %ne3A_4579 = vector.broadcast %ne3A_4578 : i32 to vector<16xi32>
    %ne3A_4580 = arith.cmpi ne, %get3A_4574, %ne3A_4579 : vector<16xi32>
    %jit3A_4581 = arith.constant 0.000000e+00 : f32
    %broadcast_in_dim3A_4582 = vector.broadcast %jit3A_4581 : f32 to vector<16xf32>
    %select_n3A_4583 = arith.select %ne3A_4580, %get3A_4577, %broadcast_in_dim3A_4582 : vector<16xi1>, vector<16xf32>
    %add3A_4584 = arith.addf %add3A_4571, %select_n3A_4583 : vector<16xf32>
    %get3A_4585 = arith.constant 832 : index
    %get3A_4586 = tpu.vector_load %arg5[%get3A_4585] {strides = array<i32>} : memref<1600xi32, #tpu.memory_space<vmem>>, vector<16xi32>,
    %get3A_4587 = vector.shape_cast %get3A_4586 : vector<16xi32> to vector<16xi32>
    %get3A_4588 = arith.constant 832 : index
    %get3A_4589 = tpu.vector_load %arg7[%get3A_4588] {strides = array<i32>} : memref<1600xf32, #tpu.memory_space<vmem>>, vector<16xf32>,
    %get3A_4590 = vector.shape_cast %get3A_4589 : vector<16xf32> to vector<16xf32>
    %ne3A_4591 = arith.constant 0 : i32
    %ne3A_4592 = vector.broadcast %ne3A_4591 : i32 to vector<16xi32>
    %ne3A_4593 = arith.cmpi ne, %get3A_4587, %ne3A_4592 : vector<16xi32>
    %jit3A_4594 = arith.constant 0.000000e+00 : f32
    %broadcast_in_dim3A_4595 = vector.broadcast %jit3A_4594 : f32 to vector<16xf32>
    %select_n3A_4596 = arith.select %ne3A_4593, %get3A_4590, %broadcast_in_dim3A_4595 : vector<16xi1>, vector<16xf32>
    %add3A_4597 = arith.addf %add3A_4584, %select_n3A_4596 : vector<16xf32>
    %get3A_4598 = arith.constant 848 : index
    %get3A_4599 = tpu.vector_load %arg5[%get3A_4598] {strides = array<i32>} : memref<1600xi32, #tpu.memory_space<vmem>>, vector<16xi32>,
    %get3A_4600 = vector.shape_cast %get3A_4599 : vector<16xi32> to vector<16xi32>
    %get3A_4601 = arith.constant 848 : index
    %get3A_4602 = tpu.vector_load %arg7[%get3A_4601] {strides = array<i32>} : memref<1600xf32, #tpu.memory_space<vmem>>, vector<16xf32>,
    %get3A_4603 = vector.shape_cast %get3A_4602 : vector<16xf32> to vector<16xf32>
    %ne3A_4604 = arith.constant 0 : i32
    %ne3A_4605 = vector.broadcast %ne3A_4604 : i32 to vector<16xi32>
    %ne3A_4606 = arith.cmpi ne, %get3A_4600, %ne3A_4605 : vector<16xi32>
    %jit3A_4607 = arith.constant 0.000000e+00 : f32
    %broadcast_in_dim3A_4608 = vector.broadcast %jit3A_4607 : f32 to vector<16xf32>
    %select_n3A_4609 = arith.select %ne3A_4606, %get3A_4603, %broadcast_in_dim3A_4608 : vector<16xi1>, vector<16xf32>
    %add3A_4610 = arith.addf %add3A_4597, %select_n3A_4609 : vector<16xf32>
    %get3A_4611 = arith.constant 864 : index
    %get3A_4612 = tpu.vector_load %arg5[%get3A_4611] {strides = array<i32>} : memref<1600xi32, #tpu.memory_space<vmem>>, vector<16xi32>,
    %get3A_4613 = vector.shape_cast %get3A_4612 : vector<16xi32> to vector<16xi32>
    %get3A_4614 = arith.constant 864 : index
    %get3A_4615 = tpu.vector_load %arg7[%get3A_4614] {strides = array<i32>} : memref<1600xf32, #tpu.memory_space<vmem>>, vector<16xf32>,
    %get3A_4616 = vector.shape_cast %get3A_4615 : vector<16xf32> to vector<16xf32>
    %ne3A_4617 = arith.constant 0 : i32
    %ne3A_4618 = vector.broadcast %ne3A_4617 : i32 to vector<16xi32>
    %ne3A_4619 = arith.cmpi ne, %get3A_4613, %ne3A_4618 : vector<16xi32>
    %jit3A_4620 = arith.constant 0.000000e+00 : f32
    %broadcast_in_dim3A_4621 = vector.broadcast %jit3A_4620 : f32 to vector<16xf32>
    %select_n3A_4622 = arith.select %ne3A_4619, %get3A_4616, %broadcast_in_dim3A_4621 : vector<16xi1>, vector<16xf32>
    %add3A_4623 = arith.addf %add3A_4610, %select_n3A_4622 : vector<16xf32>
    %get3A_4624 = arith.constant 880 : index
    %get3A_4625 = tpu.vector_load %arg5[%get3A_4624] {strides = array<i32>} : memref<1600xi32, #tpu.memory_space<vmem>>, vector<16xi32>,
    %get3A_4626 = vector.shape_cast %get3A_4625 : vector<16xi32> to vector<16xi32>
    %get3A_4627 = arith.constant 880 : index
    %get3A_4628 = tpu.vector_load %arg7[%get3A_4627] {strides = array<i32>} : memref<1600xf32, #tpu.memory_space<vmem>>, vector<16xf32>,
    %get3A_4629 = vector.shape_cast %get3A_4628 : vector<16xf32> to vector<16xf32>
    %ne3A_4630 = arith.constant 0 : i32
    %ne3A_4631 = vector.broadcast %ne3A_4630 : i32 to vector<16xi32>
    %ne3A_4632 = arith.cmpi ne, %get3A_4626, %ne3A_4631 : vector<16xi32>
    %jit3A_4633 = arith.constant 0.000000e+00 : f32
    %broadcast_in_dim3A_4634 = vector.broadcast %jit3A_4633 : f32 to vector<16xf32>
    %select_n3A_4635 = arith.select %ne3A_4632, %get3A_4629, %broadcast_in_dim3A_4634 : vector<16xi1>, vector<16xf32>
    %add3A_4636 = arith.addf %add3A_4623, %select_n3A_4635 : vector<16xf32>
    %get3A_4637 = arith.constant 896 : index
    %get3A_4638 = tpu.vector_load %arg5[%get3A_4637] {strides = array<i32>} : memref<1600xi32, #tpu.memory_space<vmem>>, vector<16xi32>,
    %get3A_4639 = vector.shape_cast %get3A_4638 : vector<16xi32> to vector<16xi32>
    %get3A_4640 = arith.constant 896 : index
    %get3A_4641 = tpu.vector_load %arg7[%get3A_4640] {strides = array<i32>} : memref<1600xf32, #tpu.memory_space<vmem>>, vector<16xf32>,
    %get3A_4642 = vector.shape_cast %get3A_4641 : vector<16xf32> to vector<16xf32>
    %ne3A_4643 = arith.constant 0 : i32
    %ne3A_4644 = vector.broadcast %ne3A_4643 : i32 to vector<16xi32>
    %ne3A_4645 = arith.cmpi ne, %get3A_4639, %ne3A_4644 : vector<16xi32>
    %jit3A_4646 = arith.constant 0.000000e+00 : f32
    %broadcast_in_dim3A_4647 = vector.broadcast %jit3A_4646 : f32 to vector<16xf32>
    %select_n3A_4648 = arith.select %ne3A_4645, %get3A_4642, %broadcast_in_dim3A_4647 : vector<16xi1>, vector<16xf32>
    %add3A_4649 = arith.addf %add3A_4636, %select_n3A_4648 : vector<16xf32>
    %get3A_4650 = arith.constant 912 : index
    %get3A_4651 = tpu.vector_load %arg5[%get3A_4650] {strides = array<i32>} : memref<1600xi32, #tpu.memory_space<vmem>>, vector<16xi32>,
    %get3A_4652 = vector.shape_cast %get3A_4651 : vector<16xi32> to vector<16xi32>
    %get3A_4653 = arith.constant 912 : index
    %get3A_4654 = tpu.vector_load %arg7[%get3A_4653] {strides = array<i32>} : memref<1600xf32, #tpu.memory_space<vmem>>, vector<16xf32>,
    %get3A_4655 = vector.shape_cast %get3A_4654 : vector<16xf32> to vector<16xf32>
    %ne3A_4656 = arith.constant 0 : i32
    %ne3A_4657 = vector.broadcast %ne3A_4656 : i32 to vector<16xi32>
    %ne3A_4658 = arith.cmpi ne, %get3A_4652, %ne3A_4657 : vector<16xi32>
    %jit3A_4659 = arith.constant 0.000000e+00 : f32
    %broadcast_in_dim3A_4660 = vector.broadcast %jit3A_4659 : f32 to vector<16xf32>
    %select_n3A_4661 = arith.select %ne3A_4658, %get3A_4655, %broadcast_in_dim3A_4660 : vector<16xi1>, vector<16xf32>
    %add3A_4662 = arith.addf %add3A_4649, %select_n3A_4661 : vector<16xf32>
    %get3A_4663 = arith.constant 928 : index
    %get3A_4664 = tpu.vector_load %arg5[%get3A_4663] {strides = array<i32>} : memref<1600xi32, #tpu.memory_space<vmem>>, vector<16xi32>,
    %get3A_4665 = vector.shape_cast %get3A_4664 : vector<16xi32> to vector<16xi32>
    %get3A_4666 = arith.constant 928 : index
    %get3A_4667 = tpu.vector_load %arg7[%get3A_4666] {strides = array<i32>} : memref<1600xf32, #tpu.memory_space<vmem>>, vector<16xf32>,
    %get3A_4668 = vector.shape_cast %get3A_4667 : vector<16xf32> to vector<16xf32>
    %ne3A_4669 = arith.constant 0 : i32
    %ne3A_4670 = vector.broadcast %ne3A_4669 : i32 to vector<16xi32>
    %ne3A_4671 = arith.cmpi ne, %get3A_4665, %ne3A_4670 : vector<16xi32>
    %jit3A_4672 = arith.constant 0.000000e+00 : f32
    %broadcast_in_dim3A_4673 = vector.broadcast %jit3A_4672 : f32 to vector<16xf32>
    %select_n3A_4674 = arith.select %ne3A_4671, %get3A_4668, %broadcast_in_dim3A_4673 : vector<16xi1>, vector<16xf32>
    %add3A_4675 = arith.addf %add3A_4662, %select_n3A_4674 : vector<16xf32>
    %get3A_4676 = arith.constant 944 : index
    %get3A_4677 = tpu.vector_load %arg5[%get3A_4676] {strides = array<i32>} : memref<1600xi32, #tpu.memory_space<vmem>>, vector<16xi32>,
    %get3A_4678 = vector.shape_cast %get3A_4677 : vector<16xi32> to vector<16xi32>
    %get3A_4679 = arith.constant 944 : index
    %get3A_4680 = tpu.vector_load %arg7[%get3A_4679] {strides = array<i32>} : memref<1600xf32, #tpu.memory_space<vmem>>, vector<16xf32>,
    %get3A_4681 = vector.shape_cast %get3A_4680 : vector<16xf32> to vector<16xf32>
    %ne3A_4682 = arith.constant 0 : i32
    %ne3A_4683 = vector.broadcast %ne3A_4682 : i32 to vector<16xi32>
    %ne3A_4684 = arith.cmpi ne, %get3A_4678, %ne3A_4683 : vector<16xi32>
    %jit3A_4685 = arith.constant 0.000000e+00 : f32
    %broadcast_in_dim3A_4686 = vector.broadcast %jit3A_4685 : f32 to vector<16xf32>
    %select_n3A_4687 = arith.select %ne3A_4684, %get3A_4681, %broadcast_in_dim3A_4686 : vector<16xi1>, vector<16xf32>
    %add3A_4688 = arith.addf %add3A_4675, %select_n3A_4687 : vector<16xf32>
    %get3A_4689 = arith.constant 960 : index
    %get3A_4690 = tpu.vector_load %arg5[%get3A_4689] {strides = array<i32>} : memref<1600xi32, #tpu.memory_space<vmem>>, vector<16xi32>,
    %get3A_4691 = vector.shape_cast %get3A_4690 : vector<16xi32> to vector<16xi32>
    %get3A_4692 = arith.constant 960 : index
    %get3A_4693 = tpu.vector_load %arg7[%get3A_4692] {strides = array<i32>} : memref<1600xf32, #tpu.memory_space<vmem>>, vector<16xf32>,
    %get3A_4694 = vector.shape_cast %get3A_4693 : vector<16xf32> to vector<16xf32>
    %ne3A_4695 = arith.constant 0 : i32
    %ne3A_4696 = vector.broadcast %ne3A_4695 : i32 to vector<16xi32>
    %ne3A_4697 = arith.cmpi ne, %get3A_4691, %ne3A_4696 : vector<16xi32>
    %jit3A_4698 = arith.constant 0.000000e+00 : f32
    %broadcast_in_dim3A_4699 = vector.broadcast %jit3A_4698 : f32 to vector<16xf32>
    %select_n3A_4700 = arith.select %ne3A_4697, %get3A_4694, %broadcast_in_dim3A_4699 : vector<16xi1>, vector<16xf32>
    %add3A_4701 = arith.addf %add3A_4688, %select_n3A_4700 : vector<16xf32>
    %get3A_4702 = arith.constant 976 : index
    %get3A_4703 = tpu.vector_load %arg5[%get3A_4702] {strides = array<i32>} : memref<1600xi32, #tpu.memory_space<vmem>>, vector<16xi32>,
    %get3A_4704 = vector.shape_cast %get3A_4703 : vector<16xi32> to vector<16xi32>
    %get3A_4705 = arith.constant 976 : index
    %get3A_4706 = tpu.vector_load %arg7[%get3A_4705] {strides = array<i32>} : memref<1600xf32, #tpu.memory_space<vmem>>, vector<16xf32>,
    %get3A_4707 = vector.shape_cast %get3A_4706 : vector<16xf32> to vector<16xf32>
    %ne3A_4708 = arith.constant 0 : i32
    %ne3A_4709 = vector.broadcast %ne3A_4708 : i32 to vector<16xi32>
    %ne3A_4710 = arith.cmpi ne, %get3A_4704, %ne3A_4709 : vector<16xi32>
    %jit3A_4711 = arith.constant 0.000000e+00 : f32
    %broadcast_in_dim3A_4712 = vector.broadcast %jit3A_4711 : f32 to vector<16xf32>
    %select_n3A_4713 = arith.select %ne3A_4710, %get3A_4707, %broadcast_in_dim3A_4712 : vector<16xi1>, vector<16xf32>
    %add3A_4714 = arith.addf %add3A_4701, %select_n3A_4713 : vector<16xf32>
    %get3A_4715 = arith.constant 992 : index
    %get3A_4716 = tpu.vector_load %arg5[%get3A_4715] {strides = array<i32>} : memref<1600xi32, #tpu.memory_space<vmem>>, vector<16xi32>,
    %get3A_4717 = vector.shape_cast %get3A_4716 : vector<16xi32> to vector<16xi32>
    %get3A_4718 = arith.constant 992 : index
    %get3A_4719 = tpu.vector_load %arg7[%get3A_4718] {strides = array<i32>} : memref<1600xf32, #tpu.memory_space<vmem>>, vector<16xf32>,
    %get3A_4720 = vector.shape_cast %get3A_4719 : vector<16xf32> to vector<16xf32>
    %ne3A_4721 = arith.constant 0 : i32
    %ne3A_4722 = vector.broadcast %ne3A_4721 : i32 to vector<16xi32>
    %ne3A_4723 = arith.cmpi ne, %get3A_4717, %ne3A_4722 : vector<16xi32>
    %jit3A_4724 = arith.constant 0.000000e+00 : f32
    %broadcast_in_dim3A_4725 = vector.broadcast %jit3A_4724 : f32 to vector<16xf32>
    %select_n3A_4726 = arith.select %ne3A_4723, %get3A_4720, %broadcast_in_dim3A_4725 : vector<16xi1>, vector<16xf32>
    %add3A_4727 = arith.addf %add3A_4714, %select_n3A_4726 : vector<16xf32>
    %get3A_4728 = arith.constant 1008 : index
    %get3A_4729 = tpu.vector_load %arg5[%get3A_4728] {strides = array<i32>} : memref<1600xi32, #tpu.memory_space<vmem>>, vector<16xi32>,
    %get3A_4730 = vector.shape_cast %get3A_4729 : vector<16xi32> to vector<16xi32>
    %get3A_4731 = arith.constant 1008 : index
    %get3A_4732 = tpu.vector_load %arg7[%get3A_4731] {strides = array<i32>} : memref<1600xf32, #tpu.memory_space<vmem>>, vector<16xf32>,
    %get3A_4733 = vector.shape_cast %get3A_4732 : vector<16xf32> to vector<16xf32>
    %ne3A_4734 = arith.constant 0 : i32
    %ne3A_4735 = vector.broadcast %ne3A_4734 : i32 to vector<16xi32>
    %ne3A_4736 = arith.cmpi ne, %get3A_4730, %ne3A_4735 : vector<16xi32>
    %jit3A_4737 = arith.constant 0.000000e+00 : f32
    %broadcast_in_dim3A_4738 = vector.broadcast %jit3A_4737 : f32 to vector<16xf32>
    %select_n3A_4739 = arith.select %ne3A_4736, %get3A_4733, %broadcast_in_dim3A_4738 : vector<16xi1>, vector<16xf32>
    %add3A_4740 = arith.addf %add3A_4727, %select_n3A_4739 : vector<16xf32>
    %get3A_4741 = arith.constant 1024 : index
    %get3A_4742 = tpu.vector_load %arg5[%get3A_4741] {strides = array<i32>} : memref<1600xi32, #tpu.memory_space<vmem>>, vector<16xi32>,
    %get3A_4743 = vector.shape_cast %get3A_4742 : vector<16xi32> to vector<16xi32>
    %get3A_4744 = arith.constant 1024 : index
    %get3A_4745 = tpu.vector_load %arg7[%get3A_4744] {strides = array<i32>} : memref<1600xf32, #tpu.memory_space<vmem>>, vector<16xf32>,
    %get3A_4746 = vector.shape_cast %get3A_4745 : vector<16xf32> to vector<16xf32>
    %ne3A_4747 = arith.constant 0 : i32
    %ne3A_4748 = vector.broadcast %ne3A_4747 : i32 to vector<16xi32>
    %ne3A_4749 = arith.cmpi ne, %get3A_4743, %ne3A_4748 : vector<16xi32>
    %jit3A_4750 = arith.constant 0.000000e+00 : f32
    %broadcast_in_dim3A_4751 = vector.broadcast %jit3A_4750 : f32 to vector<16xf32>
    %select_n3A_4752 = arith.select %ne3A_4749, %get3A_4746, %broadcast_in_dim3A_4751 : vector<16xi1>, vector<16xf32>
    %add3A_4753 = arith.addf %add3A_4740, %select_n3A_4752 : vector<16xf32>
    %get3A_4754 = arith.constant 1040 : index
    %get3A_4755 = tpu.vector_load %arg5[%get3A_4754] {strides = array<i32>} : memref<1600xi32, #tpu.memory_space<vmem>>, vector<16xi32>,
    %get3A_4756 = vector.shape_cast %get3A_4755 : vector<16xi32> to vector<16xi32>
    %get3A_4757 = arith.constant 1040 : index
    %get3A_4758 = tpu.vector_load %arg7[%get3A_4757] {strides = array<i32>} : memref<1600xf32, #tpu.memory_space<vmem>>, vector<16xf32>,
    %get3A_4759 = vector.shape_cast %get3A_4758 : vector<16xf32> to vector<16xf32>
    %ne3A_4760 = arith.constant 0 : i32
    %ne3A_4761 = vector.broadcast %ne3A_4760 : i32 to vector<16xi32>
    %ne3A_4762 = arith.cmpi ne, %get3A_4756, %ne3A_4761 : vector<16xi32>
    %jit3A_4763 = arith.constant 0.000000e+00 : f32
    %broadcast_in_dim3A_4764 = vector.broadcast %jit3A_4763 : f32 to vector<16xf32>
    %select_n3A_4765 = arith.select %ne3A_4762, %get3A_4759, %broadcast_in_dim3A_4764 : vector<16xi1>, vector<16xf32>
    %add3A_4766 = arith.addf %add3A_4753, %select_n3A_4765 : vector<16xf32>
    %get3A_4767 = arith.constant 1056 : index
    %get3A_4768 = tpu.vector_load %arg5[%get3A_4767] {strides = array<i32>} : memref<1600xi32, #tpu.memory_space<vmem>>, vector<16xi32>,
    %get3A_4769 = vector.shape_cast %get3A_4768 : vector<16xi32> to vector<16xi32>
    %get3A_4770 = arith.constant 1056 : index
    %get3A_4771 = tpu.vector_load %arg7[%get3A_4770] {strides = array<i32>} : memref<1600xf32, #tpu.memory_space<vmem>>, vector<16xf32>,
    %get3A_4772 = vector.shape_cast %get3A_4771 : vector<16xf32> to vector<16xf32>
    %ne3A_4773 = arith.constant 0 : i32
    %ne3A_4774 = vector.broadcast %ne3A_4773 : i32 to vector<16xi32>
    %ne3A_4775 = arith.cmpi ne, %get3A_4769, %ne3A_4774 : vector<16xi32>
    %jit3A_4776 = arith.constant 0.000000e+00 : f32
    %broadcast_in_dim3A_4777 = vector.broadcast %jit3A_4776 : f32 to vector<16xf32>
    %select_n3A_4778 = arith.select %ne3A_4775, %get3A_4772, %broadcast_in_dim3A_4777 : vector<16xi1>, vector<16xf32>
    %add3A_4779 = arith.addf %add3A_4766, %select_n3A_4778 : vector<16xf32>
    %get3A_4780 = arith.constant 1072 : index
    %get3A_4781 = tpu.vector_load %arg5[%get3A_4780] {strides = array<i32>} : memref<1600xi32, #tpu.memory_space<vmem>>, vector<16xi32>,
    %get3A_4782 = vector.shape_cast %get3A_4781 : vector<16xi32> to vector<16xi32>
    %get3A_4783 = arith.constant 1072 : index
    %get3A_4784 = tpu.vector_load %arg7[%get3A_4783] {strides = array<i32>} : memref<1600xf32, #tpu.memory_space<vmem>>, vector<16xf32>,
    %get3A_4785 = vector.shape_cast %get3A_4784 : vector<16xf32> to vector<16xf32>
    %ne3A_4786 = arith.constant 0 : i32
    %ne3A_4787 = vector.broadcast %ne3A_4786 : i32 to vector<16xi32>
    %ne3A_4788 = arith.cmpi ne, %get3A_4782, %ne3A_4787 : vector<16xi32>
    %jit3A_4789 = arith.constant 0.000000e+00 : f32
    %broadcast_in_dim3A_4790 = vector.broadcast %jit3A_4789 : f32 to vector<16xf32>
    %select_n3A_4791 = arith.select %ne3A_4788, %get3A_4785, %broadcast_in_dim3A_4790 : vector<16xi1>, vector<16xf32>
    %add3A_4792 = arith.addf %add3A_4779, %select_n3A_4791 : vector<16xf32>
    %get3A_4793 = arith.constant 1088 : index
    %get3A_4794 = tpu.vector_load %arg5[%get3A_4793] {strides = array<i32>} : memref<1600xi32, #tpu.memory_space<vmem>>, vector<16xi32>,
    %get3A_4795 = vector.shape_cast %get3A_4794 : vector<16xi32> to vector<16xi32>
    %get3A_4796 = arith.constant 1088 : index
    %get3A_4797 = tpu.vector_load %arg7[%get3A_4796] {strides = array<i32>} : memref<1600xf32, #tpu.memory_space<vmem>>, vector<16xf32>,
    %get3A_4798 = vector.shape_cast %get3A_4797 : vector<16xf32> to vector<16xf32>
    %ne3A_4799 = arith.constant 0 : i32
    %ne3A_4800 = vector.broadcast %ne3A_4799 : i32 to vector<16xi32>
    %ne3A_4801 = arith.cmpi ne, %get3A_4795, %ne3A_4800 : vector<16xi32>
    %jit3A_4802 = arith.constant 0.000000e+00 : f32
    %broadcast_in_dim3A_4803 = vector.broadcast %jit3A_4802 : f32 to vector<16xf32>
    %select_n3A_4804 = arith.select %ne3A_4801, %get3A_4798, %broadcast_in_dim3A_4803 : vector<16xi1>, vector<16xf32>
    %add3A_4805 = arith.addf %add3A_4792, %select_n3A_4804 : vector<16xf32>
    %get3A_4806 = arith.constant 1104 : index
    %get3A_4807 = tpu.vector_load %arg5[%get3A_4806] {strides = array<i32>} : memref<1600xi32, #tpu.memory_space<vmem>>, vector<16xi32>,
    %get3A_4808 = vector.shape_cast %get3A_4807 : vector<16xi32> to vector<16xi32>
    %get3A_4809 = arith.constant 1104 : index
    %get3A_4810 = tpu.vector_load %arg7[%get3A_4809] {strides = array<i32>} : memref<1600xf32, #tpu.memory_space<vmem>>, vector<16xf32>,
    %get3A_4811 = vector.shape_cast %get3A_4810 : vector<16xf32> to vector<16xf32>
    %ne3A_4812 = arith.constant 0 : i32
    %ne3A_4813 = vector.broadcast %ne3A_4812 : i32 to vector<16xi32>
    %ne3A_4814 = arith.cmpi ne, %get3A_4808, %ne3A_4813 : vector<16xi32>
    %jit3A_4815 = arith.constant 0.000000e+00 : f32
    %broadcast_in_dim3A_4816 = vector.broadcast %jit3A_4815 : f32 to vector<16xf32>
    %select_n3A_4817 = arith.select %ne3A_4814, %get3A_4811, %broadcast_in_dim3A_4816 : vector<16xi1>, vector<16xf32>
    %add3A_4818 = arith.addf %add3A_4805, %select_n3A_4817 : vector<16xf32>
    %get3A_4819 = arith.constant 1120 : index
    %get3A_4820 = tpu.vector_load %arg5[%get3A_4819] {strides = array<i32>} : memref<1600xi32, #tpu.memory_space<vmem>>, vector<16xi32>,
    %get3A_4821 = vector.shape_cast %get3A_4820 : vector<16xi32> to vector<16xi32>
    %get3A_4822 = arith.constant 1120 : index
    %get3A_4823 = tpu.vector_load %arg7[%get3A_4822] {strides = array<i32>} : memref<1600xf32, #tpu.memory_space<vmem>>, vector<16xf32>,
    %get3A_4824 = vector.shape_cast %get3A_4823 : vector<16xf32> to vector<16xf32>
    %ne3A_4825 = arith.constant 0 : i32
    %ne3A_4826 = vector.broadcast %ne3A_4825 : i32 to vector<16xi32>
    %ne3A_4827 = arith.cmpi ne, %get3A_4821, %ne3A_4826 : vector<16xi32>
    %jit3A_4828 = arith.constant 0.000000e+00 : f32
    %broadcast_in_dim3A_4829 = vector.broadcast %jit3A_4828 : f32 to vector<16xf32>
    %select_n3A_4830 = arith.select %ne3A_4827, %get3A_4824, %broadcast_in_dim3A_4829 : vector<16xi1>, vector<16xf32>
    %add3A_4831 = arith.addf %add3A_4818, %select_n3A_4830 : vector<16xf32>
    %get3A_4832 = arith.constant 1136 : index
    %get3A_4833 = tpu.vector_load %arg5[%get3A_4832] {strides = array<i32>} : memref<1600xi32, #tpu.memory_space<vmem>>, vector<16xi32>,
    %get3A_4834 = vector.shape_cast %get3A_4833 : vector<16xi32> to vector<16xi32>
    %get3A_4835 = arith.constant 1136 : index
    %get3A_4836 = tpu.vector_load %arg7[%get3A_4835] {strides = array<i32>} : memref<1600xf32, #tpu.memory_space<vmem>>, vector<16xf32>,
    %get3A_4837 = vector.shape_cast %get3A_4836 : vector<16xf32> to vector<16xf32>
    %ne3A_4838 = arith.constant 0 : i32
    %ne3A_4839 = vector.broadcast %ne3A_4838 : i32 to vector<16xi32>
    %ne3A_4840 = arith.cmpi ne, %get3A_4834, %ne3A_4839 : vector<16xi32>
    %jit3A_4841 = arith.constant 0.000000e+00 : f32
    %broadcast_in_dim3A_4842 = vector.broadcast %jit3A_4841 : f32 to vector<16xf32>
    %select_n3A_4843 = arith.select %ne3A_4840, %get3A_4837, %broadcast_in_dim3A_4842 : vector<16xi1>, vector<16xf32>
    %add3A_4844 = arith.addf %add3A_4831, %select_n3A_4843 : vector<16xf32>
    %get3A_4845 = arith.constant 1152 : index
    %get3A_4846 = tpu.vector_load %arg5[%get3A_4845] {strides = array<i32>} : memref<1600xi32, #tpu.memory_space<vmem>>, vector<16xi32>,
    %get3A_4847 = vector.shape_cast %get3A_4846 : vector<16xi32> to vector<16xi32>
    %get3A_4848 = arith.constant 1152 : index
    %get3A_4849 = tpu.vector_load %arg7[%get3A_4848] {strides = array<i32>} : memref<1600xf32, #tpu.memory_space<vmem>>, vector<16xf32>,
    %get3A_4850 = vector.shape_cast %get3A_4849 : vector<16xf32> to vector<16xf32>
    %ne3A_4851 = arith.constant 0 : i32
    %ne3A_4852 = vector.broadcast %ne3A_4851 : i32 to vector<16xi32>
    %ne3A_4853 = arith.cmpi ne, %get3A_4847, %ne3A_4852 : vector<16xi32>
    %jit3A_4854 = arith.constant 0.000000e+00 : f32
    %broadcast_in_dim3A_4855 = vector.broadcast %jit3A_4854 : f32 to vector<16xf32>
    %select_n3A_4856 = arith.select %ne3A_4853, %get3A_4850, %broadcast_in_dim3A_4855 : vector<16xi1>, vector<16xf32>
    %add3A_4857 = arith.addf %add3A_4844, %select_n3A_4856 : vector<16xf32>
    %get3A_4858 = arith.constant 1168 : index
    %get3A_4859 = tpu.vector_load %arg5[%get3A_4858] {strides = array<i32>} : memref<1600xi32, #tpu.memory_space<vmem>>, vector<16xi32>,
    %get3A_4860 = vector.shape_cast %get3A_4859 : vector<16xi32> to vector<16xi32>
    %get3A_4861 = arith.constant 1168 : index
    %get3A_4862 = tpu.vector_load %arg7[%get3A_4861] {strides = array<i32>} : memref<1600xf32, #tpu.memory_space<vmem>>, vector<16xf32>,
    %get3A_4863 = vector.shape_cast %get3A_4862 : vector<16xf32> to vector<16xf32>
    %ne3A_4864 = arith.constant 0 : i32
    %ne3A_4865 = vector.broadcast %ne3A_4864 : i32 to vector<16xi32>
    %ne3A_4866 = arith.cmpi ne, %get3A_4860, %ne3A_4865 : vector<16xi32>
    %jit3A_4867 = arith.constant 0.000000e+00 : f32
    %broadcast_in_dim3A_4868 = vector.broadcast %jit3A_4867 : f32 to vector<16xf32>
    %select_n3A_4869 = arith.select %ne3A_4866, %get3A_4863, %broadcast_in_dim3A_4868 : vector<16xi1>, vector<16xf32>
    %add3A_4870 = arith.addf %add3A_4857, %select_n3A_4869 : vector<16xf32>
    %get3A_4871 = arith.constant 1184 : index
    %get3A_4872 = tpu.vector_load %arg5[%get3A_4871] {strides = array<i32>} : memref<1600xi32, #tpu.memory_space<vmem>>, vector<16xi32>,
    %get3A_4873 = vector.shape_cast %get3A_4872 : vector<16xi32> to vector<16xi32>
    %get3A_4874 = arith.constant 1184 : index
    %get3A_4875 = tpu.vector_load %arg7[%get3A_4874] {strides = array<i32>} : memref<1600xf32, #tpu.memory_space<vmem>>, vector<16xf32>,
    %get3A_4876 = vector.shape_cast %get3A_4875 : vector<16xf32> to vector<16xf32>
    %ne3A_4877 = arith.constant 0 : i32
    %ne3A_4878 = vector.broadcast %ne3A_4877 : i32 to vector<16xi32>
    %ne3A_4879 = arith.cmpi ne, %get3A_4873, %ne3A_4878 : vector<16xi32>
    %jit3A_4880 = arith.constant 0.000000e+00 : f32
    %broadcast_in_dim3A_4881 = vector.broadcast %jit3A_4880 : f32 to vector<16xf32>
    %select_n3A_4882 = arith.select %ne3A_4879, %get3A_4876, %broadcast_in_dim3A_4881 : vector<16xi1>, vector<16xf32>
    %add3A_4883 = arith.addf %add3A_4870, %select_n3A_4882 : vector<16xf32>
    %get3A_4884 = arith.constant 1200 : index
    %get3A_4885 = tpu.vector_load %arg5[%get3A_4884] {strides = array<i32>} : memref<1600xi32, #tpu.memory_space<vmem>>, vector<16xi32>,
    %get3A_4886 = vector.shape_cast %get3A_4885 : vector<16xi32> to vector<16xi32>
    %get3A_4887 = arith.constant 1200 : index
    %get3A_4888 = tpu.vector_load %arg7[%get3A_4887] {strides = array<i32>} : memref<1600xf32, #tpu.memory_space<vmem>>, vector<16xf32>,
    %get3A_4889 = vector.shape_cast %get3A_4888 : vector<16xf32> to vector<16xf32>
    %ne3A_4890 = arith.constant 0 : i32
    %ne3A_4891 = vector.broadcast %ne3A_4890 : i32 to vector<16xi32>
    %ne3A_4892 = arith.cmpi ne, %get3A_4886, %ne3A_4891 : vector<16xi32>
    %jit3A_4893 = arith.constant 0.000000e+00 : f32
    %broadcast_in_dim3A_4894 = vector.broadcast %jit3A_4893 : f32 to vector<16xf32>
    %select_n3A_4895 = arith.select %ne3A_4892, %get3A_4889, %broadcast_in_dim3A_4894 : vector<16xi1>, vector<16xf32>
    %add3A_4896 = arith.addf %add3A_4883, %select_n3A_4895 : vector<16xf32>
    %get3A_4897 = arith.constant 1216 : index
    %get3A_4898 = tpu.vector_load %arg5[%get3A_4897] {strides = array<i32>} : memref<1600xi32, #tpu.memory_space<vmem>>, vector<16xi32>,
    %get3A_4899 = vector.shape_cast %get3A_4898 : vector<16xi32> to vector<16xi32>
    %get3A_4900 = arith.constant 1216 : index
    %get3A_4901 = tpu.vector_load %arg7[%get3A_4900] {strides = array<i32>} : memref<1600xf32, #tpu.memory_space<vmem>>, vector<16xf32>,
    %get3A_4902 = vector.shape_cast %get3A_4901 : vector<16xf32> to vector<16xf32>
    %ne3A_4903 = arith.constant 0 : i32
    %ne3A_4904 = vector.broadcast %ne3A_4903 : i32 to vector<16xi32>
    %ne3A_4905 = arith.cmpi ne, %get3A_4899, %ne3A_4904 : vector<16xi32>
    %jit3A_4906 = arith.constant 0.000000e+00 : f32
    %broadcast_in_dim3A_4907 = vector.broadcast %jit3A_4906 : f32 to vector<16xf32>
    %select_n3A_4908 = arith.select %ne3A_4905, %get3A_4902, %broadcast_in_dim3A_4907 : vector<16xi1>, vector<16xf32>
    %add3A_4909 = arith.addf %add3A_4896, %select_n3A_4908 : vector<16xf32>
    %get3A_4910 = arith.constant 1232 : index
    %get3A_4911 = tpu.vector_load %arg5[%get3A_4910] {strides = array<i32>} : memref<1600xi32, #tpu.memory_space<vmem>>, vector<16xi32>,
    %get3A_4912 = vector.shape_cast %get3A_4911 : vector<16xi32> to vector<16xi32>
    %get3A_4913 = arith.constant 1232 : index
    %get3A_4914 = tpu.vector_load %arg7[%get3A_4913] {strides = array<i32>} : memref<1600xf32, #tpu.memory_space<vmem>>, vector<16xf32>,
    %get3A_4915 = vector.shape_cast %get3A_4914 : vector<16xf32> to vector<16xf32>
    %ne3A_4916 = arith.constant 0 : i32
    %ne3A_4917 = vector.broadcast %ne3A_4916 : i32 to vector<16xi32>
    %ne3A_4918 = arith.cmpi ne, %get3A_4912, %ne3A_4917 : vector<16xi32>
    %jit3A_4919 = arith.constant 0.000000e+00 : f32
    %broadcast_in_dim3A_4920 = vector.broadcast %jit3A_4919 : f32 to vector<16xf32>
    %select_n3A_4921 = arith.select %ne3A_4918, %get3A_4915, %broadcast_in_dim3A_4920 : vector<16xi1>, vector<16xf32>
    %add3A_4922 = arith.addf %add3A_4909, %select_n3A_4921 : vector<16xf32>
    %get3A_4923 = arith.constant 1248 : index
    %get3A_4924 = tpu.vector_load %arg5[%get3A_4923] {strides = array<i32>} : memref<1600xi32, #tpu.memory_space<vmem>>, vector<16xi32>,
    %get3A_4925 = vector.shape_cast %get3A_4924 : vector<16xi32> to vector<16xi32>
    %get3A_4926 = arith.constant 1248 : index
    %get3A_4927 = tpu.vector_load %arg7[%get3A_4926] {strides = array<i32>} : memref<1600xf32, #tpu.memory_space<vmem>>, vector<16xf32>,
    %get3A_4928 = vector.shape_cast %get3A_4927 : vector<16xf32> to vector<16xf32>
    %ne3A_4929 = arith.constant 0 : i32
    %ne3A_4930 = vector.broadcast %ne3A_4929 : i32 to vector<16xi32>
    %ne3A_4931 = arith.cmpi ne, %get3A_4925, %ne3A_4930 : vector<16xi32>
    %jit3A_4932 = arith.constant 0.000000e+00 : f32
    %broadcast_in_dim3A_4933 = vector.broadcast %jit3A_4932 : f32 to vector<16xf32>
    %select_n3A_4934 = arith.select %ne3A_4931, %get3A_4928, %broadcast_in_dim3A_4933 : vector<16xi1>, vector<16xf32>
    %add3A_4935 = arith.addf %add3A_4922, %select_n3A_4934 : vector<16xf32>
    %get3A_4936 = arith.constant 1264 : index
    %get3A_4937 = tpu.vector_load %arg5[%get3A_4936] {strides = array<i32>} : memref<1600xi32, #tpu.memory_space<vmem>>, vector<16xi32>,
    %get3A_4938 = vector.shape_cast %get3A_4937 : vector<16xi32> to vector<16xi32>
    %get3A_4939 = arith.constant 1264 : index
    %get3A_4940 = tpu.vector_load %arg7[%get3A_4939] {strides = array<i32>} : memref<1600xf32, #tpu.memory_space<vmem>>, vector<16xf32>,
    %get3A_4941 = vector.shape_cast %get3A_4940 : vector<16xf32> to vector<16xf32>
    %ne3A_4942 = arith.constant 0 : i32
    %ne3A_4943 = vector.broadcast %ne3A_4942 : i32 to vector<16xi32>
    %ne3A_4944 = arith.cmpi ne, %get3A_4938, %ne3A_4943 : vector<16xi32>
    %jit3A_4945 = arith.constant 0.000000e+00 : f32
    %broadcast_in_dim3A_4946 = vector.broadcast %jit3A_4945 : f32 to vector<16xf32>
    %select_n3A_4947 = arith.select %ne3A_4944, %get3A_4941, %broadcast_in_dim3A_4946 : vector<16xi1>, vector<16xf32>
    %add3A_4948 = arith.addf %add3A_4935, %select_n3A_4947 : vector<16xf32>
    %get3A_4949 = arith.constant 1280 : index
    %get3A_4950 = tpu.vector_load %arg5[%get3A_4949] {strides = array<i32>} : memref<1600xi32, #tpu.memory_space<vmem>>, vector<16xi32>,
    %get3A_4951 = vector.shape_cast %get3A_4950 : vector<16xi32> to vector<16xi32>
    %get3A_4952 = arith.constant 1280 : index
    %get3A_4953 = tpu.vector_load %arg7[%get3A_4952] {strides = array<i32>} : memref<1600xf32, #tpu.memory_space<vmem>>, vector<16xf32>,
    %get3A_4954 = vector.shape_cast %get3A_4953 : vector<16xf32> to vector<16xf32>
    %ne3A_4955 = arith.constant 0 : i32
    %ne3A_4956 = vector.broadcast %ne3A_4955 : i32 to vector<16xi32>
    %ne3A_4957 = arith.cmpi ne, %get3A_4951, %ne3A_4956 : vector<16xi32>
    %jit3A_4958 = arith.constant 0.000000e+00 : f32
    %broadcast_in_dim3A_4959 = vector.broadcast %jit3A_4958 : f32 to vector<16xf32>
    %select_n3A_4960 = arith.select %ne3A_4957, %get3A_4954, %broadcast_in_dim3A_4959 : vector<16xi1>, vector<16xf32>
    %add3A_4961 = arith.addf %add3A_4948, %select_n3A_4960 : vector<16xf32>
    %get3A_4962 = arith.constant 1296 : index
    %get3A_4963 = tpu.vector_load %arg5[%get3A_4962] {strides = array<i32>} : memref<1600xi32, #tpu.memory_space<vmem>>, vector<16xi32>,
    %get3A_4964 = vector.shape_cast %get3A_4963 : vector<16xi32> to vector<16xi32>
    %get3A_4965 = arith.constant 1296 : index
    %get3A_4966 = tpu.vector_load %arg7[%get3A_4965] {strides = array<i32>} : memref<1600xf32, #tpu.memory_space<vmem>>, vector<16xf32>,
    %get3A_4967 = vector.shape_cast %get3A_4966 : vector<16xf32> to vector<16xf32>
    %ne3A_4968 = arith.constant 0 : i32
    %ne3A_4969 = vector.broadcast %ne3A_4968 : i32 to vector<16xi32>
    %ne3A_4970 = arith.cmpi ne, %get3A_4964, %ne3A_4969 : vector<16xi32>
    %jit3A_4971 = arith.constant 0.000000e+00 : f32
    %broadcast_in_dim3A_4972 = vector.broadcast %jit3A_4971 : f32 to vector<16xf32>
    %select_n3A_4973 = arith.select %ne3A_4970, %get3A_4967, %broadcast_in_dim3A_4972 : vector<16xi1>, vector<16xf32>
    %add3A_4974 = arith.addf %add3A_4961, %select_n3A_4973 : vector<16xf32>
    %get3A_4975 = arith.constant 1312 : index
    %get3A_4976 = tpu.vector_load %arg5[%get3A_4975] {strides = array<i32>} : memref<1600xi32, #tpu.memory_space<vmem>>, vector<16xi32>,
    %get3A_4977 = vector.shape_cast %get3A_4976 : vector<16xi32> to vector<16xi32>
    %get3A_4978 = arith.constant 1312 : index
    %get3A_4979 = tpu.vector_load %arg7[%get3A_4978] {strides = array<i32>} : memref<1600xf32, #tpu.memory_space<vmem>>, vector<16xf32>,
    %get3A_4980 = vector.shape_cast %get3A_4979 : vector<16xf32> to vector<16xf32>
    %ne3A_4981 = arith.constant 0 : i32
    %ne3A_4982 = vector.broadcast %ne3A_4981 : i32 to vector<16xi32>
    %ne3A_4983 = arith.cmpi ne, %get3A_4977, %ne3A_4982 : vector<16xi32>
    %jit3A_4984 = arith.constant 0.000000e+00 : f32
    %broadcast_in_dim3A_4985 = vector.broadcast %jit3A_4984 : f32 to vector<16xf32>
    %select_n3A_4986 = arith.select %ne3A_4983, %get3A_4980, %broadcast_in_dim3A_4985 : vector<16xi1>, vector<16xf32>
    %add3A_4987 = arith.addf %add3A_4974, %select_n3A_4986 : vector<16xf32>
    %get3A_4988 = arith.constant 1328 : index
    %get3A_4989 = tpu.vector_load %arg5[%get3A_4988] {strides = array<i32>} : memref<1600xi32, #tpu.memory_space<vmem>>, vector<16xi32>,
    %get3A_4990 = vector.shape_cast %get3A_4989 : vector<16xi32> to vector<16xi32>
    %get3A_4991 = arith.constant 1328 : index
    %get3A_4992 = tpu.vector_load %arg7[%get3A_4991] {strides = array<i32>} : memref<1600xf32, #tpu.memory_space<vmem>>, vector<16xf32>,
    %get3A_4993 = vector.shape_cast %get3A_4992 : vector<16xf32> to vector<16xf32>
    %ne3A_4994 = arith.constant 0 : i32
    %ne3A_4995 = vector.broadcast %ne3A_4994 : i32 to vector<16xi32>
    %ne3A_4996 = arith.cmpi ne, %get3A_4990, %ne3A_4995 : vector<16xi32>
    %jit3A_4997 = arith.constant 0.000000e+00 : f32
    %broadcast_in_dim3A_4998 = vector.broadcast %jit3A_4997 : f32 to vector<16xf32>
    %select_n3A_4999 = arith.select %ne3A_4996, %get3A_4993, %broadcast_in_dim3A_4998 : vector<16xi1>, vector<16xf32>
    %add3A_5000 = arith.addf %add3A_4987, %select_n3A_4999 : vector<16xf32>
    %get3A_5001 = arith.constant 1344 : index
    %get3A_5002 = tpu.vector_load %arg5[%get3A_5001] {strides = array<i32>} : memref<1600xi32, #tpu.memory_space<vmem>>, vector<16xi32>,
    %get3A_5003 = vector.shape_cast %get3A_5002 : vector<16xi32> to vector<16xi32>
    %get3A_5004 = arith.constant 1344 : index
    %get3A_5005 = tpu.vector_load %arg7[%get3A_5004] {strides = array<i32>} : memref<1600xf32, #tpu.memory_space<vmem>>, vector<16xf32>,
    %get3A_5006 = vector.shape_cast %get3A_5005 : vector<16xf32> to vector<16xf32>
    %ne3A_5007 = arith.constant 0 : i32
    %ne3A_5008 = vector.broadcast %ne3A_5007 : i32 to vector<16xi32>
    %ne3A_5009 = arith.cmpi ne, %get3A_5003, %ne3A_5008 : vector<16xi32>
    %jit3A_5010 = arith.constant 0.000000e+00 : f32
    %broadcast_in_dim3A_5011 = vector.broadcast %jit3A_5010 : f32 to vector<16xf32>
    %select_n3A_5012 = arith.select %ne3A_5009, %get3A_5006, %broadcast_in_dim3A_5011 : vector<16xi1>, vector<16xf32>
    %add3A_5013 = arith.addf %add3A_5000, %select_n3A_5012 : vector<16xf32>
    %get3A_5014 = arith.constant 1360 : index
    %get3A_5015 = tpu.vector_load %arg5[%get3A_5014] {strides = array<i32>} : memref<1600xi32, #tpu.memory_space<vmem>>, vector<16xi32>,
    %get3A_5016 = vector.shape_cast %get3A_5015 : vector<16xi32> to vector<16xi32>
    %get3A_5017 = arith.constant 1360 : index
    %get3A_5018 = tpu.vector_load %arg7[%get3A_5017] {strides = array<i32>} : memref<1600xf32, #tpu.memory_space<vmem>>, vector<16xf32>,
    %get3A_5019 = vector.shape_cast %get3A_5018 : vector<16xf32> to vector<16xf32>
    %ne3A_5020 = arith.constant 0 : i32
    %ne3A_5021 = vector.broadcast %ne3A_5020 : i32 to vector<16xi32>
    %ne3A_5022 = arith.cmpi ne, %get3A_5016, %ne3A_5021 : vector<16xi32>
    %jit3A_5023 = arith.constant 0.000000e+00 : f32
    %broadcast_in_dim3A_5024 = vector.broadcast %jit3A_5023 : f32 to vector<16xf32>
    %select_n3A_5025 = arith.select %ne3A_5022, %get3A_5019, %broadcast_in_dim3A_5024 : vector<16xi1>, vector<16xf32>
    %add3A_5026 = arith.addf %add3A_5013, %select_n3A_5025 : vector<16xf32>
    %get3A_5027 = arith.constant 1376 : index
    %get3A_5028 = tpu.vector_load %arg5[%get3A_5027] {strides = array<i32>} : memref<1600xi32, #tpu.memory_space<vmem>>, vector<16xi32>,
    %get3A_5029 = vector.shape_cast %get3A_5028 : vector<16xi32> to vector<16xi32>
    %get3A_5030 = arith.constant 1376 : index
    %get3A_5031 = tpu.vector_load %arg7[%get3A_5030] {strides = array<i32>} : memref<1600xf32, #tpu.memory_space<vmem>>, vector<16xf32>,
    %get3A_5032 = vector.shape_cast %get3A_5031 : vector<16xf32> to vector<16xf32>
    %ne3A_5033 = arith.constant 0 : i32
    %ne3A_5034 = vector.broadcast %ne3A_5033 : i32 to vector<16xi32>
    %ne3A_5035 = arith.cmpi ne, %get3A_5029, %ne3A_5034 : vector<16xi32>
    %jit3A_5036 = arith.constant 0.000000e+00 : f32
    %broadcast_in_dim3A_5037 = vector.broadcast %jit3A_5036 : f32 to vector<16xf32>
    %select_n3A_5038 = arith.select %ne3A_5035, %get3A_5032, %broadcast_in_dim3A_5037 : vector<16xi1>, vector<16xf32>
    %add3A_5039 = arith.addf %add3A_5026, %select_n3A_5038 : vector<16xf32>
    %get3A_5040 = arith.constant 1392 : index
    %get3A_5041 = tpu.vector_load %arg5[%get3A_5040] {strides = array<i32>} : memref<1600xi32, #tpu.memory_space<vmem>>, vector<16xi32>,
    %get3A_5042 = vector.shape_cast %get3A_5041 : vector<16xi32> to vector<16xi32>
    %get3A_5043 = arith.constant 1392 : index
    %get3A_5044 = tpu.vector_load %arg7[%get3A_5043] {strides = array<i32>} : memref<1600xf32, #tpu.memory_space<vmem>>, vector<16xf32>,
    %get3A_5045 = vector.shape_cast %get3A_5044 : vector<16xf32> to vector<16xf32>
    %ne3A_5046 = arith.constant 0 : i32
    %ne3A_5047 = vector.broadcast %ne3A_5046 : i32 to vector<16xi32>
    %ne3A_5048 = arith.cmpi ne, %get3A_5042, %ne3A_5047 : vector<16xi32>
    %jit3A_5049 = arith.constant 0.000000e+00 : f32
    %broadcast_in_dim3A_5050 = vector.broadcast %jit3A_5049 : f32 to vector<16xf32>
    %select_n3A_5051 = arith.select %ne3A_5048, %get3A_5045, %broadcast_in_dim3A_5050 : vector<16xi1>, vector<16xf32>
    %add3A_5052 = arith.addf %add3A_5039, %select_n3A_5051 : vector<16xf32>
    %get3A_5053 = arith.constant 1408 : index
    %get3A_5054 = tpu.vector_load %arg5[%get3A_5053] {strides = array<i32>} : memref<1600xi32, #tpu.memory_space<vmem>>, vector<16xi32>,
    %get3A_5055 = vector.shape_cast %get3A_5054 : vector<16xi32> to vector<16xi32>
    %get3A_5056 = arith.constant 1408 : index
    %get3A_5057 = tpu.vector_load %arg7[%get3A_5056] {strides = array<i32>} : memref<1600xf32, #tpu.memory_space<vmem>>, vector<16xf32>,
    %get3A_5058 = vector.shape_cast %get3A_5057 : vector<16xf32> to vector<16xf32>
    %ne3A_5059 = arith.constant 0 : i32
    %ne3A_5060 = vector.broadcast %ne3A_5059 : i32 to vector<16xi32>
    %ne3A_5061 = arith.cmpi ne, %get3A_5055, %ne3A_5060 : vector<16xi32>
    %jit3A_5062 = arith.constant 0.000000e+00 : f32
    %broadcast_in_dim3A_5063 = vector.broadcast %jit3A_5062 : f32 to vector<16xf32>
    %select_n3A_5064 = arith.select %ne3A_5061, %get3A_5058, %broadcast_in_dim3A_5063 : vector<16xi1>, vector<16xf32>
    %add3A_5065 = arith.addf %add3A_5052, %select_n3A_5064 : vector<16xf32>
    %get3A_5066 = arith.constant 1424 : index
    %get3A_5067 = tpu.vector_load %arg5[%get3A_5066] {strides = array<i32>} : memref<1600xi32, #tpu.memory_space<vmem>>, vector<16xi32>,
    %get3A_5068 = vector.shape_cast %get3A_5067 : vector<16xi32> to vector<16xi32>
    %get3A_5069 = arith.constant 1424 : index
    %get3A_5070 = tpu.vector_load %arg7[%get3A_5069] {strides = array<i32>} : memref<1600xf32, #tpu.memory_space<vmem>>, vector<16xf32>,
    %get3A_5071 = vector.shape_cast %get3A_5070 : vector<16xf32> to vector<16xf32>
    %ne3A_5072 = arith.constant 0 : i32
    %ne3A_5073 = vector.broadcast %ne3A_5072 : i32 to vector<16xi32>
    %ne3A_5074 = arith.cmpi ne, %get3A_5068, %ne3A_5073 : vector<16xi32>
    %jit3A_5075 = arith.constant 0.000000e+00 : f32
    %broadcast_in_dim3A_5076 = vector.broadcast %jit3A_5075 : f32 to vector<16xf32>
    %select_n3A_5077 = arith.select %ne3A_5074, %get3A_5071, %broadcast_in_dim3A_5076 : vector<16xi1>, vector<16xf32>
    %add3A_5078 = arith.addf %add3A_5065, %select_n3A_5077 : vector<16xf32>
    %get3A_5079 = arith.constant 1440 : index
    %get3A_5080 = tpu.vector_load %arg5[%get3A_5079] {strides = array<i32>} : memref<1600xi32, #tpu.memory_space<vmem>>, vector<16xi32>,
    %get3A_5081 = vector.shape_cast %get3A_5080 : vector<16xi32> to vector<16xi32>
    %get3A_5082 = arith.constant 1440 : index
    %get3A_5083 = tpu.vector_load %arg7[%get3A_5082] {strides = array<i32>} : memref<1600xf32, #tpu.memory_space<vmem>>, vector<16xf32>,
    %get3A_5084 = vector.shape_cast %get3A_5083 : vector<16xf32> to vector<16xf32>
    %ne3A_5085 = arith.constant 0 : i32
    %ne3A_5086 = vector.broadcast %ne3A_5085 : i32 to vector<16xi32>
    %ne3A_5087 = arith.cmpi ne, %get3A_5081, %ne3A_5086 : vector<16xi32>
    %jit3A_5088 = arith.constant 0.000000e+00 : f32
    %broadcast_in_dim3A_5089 = vector.broadcast %jit3A_5088 : f32 to vector<16xf32>
    %select_n3A_5090 = arith.select %ne3A_5087, %get3A_5084, %broadcast_in_dim3A_5089 : vector<16xi1>, vector<16xf32>
    %add3A_5091 = arith.addf %add3A_5078, %select_n3A_5090 : vector<16xf32>
    %get3A_5092 = arith.constant 1456 : index
    %get3A_5093 = tpu.vector_load %arg5[%get3A_5092] {strides = array<i32>} : memref<1600xi32, #tpu.memory_space<vmem>>, vector<16xi32>,
    %get3A_5094 = vector.shape_cast %get3A_5093 : vector<16xi32> to vector<16xi32>
    %get3A_5095 = arith.constant 1456 : index
    %get3A_5096 = tpu.vector_load %arg7[%get3A_5095] {strides = array<i32>} : memref<1600xf32, #tpu.memory_space<vmem>>, vector<16xf32>,
    %get3A_5097 = vector.shape_cast %get3A_5096 : vector<16xf32> to vector<16xf32>
    %ne3A_5098 = arith.constant 0 : i32
    %ne3A_5099 = vector.broadcast %ne3A_5098 : i32 to vector<16xi32>
    %ne3A_5100 = arith.cmpi ne, %get3A_5094, %ne3A_5099 : vector<16xi32>
    %jit3A_5101 = arith.constant 0.000000e+00 : f32
    %broadcast_in_dim3A_5102 = vector.broadcast %jit3A_5101 : f32 to vector<16xf32>
    %select_n3A_5103 = arith.select %ne3A_5100, %get3A_5097, %broadcast_in_dim3A_5102 : vector<16xi1>, vector<16xf32>
    %add3A_5104 = arith.addf %add3A_5091, %select_n3A_5103 : vector<16xf32>
    %get3A_5105 = arith.constant 1472 : index
    %get3A_5106 = tpu.vector_load %arg5[%get3A_5105] {strides = array<i32>} : memref<1600xi32, #tpu.memory_space<vmem>>, vector<16xi32>,
    %get3A_5107 = vector.shape_cast %get3A_5106 : vector<16xi32> to vector<16xi32>
    %get3A_5108 = arith.constant 1472 : index
    %get3A_5109 = tpu.vector_load %arg7[%get3A_5108] {strides = array<i32>} : memref<1600xf32, #tpu.memory_space<vmem>>, vector<16xf32>,
    %get3A_5110 = vector.shape_cast %get3A_5109 : vector<16xf32> to vector<16xf32>
    %ne3A_5111 = arith.constant 0 : i32
    %ne3A_5112 = vector.broadcast %ne3A_5111 : i32 to vector<16xi32>
    %ne3A_5113 = arith.cmpi ne, %get3A_5107, %ne3A_5112 : vector<16xi32>
    %jit3A_5114 = arith.constant 0.000000e+00 : f32
    %broadcast_in_dim3A_5115 = vector.broadcast %jit3A_5114 : f32 to vector<16xf32>
    %select_n3A_5116 = arith.select %ne3A_5113, %get3A_5110, %broadcast_in_dim3A_5115 : vector<16xi1>, vector<16xf32>
    %add3A_5117 = arith.addf %add3A_5104, %select_n3A_5116 : vector<16xf32>
    %get3A_5118 = arith.constant 1488 : index
    %get3A_5119 = tpu.vector_load %arg5[%get3A_5118] {strides = array<i32>} : memref<1600xi32, #tpu.memory_space<vmem>>, vector<16xi32>,
    %get3A_5120 = vector.shape_cast %get3A_5119 : vector<16xi32> to vector<16xi32>
    %get3A_5121 = arith.constant 1488 : index
    %get3A_5122 = tpu.vector_load %arg7[%get3A_5121] {strides = array<i32>} : memref<1600xf32, #tpu.memory_space<vmem>>, vector<16xf32>,
    %get3A_5123 = vector.shape_cast %get3A_5122 : vector<16xf32> to vector<16xf32>
    %ne3A_5124 = arith.constant 0 : i32
    %ne3A_5125 = vector.broadcast %ne3A_5124 : i32 to vector<16xi32>
    %ne3A_5126 = arith.cmpi ne, %get3A_5120, %ne3A_5125 : vector<16xi32>
    %jit3A_5127 = arith.constant 0.000000e+00 : f32
    %broadcast_in_dim3A_5128 = vector.broadcast %jit3A_5127 : f32 to vector<16xf32>
    %select_n3A_5129 = arith.select %ne3A_5126, %get3A_5123, %broadcast_in_dim3A_5128 : vector<16xi1>, vector<16xf32>
    %add3A_5130 = arith.addf %add3A_5117, %select_n3A_5129 : vector<16xf32>
    %get3A_5131 = arith.constant 1504 : index
    %get3A_5132 = tpu.vector_load %arg5[%get3A_5131] {strides = array<i32>} : memref<1600xi32, #tpu.memory_space<vmem>>, vector<16xi32>,
    %get3A_5133 = vector.shape_cast %get3A_5132 : vector<16xi32> to vector<16xi32>
    %get3A_5134 = arith.constant 1504 : index
    %get3A_5135 = tpu.vector_load %arg7[%get3A_5134] {strides = array<i32>} : memref<1600xf32, #tpu.memory_space<vmem>>, vector<16xf32>,
    %get3A_5136 = vector.shape_cast %get3A_5135 : vector<16xf32> to vector<16xf32>
    %ne3A_5137 = arith.constant 0 : i32
    %ne3A_5138 = vector.broadcast %ne3A_5137 : i32 to vector<16xi32>
    %ne3A_5139 = arith.cmpi ne, %get3A_5133, %ne3A_5138 : vector<16xi32>
    %jit3A_5140 = arith.constant 0.000000e+00 : f32
    %broadcast_in_dim3A_5141 = vector.broadcast %jit3A_5140 : f32 to vector<16xf32>
    %select_n3A_5142 = arith.select %ne3A_5139, %get3A_5136, %broadcast_in_dim3A_5141 : vector<16xi1>, vector<16xf32>
    %add3A_5143 = arith.addf %add3A_5130, %select_n3A_5142 : vector<16xf32>
    %get3A_5144 = arith.constant 1520 : index
    %get3A_5145 = tpu.vector_load %arg5[%get3A_5144] {strides = array<i32>} : memref<1600xi32, #tpu.memory_space<vmem>>, vector<16xi32>,
    %get3A_5146 = vector.shape_cast %get3A_5145 : vector<16xi32> to vector<16xi32>
    %get3A_5147 = arith.constant 1520 : index
    %get3A_5148 = tpu.vector_load %arg7[%get3A_5147] {strides = array<i32>} : memref<1600xf32, #tpu.memory_space<vmem>>, vector<16xf32>,
    %get3A_5149 = vector.shape_cast %get3A_5148 : vector<16xf32> to vector<16xf32>
    %ne3A_5150 = arith.constant 0 : i32
    %ne3A_5151 = vector.broadcast %ne3A_5150 : i32 to vector<16xi32>
    %ne3A_5152 = arith.cmpi ne, %get3A_5146, %ne3A_5151 : vector<16xi32>
    %jit3A_5153 = arith.constant 0.000000e+00 : f32
    %broadcast_in_dim3A_5154 = vector.broadcast %jit3A_5153 : f32 to vector<16xf32>
    %select_n3A_5155 = arith.select %ne3A_5152, %get3A_5149, %broadcast_in_dim3A_5154 : vector<16xi1>, vector<16xf32>
    %add3A_5156 = arith.addf %add3A_5143, %select_n3A_5155 : vector<16xf32>
    %get3A_5157 = arith.constant 1536 : index
    %get3A_5158 = tpu.vector_load %arg5[%get3A_5157] {strides = array<i32>} : memref<1600xi32, #tpu.memory_space<vmem>>, vector<16xi32>,
    %get3A_5159 = vector.shape_cast %get3A_5158 : vector<16xi32> to vector<16xi32>
    %get3A_5160 = arith.constant 1536 : index
    %get3A_5161 = tpu.vector_load %arg7[%get3A_5160] {strides = array<i32>} : memref<1600xf32, #tpu.memory_space<vmem>>, vector<16xf32>,
    %get3A_5162 = vector.shape_cast %get3A_5161 : vector<16xf32> to vector<16xf32>
    %ne3A_5163 = arith.constant 0 : i32
    %ne3A_5164 = vector.broadcast %ne3A_5163 : i32 to vector<16xi32>
    %ne3A_5165 = arith.cmpi ne, %get3A_5159, %ne3A_5164 : vector<16xi32>
    %jit3A_5166 = arith.constant 0.000000e+00 : f32
    %broadcast_in_dim3A_5167 = vector.broadcast %jit3A_5166 : f32 to vector<16xf32>
    %select_n3A_5168 = arith.select %ne3A_5165, %get3A_5162, %broadcast_in_dim3A_5167 : vector<16xi1>, vector<16xf32>
    %add3A_5169 = arith.addf %add3A_5156, %select_n3A_5168 : vector<16xf32>
    %get3A_5170 = arith.constant 1552 : index
    %get3A_5171 = tpu.vector_load %arg5[%get3A_5170] {strides = array<i32>} : memref<1600xi32, #tpu.memory_space<vmem>>, vector<16xi32>,
    %get3A_5172 = vector.shape_cast %get3A_5171 : vector<16xi32> to vector<16xi32>
    %get3A_5173 = arith.constant 1552 : index
    %get3A_5174 = tpu.vector_load %arg7[%get3A_5173] {strides = array<i32>} : memref<1600xf32, #tpu.memory_space<vmem>>, vector<16xf32>,
    %get3A_5175 = vector.shape_cast %get3A_5174 : vector<16xf32> to vector<16xf32>
    %ne3A_5176 = arith.constant 0 : i32
    %ne3A_5177 = vector.broadcast %ne3A_5176 : i32 to vector<16xi32>
    %ne3A_5178 = arith.cmpi ne, %get3A_5172, %ne3A_5177 : vector<16xi32>
    %jit3A_5179 = arith.constant 0.000000e+00 : f32
    %broadcast_in_dim3A_5180 = vector.broadcast %jit3A_5179 : f32 to vector<16xf32>
    %select_n3A_5181 = arith.select %ne3A_5178, %get3A_5175, %broadcast_in_dim3A_5180 : vector<16xi1>, vector<16xf32>
    %add3A_5182 = arith.addf %add3A_5169, %select_n3A_5181 : vector<16xf32>
    %get3A_5183 = arith.constant 1568 : index
    %get3A_5184 = tpu.vector_load %arg5[%get3A_5183] {strides = array<i32>} : memref<1600xi32, #tpu.memory_space<vmem>>, vector<16xi32>,
    %get3A_5185 = vector.shape_cast %get3A_5184 : vector<16xi32> to vector<16xi32>
    %get3A_5186 = arith.constant 1568 : index
    %get3A_5187 = tpu.vector_load %arg7[%get3A_5186] {strides = array<i32>} : memref<1600xf32, #tpu.memory_space<vmem>>, vector<16xf32>,
    %get3A_5188 = vector.shape_cast %get3A_5187 : vector<16xf32> to vector<16xf32>
    %ne3A_5189 = arith.constant 0 : i32
    %ne3A_5190 = vector.broadcast %ne3A_5189 : i32 to vector<16xi32>
    %ne3A_5191 = arith.cmpi ne, %get3A_5185, %ne3A_5190 : vector<16xi32>
    %jit3A_5192 = arith.constant 0.000000e+00 : f32
    %broadcast_in_dim3A_5193 = vector.broadcast %jit3A_5192 : f32 to vector<16xf32>
    %select_n3A_5194 = arith.select %ne3A_5191, %get3A_5188, %broadcast_in_dim3A_5193 : vector<16xi1>, vector<16xf32>
    %add3A_5195 = arith.addf %add3A_5182, %select_n3A_5194 : vector<16xf32>
    %get3A_5196 = arith.constant 1584 : index
    %get3A_5197 = tpu.vector_load %arg5[%get3A_5196] {strides = array<i32>} : memref<1600xi32, #tpu.memory_space<vmem>>, vector<16xi32>,
    %get3A_5198 = vector.shape_cast %get3A_5197 : vector<16xi32> to vector<16xi32>
    %get3A_5199 = arith.constant 1584 : index
    %get3A_5200 = tpu.vector_load %arg7[%get3A_5199] {strides = array<i32>} : memref<1600xf32, #tpu.memory_space<vmem>>, vector<16xf32>,
    %get3A_5201 = vector.shape_cast %get3A_5200 : vector<16xf32> to vector<16xf32>
    %ne3A_5202 = arith.constant 0 : i32
    %ne3A_5203 = vector.broadcast %ne3A_5202 : i32 to vector<16xi32>
    %ne3A_5204 = arith.cmpi ne, %get3A_5198, %ne3A_5203 : vector<16xi32>
    %jit3A_5205 = arith.constant 0.000000e+00 : f32
    %broadcast_in_dim3A_5206 = vector.broadcast %jit3A_5205 : f32 to vector<16xf32>
    %select_n3A_5207 = arith.select %ne3A_5204, %get3A_5201, %broadcast_in_dim3A_5206 : vector<16xi1>, vector<16xf32>
    %add3A_5208 = arith.addf %add3A_5195, %select_n3A_5207 : vector<16xf32>
    %swap3A_5209 = arith.constant 0 : index
    %swap3A_5210 = tpu.vector_load %arg8[%swap3A_5209] {strides = array<i32>} : memref<16xf32, #tpu.memory_space<vmem>>, vector<16xf32>,
    %swap3A_5211 = vector.shape_cast %swap3A_5210 : vector<16xf32> to vector<16xf32>
    %swap3A_5212 = vector.shape_cast %add3A_5208 : vector<16xf32> to vector<16xf32>
    tpu.vector_store %arg8[%swap3A_5209], %swap3A_5212 {strides = array<i32>} : memref<16xf32, #tpu.memory_space<vmem>>, vector<16xf32>,
    "tpu.region"() ({
      %run_scoped3A = tpu.sem_alloc : memref<!tpu.dma_semaphore, #tpu.memory_space<semaphore_mem>>
      %dma_start3A_5213 = arith.constant 0 : i32
      %dma_start3A_5214 = tpu.memref_slice %arg4[%add3A, %dma_start3A_5213] : memref<32x16xf32, #tpu.memory_space<hbm>> -> memref<1x16xf32, #tpu.memory_space<hbm>>
      %dma_start3A_5215 = tpu.memref_squeeze %dma_start3A_5214 : memref<1x16xf32, #tpu.memory_space<hbm>> -> memref<16xf32, #tpu.memory_space<hbm>>
      %dma_start3A_5216 = arith.constant 0 : i32
      %dma_start3A_5217 = tpu.memref_slice %arg4[%add3A, %dma_start3A_5216] : memref<32x16xf32, #tpu.memory_space<hbm>> -> memref<1x16xf32, #tpu.memory_space<hbm>>
      %dma_start3A_5218 = tpu.memref_squeeze %dma_start3A_5217 : memref<1x16xf32, #tpu.memory_space<hbm>> -> memref<16xf32, #tpu.memory_space<hbm>>
      tpu.enqueue_dma source(%arg8 : memref<16xf32, #tpu.memory_space<vmem>>) target(%dma_start3A_5218 : memref<16xf32, #tpu.memory_space<hbm>>) target_semaphore(%run_scoped3A : memref<!tpu.dma_semaphore, #tpu.memory_space<semaphore_mem>>)
      %dma_wait3A_5219 = arith.constant 0 : i32
      %dma_wait3A_5220 = tpu.memref_slice %arg4[%add3A, %dma_wait3A_5219] : memref<32x16xf32, #tpu.memory_space<hbm>> -> memref<1x16xf32, #tpu.memory_space<hbm>>
      %dma_wait3A_5221 = tpu.memref_squeeze %dma_wait3A_5220 : memref<1x16xf32, #tpu.memory_space<hbm>> -> memref<16xf32, #tpu.memory_space<hbm>>
      %dma_wait3A_5222 = arith.constant 0 : i32
      %dma_wait3A_5223 = tpu.memref_slice %arg4[%add3A, %dma_wait3A_5222] : memref<32x16xf32, #tpu.memory_space<hbm>> -> memref<1x16xf32, #tpu.memory_space<hbm>>
      %dma_wait3A_5224 = tpu.memref_squeeze %dma_wait3A_5223 : memref<1x16xf32, #tpu.memory_space<hbm>> -> memref<16xf32, #tpu.memory_space<hbm>>
      tpu.wait_dma2 semaphore(%run_scoped3A : memref<!tpu.dma_semaphore, #tpu.memory_space<semaphore_mem>>) src(%arg8 : memref<16xf32, #tpu.memory_space<vmem>>) dst(%dma_wait3A_5224 : memref<16xf32, #tpu.memory_space<hbm>>)
      tpu.yield
    }) : () -> ()
    return
  }
}

</mosaic_0001>

<sc_bundles>
// kernel: kernel.3.cloned.1.call-start
scs
__scs_entry_jumppad:
0x0: {  	(pc) =	sbr.rel $0x88, $3  }
0x1: {  	(tag) =	ssettag $0x0;
	lr =	simm.s32 $0x1  }
0x2: {  	[smem:$0x3F9F] =	sst lr;
	_ =	strace $0xD0000000  }
0x3: {  	_ = 	snop  }
0x4: {  	_ = 	snop  }
0x5: {  	_ = 	snop  }
0x6: {  	_ = 	snop  }
0x7: {  	_ = 	snop  }
__scs_overlays_trampoline_lowered:
0x8: {  	[smem:$0x3FAE] =	sst s0  }
0x9: {  	[smem:$0x3FAF] =	sst s1  }
0xa: {  	[smem:$0x3FB0] =	sst s2  }
0xb: {  	[smem:$0x3FB1] =	sst s3  }
0xc: {  	[smem:$0x3FB2] =	sst s4  }
0xd: {  	[smem:$0x3FB3] =	sst s5  }
0xe: {  	[smem:$0x3FB4] =	sst s6  }
0xf: {  	[smem:$0x3FB5] =	sst s7  }
0x10: {  	[smem:$0x3FB6] =	sst s8  }
0x11: {  	[smem:$0x3FB7] =	sst s9;
	s0 =	simm.s32 @!p0 $0x0  }
0x12: {  	s1 =	sld [smem:$0x3F9D];
	s0 =	simm.s32 @p0 $0x1  }
0x13: {  	[smem:$0x3FB8] =	sst s0;
	s0 =	simm.s32 @!p1 $0x0  }
0x14: {  	s2 =	sld [smem:$0x3F9C];
	s0 =	simm.s32 @p1 $0x1  }
0x15: {  	[smem:$0x3FB9] =	sst s0;
	s0 =	simm.s32 @!p2 $0x0  }
0x16: {  	s3 =	sld [smem:$0x3FDB];
	s0 =	simm.s32 @p2 $0x1  }
0x17: {  	s4 =	simm.s32 $0x1BF5;
	[smem:$0x3FBB] =	sst s0  }
0x18: {  	s0 =	sld [smem:$0x3F9E];
	_ =	swait.ge [sflag:s4], $0x0  }
0x19: {  	s7 =	sld [smem:$0x3F9F]  }
0x1a: {  	s8 =	sadd.s32 $0xFFFFE003, lr  }
0x1b: {  	s9 =	sadd.s32 $0xFFFFFEF7, lr;
	s5 =	simm.s32 $0xFFFFFFFF;
	p2 =	slt.u32 s8, $0xFFFFF086  }
0x1c: {  	p1 =	slt.u32 s9, $0xF7A;
	s5 =	simm.s32 @!p2 $0x0  }
0x1d: {  	s5 =	simm.s32 @p1 $0x1;
	p0 =	seq.s32 s7, s2  }
0x1e: {  	s7 =	smul.u32 @!p0 $0xF7A, s2;
	p2 =	seq.s32 @!p0 s5, $0x0  }
0x1f: {  	s9 =	smul.u32 $0xF7A, s1;
	s8 =	simm.s32 @!p0 $0x1BF5;
	p2 =	por !p2, p0  }
0x20: {  	[sflag:s8] =	ssyncset.s32 @!p0 $0xFFFFF086;
	s6 =	sadd.s32 @!p0 s3, s7;
	s7 =	simm.s32 @!p0 $0x108  }
0x21: {  	s3 =	sadd.s32 s3, s9;
	s6 =	sadd.s32 @!p0 $0x88, s6;
	s7 =	simm.s32 @p2 $0x1082  }
0x22: {  	[simem:s7], [sflag:s8] =	dma.local @!p0 [hbm:s6], $0xF7A  }
0x23: {  	s9 =	sor.u32 $0xD0000000, s2;
	s6 =	simm.s32 $0x108;
	_ =	swait.ge @!p0 [sflag:s8], $0x0  }
0x24: {  	s3 =	sadd.s32 $0x88, s3;
	s6 =	simm.s32 @!p1 $0x1082;
	[sflag:s4] =	ssyncset.s32 $0xFFFFF086  }
0x25: {  	[simem:s6], [sflag:s4] =	dma.local [hbm:s3], $0xF7A  }
0x26: {  	[smem:$0x3F9F] =	sst s1;
	(tag) =	ssettag s2;
	_ =	strace s9  }
0x27: {  	s1 =	sld [smem:$0x3FAF]  }
0x28: {  	s2 =	sld [smem:$0x3FB0]  }
0x29: {  	s4 =	sld [smem:$0x3FB2]  }
0x2a: {  	p0 =	seq.s32 s5, $0x0;
	s5 =	sld [smem:$0x3FB3]  }
0x2b: {  	s6 =	sld [smem:$0x3FB4]  }
0x2c: {  	s7 =	sld [smem:$0x3FB5]  }
0x2d: {  	s3 =	simm.s32 $0x108;
	s8 =	sld [smem:$0x3FB6]  }
0x2e: {  	s3 =	simm.s32 @!p0 $0x1082;
	s9 =	sld [smem:$0x3FB7]  }
0x2f: {  	lr =	sadd.s32 s0, s3;
	s0 =	sld [smem:$0x3FAE]  }
0x30: {  	s3 =	sld [smem:$0x3FB1]  }
0x31: {  	[smem:$0x3FBA] =	sst s10  }
0x32: {  	s10 =	sld [smem:$0x3FB8];
	_ =	sdelay $0x3  }
0x33: {  	p0 =	seq.s32 s10, $0x1;
	s10 =	sld [smem:$0x3FBA];
	_ =	sdelay $0x3  }
0x34: {  	[smem:$0x3FBA] =	sst s10  }
0x35: {  	s10 =	sld [smem:$0x3FB9];
	_ =	sdelay $0x3  }
0x36: {  	p1 =	seq.s32 s10, $0x1;
	s10 =	sld [smem:$0x3FBA];
	_ =	sdelay $0x3  }
0x37: {  	[smem:$0x3FBA] =	sst s10  }
0x38: {  	s10 =	sld [smem:$0x3FBB]  }
0x39: {  	_ = 	snop;
	(pc) =	sbr.ind lr, $3  }
0x3a: {  	_ = 	snop  }
0x3b: {  	_ = 	snop  }
0x3c: {  	p2 =	seq.s32 s10, $0x1;
	s10 =	sld [smem:$0x3FBA]  }
0x3d: {  	_ =	shalt  }
0x3e: {  	_ =	shalt  }
0x3f: {  	_ =	shalt  }
0x40: {  	_ =	shalt  }
0x41: {  	_ =	shalt  }
0x42: {  	_ =	shalt  }
0x43: {  	_ =	shalt  }
0x44: {  	_ =	shalt  }
0x45: {  	_ =	shalt  }
0x46: {  	_ =	shalt  }
0x47: {  	_ =	shalt  }
0x48: {  	_ =	shalt  }
0x49: {  	_ =	shalt  }
0x4a: {  	_ =	shalt  }
0x4b: {  	_ =	shalt  }
0x4c: {  	_ =	shalt  }
0x4d: {  	_ =	shalt  }
0x4e: {  	_ =	shalt  }
0x4f: {  	_ =	shalt  }
0x50: {  	_ =	shalt  }
0x51: {  	_ =	shalt  }
0x52: {  	_ =	shalt  }
0x53: {  	_ =	shalt  }
0x54: {  	_ =	shalt  }
0x55: {  	_ =	shalt  }
0x56: {  	_ =	shalt  }
0x57: {  	_ =	shalt  }
0x58: {  	_ =	shalt  }
0x59: {  	_ =	shalt  }
0x5a: {  	_ =	shalt  }
0x5b: {  	_ =	shalt  }
0x5c: {  	_ =	shalt  }
0x5d: {  	_ =	shalt  }
0x5e: {  	_ =	shalt  }
0x5f: {  	_ =	shalt  }
0x60: {  	_ =	shalt  }
0x61: {  	_ =	shalt  }
0x62: {  	_ =	shalt  }
0x63: {  	_ =	shalt  }
0x64: {  	_ =	shalt  }
0x65: {  	_ =	shalt  }
0x66: {  	_ =	shalt  }
0x67: {  	_ =	shalt  }
0x68: {  	_ =	shalt  }
0x69: {  	_ =	shalt  }
0x6a: {  	_ =	shalt  }
0x6b: {  	_ =	shalt  }
0x6c: {  	_ =	shalt  }
0x6d: {  	_ =	shalt  }
0x6e: {  	_ =	shalt  }
0x6f: {  	_ =	shalt  }
0x70: {  	_ =	shalt  }
0x71: {  	_ =	shalt  }
0x72: {  	_ =	shalt  }
0x73: {  	_ =	shalt  }
0x74: {  	_ =	shalt  }
0x75: {  	_ =	shalt  }
0x76: {  	_ =	shalt  }
0x77: {  	_ =	shalt  }
0x78: {  	_ =	shalt  }
0x79: {  	_ =	shalt  }
0x7a: {  	_ =	shalt  }
0x7b: {  	_ =	shalt  }
0x7c: {  	_ =	shalt  }
0x7d: {  	_ =	shalt  }
0x7e: {  	_ =	shalt  }
0x7f: {  	_ =	shalt  }
0x80: {  	_ =	shalt  }
0x81: {  	_ =	shalt  }
0x82: {  	_ =	shalt  }
0x83: {  	_ =	shalt  }
0x84: {  	_ =	shalt  }
0x85: {  	_ =	shalt  }
0x86: {  	_ =	shalt  }
0x87: {  	_ =	shalt  }
.Lfunc_end0:
.L_simem_size_0:
called_computation_lowered:
.L_overlay_start_0:
0x88: {  	s2 =	sld [smem:$0x3FD9]  }
0x89: {  	s3 =	sld [smem:$0x3FFE];
	_ =	sdelay $0x1  }
0x8a: {  	s1 =	srdreg.scid  }
0x8b: {  	s0 =	sand.u32 $0x1, s1  }
0x8c: {  	s17 =	sshll.u32 s0, $0xA;
	s2 =	sadd.s32 s3, s2  }
0x8d: {  	s2 =	sadd.s32 s2, s17  }
0x8e: {  	[smem:$0x3FC6] =	sst s2  }
0x8f: {  	_ = 	snop  }
0x90: {  	s2 =	sld [smem:$0x3FC9];
	(tm) =	ssettm $0x1  }
0x91: {  	s18 =	sld [smem:$0x3FFB];
	_ =	sdelay $0x3  }
0x92: {  	_ =	strace s18  }
0x93: {  	s3 =	sld [smem:$0x3FFC];
	_ =	sdelay $0x3  }
0x94: {  	_ =	strace s3  }
0x95: {  	s3 =	sld [smem:$0x3FFD];
	_ =	sdelay $0x3  }
0x96: {  	_ =	strace s3  }
0x97: {  	_ =	strace $0x8FFFFFFF  }
0x98: {  	s19 =	sld [smem:$0x3FDB];
	_ =	sdelay $0x1  }
0x99: {  	s4 =	simm.s32 $_scs_section_size  }
0x9a: {  	s5 =	simm.s32 $_size__tile_overlayer_lowered;
	s6 =	simm.s32 $_tile_overlayer_lowered  }
0x9b: {  	s22 =	simm.s32 $0x1BFF;
	s21 =	sshll.u32 s6, $0x1;
	s3 =	sadd.s32 s4, s19  }
0x9c: {  	s7 =	simm.s32 $0x0;
	s20 =	sshll.u32 s5, $0x1;
	s5 =	sadd.s32 s21, s3  }
0x9d: {  	[timem:s7], [sflag:s22] =	dma.local [hbm:s5], s20  }
0x9e: {  	_ =	swait.ge [sflag:s22], s20  }
0x9f: {  	s4 =	ssub.s32 $0x0, s20;
	[sflag:s22] =	ssyncset.done $0x0  }
0xa0: {  	[sflag:s22] =	ssyncadd.s32 s4;
	_ =	sdelay $0x1  }
0xa1: {  	s23 =	simm.s32 $0x1B8B  }
0xa2: {  	_ =	swait.ge [sflag:s23], $0x1  }
0xa3: {  	[sflag:s23] =	ssyncset.done $0x0  }
0xa4: {  	s25 =	simm.s32 $0x1B8E;
	s24 =	sld [smem:$0x3FFE];
	[sflag:s23] =	ssyncadd.s32 $0xFFFFFFFF  }
0xa5: {  	s26 =	simm.s32 $execute0_lowered;
	[smem:$0x3FD2] =	sst s25  }
0xa6: {  	s5 =	sshll.u32 s26, $0x1;
	_ =	strace $0x80000046;
	[dreg:$0x1] =	wrdreg $0xFFFFFFFF  }
0xa7: {  	s28 =	simm.s32 $_size_execute0_lowered;
	s3 =	sadd.s32 s3, s5;
	[dreg:$0x0] =	wrdreg $0x0  }
0xa8: {  	s5 =	sshll.u32 s28, $0x1;
	[dreg:$0x2] =	wrdreg s3  }
0xa9: {  	[dreg:$0x3] =	wrdreg s5  }
0xaa: {  	[dreg:$0x4] =	wrdreg $0xC0  }
0xab: {  	_ =	task [dreg:s7], $0x5FFFF  }
0xac: {  	[dreg:$0x1] =	wrdreg $0xFFFFFFFF  }
0xad: {  	[dreg:$0x0] =	wrdreg $0x60  }
0xae: {  	[dreg:$0x2] =	wrdreg s2  }
0xaf: {  	[dreg:$0x3] =	wrdreg s24  }
0xb0: {  	[dreg:$0x4] =	wrdreg $0x9  }
0xb1: {  	_ =	task.clear_ibuf [dreg:s7], $0x5FFFF;
	_ =	strace $0x90000046  }
0xb2: {  	s29 =	simm.s32 $0x9;
	_ =	strace $0x80000048  }
0xb3: {  	_ =	swait.ge [sflag:s29], $0x1  }
0xb4: {  	[sflag:s29] =	ssyncadd.s32 $0xFFFFFFFF  }
0xb5: {  	_ =	strace $0x90000048  }
0xb6: {  	_ =	sfence  }
0xb7: {  	s30 =	sld [smem:$0x0];
	_ =	sdelay $0x2  }
0xb8: {  	s31 =	sshll.u32 s1, $0xD;
	s1 =	sshrl.u32 s1, $0x2  }
0xb9: {  	s3 =	sand.u32 $0x4000, s31;
	s1 =	sadd.s32 s1, s30  }
0xba: {  	s0 =	sor.u32 s3, s0;
	s1 =	sshll.u32 s1, $0x11  }
0xbb: {  	s0 =	sor.u32 s1, s0  }
0xbc: {  	s0 =	sadd.s32 $0x8F2B, s0  }
0xbd: {  	[sflag:s0] =	ssyncadd.remote.s32 $0x1  }
0xbe: {  	_ =	sfence.sel $0xFFFF  }
0xbf: {  	[dreg:$0x0] =	wrdreg $0xFFFFFFFF;
	(pc) =	sbr.abs _section_cstart, $3  }
0xc0: {  	[dreg:$0x1] =	wrdreg $0xFFFFFFFF  }
0xc1: {  	_ =	task.clear_ibuf [dreg:s7], $0x2FFFF;
	_ =	strace $0x9FFFFFFF  }
0xc2: {  	(tm) =	ssettm $0x7FFFFFFF  }
0xc3: {  	_ =	shalt  }
tec
execute0_lowered:
.L_overlay_start_1:
0x0: {  	(tag) =	ssettag $0x1  }
0x1: {  	vm5 =	vcmask $0x700  }
0x2: {  	v2 =	vimm.s32 $0x1;
	vm3 =	vcmask $0xF00;
	v4 =	vimm.s32 $0x2  }
0x3: {  	vm4 =	vcmask $0x1700;
	v5 =	vimm.s32 $0x3;
	v7 =	vlaneseq.u32  }
0x4: {  	vm1 =	vcmask $0x2700;
	v10 =	vimm.s32 $0x5;
	vm2 =	vcmask $0x2F00  }
0x5: {  	v11 =	vimm.s32 $0x6;
	vm0 =	vcmask $0x3700;
	v12 =	vimm.s32 $0x7  }
0x6: {  	v16 =	vimm.s32 $0x9;
	v18 =	vimm.s32 $0xA;
	v20 =	vimm.s32 $0xB  }
0x7: {  	v24 =	vimm.s32 $0xD;
	v26 =	vimm.s32 $0xE;
	v28 =	vimm.s32 $0xF  }
0x8: {  	v32 =	vimm.s32 $0x11;
	v33 =	vimm.s32 $0x12;
	v34 =	vimm.s32 $0x13  }
0x9: {  	v39 =	vimm.s32 $0x15;
	v41 =	vimm.s32 $0x16;
	v43 =	vimm.s32 $0x17  }
0xa: {  	v46 =	vimm.s32 $0x19;
	v48 =	vimm.s32 $0x1A;
	v51 =	vimm.s32 $0x1B  }
0xb: {  	v55 =	vimm.s32 $0x1D;
	v56 =	vimm.s32 $0x1E;
	v57 =	vimm.s32 $0x1F  }
0xc: {  	v2 =	vsel vm5, $0x0, v2;
	v4 =	vsel vm3, $0x1, v4;
	v6 =	vsel vm4, $0x2, v5  }
0xd: {  	v50 =	vshrl.u32 v7, $0x3;
	v10 =	vsel vm1, $0x4, v10;
	v11 =	vsel vm2, $0x5, v11  }
0xe: {  	v14 =	vsel vm0, $0x6, v12;
	v17 =	vsel vm5, $0x8, v16;
	v18 =	vsel vm3, $0x9, v18  }
0xf: {  	v21 =	vsel vm4, $0xA, v20;
	v25 =	vsel vm1, $0xC, v24;
	v27 =	vsel vm2, $0xD, v26  }
0x10: {  	v29 =	vsel vm0, $0xE, v28;
	v32 =	vsel vm5, $0x10, v32;
	v33 =	vsel vm3, $0x11, v33  }
0x11: {  	s1 =	srdreg.scid;
	s0 =	stileid.u32;
	v36 =	vsel vm4, $0x12, v34;
	v40 =	vsel vm1, $0x14, v39;
	v41 =	vsel vm2, $0x15, v41  }
0x12: {  	s5 =	sand.u32 $0x1, s1;
	s31 =	sshll.u32 s0, $0x1;
	v44 =	vsel vm0, $0x16, v43;
	v47 =	vsel vm5, $0x18, v46;
	v49 =	vsel vm3, $0x19, v48  }
0x13: {  	v51 =	vsel vm4, $0x1A, v51;
	v55 =	vsel vm1, $0x1C, v55;
	v56 =	vsel vm2, $0x1D, v56;
	s4 =	sor.u32 s5, s31  }
0x14: {  	v59 =	vsel vm0, $0x1E, v57;
	v8 =	vadd.s32 $0x3, v50;
	v22 =	vadd.s32 $0xB, v50;
	s13 =	sshll.u32 s4, $0x5  }
0x15: {  	v38 =	vadd.s32 $0x13, v50;
	v52 =	vadd.s32 $0x1B, v50;
	v1 =	vmov s13  }
0x16: {  	v2 =	vor.u32 s13, v2;
	v4 =	vor.u32 s13, v4;
	v6 =	vor.u32 s13, v6  }
0x17: {  	v8 =	vor.u32 s13, v8;
	v10 =	vor.u32 s13, v10;
	v13 =	vor.u32 s13, v11  }
0x18: {  	v14 =	vor.u32 s13, v14;
	v17 =	vor.u32 s13, v17;
	v19 =	vor.u32 s13, v18  }
0x19: {  	v21 =	vor.u32 s13, v21;
	v23 =	vor.u32 s13, v22;
	v25 =	vor.u32 s13, v25  }
0x1a: {  	v27 =	vor.u32 s13, v27;
	v29 =	vor.u32 s13, v29;
	v32 =	vor.u32 s13, v32  }
0x1b: {  	v35 =	vor.u32 s13, v33;
	v36 =	vor.u32 s13, v36;
	v38 =	vor.u32 s13, v38  }
0x1c: {  	v40 =	vor.u32 s13, v40;
	v42 =	vor.u32 s13, v41;
	v44 =	vor.u32 s13, v44  }
0x1d: {  	v47 =	vor.u32 s13, v47;
	v49 =	vor.u32 s13, v49;
	v51 =	vor.u32 s13, v51  }
0x1e: {  	v53 =	vor.u32 s13, v52;
	v55 =	vor.u32 s13, v55;
	v58 =	vor.u32 s13, v56  }
0x1f: {  	v59 =	vor.u32 s13, v59;
	v0 =	vshll.u32 v1, $0x3;
	v1 =	vand.u32 $0x60, v1  }
0x20: {  	v2 =	vand.u32 $0x61, v2;
	v38 =	vand.u32 $0x77, v38;
	v40 =	vand.u32 $0x75, v40  }
0x21: {  	v42 =	vand.u32 $0x77, v42;
	v44 =	vand.u32 $0x77, v44;
	v47 =	vand.u32 $0x79, v47  }
0x22: {  	v49 =	vand.u32 $0x7B, v49;
	v51 =	vand.u32 $0x7B, v51;
	[tilespmem:$0x1FEF0] =	vst v2;
	v2 =	vand.u32 $0x63, v4  }
0x23: {  	v53 =	vand.u32 $0x7F, v53;
	v55 =	vand.u32 $0x7D, v55;
	[tilespmem:$0x1FF00] =	vst v2;
	v2 =	vand.u32 $0x63, v6  }
0x24: {  	v57 =	vand.u32 $0x7F, v58;
	v59 =	vand.u32 $0x7F, v59;
	[tilespmem:$0x1FF10] =	vst v2;
	v2 =	vand.u32 $0x67, v8  }
0x25: {  	v0 =	vand.u32 $0x7FFFFC00, v0;
	v3 =	vor.u32 $0x1, v1;
	[tilespmem:$0x1FF20] =	vst v2;
	v2 =	vand.u32 $0x65, v10  }
0x26: {  	v5 =	vor.u32 $0x2, v1;
	v7 =	vor.u32 $0x3, v1;
	[tilespmem:$0x1FF30] =	vst v2;
	v2 =	vand.u32 $0x67, v13  }
0x27: {  	v9 =	vor.u32 $0x4, v1;
	v11 =	vor.u32 $0x5, v1;
	[tilespmem:$0x1FF40] =	vst v2;
	v2 =	vand.u32 $0x67, v14  }
0x28: {  	v15 =	vor.u32 $0x7, v1;
	v16 =	vor.u32 $0x8, v1;
	[tilespmem:$0x1FF50] =	vst v2;
	v2 =	vand.u32 $0x69, v17  }
0x29: {  	v18 =	vor.u32 $0x9, v1;
	v20 =	vor.u32 $0xA, v1;
	[tilespmem:$0x1FF60] =	vst v2;
	v2 =	vand.u32 $0x6B, v19  }
0x2a: {  	v22 =	vor.u32 $0xB, v1;
	v24 =	vor.u32 $0xC, v1;
	[tilespmem:$0x1FF70] =	vst v2;
	v2 =	vand.u32 $0x6B, v21  }
0x2b: {  	s6 =	rddreg [dreg:$0x1];
	s9 =	simm.s32 $0x680;
	s10 =	simm.s32 $0xD00;
	v26 =	vor.u32 $0xD, v1;
	v28 =	vor.u32 $0xE, v1;
	[tilespmem:$0x1FF80] =	vst v2;
	v2 =	vand.u32 $0x6F, v23  }
0x2c: {  	s2 =	rddreg [dreg:$0x2];
	s11 =	simm.s32 $0x810;
	s12 =	simm.s32 $0xE90;
	v30 =	vor.u32 $0xF, v1;
	v31 =	vor.u32 $0x10, v1;
	[tilespmem:$0x1FF90] =	vst v2;
	v2 =	vand.u32 $0x6D, v25  }
0x2d: {  	s3 =	simm.s32 $0x0;
	s14 =	simm.s32 $0x1020;
	s15 =	simm.s32 $0xB30;
	v33 =	vor.u32 $0x11, v1;
	v37 =	vor.u32 $0x13, v1;
	[tilespmem:$0x1FFA0] =	vst v2;
	v2 =	vand.u32 $0x6F, v27  }
0x2e: {  	s16 =	simm.s32 $0x11B0;
	s17 =	simm.s32 $0x1;
	s1 =	rddreg [dreg:$0x0];
	v39 =	vor.u32 $0x14, v1;
	v41 =	vor.u32 $0x15, v1;
	[tilespmem:$0x1FFB0] =	vst v2;
	v2 =	vand.u32 $0x6F, v29  }
0x2f: {  	s18 =	simm.s32 $0x1380;
	[smem:$0x7FF] =	sst s3;
	s5 =	ssub.s32 $0x2, s5;
	v43 =	vor.u32 $0x16, v1;
	v45 =	vor.u32 $0x17, v1;
	[tilespmem:$0x1FFC0] =	vst v2;
	v2 =	vand.u32 $0x71, v32  }
0x30: {  	s7 =	sshll.u32 s4, $0x4;
	s8 =	sshrl.u32 s5, $0x1;
	s4 =	smul.u32 $0xC8, s4;
	v46 =	vor.u32 $0x18, v1;
	v48 =	vor.u32 $0x19, v1;
	[tilespmem:$0x1FFD0] =	vst v2;
	v2 =	vand.u32 $0x73, v35  }
0x31: {  	s7 =	sadd.s32 s7, s6;
	s8 =	ssub.s32 s5, s8;
	s13 =	simm.s32 $0x9A0;
	v50 =	vor.u32 $0x1A, v1;
	v52 =	vor.u32 $0x1B, v1;
	[tilespmem:$0x1FFE0] =	vst v2;
	v2 =	vand.u32 $0x73, v36  }
0x32: {  	s4 =	sadd.s32 s6, s4;
	s5 =	sadd.s32 $0x1A00, s7;
	s6 =	smax.u32 s8, $0x1;
	v54 =	vor.u32 $0x1C, v1;
	v56 =	vor.u32 $0x1D, v1;
	v58 =	vor.u32 $0x1E, v1;
	[tilespmem:$0x1FFF0] =	vst v2  }
0x33: {  	s7 =	simm.s32 $0x2;
	s8 =	simm.s32 $0x190;
	v60 =	vor.u32 $0x1F, v1;
	v13 =	vor.u32 $0x6, v1;
	v35 =	vor.u32 $0x12, v1;
	_ =	strace $0x80000047  }
.LBB2_1:
0x34: {  	[tilespmem:s3], [sflag:$0x2] =	stream.linear.gather [hbm4b:s4+s3], $0x640, $0x38;
	[tilespmem:$0x1400] =	vst v63  }
0x35: {  	_ =	swait.ge [sflag:s7], $0x640  }
0x36: {  	[sflag:s7] =	ssyncset.done $0x0  }
0x37: {  	[sflag:s7] =	ssyncadd.s32 $0xFFFFF9C0  }
0x38: {  	v61 =	vld [tilespmem:$0x0]  }
0x39: {  	v62 =	vld [tilespmem:$0x10]  }
0x3a: {  	v2 =	vld [tilespmem:$0x20]  }
0x3b: {  	v4 =	vld [tilespmem:$0x30]  }
0x3c: {  	v6 =	vld [tilespmem:$0x40]  }
0x3d: {  	v17 =	vld [tilespmem:$0x80]  }
0x3e: {  	v63 =	vshll.u32 v61, $0xA  }
0x3f: {  	v61 =	vshll.u32 v61, $0x7;
	v36 =	vshll.u32 v62, $0xA;
	v62 =	vshll.u32 v62, $0x7  }
0x40: {  	v8 =	vshll.u32 v2, $0xA;
	v2 =	vshll.u32 v2, $0x7;
	v32 =	vshll.u32 v4, $0xA  }
0x41: {  	v34 =	vshll.u32 v6, $0xA;
	v4 =	vshll.u32 v4, $0x7;
	v6 =	vshll.u32 v6, $0x7  }
0x42: {  	v21 =	vshll.u32 v17, $0xA;
	v17 =	vshll.u32 v17, $0x7;
	v63 =	vand.u32 $0xFFFFE000, v63  }
0x43: {  	v61 =	vand.u32 $0x380, v61;
	v62 =	vand.u32 $0x380, v62;
	v8 =	vand.u32 $0xFFFFE000, v8  }
0x44: {  	v2 =	vand.u32 $0x380, v2;
	v4 =	vand.u32 $0x380, v4;
	v6 =	vand.u32 $0x380, v6  }
0x45: {  	v14 =	vld [tilespmem:$0x1FEF0];
	v21 =	vand.u32 $0xFFFFE000, v21;
	v17 =	vand.u32 $0x380, v17;
	v63 =	vadd.s32 v0, v63  }
0x46: {  	v10 =	vld [tilespmem:$0x50];
	v8 =	vadd.s32 v0, v8;
	v21 =	vadd.s32 v0, v21;
	v61 =	vor.u32 v61, v63  }
0x47: {  	v12 =	vld [tilespmem:$0x60];
	v63 =	vand.u32 $0xFFFFE000, v36;
	v2 =	vor.u32 v2, v8;
	v8 =	vand.u32 $0xFFFFE000, v32  }
0x48: {  	v17 =	vor.u32 v17, v21;
	v61 =	vor.u32 v1, v61;
	v63 =	vadd.s32 v0, v63  }
0x49: {  	v2 =	vor.u32 v1, v2;
	v8 =	vadd.s32 v0, v8;
	v17 =	vor.u32 v5, v17  }
0x4a: {  	v19 =	vld [tilespmem:$0x1FF00];
	v62 =	vor.u32 v62, v63;
	v63 =	vand.u32 $0xFFFFE000, v34;
	v4 =	vor.u32 v4, v8  }
0x4b: {  	v36 =	vld [tilespmem:$0x70];
	v8 =	vshll.u32 v10, $0xA;
	v10 =	vshll.u32 v10, $0x7;
	v4 =	vor.u32 v14, v4  }
0x4c: {  	v8 =	vand.u32 $0xFFFFE000, v8;
	v14 =	vshll.u32 v12, $0xA;
	v10 =	vand.u32 $0x380, v10  }
0x4d: {  	v12 =	vshll.u32 v12, $0x7;
	v8 =	vadd.s32 v0, v8;
	v14 =	vand.u32 $0xFFFFE000, v14  }
0x4e: {  	v12 =	vand.u32 $0x380, v12;
	v8 =	vor.u32 v10, v8;
	v10 =	vadd.s32 v0, v14;
	v14 =	vld [tilespmem:$0x90]  }
0x4f: {  	v62 =	vor.u32 v1, v62;
	v63 =	vadd.s32 v0, v63;
	v10 =	vor.u32 v12, v10  }
0x50: {  	v6 =	vor.u32 v6, v63;
	v12 =	vshll.u32 v36, $0xA;
	v10 =	vor.u32 v19, v10;
	v19 =	vld [tilespmem:$0xA0]  }
0x51: {  	v23 =	vld [tilespmem:$0xB0];
	v6 =	vor.u32 v3, v6;
	v63 =	vshll.u32 v36, $0x7;
	v12 =	vand.u32 $0xFFFFE000, v12  }
0x52: {  	v29 =	vld [tilespmem:$0xE0];
	v8 =	vor.u32 v3, v8;
	v63 =	vand.u32 $0x380, v63;
	v12 =	vadd.s32 v0, v12  }
0x53: {  	v27 =	vld [tilespmem:$0x1FF10];
	v12 =	vor.u32 v63, v12;
	v32 =	vshll.u32 v14, $0xA;
	v14 =	vshll.u32 v14, $0x7  }
0x54: {  	v25 =	vld [tilespmem:$0xC0];
	v12 =	vor.u32 v5, v12;
	v21 =	vand.u32 $0xFFFFE000, v32;
	v14 =	vand.u32 $0x380, v14  }
0x55: {  	v21 =	vadd.s32 v0, v21;
	v34 =	vshll.u32 v19, $0xA;
	v19 =	vshll.u32 v19, $0x7  }
0x56: {  	v63 =	vand.u32 $0xFFFFE000, v34;
	v19 =	vand.u32 $0x380, v19;
	v14 =	vor.u32 v14, v21  }
0x57: {  	v21 =	vshll.u32 v23, $0xA;
	v23 =	vshll.u32 v23, $0x7;
	v34 =	vshll.u32 v29, $0xA  }
0x58: {  	v36 =	vld [tilespmem:$0xD0];
	v29 =	vshll.u32 v29, $0x7;
	v63 =	vadd.s32 v0, v63;
	v14 =	vor.u32 v27, v14  }
0x59: {  	v21 =	vand.u32 $0xFFFFE000, v21;
	v27 =	vshll.u32 v25, $0xA;
	v23 =	vand.u32 $0x380, v23  }
0x5a: {  	v32 =	vld [tilespmem:$0x1FF20];
	v25 =	vshll.u32 v25, $0x7;
	v34 =	vand.u32 $0xFFFFE000, v34;
	v29 =	vand.u32 $0x380, v29  }
0x5b: {  	[tilespmem:$0x690] =	vst v62;
	v62 =	vld [tilespmem:$0x140];
	v19 =	vor.u32 v19, v63;
	v21 =	vadd.s32 v0, v21;
	v27 =	vand.u32 $0xFFFFE000, v27  }
0x5c: {  	v25 =	vand.u32 $0x380, v25;
	v21 =	vor.u32 v23, v21;
	v23 =	vadd.s32 v0, v27;
	v27 =	vld [tilespmem:$0xF0]  }
0x5d: {  	[tilespmem:$0x6F0] =	vst v12;
	v12 =	vld [tilespmem:$0x150];
	v63 =	vshll.u32 v36, $0x7;
	v34 =	vadd.s32 v0, v34;
	v19 =	vor.u32 v7, v19  }
0x5e: {  	[tilespmem:$0x680] =	vst v61;
	v63 =	vand.u32 $0x380, v63;
	v23 =	vor.u32 v25, v23;
	v25 =	vshll.u32 v36, $0xA;
	v36 =	vld [tilespmem:$0x110]  }
0x5f: {  	[tilespmem:$0x6A0] =	vst v2;
	v29 =	vor.u32 v29, v34;
	v23 =	vor.u32 v32, v23;
	v25 =	vand.u32 $0xFFFFE000, v25;
	v32 =	vld [tilespmem:$0x100]  }
0x60: {  	[tilespmem:$0x6C0] =	vst v6;
	v21 =	vor.u32 v7, v21;
	v29 =	vor.u32 v9, v29;
	v25 =	vadd.s32 v0, v25  }
0x61: {  	v6 =	vld [tilespmem:$0x1FF30];
	[tilespmem:$0x720] =	vst v19;
	v19 =	vshll.u32 v62, $0xA;
	v25 =	vor.u32 v63, v25;
	v63 =	vshll.u32 v27, $0xA  }
0x62: {  	[tilespmem:$0x730] =	vst v21;
	v21 =	vshll.u32 v12, $0xA;
	v27 =	vshll.u32 v27, $0x7;
	v63 =	vand.u32 $0xFFFFE000, v63  }
0x63: {  	[tilespmem:$0x6B0] =	vst v4;
	v25 =	vor.u32 v9, v25;
	v2 =	vand.u32 $0x380, v27;
	v34 =	vadd.s32 v0, v63;
	v63 =	vld [tilespmem:$0x120]  }
0x64: {  	[tilespmem:$0x6D0] =	vst v8;
	v8 =	vshll.u32 v36, $0x7;
	v61 =	vshll.u32 v32, $0xA;
	v32 =	vshll.u32 v32, $0x7  }
0x65: {  	[tilespmem:$0x710] =	vst v14;
	v14 =	vld [tilespmem:$0x1FF40];
	v8 =	vand.u32 $0x380, v8;
	v61 =	vand.u32 $0xFFFFE000, v61;
	v2 =	vor.u32 v2, v34  }
0x66: {  	[tilespmem:$0x740] =	vst v23;
	v23 =	vld [tilespmem:$0x170];
	v32 =	vand.u32 $0x380, v32;
	v27 =	vadd.s32 v0, v61;
	v2 =	vor.u32 v6, v2  }
0x67: {  	v61 =	vld [tilespmem:$0x130];
	v4 =	vor.u32 v32, v27;
	v27 =	vshll.u32 v36, $0xA;
	[tilespmem:$0x770] =	vst v2;
	v2 =	vshll.u32 v12, $0x7  }
0x68: {  	v4 =	vor.u32 v11, v4;
	v6 =	vand.u32 $0xFFFFE000, v27;
	v27 =	vshll.u32 v63, $0xA  }
0x69: {  	[tilespmem:$0x6E0] =	vst v10;
	v6 =	vadd.s32 v0, v6;
	v10 =	vand.u32 $0xFFFFE000, v27;
	v27 =	vshll.u32 v63, $0x7  }
0x6a: {  	v6 =	vor.u32 v8, v6;
	v8 =	vadd.s32 v0, v10;
	v10 =	vand.u32 $0x380, v27  }
0x6b: {  	[tilespmem:$0x700] =	vst v17;
	v2 =	vand.u32 $0x380, v2;
	v6 =	vor.u32 v11, v6;
	v8 =	vor.u32 v10, v8  }
0x6c: {  	v17 =	vld [tilespmem:$0x160];
	v10 =	vshll.u32 v61, $0xA;
	[tilespmem:$0x790] =	vst v6;
	v6 =	vshll.u32 v23, $0xA;
	v8 =	vor.u32 v14, v8  }
0x6d: {  	[tilespmem:$0x750] =	vst v25;
	v25 =	vld [tilespmem:$0x180];
	v10 =	vand.u32 $0xFFFFE000, v10;
	v14 =	vshll.u32 v61, $0x7;
	v6 =	vand.u32 $0xFFFFE000, v6  }
0x6e: {  	v10 =	vadd.s32 v0, v10;
	v14 =	vand.u32 $0x380, v14;
	v6 =	vadd.s32 v0, v6  }
0x6f: {  	v10 =	vor.u32 v14, v10;
	v14 =	vand.u32 $0xFFFFE000, v19;
	v19 =	vshll.u32 v62, $0x7  }
0x70: {  	[tilespmem:$0x7A0] =	vst v8;
	v8 =	vld [tilespmem:$0x1FF50];
	v14 =	vadd.s32 v0, v14;
	v19 =	vand.u32 $0x380, v19;
	v10 =	vor.u32 v13, v10  }
0x71: {  	v14 =	vor.u32 v19, v14;
	v19 =	vand.u32 $0xFFFFE000, v21;
	v21 =	vshll.u32 v17, $0xA  }
0x72: {  	v17 =	vshll.u32 v17, $0x7;
	[tilespmem:$0x7B0] =	vst v10;
	v10 =	vshll.u32 v25, $0xA;
	v14 =	vor.u32 v13, v14  }
0x73: {  	v19 =	vadd.s32 v0, v19;
	v12 =	vand.u32 $0xFFFFE000, v21;
	v10 =	vand.u32 $0xFFFFE000, v10  }
0x74: {  	[tilespmem:$0x780] =	vst v4;
	v4 =	vadd.s32 v0, v12;
	v12 =	vand.u32 $0x380, v17;
	v2 =	vor.u32 v2, v19  }
0x75: {  	[tilespmem:$0x760] =	vst v29;
	v4 =	vor.u32 v12, v4;
	v2 =	vor.u32 v8, v2;
	v8 =	vshll.u32 v23, $0x7  }
0x76: {  	[tilespmem:$0x7C0] =	vst v14;
	v12 =	vshll.u32 v25, $0x7;
	v4 =	vor.u32 v15, v4;
	v8 =	vand.u32 $0x380, v8  }
0x77: {  	[tilespmem:$0x7D0] =	vst v2;
	v2 =	vor.u32 v8, v6;
	v6 =	vadd.s32 v0, v10;
	v8 =	vand.u32 $0x380, v12  }
0x78: {  	[tilespmem:$0x7E0] =	vst v4;
	v2 =	vor.u32 v15, v2;
	v4 =	vor.u32 v8, v6  }
0x79: {  	[tilespmem:$0x7F0] =	vst v2;
	v2 =	vor.u32 v15, v4  }
0x7a: {  	[tilespmem:$0x800] =	vst v2  }
0x7b: {  	[tilespmem:s10], [sflag:$0x1] =	stream.indirect.gather [hbm4b:s1+s8], $0x1, s9, s8, $0xb8;
	[tilespmem:$0x1400] =	vst v63  }
0x7c: {  	v2 =	vld [tilespmem:$0x190];
	_ =	sdelay $0x1  }
0x7d: {  	v4 =	vld [tilespmem:$0x1A0]  }
0x7e: {  	v8 =	vld [tilespmem:$0x1B0];
	_ =	sdelay $0x1  }
0x7f: {  	v23 =	vld [tilespmem:$0x210];
	v6 =	vshll.u32 v2, $0xA  }
0x80: {  	v2 =	vshll.u32 v2, $0x7;
	v6 =	vand.u32 $0xFFFFE000, v6  }
0x81: {  	v10 =	vld [tilespmem:$0x1C0];
	v2 =	vand.u32 $0x380, v2;
	v6 =	vadd.s32 v0, v6  }
0x82: {  	v12 =	vld [tilespmem:$0x1D0];
	v14 =	vshll.u32 v8, $0xA;
	v2 =	vor.u32 v2, v6;
	v6 =	vshll.u32 v4, $0xA  }
0x83: {  	v8 =	vshll.u32 v8, $0x7;
	v4 =	vshll.u32 v4, $0x7;
	v6 =	vand.u32 $0xFFFFE000, v6  }
0x84: {  	v27 =	vshll.u32 v23, $0xA;
	v4 =	vand.u32 $0x380, v4;
	v6 =	vadd.s32 v0, v6  }
0x85: {  	v21 =	vld [tilespmem:$0x1FF60];
	v8 =	vand.u32 $0x380, v8;
	v4 =	vor.u32 v4, v6;
	v6 =	vand.u32 $0xFFFFE000, v14  }
0x86: {  	v17 =	vld [tilespmem:$0x1E0];
	v14 =	vshll.u32 v10, $0xA;
	v10 =	vshll.u32 v10, $0x7;
	v6 =	vadd.s32 v0, v6  }
0x87: {  	v19 =	vld [tilespmem:$0x1F0];
	v6 =	vor.u32 v8, v6;
	v8 =	vand.u32 $0xFFFFE000, v14;
	v14 =	vshll.u32 v12, $0xA  }
0x88: {  	v10 =	vand.u32 $0x380, v10;
	v12 =	vshll.u32 v12, $0x7;
	v14 =	vand.u32 $0xFFFFE000, v14  }
0x89: {  	v25 =	vld [tilespmem:$0x1FF70];
	v8 =	vadd.s32 v0, v8;
	v12 =	vand.u32 $0x380, v12;
	v14 =	vadd.s32 v0, v14  }
0x8a: {  	v63 =	vld [tilespmem:$0x250];
	v23 =	vshll.u32 v23, $0x7;
	v8 =	vor.u32 v10, v8;
	v10 =	vor.u32 v12, v14  }
0x8b: {  	v12 =	vshll.u32 v17, $0xA;
	v14 =	vld [tilespmem:$0x200];
	v8 =	vor.u32 v21, v8;
	v17 =	vshll.u32 v17, $0x7  }
0x8c: {  	v21 =	vshll.u32 v19, $0xA;
	v19 =	vshll.u32 v19, $0x7;
	v12 =	vand.u32 $0xFFFFE000, v12  }
0x8d: {  	v17 =	vand.u32 $0x380, v17;
	v21 =	vand.u32 $0xFFFFE000, v21;
	v12 =	vadd.s32 v0, v12  }
0x8e: {  	v36 =	vld [tilespmem:$0x270];
	v19 =	vand.u32 $0x380, v19;
	v12 =	vor.u32 v17, v12;
	v17 =	vadd.s32 v0, v21  }
0x8f: {  	v62 =	vshll.u32 v63, $0xA;
	v32 =	vshll.u32 v63, $0x7;
	v21 =	vld [tilespmem:$0x220];
	v17 =	vor.u32 v19, v17  }
0x90: {  	v23 =	vand.u32 $0x380, v23;
	v19 =	vshll.u32 v14, $0xA;
	v17 =	vor.u32 v25, v17;
	v25 =	vld [tilespmem:$0x230]  }
0x91: {  	v34 =	vand.u32 $0xFFFFE000, v62;
	v14 =	vshll.u32 v14, $0x7;
	v19 =	vand.u32 $0xFFFFE000, v19  }
0x92: {  	v32 =	vand.u32 $0x380, v32;
	v14 =	vand.u32 $0x380, v14;
	v19 =	vadd.s32 v0, v19  }
0x93: {  	v29 =	vld [tilespmem:$0x240];
	v62 =	vshll.u32 v36, $0xA;
	v14 =	vor.u32 v14, v19;
	v19 =	vand.u32 $0xFFFFE000, v27  }
0x94: {  	v61 =	vld [tilespmem:$0x1FF80];
	v27 =	vshll.u32 v21, $0xA;
	v21 =	vshll.u32 v21, $0x7;
	v19 =	vadd.s32 v0, v19  }
0x95: {  	v19 =	vor.u32 v23, v19;
	v23 =	vand.u32 $0xFFFFE000, v27;
	v27 =	vshll.u32 v25, $0xA  }
0x96: {  	v21 =	vand.u32 $0x380, v21;
	v25 =	vshll.u32 v25, $0x7;
	v27 =	vand.u32 $0xFFFFE000, v27  }
0x97: {  	v23 =	vadd.s32 v0, v23;
	v25 =	vand.u32 $0x380, v25;
	v27 =	vadd.s32 v0, v27  }
0x98: {  	v21 =	vor.u32 v21, v23;
	v23 =	vor.u32 v25, v27;
	v25 =	vshll.u32 v29, $0xA;
	v27 =	vld [tilespmem:$0x260]  }
0x99: {  	v21 =	vor.u32 v61, v21;
	v29 =	vshll.u32 v29, $0x7;
	v61 =	vld [tilespmem:$0x1FF90];
	v25 =	vand.u32 $0xFFFFE000, v25  }
0x9a: {  	v36 =	vshll.u32 v36, $0x7;
	v29 =	vand.u32 $0x380, v29;
	v25 =	vadd.s32 v0, v25  }
0x9b: {  	v63 =	vand.u32 $0xFFFFE000, v62;
	v25 =	vor.u32 v29, v25;
	v29 =	vadd.s32 v0, v34;
	v34 =	vld [tilespmem:$0x280]  }
0x9c: {  	v36 =	vand.u32 $0x380, v36;
	v2 =	vor.u32 v16, v2;
	v4 =	vor.u32 v16, v4  }
0x9d: {  	v6 =	vor.u32 v16, v6;
	v29 =	vor.u32 v32, v29;
	v32 =	vshll.u32 v27, $0xA  }
0x9e: {  	v29 =	vor.u32 v61, v29;
	v27 =	vshll.u32 v27, $0x7;
	v61 =	vld [tilespmem:$0x290];
	v32 =	vand.u32 $0xFFFFE000, v32  }
0x9f: {  	v10 =	vor.u32 v18, v10;
	v27 =	vand.u32 $0x380, v27;
	v32 =	vadd.s32 v0, v32  }
0xa0: {  	[tilespmem:$0x850] =	vst v10;
	v10 =	vld [tilespmem:$0x1FFA0];
	v27 =	vor.u32 v27, v32;
	v32 =	vadd.s32 v0, v63;
	v62 =	vshll.u32 v34, $0xA  }
0xa1: {  	v12 =	vor.u32 v18, v12;
	v63 =	vld [tilespmem:$0x2A0];
	v32 =	vor.u32 v36, v32;
	v62 =	vand.u32 $0xFFFFE000, v62  }
0xa2: {  	[tilespmem:$0x810] =	vst v2;
	v14 =	vor.u32 v20, v14;
	v2 =	vor.u32 v24, v32;
	v32 =	vadd.s32 v0, v62;
	v62 =	vld [tilespmem:$0x2B0]  }
0xa3: {  	[tilespmem:$0x820] =	vst v4;
	v23 =	vor.u32 v22, v23;
	v4 =	vshll.u32 v34, $0x7;
	v36 =	vshll.u32 v61, $0xA  }
0xa4: {  	[tilespmem:$0x830] =	vst v6;
	v4 =	vand.u32 $0x380, v4;
	v61 =	vshll.u32 v61, $0x7;
	v34 =	vand.u32 $0xFFFFE000, v36  }
0xa5: {  	[tilespmem:$0x840] =	vst v8;
	v61 =	vand.u32 $0x380, v61;
	v4 =	vor.u32 v4, v32;
	v6 =	vadd.s32 v0, v34  }
0xa6: {  	[tilespmem:$0x880] =	vst v14;
	v14 =	vld [tilespmem:$0x2E0];
	v4 =	vor.u32 v10, v4;
	v8 =	vshll.u32 v63, $0xA;
	v10 =	vshll.u32 v63, $0x7  }
0xa7: {  	[tilespmem:$0x860] =	vst v12;
	v8 =	vand.u32 $0xFFFFE000, v8;
	v10 =	vand.u32 $0x380, v10;
	v12 =	vshll.u32 v62, $0xA  }
0xa8: {  	[tilespmem:$0x870] =	vst v17;
	v36 =	vld [tilespmem:$0x2C0];
	v8 =	vadd.s32 v0, v8;
	v17 =	vshll.u32 v62, $0x7;
	v12 =	vand.u32 $0xFFFFE000, v12  }
0xa9: {  	v8 =	vor.u32 v10, v8;
	v10 =	vadd.s32 v0, v12;
	v12 =	vand.u32 $0x380, v17;
	v17 =	vld [tilespmem:$0x1FFB0]  }
0xaa: {  	v19 =	vor.u32 v20, v19;
	[tilespmem:$0x8B0] =	vst v23;
	v6 =	vor.u32 v61, v6;
	v61 =	vld [tilespmem:$0x2D0]  }
0xab: {  	v23 =	vshll.u32 v14, $0xA;
	v25 =	vor.u32 v22, v25;
	[tilespmem:$0x900] =	vst v4;
	v4 =	vshll.u32 v14, $0x7  }
0xac: {  	[tilespmem:$0x8C0] =	vst v25;
	v25 =	vld [tilespmem:$0x300];
	v27 =	vor.u32 v24, v27;
	v6 =	vor.u32 v26, v6;
	v4 =	vand.u32 $0x380, v4  }
0xad: {  	v8 =	vor.u32 v26, v8;
	v10 =	vor.u32 v12, v10;
	v12 =	vshll.u32 v36, $0xA  }
0xae: {  	[tilespmem:$0x890] =	vst v19;
	v19 =	vld [tilespmem:$0x2F0];
	v12 =	vand.u32 $0xFFFFE000, v12;
	v10 =	vor.u32 v17, v10;
	v17 =	vshll.u32 v36, $0x7  }
0xaf: {  	[tilespmem:$0x8A0] =	vst v21;
	v21 =	vshll.u32 v61, $0xA;
	v12 =	vadd.s32 v0, v12;
	v17 =	vand.u32 $0x380, v17  }
0xb0: {  	[tilespmem:$0x920] =	vst v8;
	v12 =	vor.u32 v17, v12;
	v17 =	vand.u32 $0xFFFFE000, v21;
	v21 =	vshll.u32 v61, $0x7  }
0xb1: {  	v8 =	vshll.u32 v25, $0xA;
	[tilespmem:$0x930] =	vst v10;
	v10 =	vld [tilespmem:$0x1FFC0];
	v17 =	vadd.s32 v0, v17;
	v21 =	vand.u32 $0x380, v21  }
0xb2: {  	v8 =	vand.u32 $0xFFFFE000, v8;
	v17 =	vor.u32 v21, v17;
	v21 =	vand.u32 $0xFFFFE000, v23;
	v23 =	vld [tilespmem:$0x310]  }
0xb3: {  	[tilespmem:$0x8F0] =	vst v2;
	v2 =	vor.u32 v28, v17;
	v17 =	vadd.s32 v0, v21;
	v21 =	vshll.u32 v19, $0xA  }
0xb4: {  	[tilespmem:$0x8D0] =	vst v29;
	v8 =	vadd.s32 v0, v8;
	v12 =	vor.u32 v28, v12;
	v14 =	vand.u32 $0xFFFFE000, v21  }
0xb5: {  	[tilespmem:$0x910] =	vst v6;
	v19 =	vshll.u32 v19, $0x7;
	v4 =	vor.u32 v4, v17;
	v6 =	vadd.s32 v0, v14  }
0xb6: {  	[tilespmem:$0x940] =	vst v12;
	v14 =	vand.u32 $0x380, v19;
	v4 =	vor.u32 v10, v4;
	v10 =	vshll.u32 v25, $0x7  }
0xb7: {  	[tilespmem:$0x950] =	vst v2;
	v6 =	vor.u32 v14, v6;
	v2 =	vand.u32 $0x380, v10;
	v12 =	vshll.u32 v23, $0xA  }
0xb8: {  	[tilespmem:$0x8E0] =	vst v27;
	v6 =	vor.u32 v30, v6;
	v10 =	vand.u32 $0xFFFFE000, v12;
	v12 =	vshll.u32 v23, $0x7  }
0xb9: {  	[tilespmem:$0x960] =	vst v4;
	v2 =	vor.u32 v2, v8;
	v4 =	vadd.s32 v0, v10;
	v8 =	vand.u32 $0x380, v12  }
0xba: {  	[tilespmem:$0x970] =	vst v6;
	v2 =	vor.u32 v30, v2;
	v4 =	vor.u32 v8, v4  }
0xbb: {  	[tilespmem:$0x980] =	vst v2;
	v2 =	vor.u32 v30, v4  }
0xbc: {  	[tilespmem:$0x990] =	vst v2  }
0xbd: {  	[tilespmem:s12], [sflag:$0x1] =	stream.indirect.gather [hbm4b:s1+s8], $0x1, s11, s8, $0xb8;
	[tilespmem:$0x1400] =	vst v63  }
0xbe: {  	v2 =	vld [tilespmem:$0x320]  }
0xbf: {  	v8 =	vld [tilespmem:$0x340]  }
0xc0: {  	v23 =	vld [tilespmem:$0x3A0]  }
0xc1: {  	v63 =	vld [tilespmem:$0x3E0]  }
0xc2: {  	v4 =	vld [tilespmem:$0x330]  }
0xc3: {  	v6 =	vshll.u32 v2, $0xA  }
0xc4: {  	v2 =	vshll.u32 v2, $0x7;
	v14 =	vshll.u32 v8, $0xA;
	v8 =	vshll.u32 v8, $0x7  }
0xc5: {  	v27 =	vshll.u32 v23, $0xA;
	v23 =	vshll.u32 v23, $0x7;
	v6 =	vand.u32 $0xFFFFE000, v6  }
0xc6: {  	v10 =	vld [tilespmem:$0x350];
	v61 =	vshll.u32 v63, $0xA;
	v2 =	vand.u32 $0x380, v2;
	v6 =	vadd.s32 v0, v6  }
0xc7: {  	v12 =	vld [tilespmem:$0x360];
	v32 =	vshll.u32 v63, $0x7;
	v2 =	vor.u32 v2, v6;
	v6 =	vshll.u32 v4, $0xA  }
0xc8: {  	v8 =	vand.u32 $0x380, v8;
	v4 =	vshll.u32 v4, $0x7;
	v6 =	vand.u32 $0xFFFFE000, v6  }
0xc9: {  	v23 =	vand.u32 $0x380, v23;
	v4 =	vand.u32 $0x380, v4;
	v6 =	vadd.s32 v0, v6  }
0xca: {  	v21 =	vld [tilespmem:$0x1FFD0];
	v34 =	vand.u32 $0xFFFFE000, v61;
	v4 =	vor.u32 v4, v6;
	v6 =	vand.u32 $0xFFFFE000, v14  }
0xcb: {  	v17 =	vld [tilespmem:$0x370];
	v14 =	vshll.u32 v10, $0xA;
	v10 =	vshll.u32 v10, $0x7;
	v6 =	vadd.s32 v0, v6  }
0xcc: {  	v19 =	vld [tilespmem:$0x380];
	v6 =	vor.u32 v8, v6;
	v8 =	vand.u32 $0xFFFFE000, v14;
	v14 =	vshll.u32 v12, $0xA  }
0xcd: {  	v10 =	vand.u32 $0x380, v10;
	v12 =	vshll.u32 v12, $0x7;
	v14 =	vand.u32 $0xFFFFE000, v14  }
0xce: {  	v8 =	vadd.s32 v0, v8;
	v12 =	vand.u32 $0x380, v12;
	v14 =	vadd.s32 v0, v14  }
0xcf: {  	v25 =	vld [tilespmem:$0x1FFE0];
	v32 =	vand.u32 $0x380, v32;
	v8 =	vor.u32 v10, v8;
	v10 =	vor.u32 v12, v14  }
0xd0: {  	v12 =	vshll.u32 v17, $0xA;
	v14 =	vld [tilespmem:$0x390];
	v8 =	vor.u32 v21, v8;
	v17 =	vshll.u32 v17, $0x7  }
0xd1: {  	v21 =	vshll.u32 v19, $0xA;
	v19 =	vshll.u32 v19, $0x7;
	v12 =	vand.u32 $0xFFFFE000, v12  }
0xd2: {  	v17 =	vand.u32 $0x380, v17;
	v21 =	vand.u32 $0xFFFFE000, v21;
	v12 =	vadd.s32 v0, v12  }
0xd3: {  	v19 =	vand.u32 $0x380, v19;
	v12 =	vor.u32 v17, v12;
	v17 =	vadd.s32 v0, v21;
	v21 =	vld [tilespmem:$0x3B0]  }
0xd4: {  	v2 =	vor.u32 v31, v2;
	v4 =	vor.u32 v31, v4;
	v17 =	vor.u32 v19, v17  }
0xd5: {  	v6 =	vor.u32 v31, v6;
	v19 =	vshll.u32 v14, $0xA;
	v17 =	vor.u32 v25, v17;
	v25 =	vld [tilespmem:$0x3C0]  }
0xd6: {  	v10 =	vor.u32 v33, v10;
	v14 =	vshll.u32 v14, $0x7;
	v19 =	vand.u32 $0xFFFFE000, v19  }
0xd7: {  	v12 =	vor.u32 v33, v12;
	v14 =	vand.u32 $0x380, v14;
	v19 =	vadd.s32 v0, v19  }
0xd8: {  	v29 =	vld [tilespmem:$0x3D0];
	v14 =	vor.u32 v14, v19;
	v19 =	vand.u32 $0xFFFFE000, v27;
	v27 =	vshll.u32 v21, $0xA  }
0xd9: {  	v36 =	vld [tilespmem:$0x1FFF0];
	v21 =	vshll.u32 v21, $0x7;
	v19 =	vadd.s32 v0, v19;
	v14 =	vor.u32 v35, v14  }
0xda: {  	v19 =	vor.u32 v23, v19;
	v23 =	vand.u32 $0xFFFFE000, v27;
	v27 =	vshll.u32 v25, $0xA  }
0xdb: {  	v21 =	vand.u32 $0x380, v21;
	v25 =	vshll.u32 v25, $0x7;
	v27 =	vand.u32 $0xFFFFE000, v27  }
0xdc: {  	[tilespmem:$0xA10] =	vst v14;
	v14 =	vld [tilespmem:$0x470];
	v23 =	vadd.s32 v0, v23;
	v25 =	vand.u32 $0x380, v25;
	v27 =	vadd.s32 v0, v27  }
0xdd: {  	v21 =	vor.u32 v21, v23;
	v23 =	vor.u32 v25, v27;
	v25 =	vshll.u32 v29, $0xA;
	v27 =	vld [tilespmem:$0x3F0]  }
0xde: {  	v21 =	vor.u32 v36, v21;
	v29 =	vshll.u32 v29, $0x7;
	v36 =	vld [tilespmem:$0x400];
	v25 =	vand.u32 $0xFFFFE000, v25  }
0xdf: {  	v19 =	vor.u32 v35, v19;
	v29 =	vand.u32 $0x380, v29;
	v25 =	vadd.s32 v0, v25  }
0xe0: {  	v23 =	vor.u32 v37, v23;
	v25 =	vor.u32 v29, v25;
	v29 =	vadd.s32 v0, v34  }
0xe1: {  	[tilespmem:$0xA40] =	vst v23;
	v23 =	vshll.u32 v14, $0xA;
	v34 =	vld [tilespmem:$0x410];
	v25 =	vor.u32 v37, v25;
	v29 =	vor.u32 v32, v29  }
0xe2: {  	v61 =	vld [tilespmem:$0x420];
	v62 =	vshll.u32 v27, $0xA;
	v29 =	vor.u32 v38, v29;
	v27 =	vshll.u32 v27, $0x7  }
0xe3: {  	v32 =	vand.u32 $0xFFFFE000, v62;
	v27 =	vand.u32 $0x380, v27;
	v62 =	vshll.u32 v36, $0xA  }
0xe4: {  	v36 =	vshll.u32 v36, $0x7;
	v32 =	vadd.s32 v0, v32;
	v63 =	vand.u32 $0xFFFFE000, v62  }
0xe5: {  	v36 =	vand.u32 $0x380, v36;
	v27 =	vor.u32 v27, v32;
	v32 =	vadd.s32 v0, v63  }
0xe6: {  	[tilespmem:$0x9B0] =	vst v4;
	v62 =	vshll.u32 v34, $0xA;
	v63 =	vld [tilespmem:$0x430];
	v4 =	vshll.u32 v34, $0x7;
	v32 =	vor.u32 v36, v32  }
0xe7: {  	[tilespmem:$0x9A0] =	vst v2;
	v62 =	vand.u32 $0xFFFFE000, v62;
	v36 =	vshll.u32 v61, $0xA;
	v61 =	vshll.u32 v61, $0x7  }
0xe8: {  	[tilespmem:$0x9C0] =	vst v6;
	v2 =	vor.u32 v39, v32;
	v32 =	vadd.s32 v0, v62;
	v62 =	vld [tilespmem:$0x440];
	v34 =	vand.u32 $0xFFFFE000, v36  }
0xe9: {  	[tilespmem:$0x9D0] =	vst v8;
	v4 =	vand.u32 $0x380, v4;
	v36 =	vand.u32 $0x380, v61;
	v6 =	vadd.s32 v0, v34  }
0xea: {  	[tilespmem:$0x9E0] =	vst v10;
	v27 =	vor.u32 v39, v27;
	v4 =	vor.u32 v4, v32;
	v6 =	vor.u32 v36, v6  }
0xeb: {  	[tilespmem:$0x9F0] =	vst v12;
	v61 =	vld [tilespmem:$0x450];
	v4 =	vor.u32 v40, v4;
	v8 =	vshll.u32 v63, $0xA;
	v6 =	vor.u32 v41, v6  }
0xec: {  	v36 =	vld [tilespmem:$0x460];
	v10 =	vshll.u32 v63, $0x7;
	[tilespmem:$0xA90] =	vst v4;
	v4 =	vshll.u32 v14, $0x7;
	v8 =	vand.u32 $0xFFFFE000, v8  }
0xed: {  	[tilespmem:$0xA50] =	vst v25;
	v25 =	vld [tilespmem:$0x490];
	v10 =	vand.u32 $0x380, v10;
	v4 =	vand.u32 $0x380, v4;
	v12 =	vshll.u32 v62, $0xA  }
0xee: {  	[tilespmem:$0xA00] =	vst v17;
	v8 =	vadd.s32 v0, v8;
	v17 =	vshll.u32 v62, $0x7;
	v12 =	vand.u32 $0xFFFFE000, v12  }
0xef: {  	v8 =	vor.u32 v10, v8;
	v10 =	vadd.s32 v0, v12;
	v12 =	vand.u32 $0x380, v17  }
0xf0: {  	[tilespmem:$0xA20] =	vst v19;
	v8 =	vor.u32 v41, v8;
	v10 =	vor.u32 v12, v10;
	v12 =	vshll.u32 v61, $0xA  }
0xf1: {  	[tilespmem:$0xA30] =	vst v21;
	v17 =	vshll.u32 v61, $0x7;
	v21 =	vshll.u32 v36, $0xA;
	v12 =	vand.u32 $0xFFFFE000, v12  }
0xf2: {  	v19 =	vld [tilespmem:$0x480];
	v17 =	vand.u32 $0x380, v17;
	[tilespmem:$0xAB0] =	vst v8;
	v8 =	vshll.u32 v25, $0xA;
	v12 =	vadd.s32 v0, v12  }
0xf3: {  	v12 =	vor.u32 v17, v12;
	v17 =	vand.u32 $0xFFFFE000, v21;
	v21 =	vshll.u32 v36, $0x7  }
0xf4: {  	v10 =	vor.u32 v42, v10;
	v17 =	vadd.s32 v0, v17;
	v21 =	vand.u32 $0x380, v21  }
0xf5: {  	[tilespmem:$0xA60] =	vst v29;
	v8 =	vand.u32 $0xFFFFE000, v8;
	v17 =	vor.u32 v21, v17;
	v21 =	vand.u32 $0xFFFFE000, v23;
	v23 =	vld [tilespmem:$0x4A0]  }
0xf6: {  	[tilespmem:$0xAC0] =	vst v10;
	v8 =	vadd.s32 v0, v8;
	v10 =	vshll.u32 v25, $0x7;
	v12 =	vor.u32 v43, v12  }
0xf7: {  	[tilespmem:$0xA80] =	vst v2;
	v2 =	vor.u32 v43, v17;
	v17 =	vadd.s32 v0, v21;
	v21 =	vshll.u32 v19, $0xA  }
0xf8: {  	[tilespmem:$0xAA0] =	vst v6;
	v19 =	vshll.u32 v19, $0x7;
	v14 =	vand.u32 $0xFFFFE000, v21;
	v4 =	vor.u32 v4, v17  }
0xf9: {  	[tilespmem:$0xAE0] =	vst v2;
	v2 =	vand.u32 $0x380, v10;
	v6 =	vadd.s32 v0, v14;
	v14 =	vand.u32 $0x380, v19  }
0xfa: {  	[tilespmem:$0xAD0] =	vst v12;
	v4 =	vor.u32 v44, v4;
	v2 =	vor.u32 v2, v8;
	v12 =	vshll.u32 v23, $0xA  }
0xfb: {  	[tilespmem:$0xA70] =	vst v27;
	v6 =	vor.u32 v14, v6;
	v10 =	vand.u32 $0xFFFFE000, v12;
	v12 =	vshll.u32 v23, $0x7  }
0xfc: {  	[tilespmem:$0xAF0] =	vst v4;
	v2 =	vor.u32 v45, v2;
	v4 =	vadd.s32 v0, v10;
	v8 =	vand.u32 $0x380, v12  }
0xfd: {  	v6 =	vor.u32 v45, v6;
	[tilespmem:$0xB10] =	vst v2;
	v4 =	vor.u32 v8, v4  }
0xfe: {  	[tilespmem:$0xB00] =	vst v6;
	v2 =	vor.u32 v45, v4  }
0xff: {  	[tilespmem:$0xB20] =	vst v2  }
0x100: {  	[tilespmem:s14], [sflag:$0x1] =	stream.indirect.gather [hbm4b:s1+s8], $0x1, s13, s8, $0xb8;
	[tilespmem:$0x1400] =	vst v63  }
0x101: {  	v2 =	vld [tilespmem:$0x4B0]  }
0x102: {  	v4 =	vld [tilespmem:$0x4C0]  }
0x103: {  	v12 =	vld [tilespmem:$0x4E0]  }
0x104: {  	v17 =	vld [tilespmem:$0x500]  }
0x105: {  	v25 =	vld [tilespmem:$0x540]  }
0x106: {  	v29 =	vld [tilespmem:$0x560]  }
0x107: {  	v32 =	vld [tilespmem:$0x580]  }
0x108: {  	v36 =	vld [tilespmem:$0x590];
	v6 =	vshll.u32 v2, $0xA  }
0x109: {  	v10 =	vshll.u32 v4, $0xA;
	v2 =	vshll.u32 v2, $0x7;
	v4 =	vshll.u32 v4, $0x7  }
0x10a: {  	v14 =	vshll.u32 v12, $0xA;
	v12 =	vshll.u32 v12, $0x7;
	v21 =	vshll.u32 v17, $0xA  }
0x10b: {  	v8 =	vld [tilespmem:$0x4D0];
	v17 =	vshll.u32 v17, $0x7;
	v27 =	vshll.u32 v25, $0xA;
	v25 =	vshll.u32 v25, $0x7  }
0x10c: {  	v61 =	vshll.u32 v29, $0xA;
	v29 =	vshll.u32 v29, $0x7;
	v34 =	vshll.u32 v32, $0xA  }
0x10d: {  	v32 =	vshll.u32 v32, $0x7;
	v63 =	vshll.u32 v36, $0xA;
	v10 =	vand.u32 $0xFFFFE000, v10  }
0x10e: {  	v6 =	vand.u32 $0xFFFFE000, v6;
	v4 =	vand.u32 $0x380, v4;
	v10 =	vadd.s32 v0, v10  }
0x10f: {  	v2 =	vand.u32 $0x380, v2;
	v6 =	vadd.s32 v0, v6;
	v4 =	vor.u32 v4, v10;
	v10 =	vld [tilespmem:$0x4F0]  }
0x110: {  	v36 =	vshll.u32 v36, $0x7;
	v2 =	vor.u32 v2, v6;
	v6 =	vshll.u32 v8, $0xA  }
0x111: {  	v14 =	vand.u32 $0xFFFFE000, v14;
	v8 =	vshll.u32 v8, $0x7;
	v6 =	vand.u32 $0xFFFFE000, v6  }
0x112: {  	v12 =	vand.u32 $0x380, v12;
	v8 =	vand.u32 $0x380, v8;
	v6 =	vadd.s32 v0, v6  }
0x113: {  	v17 =	vand.u32 $0x380, v17;
	v6 =	vor.u32 v8, v6;
	v8 =	vadd.s32 v0, v14;
	v14 =	vld [tilespmem:$0x510]  }
0x114: {  	v19 =	vld [tilespmem:$0x520];
	v27 =	vand.u32 $0xFFFFE000, v27;
	v8 =	vor.u32 v12, v8;
	v12 =	vshll.u32 v10, $0xA  }
0x115: {  	v25 =	vand.u32 $0x380, v25;
	v10 =	vshll.u32 v10, $0x7;
	v12 =	vand.u32 $0xFFFFE000, v12  }
0x116: {  	v29 =	vand.u32 $0x380, v29;
	v10 =	vand.u32 $0x380, v10;
	v12 =	vadd.s32 v0, v12  }
0x117: {  	v34 =	vand.u32 $0xFFFFE000, v34;
	v10 =	vor.u32 v10, v12;
	v12 =	vand.u32 $0xFFFFE000, v21  }
0x118: {  	v23 =	vld [tilespmem:$0x530];
	v21 =	vshll.u32 v14, $0xA;
	v14 =	vshll.u32 v14, $0x7;
	v12 =	vadd.s32 v0, v12  }
0x119: {  	v12 =	vor.u32 v17, v12;
	v17 =	vand.u32 $0xFFFFE000, v21;
	v21 =	vshll.u32 v19, $0xA  }
0x11a: {  	v14 =	vand.u32 $0x380, v14;
	v19 =	vshll.u32 v19, $0x7;
	v21 =	vand.u32 $0xFFFFE000, v21  }
0x11b: {  	v17 =	vadd.s32 v0, v17;
	v19 =	vand.u32 $0x380, v19;
	v21 =	vadd.s32 v0, v21  }
0x11c: {  	v32 =	vand.u32 $0x380, v32;
	v14 =	vor.u32 v14, v17;
	v17 =	vor.u32 v19, v21;
	v21 =	vld [tilespmem:$0x550]  }
0x11d: {  	v36 =	vand.u32 $0x380, v36;
	v34 =	vadd.s32 v0, v34;
	v19 =	vshll.u32 v23, $0xA  }
0x11e: {  	v2 =	vor.u32 v46, v2;
	v23 =	vshll.u32 v23, $0x7;
	v19 =	vand.u32 $0xFFFFE000, v19  }
0x11f: {  	v4 =	vor.u32 v46, v4;
	v23 =	vand.u32 $0x380, v23;
	v19 =	vadd.s32 v0, v19  }
0x120: {  	v6 =	vor.u32 v46, v6;
	v19 =	vor.u32 v23, v19;
	v23 =	vadd.s32 v0, v27;
	v27 =	vld [tilespmem:$0x570]  }
0x121: {  	v8 =	vor.u32 v47, v8;
	v23 =	vor.u32 v25, v23;
	v25 =	vshll.u32 v21, $0xA  }
0x122: {  	v10 =	vor.u32 v48, v10;
	v21 =	vshll.u32 v21, $0x7;
	v25 =	vand.u32 $0xFFFFE000, v25  }
0x123: {  	v12 =	vor.u32 v48, v12;
	v21 =	vand.u32 $0x380, v21;
	v25 =	vadd.s32 v0, v25  }
0x124: {  	v14 =	vor.u32 v49, v14;
	v21 =	vor.u32 v21, v25;
	v25 =	vand.u32 $0xFFFFE000, v61  }
0x125: {  	v17 =	vor.u32 v50, v17;
	v62 =	vshll.u32 v27, $0xA;
	v61 =	vld [tilespmem:$0x5A0];
	v25 =	vadd.s32 v0, v25  }
0x126: {  	v27 =	vshll.u32 v27, $0x7;
	v25 =	vor.u32 v29, v25;
	v29 =	vand.u32 $0xFFFFE000, v62  }
0x127: {  	v19 =	vor.u32 v50, v19;
	v27 =	vand.u32 $0x380, v27;
	v29 =	vadd.s32 v0, v29  }
0x128: {  	v23 =	vor.u32 v51, v23;
	v27 =	vor.u32 v27, v29;
	v29 =	vor.u32 v32, v34;
	v34 =	vld [tilespmem:$0x5B0]  }
0x129: {  	v21 =	vor.u32 v52, v21;
	v25 =	vor.u32 v52, v25;
	v32 =	vand.u32 $0xFFFFE000, v63  }
0x12a: {  	v63 =	vld [tilespmem:$0x5C0];
	v27 =	vor.u32 v53, v27;
	v29 =	vor.u32 v54, v29;
	v62 =	vshll.u32 v61, $0xA  }
0x12b: {  	v32 =	vadd.s32 v0, v32;
	v61 =	vshll.u32 v61, $0x7;
	v62 =	vand.u32 $0xFFFFE000, v62  }
0x12c: {  	[tilespmem:$0xB30] =	vst v2;
	v2 =	vor.u32 v36, v32;
	v36 =	vand.u32 $0x380, v61;
	v61 =	vld [tilespmem:$0x5D0];
	v32 =	vadd.s32 v0, v62  }
0x12d: {  	[tilespmem:$0xB40] =	vst v4;
	v2 =	vor.u32 v54, v2;
	v4 =	vor.u32 v36, v32;
	v36 =	vshll.u32 v34, $0xA  }
0x12e: {  	[tilespmem:$0xB50] =	vst v6;
	v4 =	vor.u32 v55, v4;
	v62 =	vshll.u32 v34, $0x7;
	v6 =	vand.u32 $0xFFFFE000, v36  }
0x12f: {  	[tilespmem:$0xB60] =	vst v8;
	v8 =	vand.u32 $0x380, v62;
	v36 =	vshll.u32 v63, $0xA;
	v62 =	vld [tilespmem:$0x5E0];
	v6 =	vadd.s32 v0, v6  }
0x130: {  	[tilespmem:$0xB70] =	vst v10;
	v10 =	vshll.u32 v63, $0x7;
	v63 =	vld [tilespmem:$0x5F0];
	v6 =	vor.u32 v8, v6;
	v8 =	vand.u32 $0xFFFFE000, v36  }
0x131: {  	[tilespmem:$0xB80] =	vst v12;
	v10 =	vand.u32 $0x380, v10;
	v12 =	vshll.u32 v61, $0xA;
	v8 =	vadd.s32 v0, v8  }
0x132: {  	[tilespmem:$0xB90] =	vst v14;
	v14 =	vld [tilespmem:$0x600];
	v8 =	vor.u32 v10, v8;
	v10 =	vand.u32 $0xFFFFE000, v12;
	v12 =	vshll.u32 v61, $0x7  }
0x133: {  	[tilespmem:$0xBA0] =	vst v17;
	v6 =	vor.u32 v56, v6;
	v10 =	vadd.s32 v0, v10;
	v12 =	vand.u32 $0x380, v12  }
0x134: {  	[tilespmem:$0xBB0] =	vst v19;
	v8 =	vor.u32 v56, v8;
	v10 =	vor.u32 v12, v10;
	v12 =	vshll.u32 v62, $0xA  }
0x135: {  	[tilespmem:$0xBC0] =	vst v23;
	v23 =	vld [tilespmem:$0x610];
	v17 =	vshll.u32 v62, $0x7;
	v19 =	vshll.u32 v63, $0xA;
	v12 =	vand.u32 $0xFFFFE000, v12  }
0x136: {  	[tilespmem:$0xBD0] =	vst v21;
	v17 =	vand.u32 $0x380, v17;
	v19 =	vand.u32 $0xFFFFE000, v19;
	v12 =	vadd.s32 v0, v12  }
0x137: {  	[tilespmem:$0xBE0] =	vst v25;
	v12 =	vor.u32 v17, v12;
	v17 =	vadd.s32 v0, v19;
	v19 =	vshll.u32 v14, $0xA  }
0x138: {  	v25 =	vld [tilespmem:$0x620];
	[tilespmem:$0xBF0] =	vst v27;
	v21 =	vshll.u32 v63, $0x7;
	v14 =	vshll.u32 v14, $0x7;
	v19 =	vand.u32 $0xFFFFE000, v19  }
0x139: {  	[tilespmem:$0xC00] =	vst v29;
	v21 =	vand.u32 $0x380, v21;
	v14 =	vand.u32 $0x380, v14;
	v19 =	vadd.s32 v0, v19  }
0x13a: {  	[tilespmem:$0xC10] =	vst v2;
	v2 =	vor.u32 v21, v17;
	v17 =	vshll.u32 v23, $0xA;
	v14 =	vor.u32 v14, v19;
	v19 =	vld [tilespmem:$0x630]  }
0x13b: {  	[tilespmem:$0xC20] =	vst v4;
	v4 =	vor.u32 v57, v10;
	v10 =	vand.u32 $0xFFFFE000, v17;
	v17 =	vshll.u32 v23, $0x7  }
0x13c: {  	[tilespmem:$0xC30] =	vst v6;
	v6 =	vor.u32 v58, v12;
	v10 =	vadd.s32 v0, v10;
	v12 =	vand.u32 $0x380, v17  }
0x13d: {  	[tilespmem:$0xC40] =	vst v8;
	v2 =	vor.u32 v58, v2;
	v8 =	vor.u32 v12, v10;
	v10 =	vshll.u32 v25, $0xA  }
0x13e: {  	[tilespmem:$0xC50] =	vst v4;
	v4 =	vor.u32 v59, v14;
	v8 =	vor.u32 v60, v8;
	v10 =	vand.u32 $0xFFFFE000, v10  }
0x13f: {  	[tilespmem:$0xC60] =	vst v6;
	v6 =	vadd.s32 v0, v10;
	v10 =	vshll.u32 v25, $0x7;
	v12 =	vshll.u32 v19, $0xA  }
0x140: {  	[tilespmem:$0xC70] =	vst v2;
	v2 =	vand.u32 $0x380, v10;
	v10 =	vand.u32 $0xFFFFE000, v12;
	v12 =	vshll.u32 v19, $0x7  }
0x141: {  	[tilespmem:$0xC80] =	vst v4;
	v2 =	vor.u32 v2, v6;
	v4 =	vadd.s32 v0, v10;
	v6 =	vand.u32 $0x380, v12  }
0x142: {  	[tilespmem:$0xC90] =	vst v8;
	v2 =	vor.u32 v60, v2;
	v4 =	vor.u32 v6, v4  }
0x143: {  	[tilespmem:$0xCA0] =	vst v2;
	v2 =	vor.u32 v60, v4  }
0x144: {  	[tilespmem:$0xCB0] =	vst v2  }
0x145: {  	[tilespmem:s16], [sflag:$0x1] =	stream.indirect.gather [hbm4b:s1+s8], $0x1, s15, s8, $0xb8;
	[tilespmem:$0x1400] =	vst v63  }
0x146: {  	_ =	swait.ge [sflag:s17], $0x190  }
0x147: {  	[sflag:s17] =	ssyncset.done $0x0  }
0x148: {  	[sflag:s17] =	ssyncadd.s32 $0xFFFFFE70  }
0x149: {  	_ =	swait.ge [sflag:s17], $0x190  }
0x14a: {  	[sflag:s17] =	ssyncset.done $0x0  }
0x14b: {  	[sflag:s17] =	ssyncadd.s32 $0xFFFFFE70  }
0x14c: {  	_ =	swait.ge [sflag:s17], $0x190  }
0x14d: {  	[sflag:s17] =	ssyncset.done $0x0  }
0x14e: {  	[sflag:s17] =	ssyncadd.s32 $0xFFFFFE70  }
0x14f: {  	_ =	swait.ge [sflag:s17], $0x190  }
0x150: {  	[sflag:s17] =	ssyncset.done $0x0  }
0x151: {  	[sflag:s17] =	ssyncadd.s32 $0xFFFFFE70  }
0x152: {  	v2 =	vld [tilespmem:$0x0]  }
0x153: {  	v4 =	vld [tilespmem:$0xD00]  }
0x154: {  	v6 =	vld [tilespmem:$0x10]  }
0x155: {  	v8 =	vld [tilespmem:$0xD10]  }
0x156: {  	v10 =	vld [tilespmem:$0x20]  }
0x157: {  	v12 =	vld [tilespmem:$0xD20]  }
0x158: {  	v14 =	vld [tilespmem:$0x30];
	v4 =	vadd.f32 $0.0e+00, v4  }
0x159: {  	vm0 =	veq.s32 v2, $0x0;
	vm1 =	veq.s32 v6, $0x0;
	v2 =	vld [tilespmem:$0xD30]  }
0x15a: {  	v6 =	vsel vm1, $0x0, v8;
	v8 =	vld [tilespmem:$0x40];
	v4 =	vsel vm0, $0x0, v4  }
0x15b: {  	vm14 =	veq.s32 v10, $0x0;
	v4 =	vadd.f32 v6, v4;
	v6 =	vld [tilespmem:$0xD40]  }
0x15c: {  	v10 =	vsel vm14, $0x0, v12;
	v12 =	vld [tilespmem:$0x50]  }
0x15d: {  	vm15 =	veq.s32 v14, $0x0;
	v4 =	vadd.f32 v10, v4;
	v10 =	vld [tilespmem:$0xD50]  }
0x15e: {  	v14 =	vld [tilespmem:$0x60];
	v2 =	vsel vm15, $0x0, v2  }
0x15f: {  	vm4 =	veq.s32 v8, $0x0;
	v2 =	vadd.f32 v2, v4;
	v4 =	vld [tilespmem:$0xD60]  }
0x160: {  	v8 =	vld [tilespmem:$0x70];
	v6 =	vsel vm4, $0x0, v6  }
0x161: {  	vm5 =	veq.s32 v12, $0x0;
	v2 =	vadd.f32 v6, v2;
	v6 =	vld [tilespmem:$0xD70]  }
0x162: {  	v12 =	vld [tilespmem:$0x80];
	v10 =	vsel vm5, $0x0, v10  }
0x163: {  	vm6 =	veq.s32 v14, $0x0;
	v2 =	vadd.f32 v10, v2;
	v10 =	vld [tilespmem:$0xD80]  }
0x164: {  	v14 =	vld [tilespmem:$0x90];
	v4 =	vsel vm6, $0x0, v4  }
0x165: {  	vm7 =	veq.s32 v8, $0x0;
	v2 =	vadd.f32 v4, v2;
	v4 =	vld [tilespmem:$0xD90]  }
0x166: {  	v8 =	vld [tilespmem:$0xA0];
	v6 =	vsel vm7, $0x0, v6  }
0x167: {  	vm8 =	veq.s32 v12, $0x0;
	v2 =	vadd.f32 v6, v2;
	v6 =	vld [tilespmem:$0xDA0]  }
0x168: {  	v12 =	vld [tilespmem:$0xB0];
	v10 =	vsel vm8, $0x0, v10  }
0x169: {  	vm9 =	veq.s32 v14, $0x0;
	v2 =	vadd.f32 v10, v2;
	v10 =	vld [tilespmem:$0xDB0]  }
0x16a: {  	v14 =	vld [tilespmem:$0xC0];
	v4 =	vsel vm9, $0x0, v4  }
0x16b: {  	vm10 =	veq.s32 v8, $0x0;
	v2 =	vadd.f32 v4, v2;
	v4 =	vld [tilespmem:$0xDC0]  }
0x16c: {  	v8 =	vld [tilespmem:$0xD0];
	v6 =	vsel vm10, $0x0, v6  }
0x16d: {  	vm11 =	veq.s32 v12, $0x0;
	v2 =	vadd.f32 v6, v2;
	v6 =	vld [tilespmem:$0xDD0]  }
0x16e: {  	v12 =	vld [tilespmem:$0xE0];
	v10 =	vsel vm11, $0x0, v10  }
0x16f: {  	vm12 =	veq.s32 v14, $0x0;
	v2 =	vadd.f32 v10, v2;
	v10 =	vld [tilespmem:$0xDE0]  }
0x170: {  	v14 =	vld [tilespmem:$0xF0];
	v4 =	vsel vm12, $0x0, v4  }
0x171: {  	vm13 =	veq.s32 v8, $0x0;
	v2 =	vadd.f32 v4, v2;
	v4 =	vld [tilespmem:$0xDF0]  }
0x172: {  	v8 =	vld [tilespmem:$0x100];
	v6 =	vsel vm13, $0x0, v6  }
0x173: {  	vm14 =	veq.s32 v12, $0x0;
	v2 =	vadd.f32 v6, v2;
	v6 =	vld [tilespmem:$0xE00]  }
0x174: {  	v12 =	vld [tilespmem:$0x110];
	v10 =	vsel vm14, $0x0, v10  }
0x175: {  	vm15 =	veq.s32 v14, $0x0;
	v2 =	vadd.f32 v10, v2;
	v10 =	vld [tilespmem:$0xE10]  }
0x176: {  	v14 =	vld [tilespmem:$0x120];
	v4 =	vsel vm15, $0x0, v4  }
0x177: {  	vm4 =	veq.s32 v8, $0x0;
	v2 =	vadd.f32 v4, v2;
	v4 =	vld [tilespmem:$0xE20]  }
0x178: {  	v8 =	vld [tilespmem:$0x130];
	v6 =	vsel vm4, $0x0, v6  }
0x179: {  	vm5 =	veq.s32 v12, $0x0;
	v2 =	vadd.f32 v6, v2;
	v6 =	vld [tilespmem:$0xE30]  }
0x17a: {  	v12 =	vld [tilespmem:$0x140];
	v10 =	vsel vm5, $0x0, v10  }
0x17b: {  	vm6 =	veq.s32 v14, $0x0;
	v2 =	vadd.f32 v10, v2;
	v10 =	vld [tilespmem:$0xE40]  }
0x17c: {  	v14 =	vld [tilespmem:$0x150];
	v4 =	vsel vm6, $0x0, v4  }
0x17d: {  	vm7 =	veq.s32 v8, $0x0;
	v2 =	vadd.f32 v4, v2;
	v4 =	vld [tilespmem:$0xE50]  }
0x17e: {  	v8 =	vld [tilespmem:$0x160];
	v6 =	vsel vm7, $0x0, v6  }
0x17f: {  	vm8 =	veq.s32 v12, $0x0;
	v2 =	vadd.f32 v6, v2;
	v6 =	vld [tilespmem:$0xE60]  }
0x180: {  	v12 =	vld [tilespmem:$0x170];
	v10 =	vsel vm8, $0x0, v10  }
0x181: {  	vm9 =	veq.s32 v14, $0x0;
	v2 =	vadd.f32 v10, v2;
	v10 =	vld [tilespmem:$0xE70]  }
0x182: {  	v14 =	vld [tilespmem:$0x180];
	v4 =	vsel vm9, $0x0, v4  }
0x183: {  	vm10 =	veq.s32 v8, $0x0;
	v2 =	vadd.f32 v4, v2;
	v4 =	vld [tilespmem:$0xE80]  }
0x184: {  	v8 =	vld [tilespmem:$0x190];
	v6 =	vsel vm10, $0x0, v6  }
0x185: {  	vm11 =	veq.s32 v12, $0x0;
	v2 =	vadd.f32 v6, v2;
	v6 =	vld [tilespmem:$0xE90]  }
0x186: {  	v12 =	vld [tilespmem:$0x1A0];
	v10 =	vsel vm11, $0x0, v10  }
0x187: {  	vm12 =	veq.s32 v14, $0x0;
	v2 =	vadd.f32 v10, v2;
	v10 =	vld [tilespmem:$0xEA0]  }
0x188: {  	v14 =	vld [tilespmem:$0x1B0];
	v4 =	vsel vm12, $0x0, v4  }
0x189: {  	vm13 =	veq.s32 v8, $0x0;
	v2 =	vadd.f32 v4, v2;
	v4 =	vld [tilespmem:$0xEB0]  }
0x18a: {  	v8 =	vld [tilespmem:$0x1C0];
	v6 =	vsel vm13, $0x0, v6  }
0x18b: {  	vm14 =	veq.s32 v12, $0x0;
	v2 =	vadd.f32 v6, v2;
	v6 =	vld [tilespmem:$0xEC0]  }
0x18c: {  	v12 =	vld [tilespmem:$0x1D0];
	v10 =	vsel vm14, $0x0, v10  }
0x18d: {  	vm15 =	veq.s32 v14, $0x0;
	v2 =	vadd.f32 v10, v2;
	v10 =	vld [tilespmem:$0xED0]  }
0x18e: {  	v14 =	vld [tilespmem:$0x1E0];
	v4 =	vsel vm15, $0x0, v4  }
0x18f: {  	vm4 =	veq.s32 v8, $0x0;
	v2 =	vadd.f32 v4, v2;
	v4 =	vld [tilespmem:$0xEE0]  }
0x190: {  	v8 =	vld [tilespmem:$0x1F0];
	v6 =	vsel vm4, $0x0, v6  }
0x191: {  	vm5 =	veq.s32 v12, $0x0;
	v2 =	vadd.f32 v6, v2;
	v6 =	vld [tilespmem:$0xEF0]  }
0x192: {  	v12 =	vld [tilespmem:$0x200];
	v10 =	vsel vm5, $0x0, v10  }
0x193: {  	vm6 =	veq.s32 v14, $0x0;
	v2 =	vadd.f32 v10, v2;
	v10 =	vld [tilespmem:$0xF00]  }
0x194: {  	v14 =	vld [tilespmem:$0x210];
	v4 =	vsel vm6, $0x0, v4  }
0x195: {  	vm7 =	veq.s32 v8, $0x0;
	v2 =	vadd.f32 v4, v2;
	v4 =	vld [tilespmem:$0xF10]  }
0x196: {  	v8 =	vld [tilespmem:$0x220];
	v6 =	vsel vm7, $0x0, v6  }
0x197: {  	vm8 =	veq.s32 v12, $0x0;
	v2 =	vadd.f32 v6, v2;
	v6 =	vld [tilespmem:$0xF20]  }
0x198: {  	v12 =	vld [tilespmem:$0x230];
	v10 =	vsel vm8, $0x0, v10  }
0x199: {  	vm9 =	veq.s32 v14, $0x0;
	v2 =	vadd.f32 v10, v2;
	v10 =	vld [tilespmem:$0xF30]  }
0x19a: {  	v14 =	vld [tilespmem:$0x240];
	v4 =	vsel vm9, $0x0, v4  }
0x19b: {  	vm10 =	veq.s32 v8, $0x0;
	v2 =	vadd.f32 v4, v2;
	v4 =	vld [tilespmem:$0xF40]  }
0x19c: {  	v8 =	vld [tilespmem:$0x250];
	v6 =	vsel vm10, $0x0, v6  }
0x19d: {  	vm11 =	veq.s32 v12, $0x0;
	v2 =	vadd.f32 v6, v2;
	v6 =	vld [tilespmem:$0xF50]  }
0x19e: {  	v12 =	vld [tilespmem:$0x260];
	v10 =	vsel vm11, $0x0, v10  }
0x19f: {  	vm12 =	veq.s32 v14, $0x0;
	v2 =	vadd.f32 v10, v2;
	v10 =	vld [tilespmem:$0xF60]  }
0x1a0: {  	v14 =	vld [tilespmem:$0x270];
	v4 =	vsel vm12, $0x0, v4  }
0x1a1: {  	vm13 =	veq.s32 v8, $0x0;
	v2 =	vadd.f32 v4, v2;
	v4 =	vld [tilespmem:$0xF70]  }
0x1a2: {  	v8 =	vld [tilespmem:$0x280];
	v6 =	vsel vm13, $0x0, v6  }
0x1a3: {  	vm14 =	veq.s32 v12, $0x0;
	v2 =	vadd.f32 v6, v2;
	v6 =	vld [tilespmem:$0xF80]  }
0x1a4: {  	v12 =	vld [tilespmem:$0x290];
	v10 =	vsel vm14, $0x0, v10  }
0x1a5: {  	vm15 =	veq.s32 v14, $0x0;
	v2 =	vadd.f32 v10, v2;
	v10 =	vld [tilespmem:$0xF90]  }
0x1a6: {  	v14 =	vld [tilespmem:$0x2A0];
	v4 =	vsel vm15, $0x0, v4  }
0x1a7: {  	vm4 =	veq.s32 v8, $0x0;
	v2 =	vadd.f32 v4, v2;
	v4 =	vld [tilespmem:$0xFA0]  }
0x1a8: {  	v8 =	vld [tilespmem:$0x2B0];
	v6 =	vsel vm4, $0x0, v6  }
0x1a9: {  	vm5 =	veq.s32 v12, $0x0;
	v2 =	vadd.f32 v6, v2;
	v6 =	vld [tilespmem:$0xFB0]  }
0x1aa: {  	v12 =	vld [tilespmem:$0x2C0];
	v10 =	vsel vm5, $0x0, v10  }
0x1ab: {  	vm6 =	veq.s32 v14, $0x0;
	v2 =	vadd.f32 v10, v2;
	v10 =	vld [tilespmem:$0xFC0]  }
0x1ac: {  	v14 =	vld [tilespmem:$0x2D0];
	v4 =	vsel vm6, $0x0, v4  }
0x1ad: {  	vm7 =	veq.s32 v8, $0x0;
	v2 =	vadd.f32 v4, v2;
	v4 =	vld [tilespmem:$0xFD0]  }
0x1ae: {  	v8 =	vld [tilespmem:$0x2E0];
	v6 =	vsel vm7, $0x0, v6  }
0x1af: {  	vm8 =	veq.s32 v12, $0x0;
	v2 =	vadd.f32 v6, v2;
	v6 =	vld [tilespmem:$0xFE0]  }
0x1b0: {  	v12 =	vld [tilespmem:$0x2F0];
	v10 =	vsel vm8, $0x0, v10  }
0x1b1: {  	vm9 =	veq.s32 v14, $0x0;
	v2 =	vadd.f32 v10, v2;
	v10 =	vld [tilespmem:$0xFF0]  }
0x1b2: {  	v14 =	vld [tilespmem:$0x300];
	v4 =	vsel vm9, $0x0, v4  }
0x1b3: {  	vm10 =	veq.s32 v8, $0x0;
	v2 =	vadd.f32 v4, v2;
	v4 =	vld [tilespmem:$0x1000]  }
0x1b4: {  	v8 =	vld [tilespmem:$0x310];
	v6 =	vsel vm10, $0x0, v6  }
0x1b5: {  	vm11 =	veq.s32 v12, $0x0;
	v2 =	vadd.f32 v6, v2;
	v6 =	vld [tilespmem:$0x1010]  }
0x1b6: {  	v12 =	vld [tilespmem:$0x320];
	v10 =	vsel vm11, $0x0, v10  }
0x1b7: {  	vm12 =	veq.s32 v14, $0x0;
	v2 =	vadd.f32 v10, v2;
	v10 =	vld [tilespmem:$0x1020]  }
0x1b8: {  	v14 =	vld [tilespmem:$0x330];
	v4 =	vsel vm12, $0x0, v4  }
0x1b9: {  	vm13 =	veq.s32 v8, $0x0;
	v2 =	vadd.f32 v4, v2;
	v4 =	vld [tilespmem:$0x1030]  }
0x1ba: {  	v8 =	vld [tilespmem:$0x340];
	v6 =	vsel vm13, $0x0, v6  }
0x1bb: {  	vm14 =	veq.s32 v12, $0x0;
	v2 =	vadd.f32 v6, v2;
	v6 =	vld [tilespmem:$0x1040]  }
0x1bc: {  	v12 =	vld [tilespmem:$0x350];
	v10 =	vsel vm14, $0x0, v10  }
0x1bd: {  	vm15 =	veq.s32 v14, $0x0;
	v2 =	vadd.f32 v10, v2;
	v10 =	vld [tilespmem:$0x1050]  }
0x1be: {  	v14 =	vld [tilespmem:$0x360];
	v4 =	vsel vm15, $0x0, v4  }
0x1bf: {  	vm4 =	veq.s32 v8, $0x0;
	v2 =	vadd.f32 v4, v2;
	v4 =	vld [tilespmem:$0x1060]  }
0x1c0: {  	v8 =	vld [tilespmem:$0x370];
	v6 =	vsel vm4, $0x0, v6  }
0x1c1: {  	vm5 =	veq.s32 v12, $0x0;
	v2 =	vadd.f32 v6, v2;
	v6 =	vld [tilespmem:$0x1070]  }
0x1c2: {  	v12 =	vld [tilespmem:$0x380];
	v10 =	vsel vm5, $0x0, v10  }
0x1c3: {  	vm6 =	veq.s32 v14, $0x0;
	v2 =	vadd.f32 v10, v2;
	v10 =	vld [tilespmem:$0x1080]  }
0x1c4: {  	v14 =	vld [tilespmem:$0x390];
	v4 =	vsel vm6, $0x0, v4  }
0x1c5: {  	vm7 =	veq.s32 v8, $0x0;
	v2 =	vadd.f32 v4, v2;
	v4 =	vld [tilespmem:$0x1090]  }
0x1c6: {  	v8 =	vld [tilespmem:$0x3A0];
	v6 =	vsel vm7, $0x0, v6  }
0x1c7: {  	vm8 =	veq.s32 v12, $0x0;
	v2 =	vadd.f32 v6, v2;
	v6 =	vld [tilespmem:$0x10A0]  }
0x1c8: {  	v12 =	vld [tilespmem:$0x3B0];
	v10 =	vsel vm8, $0x0, v10  }
0x1c9: {  	vm9 =	veq.s32 v14, $0x0;
	v2 =	vadd.f32 v10, v2;
	v10 =	vld [tilespmem:$0x10B0]  }
0x1ca: {  	v14 =	vld [tilespmem:$0x3C0];
	v4 =	vsel vm9, $0x0, v4  }
0x1cb: {  	vm10 =	veq.s32 v8, $0x0;
	v2 =	vadd.f32 v4, v2;
	v4 =	vld [tilespmem:$0x10C0]  }
0x1cc: {  	v8 =	vld [tilespmem:$0x3D0];
	v6 =	vsel vm10, $0x0, v6  }
0x1cd: {  	vm11 =	veq.s32 v12, $0x0;
	v2 =	vadd.f32 v6, v2;
	v6 =	vld [tilespmem:$0x10D0]  }
0x1ce: {  	v12 =	vld [tilespmem:$0x3E0];
	v10 =	vsel vm11, $0x0, v10  }
0x1cf: {  	vm12 =	veq.s32 v14, $0x0;
	v2 =	vadd.f32 v10, v2;
	v10 =	vld [tilespmem:$0x10E0]  }
0x1d0: {  	v14 =	vld [tilespmem:$0x3F0];
	v4 =	vsel vm12, $0x0, v4  }
0x1d1: {  	vm13 =	veq.s32 v8, $0x0;
	v2 =	vadd.f32 v4, v2;
	v4 =	vld [tilespmem:$0x10F0]  }
0x1d2: {  	v8 =	vld [tilespmem:$0x400];
	v6 =	vsel vm13, $0x0, v6  }
0x1d3: {  	vm14 =	veq.s32 v12, $0x0;
	v2 =	vadd.f32 v6, v2;
	v6 =	vld [tilespmem:$0x1100]  }
0x1d4: {  	v12 =	vld [tilespmem:$0x410];
	v10 =	vsel vm14, $0x0, v10  }
0x1d5: {  	vm15 =	veq.s32 v14, $0x0;
	v2 =	vadd.f32 v10, v2;
	v10 =	vld [tilespmem:$0x1110]  }
0x1d6: {  	v14 =	vld [tilespmem:$0x420];
	v4 =	vsel vm15, $0x0, v4  }
0x1d7: {  	vm4 =	veq.s32 v8, $0x0;
	v2 =	vadd.f32 v4, v2;
	v4 =	vld [tilespmem:$0x1120]  }
0x1d8: {  	v8 =	vld [tilespmem:$0x430];
	v6 =	vsel vm4, $0x0, v6  }
0x1d9: {  	vm5 =	veq.s32 v12, $0x0;
	v2 =	vadd.f32 v6, v2;
	v6 =	vld [tilespmem:$0x1130]  }
0x1da: {  	v12 =	vld [tilespmem:$0x440];
	v10 =	vsel vm5, $0x0, v10  }
0x1db: {  	vm6 =	veq.s32 v14, $0x0;
	v2 =	vadd.f32 v10, v2;
	v10 =	vld [tilespmem:$0x1140]  }
0x1dc: {  	v14 =	vld [tilespmem:$0x450];
	v4 =	vsel vm6, $0x0, v4  }
0x1dd: {  	vm7 =	veq.s32 v8, $0x0;
	v2 =	vadd.f32 v4, v2;
	v4 =	vld [tilespmem:$0x1150]  }
0x1de: {  	v8 =	vld [tilespmem:$0x460];
	v6 =	vsel vm7, $0x0, v6  }
0x1df: {  	vm8 =	veq.s32 v12, $0x0;
	v2 =	vadd.f32 v6, v2;
	v6 =	vld [tilespmem:$0x1160]  }
0x1e0: {  	v12 =	vld [tilespmem:$0x470];
	v10 =	vsel vm8, $0x0, v10  }
0x1e1: {  	vm9 =	veq.s32 v14, $0x0;
	v2 =	vadd.f32 v10, v2;
	v10 =	vld [tilespmem:$0x1170]  }
0x1e2: {  	v14 =	vld [tilespmem:$0x480];
	v4 =	vsel vm9, $0x0, v4  }
0x1e3: {  	vm10 =	veq.s32 v8, $0x0;
	v2 =	vadd.f32 v4, v2;
	v4 =	vld [tilespmem:$0x1180]  }
0x1e4: {  	v8 =	vld [tilespmem:$0x490];
	v6 =	vsel vm10, $0x0, v6  }
0x1e5: {  	vm11 =	veq.s32 v12, $0x0;
	v2 =	vadd.f32 v6, v2;
	v6 =	vld [tilespmem:$0x1190]  }
0x1e6: {  	v12 =	vld [tilespmem:$0x4A0];
	v10 =	vsel vm11, $0x0, v10  }
0x1e7: {  	vm12 =	veq.s32 v14, $0x0;
	v2 =	vadd.f32 v10, v2;
	v10 =	vld [tilespmem:$0x11A0]  }
0x1e8: {  	v14 =	vld [tilespmem:$0x4B0];
	v4 =	vsel vm12, $0x0, v4  }
0x1e9: {  	vm13 =	veq.s32 v8, $0x0;
	v2 =	vadd.f32 v4, v2;
	v4 =	vld [tilespmem:$0x11B0]  }
0x1ea: {  	v8 =	vld [tilespmem:$0x4C0];
	v6 =	vsel vm13, $0x0, v6  }
0x1eb: {  	vm14 =	veq.s32 v12, $0x0;
	v2 =	vadd.f32 v6, v2;
	v6 =	vld [tilespmem:$0x11C0]  }
0x1ec: {  	v12 =	vld [tilespmem:$0x4D0];
	v10 =	vsel vm14, $0x0, v10  }
0x1ed: {  	vm15 =	veq.s32 v14, $0x0;
	v2 =	vadd.f32 v10, v2;
	v10 =	vld [tilespmem:$0x11D0]  }
0x1ee: {  	v14 =	vld [tilespmem:$0x4E0];
	v4 =	vsel vm15, $0x0, v4  }
0x1ef: {  	vm4 =	veq.s32 v8, $0x0;
	v2 =	vadd.f32 v4, v2;
	v4 =	vld [tilespmem:$0x11E0]  }
0x1f0: {  	v8 =	vld [tilespmem:$0x4F0];
	v6 =	vsel vm4, $0x0, v6  }
0x1f1: {  	vm5 =	veq.s32 v12, $0x0;
	v2 =	vadd.f32 v6, v2;
	v6 =	vld [tilespmem:$0x11F0]  }
0x1f2: {  	v12 =	vld [tilespmem:$0x500];
	v10 =	vsel vm5, $0x0, v10  }
0x1f3: {  	vm6 =	veq.s32 v14, $0x0;
	v2 =	vadd.f32 v10, v2;
	v10 =	vld [tilespmem:$0x1200]  }
0x1f4: {  	v14 =	vld [tilespmem:$0x510];
	v4 =	vsel vm6, $0x0, v4  }
0x1f5: {  	vm7 =	veq.s32 v8, $0x0;
	v2 =	vadd.f32 v4, v2;
	v4 =	vld [tilespmem:$0x1210]  }
0x1f6: {  	v8 =	vld [tilespmem:$0x520];
	v6 =	vsel vm7, $0x0, v6  }
0x1f7: {  	vm8 =	veq.s32 v12, $0x0;
	v2 =	vadd.f32 v6, v2;
	v6 =	vld [tilespmem:$0x1220]  }
0x1f8: {  	v12 =	vld [tilespmem:$0x530];
	v10 =	vsel vm8, $0x0, v10  }
0x1f9: {  	vm9 =	veq.s32 v14, $0x0;
	v2 =	vadd.f32 v10, v2;
	v10 =	vld [tilespmem:$0x1230]  }
0x1fa: {  	v14 =	vld [tilespmem:$0x540];
	v4 =	vsel vm9, $0x0, v4  }
0x1fb: {  	vm10 =	veq.s32 v8, $0x0;
	v2 =	vadd.f32 v4, v2;
	v4 =	vld [tilespmem:$0x1240]  }
0x1fc: {  	v8 =	vld [tilespmem:$0x550];
	v6 =	vsel vm10, $0x0, v6  }
0x1fd: {  	vm11 =	veq.s32 v12, $0x0;
	v2 =	vadd.f32 v6, v2;
	v6 =	vld [tilespmem:$0x1250]  }
0x1fe: {  	v12 =	vld [tilespmem:$0x560];
	v10 =	vsel vm11, $0x0, v10  }
0x1ff: {  	vm12 =	veq.s32 v14, $0x0;
	v2 =	vadd.f32 v10, v2;
	v10 =	vld [tilespmem:$0x1260]  }
0x200: {  	v14 =	vld [tilespmem:$0x570];
	v4 =	vsel vm12, $0x0, v4  }
0x201: {  	vm13 =	veq.s32 v8, $0x0;
	v2 =	vadd.f32 v4, v2;
	v4 =	vld [tilespmem:$0x1270]  }
0x202: {  	v8 =	vld [tilespmem:$0x580];
	v6 =	vsel vm13, $0x0, v6  }
0x203: {  	vm14 =	veq.s32 v12, $0x0;
	v2 =	vadd.f32 v6, v2;
	v6 =	vld [tilespmem:$0x1280]  }
0x204: {  	v12 =	vld [tilespmem:$0x590];
	v10 =	vsel vm14, $0x0, v10  }
0x205: {  	vm15 =	veq.s32 v14, $0x0;
	v2 =	vadd.f32 v10, v2;
	v10 =	vld [tilespmem:$0x1290]  }
0x206: {  	v14 =	vld [tilespmem:$0x5A0];
	v4 =	vsel vm15, $0x0, v4  }
0x207: {  	vm4 =	veq.s32 v8, $0x0;
	v2 =	vadd.f32 v4, v2;
	v4 =	vld [tilespmem:$0x12A0]  }
0x208: {  	v8 =	vld [tilespmem:$0x5B0];
	v6 =	vsel vm4, $0x0, v6  }
0x209: {  	vm5 =	veq.s32 v12, $0x0;
	v2 =	vadd.f32 v6, v2;
	v6 =	vld [tilespmem:$0x12B0]  }
0x20a: {  	v12 =	vld [tilespmem:$0x5C0];
	v10 =	vsel vm5, $0x0, v10  }
0x20b: {  	vm6 =	veq.s32 v14, $0x0;
	v2 =	vadd.f32 v10, v2;
	v10 =	vld [tilespmem:$0x12C0]  }
0x20c: {  	v14 =	vld [tilespmem:$0x5D0];
	v4 =	vsel vm6, $0x0, v4  }
0x20d: {  	vm7 =	veq.s32 v8, $0x0;
	v2 =	vadd.f32 v4, v2;
	v4 =	vld [tilespmem:$0x12D0]  }
0x20e: {  	v8 =	vld [tilespmem:$0x5E0];
	v6 =	vsel vm7, $0x0, v6  }
0x20f: {  	vm8 =	veq.s32 v12, $0x0;
	v2 =	vadd.f32 v6, v2;
	v6 =	vld [tilespmem:$0x12E0]  }
0x210: {  	v12 =	vld [tilespmem:$0x5F0];
	v10 =	vsel vm8, $0x0, v10  }
0x211: {  	vm9 =	veq.s32 v14, $0x0;
	v2 =	vadd.f32 v10, v2;
	v10 =	vld [tilespmem:$0x12F0]  }
0x212: {  	v14 =	vld [tilespmem:$0x600];
	v4 =	vsel vm9, $0x0, v4  }
0x213: {  	vm10 =	veq.s32 v8, $0x0;
	v2 =	vadd.f32 v4, v2;
	v4 =	vld [tilespmem:$0x1300]  }
0x214: {  	v8 =	vld [tilespmem:$0x610];
	v6 =	vsel vm10, $0x0, v6  }
0x215: {  	vm11 =	veq.s32 v12, $0x0;
	v2 =	vadd.f32 v6, v2;
	v6 =	vld [tilespmem:$0x1310]  }
0x216: {  	v12 =	vld [tilespmem:$0x620];
	v10 =	vsel vm11, $0x0, v10  }
0x217: {  	vm12 =	veq.s32 v14, $0x0;
	v2 =	vadd.f32 v10, v2;
	v10 =	vld [tilespmem:$0x1320]  }
0x218: {  	v14 =	vld [tilespmem:$0x630];
	v4 =	vsel vm12, $0x0, v4  }
0x219: {  	vm13 =	veq.s32 v8, $0x0;
	v2 =	vadd.f32 v4, v2;
	v4 =	vld [tilespmem:$0x1330]  }
0x21a: {  	v6 =	vsel vm13, $0x0, v6  }
0x21b: {  	vm14 =	veq.s32 v12, $0x0;
	v2 =	vadd.f32 v6, v2  }
0x21c: {  	v6 =	vsel vm14, $0x0, v10  }
0x21d: {  	vm15 =	veq.s32 v14, $0x0;
	v2 =	vadd.f32 v6, v2  }
0x21e: {  	v4 =	vsel vm15, $0x0, v4  }
0x21f: {  	v2 =	vadd.f32 v4, v2  }
0x220: {  	p0 =	sne.s32 s6, $0x1  }
.Ltmp0:
0x221: {  	[tilespmem:$0x1380] =	vst v2;
	(pc) =	sbr.rel @p0 .LBB2_1-.Ltmp0, $4  }
0x222: {  	[hbm4b:s5+s3] =	stream.linear.scatter [tilespmem:s18], [sflag:$0x2], $0x80, $0x38;
	[tilespmem:$0x1400] =	vst v63  }
0x223: {  	_ =	swait.ge [sflag:s7], $0x80  }
0x224: {  	[sflag:s7] =	ssyncset.done $0x0  }
0x225: {  	s6 =	sadd.s32 $0xFFFFFFFF, s6;
	[sflag:s7] =	ssyncadd.s32 $0xFFFFFF80  }
0x226: {  	_ =	sfence.sel $0x180000  }
0x227: {  	[bflag:$0x0] =	sbarrier.arrive $0xFFFF  }
0x228: {  	p0 =	sne.s32 s0, $0x0;
	_ =	strace $0x90000047  }
0x229: {  	s0 =	sadd.s32 @!p0 $0x100000, s2;
	[bflag:$0x2] =	sbarrier.arrive $0xFFFF  }
0x22a: {  	[sflag:s0] =	ssyncadd.tile.s32 @!p0 $0x1;
	_ =	shalt  }
.Lfunc_end2:
_tile_overlayer_lowered:
.L_overlay_start_2:
0x22b: {  	(tag) =	ssettag $0x2  }
0x22c: {  	s0 =	rddreg [dreg:$0x0];
	s2 =	stileid.u32  }
0x22d: {  	s1 =	rddreg [dreg:$0x1];
	p0 =	sne.s32 s2, $0x0  }
0x22e: {  	s3 =	rddreg [dreg:$0x2];
	[bflag:$0x3] =	sbarrier.arrive $0xFFFF;
	s2 =	simm.s32 @!p0 $0x1C02  }
0x22f: {  	[timem:s3], [sflag:s2] =	dma.local @!p0 [hbm:s0], s1  }
0x230: {  	s0 =	simm.s32 @!p0 $0x2  }
0x231: {  	_ =	swait.ge @!p0 [sflag:s0], s1  }
0x232: {  	s1 =	ssub.s32 @!p0 $0x0, s1;
	[sflag:s0] =	ssyncset.done @!p0 $0x0  }
0x233: {  	[sflag:s0] =	ssyncadd.s32 @!p0 s1  }
0x234: {  	[bflag:$0x3] =	sbarrier.arrive $0xFFFF  }
0x235: {  	_ =	shalt  }

</sc_bundles>
